<compile_context>
chip_gen: v7x
topology: tpu7x:2x2x1
jax: 0.10.2.dev20260603
libtpu: 0.0.44.dev20260713+nightly
codegen_flags: <defaults>
</compile_context>

<pallas_src>
import functools

import jax
import jax.numpy as jnp
from jax import lax
from jax.experimental import pallas as pl
from jax.experimental.pallas import tpu as pltpu
from jax.experimental.pallas import tpu_sc as plsc

N = 1024
L = 16
IB = 128
JB = 512
JC = 128
NC = JC // L
NPH = JB // JC
RCH = JB // NPH
TOTAL = float(N * N)

_GATHER_DNUMS = lax.GatherDimensionNumbers(
    offset_dims=(), collapsed_slice_dims=(0,), start_index_map=(0,)
)

_mesh = plsc.VectorSubcoreMesh(
    core_axis_name="c", subcore_axis_name="s", num_cores=1
)


@functools.partial(
    pl.kernel,
    out_type=jax.ShapeDtypeStruct((L,), jnp.float32),
    mesh=_mesh,
    compiler_params=pltpu.CompilerParams(needs_layout_passes=False),
    scratch_types=[
        pltpu.VMEM((JB, IB), jnp.float32),
        pltpu.VMEM((2, IB, JC), jnp.float32),
        pltpu.VMEM((JB,), jnp.float32),
        pltpu.VMEM((IB,), jnp.float32),
        pltpu.VMEM((IB,), jnp.float32),
        pltpu.VMEM((12, N), jnp.float32),
        pltpu.VMEM((L,), jnp.float32),
        pltpu.SemaphoreType.DMA,
        pltpu.SemaphoreType.DMA,
        pltpu.SemaphoreType.DMA,
        pltpu.VMEM_SHARED((8, N), jnp.float32),
        pltpu.VMEM_SHARED((2, N), jnp.float32),
        pltpu.VMEM_SHARED((2, N), jnp.float32),
    ],
)
def _edge_loss_kernel(
    rec_hbm, tgt_hbm, out_hbm,
    rec_v, tgt_v, colcnt_v, s_v, rowcnt_v, fin_v, out_v,
    rec_sem, tgt_sem0, tgt_sem1, sh_colcnt, sh_s, sh_rowcnt,
):
    s = lax.axis_index("s")
    p = s // 2
    q = s % 2
    i0 = p * IB
    j0 = q * JB
    zeros = jnp.zeros((L,), jnp.float32)
    iota = lax.iota(jnp.int32, L)

    tgt_sems = [tgt_sem0, tgt_sem1]

    def tgt_copy(h):
        return pltpu.async_copy(
            tgt_hbm.at[pl.ds(i0, IB), pl.ds(j0 + h * JC, JC)],
            tgt_v.at[h % 2], tgt_sems[h % 2],
        )

    tgt_dma = tgt_copy(0)
    rec_dmas = [
        pltpu.async_copy(
            rec_hbm.at[pl.ds(j0 + h * RCH, RCH), pl.ds(i0, IB)],
            rec_v.at[pl.ds(h * RCH, RCH), :], rec_sem,
        )
        for h in range(NPH)
    ]

    for h in range(NPH):
        hbase = h * JC
        b = h % 2
        tgt_dma.wait()
        rec_dmas[h].wait()
        if h + 1 < NPH:
            tgt_dma = tgt_copy(h + 1)

        def ab_body(ab, _):
            i_idx = ab * L + iota

            def jc_body(jc, carry):
                acc, rowacc = carry
                jl = jc * L
                tgt_c = tgt_v.at[b, pl.ds(ab * L, L), :]
                rec_c = rec_v.at[pl.ds(hbase + jl, L), :]
                ccacc = zeros
                for d in range(L):
                    perm = (iota + d) & (L - 1)
                    inv = (iota - d) & (L - 1)
                    t = plsc.load_gather(tgt_c, [iota, jl + perm])
                    r = plsc.load_gather(rec_c, [perm, i_idx])
                    dd = r - t
                    acc = acc + dd * dd
                    nz = jnp.where(t != 0.0, 1.0, 0.0).astype(jnp.float32)
                    rowacc = rowacc + nz
                    nzu = lax.gather(
                        nz,
                        inv[:, None],
                        _GATHER_DNUMS,
                        (1,),
                        mode=lax.GatherScatterMode.PROMISE_IN_BOUNDS,
                    )
                    ccacc = ccacc + nzu
                cl = pl.ds(hbase + jl, L)
                colcnt_v[cl] = jnp.where(ab == 0, 0.0, colcnt_v[cl]) + ccacc
                return acc, rowacc

            acc, rowacc = lax.fori_loop(0, NC, jc_body, (zeros, zeros))
            sl = pl.ds(ab * L, L)
            if h == 0:
                s_v[sl] = acc
                rowcnt_v[sl] = rowacc
            else:
                s_v[sl] = s_v[sl] + acc
                rowcnt_v[sl] = rowcnt_v[sl] + rowacc
            return 0

        lax.fori_loop(0, IB // L, ab_body, 0)

    pltpu.sync_copy(s_v, sh_s.at[q, pl.ds(i0, IB)])
    pltpu.sync_copy(rowcnt_v, sh_rowcnt.at[q, pl.ds(i0, IB)])
    pltpu.sync_copy(colcnt_v, sh_colcnt.at[p, pl.ds(j0, JB)])
    plsc.subcore_barrier()

    @pl.when(s == 0)
    def _final():
        pltpu.sync_copy(sh_colcnt, fin_v.at[pl.ds(0, 8)])
        pltpu.sync_copy(sh_s, fin_v.at[pl.ds(8, 2)])
        pltpu.sync_copy(sh_rowcnt, fin_v.at[pl.ds(10, 2)])

        def comb_body(c, carry):
            e_acc, t_acc, ts_acc = carry
            cl = c * L
            col = fin_v[0, pl.ds(cl, L)]
            for r in range(1, 8):
                col = col + fin_v[r, pl.ds(cl, L)]
            s16 = fin_v[8, pl.ds(cl, L)] + fin_v[9, pl.ds(cl, L)]
            row16 = fin_v[10, pl.ds(cl, L)] + fin_v[11, pl.ds(cl, L)]
            is_set = (row16 > 0.0) | (col > 0.0)
            ts_acc = ts_acc + jnp.where(is_set, s16, 0.0)
            return e_acc + col, t_acc + s16, ts_acc

        e_v, t_v, ts_v = lax.fori_loop(
            0, N // L, comb_body, (zeros, zeros, zeros)
        )
        ones = jnp.full((L,), 1.0, jnp.float32)
        e16 = ones * jnp.sum(e_v)
        t16 = ones * jnp.sum(t_v)
        ts16 = ones * jnp.sum(ts_v)
        neg_w = jnp.where(e16 >= TOTAL, 0.0, e16 / (TOTAL - e16))
        out_v[...] = ts16 + neg_w * (t16 - ts16)
        pltpu.sync_copy(out_v, out_hbm)


def kernel(adj_rec, adj_tgt):
    out = _edge_loss_kernel(adj_rec, adj_tgt)
    return out[0]

# --- scband reference (transcript-rebuilt; emitter-appended) ---
"""Pipeline reference for scband-edge-loss-5428838662694 (READ-ONLY COPY).

The authoritative reference and input builder live on the scoring server;
editing this copy changes nothing except your own understanding.
"""

import jax, jax.numpy as jnp
import numpy as np


def setup_inputs(seed: int = 0) -> dict:
    key = jax.random.key(seed)
    k1, k2 = jax.random.split(key)
    adj_rec = jax.random.normal(k1, (1024, 1024), dtype=jnp.float32)
    adj_tgt = jax.random.randint(k2, (1024, 1024), 0, 2).astype(jnp.float32)
    return {"adj_rec": adj_rec, "adj_tgt": adj_tgt}


def reference(adj_rec, adj_tgt):
    # adj_tgt is dense (not sparse) -> use nonzero(), like torch's adj_tgt.nonzero()
    shape = adj_tgt.shape
    nonzero_mask = adj_tgt != 0
    edge_num = jnp.count_nonzero(nonzero_mask)
    total_num = shape[0] * shape[1]
    # new_adj = transpose(adj_rec[:shape[1], :shape[0]])
    new_adj = jnp.transpose(adj_rec[: shape[1], : shape[0]], (1, 0))
    neg_weight = edge_num / (total_num - edge_num)
    weight_matrix = jnp.full_like(new_adj, neg_weight)
    # Faithful to torch: weight_matrix[indices] = 1.0 with a [E,2] index tensor
    # performs advanced indexing on axis 0, i.e. it sets 2*E whole ROWS to 1.0.
    row_has_nz = jnp.any(nonzero_mask, axis=1)
    col_has_nz = jnp.any(nonzero_mask, axis=0)
    rows_set = row_has_nz | col_has_nz
    weight_matrix = jnp.where(rows_set[:, None], jnp.float32(1.0), weight_matrix)
    loss = jnp.sum(weight_matrix * (new_adj - adj_tgt) ** 2)
    return loss

if __name__ == "__main__":
    import jax
    _d = setup_inputs()
    print(jax.jit(kernel)(*tuple(_d.values())))

</pallas_src>

<mosaic_0001>
#map = affine_map<(d0, d1) -> (0, 0)>
#map1 = affine_map<(d0, d1) -> (0)>
module attributes {stable_mosaic.version = 14 : i64} {
  func.func @_edge_loss_kernel(%arg0: i32, %arg1: i32, %arg2: memref<1024x1024xf32, #tpu.memory_space<hbm>>, %arg3: memref<1024x1024xf32, #tpu.memory_space<hbm>>, %arg4: memref<16xf32, #tpu.memory_space<hbm>>, %arg5: memref<512x128xf32, #tpu.memory_space<vmem>>, %arg6: memref<2x128x128xf32, #tpu.memory_space<vmem>>, %arg7: memref<512xf32, #tpu.memory_space<vmem>>, %arg8: memref<128xf32, #tpu.memory_space<vmem>>, %arg9: memref<128xf32, #tpu.memory_space<vmem>>, %arg10: memref<12x1024xf32, #tpu.memory_space<vmem>>, %arg11: memref<16xf32, #tpu.memory_space<vmem>>, %arg12: memref<!tpu.dma_semaphore, #tpu.memory_space<semaphore_mem>>, %arg13: memref<!tpu.dma_semaphore, #tpu.memory_space<semaphore_mem>>, %arg14: memref<!tpu.dma_semaphore, #tpu.memory_space<semaphore_mem>>, %arg15: memref<8x1024xf32, #tpu.memory_space<vmem_shared>>, %arg16: memref<2x1024xf32, #tpu.memory_space<vmem_shared>>, %arg17: memref<2x1024xf32, #tpu.memory_space<vmem_shared>>) attributes {dimension_semantics = [#tpu.dimension_semantics<core_parallel>, #tpu.dimension_semantics<subcore_parallel>], iteration_bounds = array<i64: 1, 16>, scalar_prefetch = 0 : i64, scratch_operands = 13 : i64, tpu.core_type = #tpu.core_type<sc_vector_subcore>, window_params = [{transform_indices = #map}, {transform_indices = #map}, {transform_indices = #map1}]} {
    %jit3A = arith.constant 2 : i32
    %div3A = arith.divsi %arg1, %jit3A : i32
    %sign3A = arith.constant 0 : i32
    %sign3A_0 = arith.cmpi sgt, %arg1, %sign3A : i32
    %sign3A_1 = arith.extui %sign3A_0 : i1 to i32
    %sign3A_2 = arith.constant 0 : i32
    %sign3A_3 = arith.cmpi slt, %arg1, %sign3A_2 : i32
    %sign3A_4 = arith.extui %sign3A_3 : i1 to i32
    %sign3A_5 = arith.subi %sign3A_1, %sign3A_4 : i32
    %sign3A_6 = arith.constant 0 : i32
    %sign3A_7 = arith.cmpi sgt, %jit3A, %sign3A_6 : i32
    %sign3A_8 = arith.extui %sign3A_7 : i1 to i32
    %sign3A_9 = arith.constant 0 : i32
    %sign3A_10 = arith.cmpi slt, %jit3A, %sign3A_9 : i32
    %sign3A_11 = arith.extui %sign3A_10 : i1 to i32
    %sign3A_12 = arith.subi %sign3A_8, %sign3A_11 : i32
    %ne3A = arith.cmpi ne, %sign3A_5, %sign3A_12 : i32
    %rem3A = arith.remsi %arg1, %jit3A : i32
    %ne3A_13 = arith.constant 0 : i32
    %ne3A_14 = arith.cmpi ne, %rem3A, %ne3A_13 : i32
    %and3A = arith.andi %ne3A, %ne3A_14 : i1
    %sub3A = arith.constant 1 : i32
    %sub3A_15 = arith.subi %div3A, %sub3A : i32
    %select_n3A = arith.select %and3A, %sub3A_15, %div3A : i32
    %jit3A_16 = arith.constant 2 : i32
    %eq3A = arith.constant 0 : i32
    %eq3A_17 = arith.cmpi eq, %jit3A_16, %eq3A : i32
    %jit3A_18 = arith.constant 1 : i32
    %select_n3A_19 = arith.select %eq3A_17, %jit3A_18, %jit3A_16 : i32
    %rem3A_20 = arith.remsi %arg1, %select_n3A_19 : i32
    %ne3A_21 = arith.constant 0 : i32
    %ne3A_22 = arith.cmpi ne, %rem3A_20, %ne3A_21 : i32
    %lt3A = arith.constant 0 : i32
    %lt3A_23 = arith.cmpi slt, %rem3A_20, %lt3A : i32
    %lt3A_24 = arith.constant 0 : i32
    %lt3A_25 = arith.cmpi slt, %select_n3A_19, %lt3A_24 : i32
    %ne3A_26 = arith.xori %lt3A_23, %lt3A_25 : i1
    %and3A_27 = arith.andi %ne3A_26, %ne3A_22 : i1
    %add3A = arith.addi %rem3A_20, %select_n3A_19 : i32
    %select_n3A_28 = arith.select %and3A_27, %add3A, %rem3A_20 : i32
    %mul3A = arith.constant 128 : i32
    %mul3A_29 = arith.muli %select_n3A, %mul3A : i32
    %mul3A_30 = arith.constant 512 : i32
    %mul3A_31 = arith.muli %select_n3A_28, %mul3A_30 : i32
    %broadcast_in_dim3A = arith.constant 0.000000e+00 : f32
    %broadcast_in_dim3A_32 = vector.broadcast %broadcast_in_dim3A : f32 to vector<16xf32>
    %iota3A = tpu.iota {dimensions = array<i32: 0>} : vector<16xi32>
    %add3A_33 = arith.constant 0 : i32
    %add3A_34 = arith.addi %mul3A_31, %add3A_33 : i32
    %dma_start3A = arith.constant 0 : i32
    %dma_start3A_35 = arith.constant 0 : i32
    %dma_start3A_36 = arith.constant 0 : i32
    %dma_start3A_37 = tpu.memref_slice %arg6[%dma_start3A, %dma_start3A_35, %dma_start3A_36] : memref<2x128x128xf32, #tpu.memory_space<vmem>> -> memref<1x128x128xf32, #tpu.memory_space<vmem>>
    %dma_start3A_38 = tpu.memref_squeeze %dma_start3A_37 : memref<1x128x128xf32, #tpu.memory_space<vmem>> -> memref<128x128xf32, #tpu.memory_space<vmem>>
    %dma_start3A_39 = tpu.memref_slice %arg3[%mul3A_29, %add3A_34] : memref<1024x1024xf32, #tpu.memory_space<hbm>> -> memref<128x128xf32, #tpu.memory_space<hbm>>
    %dma_start3A_40 = arith.constant 0 : i32
    %dma_start3A_41 = arith.constant 0 : i32
    %dma_start3A_42 = tpu.memref_slice %arg6[%dma_start3A, %dma_start3A_40, %dma_start3A_41] : memref<2x128x128xf32, #tpu.memory_space<vmem>> -> memref<1x128x128xf32, #tpu.memory_space<vmem>>
    %dma_start3A_43 = tpu.memref_squeeze %dma_start3A_42 : memref<1x128x128xf32, #tpu.memory_space<vmem>> -> memref<128x128xf32, #tpu.memory_space<vmem>>
    %dma_start3A_44 = tpu.memref_slice %arg3[%mul3A_29, %add3A_34] : memref<1024x1024xf32, #tpu.memory_space<hbm>> -> memref<128x128xf32, #tpu.memory_space<hbm>>
    tpu.enqueue_dma source(%dma_start3A_44 : memref<128x128xf32, #tpu.memory_space<hbm>>) target(%dma_start3A_43 : memref<128x128xf32, #tpu.memory_space<vmem>>) target_semaphore(%arg13 : memref<!tpu.dma_semaphore, #tpu.memory_space<semaphore_mem>>)
    %add3A_45 = arith.constant 0 : i32
    %add3A_46 = arith.addi %mul3A_31, %add3A_45 : i32
    %dma_start3A_47 = arith.constant 0 : i32
    %dma_start3A_48 = arith.constant 0 : i32
    %dma_start3A_49 = tpu.memref_slice %arg5[%dma_start3A_47, %dma_start3A_48] : memref<512x128xf32, #tpu.memory_space<vmem>> -> memref<128x128xf32, #tpu.memory_space<vmem>>
    %dma_start3A_50 = tpu.memref_slice %arg2[%add3A_46, %mul3A_29] : memref<1024x1024xf32, #tpu.memory_space<hbm>> -> memref<128x128xf32, #tpu.memory_space<hbm>>
    %dma_start3A_51 = arith.constant 0 : i32
    %dma_start3A_52 = arith.constant 0 : i32
    %dma_start3A_53 = tpu.memref_slice %arg5[%dma_start3A_51, %dma_start3A_52] : memref<512x128xf32, #tpu.memory_space<vmem>> -> memref<128x128xf32, #tpu.memory_space<vmem>>
    %dma_start3A_54 = tpu.memref_slice %arg2[%add3A_46, %mul3A_29] : memref<1024x1024xf32, #tpu.memory_space<hbm>> -> memref<128x128xf32, #tpu.memory_space<hbm>>
    tpu.enqueue_dma source(%dma_start3A_54 : memref<128x128xf32, #tpu.memory_space<hbm>>) target(%dma_start3A_53 : memref<128x128xf32, #tpu.memory_space<vmem>>) target_semaphore(%arg12 : memref<!tpu.dma_semaphore, #tpu.memory_space<semaphore_mem>>)
    %add3A_55 = arith.constant 128 : i32
    %add3A_56 = arith.addi %mul3A_31, %add3A_55 : i32
    %dma_start3A_57 = arith.constant 128 : i32
    %dma_start3A_58 = arith.constant 0 : i32
    %dma_start3A_59 = tpu.memref_slice %arg5[%dma_start3A_57, %dma_start3A_58] : memref<512x128xf32, #tpu.memory_space<vmem>> -> memref<128x128xf32, #tpu.memory_space<vmem>>
    %dma_start3A_60 = tpu.memref_slice %arg2[%add3A_56, %mul3A_29] : memref<1024x1024xf32, #tpu.memory_space<hbm>> -> memref<128x128xf32, #tpu.memory_space<hbm>>
    %dma_start3A_61 = arith.constant 128 : i32
    %dma_start3A_62 = arith.constant 0 : i32
    %dma_start3A_63 = tpu.memref_slice %arg5[%dma_start3A_61, %dma_start3A_62] : memref<512x128xf32, #tpu.memory_space<vmem>> -> memref<128x128xf32, #tpu.memory_space<vmem>>
    %dma_start3A_64 = tpu.memref_slice %arg2[%add3A_56, %mul3A_29] : memref<1024x1024xf32, #tpu.memory_space<hbm>> -> memref<128x128xf32, #tpu.memory_space<hbm>>
    tpu.enqueue_dma source(%dma_start3A_64 : memref<128x128xf32, #tpu.memory_space<hbm>>) target(%dma_start3A_63 : memref<128x128xf32, #tpu.memory_space<vmem>>) target_semaphore(%arg12 : memref<!tpu.dma_semaphore, #tpu.memory_space<semaphore_mem>>)
    %add3A_65 = arith.constant 256 : i32
    %add3A_66 = arith.addi %mul3A_31, %add3A_65 : i32
    %dma_start3A_67 = arith.constant 256 : i32
    %dma_start3A_68 = arith.constant 0 : i32
    %dma_start3A_69 = tpu.memref_slice %arg5[%dma_start3A_67, %dma_start3A_68] : memref<512x128xf32, #tpu.memory_space<vmem>> -> memref<128x128xf32, #tpu.memory_space<vmem>>
    %dma_start3A_70 = tpu.memref_slice %arg2[%add3A_66, %mul3A_29] : memref<1024x1024xf32, #tpu.memory_space<hbm>> -> memref<128x128xf32, #tpu.memory_space<hbm>>
    %dma_start3A_71 = arith.constant 256 : i32
    %dma_start3A_72 = arith.constant 0 : i32
    %dma_start3A_73 = tpu.memref_slice %arg5[%dma_start3A_71, %dma_start3A_72] : memref<512x128xf32, #tpu.memory_space<vmem>> -> memref<128x128xf32, #tpu.memory_space<vmem>>
    %dma_start3A_74 = tpu.memref_slice %arg2[%add3A_66, %mul3A_29] : memref<1024x1024xf32, #tpu.memory_space<hbm>> -> memref<128x128xf32, #tpu.memory_space<hbm>>
    tpu.enqueue_dma source(%dma_start3A_74 : memref<128x128xf32, #tpu.memory_space<hbm>>) target(%dma_start3A_73 : memref<128x128xf32, #tpu.memory_space<vmem>>) target_semaphore(%arg12 : memref<!tpu.dma_semaphore, #tpu.memory_space<semaphore_mem>>)
    %add3A_75 = arith.constant 384 : i32
    %add3A_76 = arith.addi %mul3A_31, %add3A_75 : i32
    %dma_start3A_77 = arith.constant 384 : i32
    %dma_start3A_78 = arith.constant 0 : i32
    %dma_start3A_79 = tpu.memref_slice %arg5[%dma_start3A_77, %dma_start3A_78] : memref<512x128xf32, #tpu.memory_space<vmem>> -> memref<128x128xf32, #tpu.memory_space<vmem>>
    %dma_start3A_80 = tpu.memref_slice %arg2[%add3A_76, %mul3A_29] : memref<1024x1024xf32, #tpu.memory_space<hbm>> -> memref<128x128xf32, #tpu.memory_space<hbm>>
    %dma_start3A_81 = arith.constant 384 : i32
    %dma_start3A_82 = arith.constant 0 : i32
    %dma_start3A_83 = tpu.memref_slice %arg5[%dma_start3A_81, %dma_start3A_82] : memref<512x128xf32, #tpu.memory_space<vmem>> -> memref<128x128xf32, #tpu.memory_space<vmem>>
    %dma_start3A_84 = tpu.memref_slice %arg2[%add3A_76, %mul3A_29] : memref<1024x1024xf32, #tpu.memory_space<hbm>> -> memref<128x128xf32, #tpu.memory_space<hbm>>
    tpu.enqueue_dma source(%dma_start3A_84 : memref<128x128xf32, #tpu.memory_space<hbm>>) target(%dma_start3A_83 : memref<128x128xf32, #tpu.memory_space<vmem>>) target_semaphore(%arg12 : memref<!tpu.dma_semaphore, #tpu.memory_space<semaphore_mem>>)
    %dma_wait3A = arith.constant 0 : i32
    %dma_wait3A_85 = arith.constant 0 : i32
    %dma_wait3A_86 = arith.constant 0 : i32
    %dma_wait3A_87 = tpu.memref_slice %arg6[%dma_wait3A, %dma_wait3A_85, %dma_wait3A_86] : memref<2x128x128xf32, #tpu.memory_space<vmem>> -> memref<1x128x128xf32, #tpu.memory_space<vmem>>
    %dma_wait3A_88 = tpu.memref_squeeze %dma_wait3A_87 : memref<1x128x128xf32, #tpu.memory_space<vmem>> -> memref<128x128xf32, #tpu.memory_space<vmem>>
    %dma_wait3A_89 = tpu.memref_slice %arg3[%mul3A_29, %add3A_34] : memref<1024x1024xf32, #tpu.memory_space<hbm>> -> memref<128x128xf32, #tpu.memory_space<hbm>>
    %dma_wait3A_90 = arith.constant 0 : i32
    %dma_wait3A_91 = arith.constant 0 : i32
    %dma_wait3A_92 = tpu.memref_slice %arg6[%dma_wait3A, %dma_wait3A_90, %dma_wait3A_91] : memref<2x128x128xf32, #tpu.memory_space<vmem>> -> memref<1x128x128xf32, #tpu.memory_space<vmem>>
    %dma_wait3A_93 = tpu.memref_squeeze %dma_wait3A_92 : memref<1x128x128xf32, #tpu.memory_space<vmem>> -> memref<128x128xf32, #tpu.memory_space<vmem>>
    %dma_wait3A_94 = tpu.memref_slice %arg3[%mul3A_29, %add3A_34] : memref<1024x1024xf32, #tpu.memory_space<hbm>> -> memref<128x128xf32, #tpu.memory_space<hbm>>
    tpu.wait_dma2 semaphore(%arg13 : memref<!tpu.dma_semaphore, #tpu.memory_space<semaphore_mem>>) src(%dma_wait3A_94 : memref<128x128xf32, #tpu.memory_space<hbm>>) dst(%dma_wait3A_93 : memref<128x128xf32, #tpu.memory_space<vmem>>)
    %dma_wait3A_95 = arith.constant 0 : i32
    %dma_wait3A_96 = arith.constant 0 : i32
    %dma_wait3A_97 = tpu.memref_slice %arg5[%dma_wait3A_95, %dma_wait3A_96] : memref<512x128xf32, #tpu.memory_space<vmem>> -> memref<128x128xf32, #tpu.memory_space<vmem>>
    %dma_wait3A_98 = tpu.memref_slice %arg2[%add3A_46, %mul3A_29] : memref<1024x1024xf32, #tpu.memory_space<hbm>> -> memref<128x128xf32, #tpu.memory_space<hbm>>
    %dma_wait3A_99 = arith.constant 0 : i32
    %dma_wait3A_100 = arith.constant 0 : i32
    %dma_wait3A_101 = tpu.memref_slice %arg5[%dma_wait3A_99, %dma_wait3A_100] : memref<512x128xf32, #tpu.memory_space<vmem>> -> memref<128x128xf32, #tpu.memory_space<vmem>>
    %dma_wait3A_102 = tpu.memref_slice %arg2[%add3A_46, %mul3A_29] : memref<1024x1024xf32, #tpu.memory_space<hbm>> -> memref<128x128xf32, #tpu.memory_space<hbm>>
    tpu.wait_dma2 semaphore(%arg12 : memref<!tpu.dma_semaphore, #tpu.memory_space<semaphore_mem>>) src(%dma_wait3A_102 : memref<128x128xf32, #tpu.memory_space<hbm>>) dst(%dma_wait3A_101 : memref<128x128xf32, #tpu.memory_space<vmem>>)
    %add3A_103 = arith.constant 128 : i32
    %add3A_104 = arith.addi %mul3A_31, %add3A_103 : i32
    %dma_start3A_105 = arith.constant 1 : i32
    %dma_start3A_106 = arith.constant 0 : i32
    %dma_start3A_107 = arith.constant 0 : i32
    %dma_start3A_108 = tpu.memref_slice %arg6[%dma_start3A_105, %dma_start3A_106, %dma_start3A_107] : memref<2x128x128xf32, #tpu.memory_space<vmem>> -> memref<1x128x128xf32, #tpu.memory_space<vmem>>
    %dma_start3A_109 = tpu.memref_squeeze %dma_start3A_108 : memref<1x128x128xf32, #tpu.memory_space<vmem>> -> memref<128x128xf32, #tpu.memory_space<vmem>>
    %dma_start3A_110 = tpu.memref_slice %arg3[%mul3A_29, %add3A_104] : memref<1024x1024xf32, #tpu.memory_space<hbm>> -> memref<128x128xf32, #tpu.memory_space<hbm>>
    %dma_start3A_111 = arith.constant 0 : i32
    %dma_start3A_112 = arith.constant 0 : i32
    %dma_start3A_113 = tpu.memref_slice %arg6[%dma_start3A_105, %dma_start3A_111, %dma_start3A_112] : memref<2x128x128xf32, #tpu.memory_space<vmem>> -> memref<1x128x128xf32, #tpu.memory_space<vmem>>
    %dma_start3A_114 = tpu.memref_squeeze %dma_start3A_113 : memref<1x128x128xf32, #tpu.memory_space<vmem>> -> memref<128x128xf32, #tpu.memory_space<vmem>>
    %dma_start3A_115 = tpu.memref_slice %arg3[%mul3A_29, %add3A_104] : memref<1024x1024xf32, #tpu.memory_space<hbm>> -> memref<128x128xf32, #tpu.memory_space<hbm>>
    tpu.enqueue_dma source(%dma_start3A_115 : memref<128x128xf32, #tpu.memory_space<hbm>>) target(%dma_start3A_114 : memref<128x128xf32, #tpu.memory_space<vmem>>) target_semaphore(%arg14 : memref<!tpu.dma_semaphore, #tpu.memory_space<semaphore_mem>>)
    %scan3A = arith.constant 0 : i32
    %scan3A_116 = arith.constant 0 : i32
    %scan3A_117 = arith.constant 8 : i32
    %scan3A_118 = arith.addi %scan3A_116, %scan3A_117 : i32
    %scan3A_119 = arith.constant 1 : i32
    %scan3A_120 = scf.for %scan3A_229 = %scan3A_116 to %scan3A_118 step %scan3A_119 iter_args(%scan3A_230 = %scan3A) -> (i32)  : i32 {
      %mul3A_231 = arith.constant 16 : i32
      %mul3A_232 = arith.muli %scan3A_229, %mul3A_231 : i32
      %add3A_233 = vector.broadcast %mul3A_232 : i32 to vector<16xi32>
      %add3A_234 = arith.addi %add3A_233, %iota3A : vector<16xi32>
      %scan3A_235 = arith.constant 0 : i32
      %scan3A_236 = arith.constant 8 : i32
      %scan3A_237 = arith.addi %scan3A_235, %scan3A_236 : i32
      %scan3A_238 = arith.constant 1 : i32
      %scan3A_239:2 = scf.for %scan3A_247 = %scan3A_235 to %scan3A_237 step %scan3A_238 iter_args(%scan3A_248 = %broadcast_in_dim3A_32, %scan3A_249 = %broadcast_in_dim3A_32) -> (vector<16xf32>, vector<16xf32>)  : i32 {
        %mul3A_250 = arith.constant 16 : i32
        %mul3A_251 = arith.muli %scan3A_247, %mul3A_250 : i32
        %mul3A_252 = arith.constant 16 : i32
        %mul3A_253 = arith.muli %scan3A_229, %mul3A_252 : i32
        %add3A_254 = arith.constant 0 : i32
        %add3A_255 = arith.addi %add3A_254, %mul3A_251 : i32
        %add3A_256 = arith.constant 0 : i32
        %add3A_257 = vector.broadcast %add3A_256 : i32 to vector<16xi32>
        %add3A_258 = arith.addi %iota3A, %add3A_257 : vector<16xi32>
        %and3A_259 = arith.constant 15 : i32
        %and3A_260 = vector.broadcast %and3A_259 : i32 to vector<16xi32>
        %and3A_261 = arith.andi %add3A_258, %and3A_260 : vector<16xi32>
        %sub3A_262 = arith.constant 0 : i32
        %sub3A_263 = vector.broadcast %sub3A_262 : i32 to vector<16xi32>
        %sub3A_264 = arith.subi %iota3A, %sub3A_263 : vector<16xi32>
        %and3A_265 = arith.constant 15 : i32
        %and3A_266 = vector.broadcast %and3A_265 : i32 to vector<16xi32>
        %and3A_267 = arith.andi %sub3A_264, %and3A_266 : vector<16xi32>
        %add3A_268 = vector.broadcast %mul3A_251 : i32 to vector<16xi32>
        %add3A_269 = arith.addi %add3A_268, %and3A_261 : vector<16xi32>
        %gather3A = arith.constant 0 : i32
        %gather3A_270 = arith.constant 0 : i32
        %gather3A_271 = tpu.memref_slice %arg6[%gather3A, %mul3A_253, %gather3A_270] : memref<2x128x128xf32, #tpu.memory_space<vmem>> -> memref<1x16x128xf32, #tpu.memory_space<vmem>>
        %gather3A_272 = tpu.memref_squeeze %gather3A_271 : memref<1x16x128xf32, #tpu.memory_space<vmem>> -> memref<16x128xf32, #tpu.memory_space<vmem>>
        %gather3A_273 = tpu.vector_load_idx %gather3A_272[%iota3A, %add3A_269] : memref<16x128xf32, #tpu.memory_space<vmem>>[vector<16xi32>, vector<16xi32>], vector<16xf32>,
        %gather3A_274 = arith.constant 0 : i32
        %gather3A_275 = tpu.memref_slice %arg5[%add3A_255, %gather3A_274] : memref<512x128xf32, #tpu.memory_space<vmem>> -> memref<16x128xf32, #tpu.memory_space<vmem>>
        %gather3A_276 = tpu.vector_load_idx %gather3A_275[%and3A_261, %add3A_234] : memref<16x128xf32, #tpu.memory_space<vmem>>[vector<16xi32>, vector<16xi32>], vector<16xf32>,
        %sub3A_277 = arith.subf %gather3A_276, %gather3A_273 : vector<16xf32>
        %mul3A_278 = arith.mulf %sub3A_277, %sub3A_277 : vector<16xf32>
        %add3A_279 = arith.addf %scan3A_248, %mul3A_278 : vector<16xf32>
        %ne3A_280 = arith.constant 0.000000e+00 : f32
        %ne3A_281 = vector.broadcast %ne3A_280 : f32 to vector<16xf32>
        %ne3A_282 = arith.cmpf one, %gather3A_273, %ne3A_281 : vector<16xf32>
        %jit3A_283 = arith.constant 1.000000e+00 : f32
        %jit3A_284 = arith.constant 0.000000e+00 : f32
        %broadcast_in_dim3A_285 = vector.broadcast %jit3A_283 : f32 to vector<16xf32>
        %broadcast_in_dim3A_286 = vector.broadcast %jit3A_284 : f32 to vector<16xf32>
        %select_n3A_287 = arith.select %ne3A_282, %broadcast_in_dim3A_285, %broadcast_in_dim3A_286 : vector<16xi1>, vector<16xf32>
        %add3A_288 = arith.addf %scan3A_249, %select_n3A_287 : vector<16xf32>
        %broadcast_in_dim3A_289 = vector.shape_cast %and3A_267 : vector<16xi32> to vector<16x1xi32>
        %gather3A_290 = vector.shape_cast %broadcast_in_dim3A_289 : vector<16x1xi32> to vector<16xi32>
        %gather3A_291 = tpu.dynamic_gather %select_n3A_287[%gather3A_290] in [0] : vector<16xf32>, vector<16xi32> -> vector<16xf32>
        %add3A_292 = arith.addf %broadcast_in_dim3A_32, %gather3A_291 : vector<16xf32>
        %add3A_293 = arith.constant 1 : i32
        %add3A_294 = vector.broadcast %add3A_293 : i32 to vector<16xi32>
        %add3A_295 = arith.addi %iota3A, %add3A_294 : vector<16xi32>
        %and3A_296 = arith.constant 15 : i32
        %and3A_297 = vector.broadcast %and3A_296 : i32 to vector<16xi32>
        %and3A_298 = arith.andi %add3A_295, %and3A_297 : vector<16xi32>
        %sub3A_299 = arith.constant 1 : i32
        %sub3A_300 = vector.broadcast %sub3A_299 : i32 to vector<16xi32>
        %sub3A_301 = arith.subi %iota3A, %sub3A_300 : vector<16xi32>
        %and3A_302 = arith.constant 15 : i32
        %and3A_303 = vector.broadcast %and3A_302 : i32 to vector<16xi32>
        %and3A_304 = arith.andi %sub3A_301, %and3A_303 : vector<16xi32>
        %add3A_305 = vector.broadcast %mul3A_251 : i32 to vector<16xi32>
        %add3A_306 = arith.addi %add3A_305, %and3A_298 : vector<16xi32>
        %gather3A_307 = arith.constant 0 : i32
        %gather3A_308 = arith.constant 0 : i32
        %gather3A_309 = tpu.memref_slice %arg6[%gather3A_307, %mul3A_253, %gather3A_308] : memref<2x128x128xf32, #tpu.memory_space<vmem>> -> memref<1x16x128xf32, #tpu.memory_space<vmem>>
        %gather3A_310 = tpu.memref_squeeze %gather3A_309 : memref<1x16x128xf32, #tpu.memory_space<vmem>> -> memref<16x128xf32, #tpu.memory_space<vmem>>
        %gather3A_311 = tpu.vector_load_idx %gather3A_310[%iota3A, %add3A_306] : memref<16x128xf32, #tpu.memory_space<vmem>>[vector<16xi32>, vector<16xi32>], vector<16xf32>,
        %gather3A_312 = arith.constant 0 : i32
        %gather3A_313 = tpu.memref_slice %arg5[%add3A_255, %gather3A_312] : memref<512x128xf32, #tpu.memory_space<vmem>> -> memref<16x128xf32, #tpu.memory_space<vmem>>
        %gather3A_314 = tpu.vector_load_idx %gather3A_313[%and3A_298, %add3A_234] : memref<16x128xf32, #tpu.memory_space<vmem>>[vector<16xi32>, vector<16xi32>], vector<16xf32>,
        %sub3A_315 = arith.subf %gather3A_314, %gather3A_311 : vector<16xf32>
        %mul3A_316 = arith.mulf %sub3A_315, %sub3A_315 : vector<16xf32>
        %add3A_317 = arith.addf %add3A_279, %mul3A_316 : vector<16xf32>
        %ne3A_318 = arith.constant 0.000000e+00 : f32
        %ne3A_319 = vector.broadcast %ne3A_318 : f32 to vector<16xf32>
        %ne3A_320 = arith.cmpf one, %gather3A_311, %ne3A_319 : vector<16xf32>
        %jit3A_321 = arith.constant 1.000000e+00 : f32
        %jit3A_322 = arith.constant 0.000000e+00 : f32
        %broadcast_in_dim3A_323 = vector.broadcast %jit3A_321 : f32 to vector<16xf32>
        %broadcast_in_dim3A_324 = vector.broadcast %jit3A_322 : f32 to vector<16xf32>
        %select_n3A_325 = arith.select %ne3A_320, %broadcast_in_dim3A_323, %broadcast_in_dim3A_324 : vector<16xi1>, vector<16xf32>
        %add3A_326 = arith.addf %add3A_288, %select_n3A_325 : vector<16xf32>
        %broadcast_in_dim3A_327 = vector.shape_cast %and3A_304 : vector<16xi32> to vector<16x1xi32>
        %gather3A_328 = vector.shape_cast %broadcast_in_dim3A_327 : vector<16x1xi32> to vector<16xi32>
        %gather3A_329 = tpu.dynamic_gather %select_n3A_325[%gather3A_328] in [0] : vector<16xf32>, vector<16xi32> -> vector<16xf32>
        %add3A_330 = arith.addf %add3A_292, %gather3A_329 : vector<16xf32>
        %add3A_331 = arith.constant 2 : i32
        %add3A_332 = vector.broadcast %add3A_331 : i32 to vector<16xi32>
        %add3A_333 = arith.addi %iota3A, %add3A_332 : vector<16xi32>
        %and3A_334 = arith.constant 15 : i32
        %and3A_335 = vector.broadcast %and3A_334 : i32 to vector<16xi32>
        %and3A_336 = arith.andi %add3A_333, %and3A_335 : vector<16xi32>
        %sub3A_337 = arith.constant 2 : i32
        %sub3A_338 = vector.broadcast %sub3A_337 : i32 to vector<16xi32>
        %sub3A_339 = arith.subi %iota3A, %sub3A_338 : vector<16xi32>
        %and3A_340 = arith.constant 15 : i32
        %and3A_341 = vector.broadcast %and3A_340 : i32 to vector<16xi32>
        %and3A_342 = arith.andi %sub3A_339, %and3A_341 : vector<16xi32>
        %add3A_343 = vector.broadcast %mul3A_251 : i32 to vector<16xi32>
        %add3A_344 = arith.addi %add3A_343, %and3A_336 : vector<16xi32>
        %gather3A_345 = arith.constant 0 : i32
        %gather3A_346 = arith.constant 0 : i32
        %gather3A_347 = tpu.memref_slice %arg6[%gather3A_345, %mul3A_253, %gather3A_346] : memref<2x128x128xf32, #tpu.memory_space<vmem>> -> memref<1x16x128xf32, #tpu.memory_space<vmem>>
        %gather3A_348 = tpu.memref_squeeze %gather3A_347 : memref<1x16x128xf32, #tpu.memory_space<vmem>> -> memref<16x128xf32, #tpu.memory_space<vmem>>
        %gather3A_349 = tpu.vector_load_idx %gather3A_348[%iota3A, %add3A_344] : memref<16x128xf32, #tpu.memory_space<vmem>>[vector<16xi32>, vector<16xi32>], vector<16xf32>,
        %gather3A_350 = arith.constant 0 : i32
        %gather3A_351 = tpu.memref_slice %arg5[%add3A_255, %gather3A_350] : memref<512x128xf32, #tpu.memory_space<vmem>> -> memref<16x128xf32, #tpu.memory_space<vmem>>
        %gather3A_352 = tpu.vector_load_idx %gather3A_351[%and3A_336, %add3A_234] : memref<16x128xf32, #tpu.memory_space<vmem>>[vector<16xi32>, vector<16xi32>], vector<16xf32>,
        %sub3A_353 = arith.subf %gather3A_352, %gather3A_349 : vector<16xf32>
        %mul3A_354 = arith.mulf %sub3A_353, %sub3A_353 : vector<16xf32>
        %add3A_355 = arith.addf %add3A_317, %mul3A_354 : vector<16xf32>
        %ne3A_356 = arith.constant 0.000000e+00 : f32
        %ne3A_357 = vector.broadcast %ne3A_356 : f32 to vector<16xf32>
        %ne3A_358 = arith.cmpf one, %gather3A_349, %ne3A_357 : vector<16xf32>
        %jit3A_359 = arith.constant 1.000000e+00 : f32
        %jit3A_360 = arith.constant 0.000000e+00 : f32
        %broadcast_in_dim3A_361 = vector.broadcast %jit3A_359 : f32 to vector<16xf32>
        %broadcast_in_dim3A_362 = vector.broadcast %jit3A_360 : f32 to vector<16xf32>
        %select_n3A_363 = arith.select %ne3A_358, %broadcast_in_dim3A_361, %broadcast_in_dim3A_362 : vector<16xi1>, vector<16xf32>
        %add3A_364 = arith.addf %add3A_326, %select_n3A_363 : vector<16xf32>
        %broadcast_in_dim3A_365 = vector.shape_cast %and3A_342 : vector<16xi32> to vector<16x1xi32>
        %gather3A_366 = vector.shape_cast %broadcast_in_dim3A_365 : vector<16x1xi32> to vector<16xi32>
        %gather3A_367 = tpu.dynamic_gather %select_n3A_363[%gather3A_366] in [0] : vector<16xf32>, vector<16xi32> -> vector<16xf32>
        %add3A_368 = arith.addf %add3A_330, %gather3A_367 : vector<16xf32>
        %add3A_369 = arith.constant 3 : i32
        %add3A_370 = vector.broadcast %add3A_369 : i32 to vector<16xi32>
        %add3A_371 = arith.addi %iota3A, %add3A_370 : vector<16xi32>
        %and3A_372 = arith.constant 15 : i32
        %and3A_373 = vector.broadcast %and3A_372 : i32 to vector<16xi32>
        %and3A_374 = arith.andi %add3A_371, %and3A_373 : vector<16xi32>
        %sub3A_375 = arith.constant 3 : i32
        %sub3A_376 = vector.broadcast %sub3A_375 : i32 to vector<16xi32>
        %sub3A_377 = arith.subi %iota3A, %sub3A_376 : vector<16xi32>
        %and3A_378 = arith.constant 15 : i32
        %and3A_379 = vector.broadcast %and3A_378 : i32 to vector<16xi32>
        %and3A_380 = arith.andi %sub3A_377, %and3A_379 : vector<16xi32>
        %add3A_381 = vector.broadcast %mul3A_251 : i32 to vector<16xi32>
        %add3A_382 = arith.addi %add3A_381, %and3A_374 : vector<16xi32>
        %gather3A_383 = arith.constant 0 : i32
        %gather3A_384 = arith.constant 0 : i32
        %gather3A_385 = tpu.memref_slice %arg6[%gather3A_383, %mul3A_253, %gather3A_384] : memref<2x128x128xf32, #tpu.memory_space<vmem>> -> memref<1x16x128xf32, #tpu.memory_space<vmem>>
        %gather3A_386 = tpu.memref_squeeze %gather3A_385 : memref<1x16x128xf32, #tpu.memory_space<vmem>> -> memref<16x128xf32, #tpu.memory_space<vmem>>
        %gather3A_387 = tpu.vector_load_idx %gather3A_386[%iota3A, %add3A_382] : memref<16x128xf32, #tpu.memory_space<vmem>>[vector<16xi32>, vector<16xi32>], vector<16xf32>,
        %gather3A_388 = arith.constant 0 : i32
        %gather3A_389 = tpu.memref_slice %arg5[%add3A_255, %gather3A_388] : memref<512x128xf32, #tpu.memory_space<vmem>> -> memref<16x128xf32, #tpu.memory_space<vmem>>
        %gather3A_390 = tpu.vector_load_idx %gather3A_389[%and3A_374, %add3A_234] : memref<16x128xf32, #tpu.memory_space<vmem>>[vector<16xi32>, vector<16xi32>], vector<16xf32>,
        %sub3A_391 = arith.subf %gather3A_390, %gather3A_387 : vector<16xf32>
        %mul3A_392 = arith.mulf %sub3A_391, %sub3A_391 : vector<16xf32>
        %add3A_393 = arith.addf %add3A_355, %mul3A_392 : vector<16xf32>
        %ne3A_394 = arith.constant 0.000000e+00 : f32
        %ne3A_395 = vector.broadcast %ne3A_394 : f32 to vector<16xf32>
        %ne3A_396 = arith.cmpf one, %gather3A_387, %ne3A_395 : vector<16xf32>
        %jit3A_397 = arith.constant 1.000000e+00 : f32
        %jit3A_398 = arith.constant 0.000000e+00 : f32
        %broadcast_in_dim3A_399 = vector.broadcast %jit3A_397 : f32 to vector<16xf32>
        %broadcast_in_dim3A_400 = vector.broadcast %jit3A_398 : f32 to vector<16xf32>
        %select_n3A_401 = arith.select %ne3A_396, %broadcast_in_dim3A_399, %broadcast_in_dim3A_400 : vector<16xi1>, vector<16xf32>
        %add3A_402 = arith.addf %add3A_364, %select_n3A_401 : vector<16xf32>
        %broadcast_in_dim3A_403 = vector.shape_cast %and3A_380 : vector<16xi32> to vector<16x1xi32>
        %gather3A_404 = vector.shape_cast %broadcast_in_dim3A_403 : vector<16x1xi32> to vector<16xi32>
        %gather3A_405 = tpu.dynamic_gather %select_n3A_401[%gather3A_404] in [0] : vector<16xf32>, vector<16xi32> -> vector<16xf32>
        %add3A_406 = arith.addf %add3A_368, %gather3A_405 : vector<16xf32>
        %add3A_407 = arith.constant 4 : i32
        %add3A_408 = vector.broadcast %add3A_407 : i32 to vector<16xi32>
        %add3A_409 = arith.addi %iota3A, %add3A_408 : vector<16xi32>
        %and3A_410 = arith.constant 15 : i32
        %and3A_411 = vector.broadcast %and3A_410 : i32 to vector<16xi32>
        %and3A_412 = arith.andi %add3A_409, %and3A_411 : vector<16xi32>
        %sub3A_413 = arith.constant 4 : i32
        %sub3A_414 = vector.broadcast %sub3A_413 : i32 to vector<16xi32>
        %sub3A_415 = arith.subi %iota3A, %sub3A_414 : vector<16xi32>
        %and3A_416 = arith.constant 15 : i32
        %and3A_417 = vector.broadcast %and3A_416 : i32 to vector<16xi32>
        %and3A_418 = arith.andi %sub3A_415, %and3A_417 : vector<16xi32>
        %add3A_419 = vector.broadcast %mul3A_251 : i32 to vector<16xi32>
        %add3A_420 = arith.addi %add3A_419, %and3A_412 : vector<16xi32>
        %gather3A_421 = arith.constant 0 : i32
        %gather3A_422 = arith.constant 0 : i32
        %gather3A_423 = tpu.memref_slice %arg6[%gather3A_421, %mul3A_253, %gather3A_422] : memref<2x128x128xf32, #tpu.memory_space<vmem>> -> memref<1x16x128xf32, #tpu.memory_space<vmem>>
        %gather3A_424 = tpu.memref_squeeze %gather3A_423 : memref<1x16x128xf32, #tpu.memory_space<vmem>> -> memref<16x128xf32, #tpu.memory_space<vmem>>
        %gather3A_425 = tpu.vector_load_idx %gather3A_424[%iota3A, %add3A_420] : memref<16x128xf32, #tpu.memory_space<vmem>>[vector<16xi32>, vector<16xi32>], vector<16xf32>,
        %gather3A_426 = arith.constant 0 : i32
        %gather3A_427 = tpu.memref_slice %arg5[%add3A_255, %gather3A_426] : memref<512x128xf32, #tpu.memory_space<vmem>> -> memref<16x128xf32, #tpu.memory_space<vmem>>
        %gather3A_428 = tpu.vector_load_idx %gather3A_427[%and3A_412, %add3A_234] : memref<16x128xf32, #tpu.memory_space<vmem>>[vector<16xi32>, vector<16xi32>], vector<16xf32>,
        %sub3A_429 = arith.subf %gather3A_428, %gather3A_425 : vector<16xf32>
        %mul3A_430 = arith.mulf %sub3A_429, %sub3A_429 : vector<16xf32>
        %add3A_431 = arith.addf %add3A_393, %mul3A_430 : vector<16xf32>
        %ne3A_432 = arith.constant 0.000000e+00 : f32
        %ne3A_433 = vector.broadcast %ne3A_432 : f32 to vector<16xf32>
        %ne3A_434 = arith.cmpf one, %gather3A_425, %ne3A_433 : vector<16xf32>
        %jit3A_435 = arith.constant 1.000000e+00 : f32
        %jit3A_436 = arith.constant 0.000000e+00 : f32
        %broadcast_in_dim3A_437 = vector.broadcast %jit3A_435 : f32 to vector<16xf32>
        %broadcast_in_dim3A_438 = vector.broadcast %jit3A_436 : f32 to vector<16xf32>
        %select_n3A_439 = arith.select %ne3A_434, %broadcast_in_dim3A_437, %broadcast_in_dim3A_438 : vector<16xi1>, vector<16xf32>
        %add3A_440 = arith.addf %add3A_402, %select_n3A_439 : vector<16xf32>
        %broadcast_in_dim3A_441 = vector.shape_cast %and3A_418 : vector<16xi32> to vector<16x1xi32>
        %gather3A_442 = vector.shape_cast %broadcast_in_dim3A_441 : vector<16x1xi32> to vector<16xi32>
        %gather3A_443 = tpu.dynamic_gather %select_n3A_439[%gather3A_442] in [0] : vector<16xf32>, vector<16xi32> -> vector<16xf32>
        %add3A_444 = arith.addf %add3A_406, %gather3A_443 : vector<16xf32>
        %add3A_445 = arith.constant 5 : i32
        %add3A_446 = vector.broadcast %add3A_445 : i32 to vector<16xi32>
        %add3A_447 = arith.addi %iota3A, %add3A_446 : vector<16xi32>
        %and3A_448 = arith.constant 15 : i32
        %and3A_449 = vector.broadcast %and3A_448 : i32 to vector<16xi32>
        %and3A_450 = arith.andi %add3A_447, %and3A_449 : vector<16xi32>
        %sub3A_451 = arith.constant 5 : i32
        %sub3A_452 = vector.broadcast %sub3A_451 : i32 to vector<16xi32>
        %sub3A_453 = arith.subi %iota3A, %sub3A_452 : vector<16xi32>
        %and3A_454 = arith.constant 15 : i32
        %and3A_455 = vector.broadcast %and3A_454 : i32 to vector<16xi32>
        %and3A_456 = arith.andi %sub3A_453, %and3A_455 : vector<16xi32>
        %add3A_457 = vector.broadcast %mul3A_251 : i32 to vector<16xi32>
        %add3A_458 = arith.addi %add3A_457, %and3A_450 : vector<16xi32>
        %gather3A_459 = arith.constant 0 : i32
        %gather3A_460 = arith.constant 0 : i32
        %gather3A_461 = tpu.memref_slice %arg6[%gather3A_459, %mul3A_253, %gather3A_460] : memref<2x128x128xf32, #tpu.memory_space<vmem>> -> memref<1x16x128xf32, #tpu.memory_space<vmem>>
        %gather3A_462 = tpu.memref_squeeze %gather3A_461 : memref<1x16x128xf32, #tpu.memory_space<vmem>> -> memref<16x128xf32, #tpu.memory_space<vmem>>
        %gather3A_463 = tpu.vector_load_idx %gather3A_462[%iota3A, %add3A_458] : memref<16x128xf32, #tpu.memory_space<vmem>>[vector<16xi32>, vector<16xi32>], vector<16xf32>,
        %gather3A_464 = arith.constant 0 : i32
        %gather3A_465 = tpu.memref_slice %arg5[%add3A_255, %gather3A_464] : memref<512x128xf32, #tpu.memory_space<vmem>> -> memref<16x128xf32, #tpu.memory_space<vmem>>
        %gather3A_466 = tpu.vector_load_idx %gather3A_465[%and3A_450, %add3A_234] : memref<16x128xf32, #tpu.memory_space<vmem>>[vector<16xi32>, vector<16xi32>], vector<16xf32>,
        %sub3A_467 = arith.subf %gather3A_466, %gather3A_463 : vector<16xf32>
        %mul3A_468 = arith.mulf %sub3A_467, %sub3A_467 : vector<16xf32>
        %add3A_469 = arith.addf %add3A_431, %mul3A_468 : vector<16xf32>
        %ne3A_470 = arith.constant 0.000000e+00 : f32
        %ne3A_471 = vector.broadcast %ne3A_470 : f32 to vector<16xf32>
        %ne3A_472 = arith.cmpf one, %gather3A_463, %ne3A_471 : vector<16xf32>
        %jit3A_473 = arith.constant 1.000000e+00 : f32
        %jit3A_474 = arith.constant 0.000000e+00 : f32
        %broadcast_in_dim3A_475 = vector.broadcast %jit3A_473 : f32 to vector<16xf32>
        %broadcast_in_dim3A_476 = vector.broadcast %jit3A_474 : f32 to vector<16xf32>
        %select_n3A_477 = arith.select %ne3A_472, %broadcast_in_dim3A_475, %broadcast_in_dim3A_476 : vector<16xi1>, vector<16xf32>
        %add3A_478 = arith.addf %add3A_440, %select_n3A_477 : vector<16xf32>
        %broadcast_in_dim3A_479 = vector.shape_cast %and3A_456 : vector<16xi32> to vector<16x1xi32>
        %gather3A_480 = vector.shape_cast %broadcast_in_dim3A_479 : vector<16x1xi32> to vector<16xi32>
        %gather3A_481 = tpu.dynamic_gather %select_n3A_477[%gather3A_480] in [0] : vector<16xf32>, vector<16xi32> -> vector<16xf32>
        %add3A_482 = arith.addf %add3A_444, %gather3A_481 : vector<16xf32>
        %add3A_483 = arith.constant 6 : i32
        %add3A_484 = vector.broadcast %add3A_483 : i32 to vector<16xi32>
        %add3A_485 = arith.addi %iota3A, %add3A_484 : vector<16xi32>
        %and3A_486 = arith.constant 15 : i32
        %and3A_487 = vector.broadcast %and3A_486 : i32 to vector<16xi32>
        %and3A_488 = arith.andi %add3A_485, %and3A_487 : vector<16xi32>
        %sub3A_489 = arith.constant 6 : i32
        %sub3A_490 = vector.broadcast %sub3A_489 : i32 to vector<16xi32>
        %sub3A_491 = arith.subi %iota3A, %sub3A_490 : vector<16xi32>
        %and3A_492 = arith.constant 15 : i32
        %and3A_493 = vector.broadcast %and3A_492 : i32 to vector<16xi32>
        %and3A_494 = arith.andi %sub3A_491, %and3A_493 : vector<16xi32>
        %add3A_495 = vector.broadcast %mul3A_251 : i32 to vector<16xi32>
        %add3A_496 = arith.addi %add3A_495, %and3A_488 : vector<16xi32>
        %gather3A_497 = arith.constant 0 : i32
        %gather3A_498 = arith.constant 0 : i32
        %gather3A_499 = tpu.memref_slice %arg6[%gather3A_497, %mul3A_253, %gather3A_498] : memref<2x128x128xf32, #tpu.memory_space<vmem>> -> memref<1x16x128xf32, #tpu.memory_space<vmem>>
        %gather3A_500 = tpu.memref_squeeze %gather3A_499 : memref<1x16x128xf32, #tpu.memory_space<vmem>> -> memref<16x128xf32, #tpu.memory_space<vmem>>
        %gather3A_501 = tpu.vector_load_idx %gather3A_500[%iota3A, %add3A_496] : memref<16x128xf32, #tpu.memory_space<vmem>>[vector<16xi32>, vector<16xi32>], vector<16xf32>,
        %gather3A_502 = arith.constant 0 : i32
        %gather3A_503 = tpu.memref_slice %arg5[%add3A_255, %gather3A_502] : memref<512x128xf32, #tpu.memory_space<vmem>> -> memref<16x128xf32, #tpu.memory_space<vmem>>
        %gather3A_504 = tpu.vector_load_idx %gather3A_503[%and3A_488, %add3A_234] : memref<16x128xf32, #tpu.memory_space<vmem>>[vector<16xi32>, vector<16xi32>], vector<16xf32>,
        %sub3A_505 = arith.subf %gather3A_504, %gather3A_501 : vector<16xf32>
        %mul3A_506 = arith.mulf %sub3A_505, %sub3A_505 : vector<16xf32>
        %add3A_507 = arith.addf %add3A_469, %mul3A_506 : vector<16xf32>
        %ne3A_508 = arith.constant 0.000000e+00 : f32
        %ne3A_509 = vector.broadcast %ne3A_508 : f32 to vector<16xf32>
        %ne3A_510 = arith.cmpf one, %gather3A_501, %ne3A_509 : vector<16xf32>
        %jit3A_511 = arith.constant 1.000000e+00 : f32
        %jit3A_512 = arith.constant 0.000000e+00 : f32
        %broadcast_in_dim3A_513 = vector.broadcast %jit3A_511 : f32 to vector<16xf32>
        %broadcast_in_dim3A_514 = vector.broadcast %jit3A_512 : f32 to vector<16xf32>
        %select_n3A_515 = arith.select %ne3A_510, %broadcast_in_dim3A_513, %broadcast_in_dim3A_514 : vector<16xi1>, vector<16xf32>
        %add3A_516 = arith.addf %add3A_478, %select_n3A_515 : vector<16xf32>
        %broadcast_in_dim3A_517 = vector.shape_cast %and3A_494 : vector<16xi32> to vector<16x1xi32>
        %gather3A_518 = vector.shape_cast %broadcast_in_dim3A_517 : vector<16x1xi32> to vector<16xi32>
        %gather3A_519 = tpu.dynamic_gather %select_n3A_515[%gather3A_518] in [0] : vector<16xf32>, vector<16xi32> -> vector<16xf32>
        %add3A_520 = arith.addf %add3A_482, %gather3A_519 : vector<16xf32>
        %add3A_521 = arith.constant 7 : i32
        %add3A_522 = vector.broadcast %add3A_521 : i32 to vector<16xi32>
        %add3A_523 = arith.addi %iota3A, %add3A_522 : vector<16xi32>
        %and3A_524 = arith.constant 15 : i32
        %and3A_525 = vector.broadcast %and3A_524 : i32 to vector<16xi32>
        %and3A_526 = arith.andi %add3A_523, %and3A_525 : vector<16xi32>
        %sub3A_527 = arith.constant 7 : i32
        %sub3A_528 = vector.broadcast %sub3A_527 : i32 to vector<16xi32>
        %sub3A_529 = arith.subi %iota3A, %sub3A_528 : vector<16xi32>
        %and3A_530 = arith.constant 15 : i32
        %and3A_531 = vector.broadcast %and3A_530 : i32 to vector<16xi32>
        %and3A_532 = arith.andi %sub3A_529, %and3A_531 : vector<16xi32>
        %add3A_533 = vector.broadcast %mul3A_251 : i32 to vector<16xi32>
        %add3A_534 = arith.addi %add3A_533, %and3A_526 : vector<16xi32>
        %gather3A_535 = arith.constant 0 : i32
        %gather3A_536 = arith.constant 0 : i32
        %gather3A_537 = tpu.memref_slice %arg6[%gather3A_535, %mul3A_253, %gather3A_536] : memref<2x128x128xf32, #tpu.memory_space<vmem>> -> memref<1x16x128xf32, #tpu.memory_space<vmem>>
        %gather3A_538 = tpu.memref_squeeze %gather3A_537 : memref<1x16x128xf32, #tpu.memory_space<vmem>> -> memref<16x128xf32, #tpu.memory_space<vmem>>
        %gather3A_539 = tpu.vector_load_idx %gather3A_538[%iota3A, %add3A_534] : memref<16x128xf32, #tpu.memory_space<vmem>>[vector<16xi32>, vector<16xi32>], vector<16xf32>,
        %gather3A_540 = arith.constant 0 : i32
        %gather3A_541 = tpu.memref_slice %arg5[%add3A_255, %gather3A_540] : memref<512x128xf32, #tpu.memory_space<vmem>> -> memref<16x128xf32, #tpu.memory_space<vmem>>
        %gather3A_542 = tpu.vector_load_idx %gather3A_541[%and3A_526, %add3A_234] : memref<16x128xf32, #tpu.memory_space<vmem>>[vector<16xi32>, vector<16xi32>], vector<16xf32>,
        %sub3A_543 = arith.subf %gather3A_542, %gather3A_539 : vector<16xf32>
        %mul3A_544 = arith.mulf %sub3A_543, %sub3A_543 : vector<16xf32>
        %add3A_545 = arith.addf %add3A_507, %mul3A_544 : vector<16xf32>
        %ne3A_546 = arith.constant 0.000000e+00 : f32
        %ne3A_547 = vector.broadcast %ne3A_546 : f32 to vector<16xf32>
        %ne3A_548 = arith.cmpf one, %gather3A_539, %ne3A_547 : vector<16xf32>
        %jit3A_549 = arith.constant 1.000000e+00 : f32
        %jit3A_550 = arith.constant 0.000000e+00 : f32
        %broadcast_in_dim3A_551 = vector.broadcast %jit3A_549 : f32 to vector<16xf32>
        %broadcast_in_dim3A_552 = vector.broadcast %jit3A_550 : f32 to vector<16xf32>
        %select_n3A_553 = arith.select %ne3A_548, %broadcast_in_dim3A_551, %broadcast_in_dim3A_552 : vector<16xi1>, vector<16xf32>
        %add3A_554 = arith.addf %add3A_516, %select_n3A_553 : vector<16xf32>
        %broadcast_in_dim3A_555 = vector.shape_cast %and3A_532 : vector<16xi32> to vector<16x1xi32>
        %gather3A_556 = vector.shape_cast %broadcast_in_dim3A_555 : vector<16x1xi32> to vector<16xi32>
        %gather3A_557 = tpu.dynamic_gather %select_n3A_553[%gather3A_556] in [0] : vector<16xf32>, vector<16xi32> -> vector<16xf32>
        %add3A_558 = arith.addf %add3A_520, %gather3A_557 : vector<16xf32>
        %add3A_559 = arith.constant 8 : i32
        %add3A_560 = vector.broadcast %add3A_559 : i32 to vector<16xi32>
        %add3A_561 = arith.addi %iota3A, %add3A_560 : vector<16xi32>
        %and3A_562 = arith.constant 15 : i32
        %and3A_563 = vector.broadcast %and3A_562 : i32 to vector<16xi32>
        %and3A_564 = arith.andi %add3A_561, %and3A_563 : vector<16xi32>
        %sub3A_565 = arith.constant 8 : i32
        %sub3A_566 = vector.broadcast %sub3A_565 : i32 to vector<16xi32>
        %sub3A_567 = arith.subi %iota3A, %sub3A_566 : vector<16xi32>
        %and3A_568 = arith.constant 15 : i32
        %and3A_569 = vector.broadcast %and3A_568 : i32 to vector<16xi32>
        %and3A_570 = arith.andi %sub3A_567, %and3A_569 : vector<16xi32>
        %add3A_571 = vector.broadcast %mul3A_251 : i32 to vector<16xi32>
        %add3A_572 = arith.addi %add3A_571, %and3A_564 : vector<16xi32>
        %gather3A_573 = arith.constant 0 : i32
        %gather3A_574 = arith.constant 0 : i32
        %gather3A_575 = tpu.memref_slice %arg6[%gather3A_573, %mul3A_253, %gather3A_574] : memref<2x128x128xf32, #tpu.memory_space<vmem>> -> memref<1x16x128xf32, #tpu.memory_space<vmem>>
        %gather3A_576 = tpu.memref_squeeze %gather3A_575 : memref<1x16x128xf32, #tpu.memory_space<vmem>> -> memref<16x128xf32, #tpu.memory_space<vmem>>
        %gather3A_577 = tpu.vector_load_idx %gather3A_576[%iota3A, %add3A_572] : memref<16x128xf32, #tpu.memory_space<vmem>>[vector<16xi32>, vector<16xi32>], vector<16xf32>,
        %gather3A_578 = arith.constant 0 : i32
        %gather3A_579 = tpu.memref_slice %arg5[%add3A_255, %gather3A_578] : memref<512x128xf32, #tpu.memory_space<vmem>> -> memref<16x128xf32, #tpu.memory_space<vmem>>
        %gather3A_580 = tpu.vector_load_idx %gather3A_579[%and3A_564, %add3A_234] : memref<16x128xf32, #tpu.memory_space<vmem>>[vector<16xi32>, vector<16xi32>], vector<16xf32>,
        %sub3A_581 = arith.subf %gather3A_580, %gather3A_577 : vector<16xf32>
        %mul3A_582 = arith.mulf %sub3A_581, %sub3A_581 : vector<16xf32>
        %add3A_583 = arith.addf %add3A_545, %mul3A_582 : vector<16xf32>
        %ne3A_584 = arith.constant 0.000000e+00 : f32
        %ne3A_585 = vector.broadcast %ne3A_584 : f32 to vector<16xf32>
        %ne3A_586 = arith.cmpf one, %gather3A_577, %ne3A_585 : vector<16xf32>
        %jit3A_587 = arith.constant 1.000000e+00 : f32
        %jit3A_588 = arith.constant 0.000000e+00 : f32
        %broadcast_in_dim3A_589 = vector.broadcast %jit3A_587 : f32 to vector<16xf32>
        %broadcast_in_dim3A_590 = vector.broadcast %jit3A_588 : f32 to vector<16xf32>
        %select_n3A_591 = arith.select %ne3A_586, %broadcast_in_dim3A_589, %broadcast_in_dim3A_590 : vector<16xi1>, vector<16xf32>
        %add3A_592 = arith.addf %add3A_554, %select_n3A_591 : vector<16xf32>
        %broadcast_in_dim3A_593 = vector.shape_cast %and3A_570 : vector<16xi32> to vector<16x1xi32>
        %gather3A_594 = vector.shape_cast %broadcast_in_dim3A_593 : vector<16x1xi32> to vector<16xi32>
        %gather3A_595 = tpu.dynamic_gather %select_n3A_591[%gather3A_594] in [0] : vector<16xf32>, vector<16xi32> -> vector<16xf32>
        %add3A_596 = arith.addf %add3A_558, %gather3A_595 : vector<16xf32>
        %add3A_597 = arith.constant 9 : i32
        %add3A_598 = vector.broadcast %add3A_597 : i32 to vector<16xi32>
        %add3A_599 = arith.addi %iota3A, %add3A_598 : vector<16xi32>
        %and3A_600 = arith.constant 15 : i32
        %and3A_601 = vector.broadcast %and3A_600 : i32 to vector<16xi32>
        %and3A_602 = arith.andi %add3A_599, %and3A_601 : vector<16xi32>
        %sub3A_603 = arith.constant 9 : i32
        %sub3A_604 = vector.broadcast %sub3A_603 : i32 to vector<16xi32>
        %sub3A_605 = arith.subi %iota3A, %sub3A_604 : vector<16xi32>
        %and3A_606 = arith.constant 15 : i32
        %and3A_607 = vector.broadcast %and3A_606 : i32 to vector<16xi32>
        %and3A_608 = arith.andi %sub3A_605, %and3A_607 : vector<16xi32>
        %add3A_609 = vector.broadcast %mul3A_251 : i32 to vector<16xi32>
        %add3A_610 = arith.addi %add3A_609, %and3A_602 : vector<16xi32>
        %gather3A_611 = arith.constant 0 : i32
        %gather3A_612 = arith.constant 0 : i32
        %gather3A_613 = tpu.memref_slice %arg6[%gather3A_611, %mul3A_253, %gather3A_612] : memref<2x128x128xf32, #tpu.memory_space<vmem>> -> memref<1x16x128xf32, #tpu.memory_space<vmem>>
        %gather3A_614 = tpu.memref_squeeze %gather3A_613 : memref<1x16x128xf32, #tpu.memory_space<vmem>> -> memref<16x128xf32, #tpu.memory_space<vmem>>
        %gather3A_615 = tpu.vector_load_idx %gather3A_614[%iota3A, %add3A_610] : memref<16x128xf32, #tpu.memory_space<vmem>>[vector<16xi32>, vector<16xi32>], vector<16xf32>,
        %gather3A_616 = arith.constant 0 : i32
        %gather3A_617 = tpu.memref_slice %arg5[%add3A_255, %gather3A_616] : memref<512x128xf32, #tpu.memory_space<vmem>> -> memref<16x128xf32, #tpu.memory_space<vmem>>
        %gather3A_618 = tpu.vector_load_idx %gather3A_617[%and3A_602, %add3A_234] : memref<16x128xf32, #tpu.memory_space<vmem>>[vector<16xi32>, vector<16xi32>], vector<16xf32>,
        %sub3A_619 = arith.subf %gather3A_618, %gather3A_615 : vector<16xf32>
        %mul3A_620 = arith.mulf %sub3A_619, %sub3A_619 : vector<16xf32>
        %add3A_621 = arith.addf %add3A_583, %mul3A_620 : vector<16xf32>
        %ne3A_622 = arith.constant 0.000000e+00 : f32
        %ne3A_623 = vector.broadcast %ne3A_622 : f32 to vector<16xf32>
        %ne3A_624 = arith.cmpf one, %gather3A_615, %ne3A_623 : vector<16xf32>
        %jit3A_625 = arith.constant 1.000000e+00 : f32
        %jit3A_626 = arith.constant 0.000000e+00 : f32
        %broadcast_in_dim3A_627 = vector.broadcast %jit3A_625 : f32 to vector<16xf32>
        %broadcast_in_dim3A_628 = vector.broadcast %jit3A_626 : f32 to vector<16xf32>
        %select_n3A_629 = arith.select %ne3A_624, %broadcast_in_dim3A_627, %broadcast_in_dim3A_628 : vector<16xi1>, vector<16xf32>
        %add3A_630 = arith.addf %add3A_592, %select_n3A_629 : vector<16xf32>
        %broadcast_in_dim3A_631 = vector.shape_cast %and3A_608 : vector<16xi32> to vector<16x1xi32>
        %gather3A_632 = vector.shape_cast %broadcast_in_dim3A_631 : vector<16x1xi32> to vector<16xi32>
        %gather3A_633 = tpu.dynamic_gather %select_n3A_629[%gather3A_632] in [0] : vector<16xf32>, vector<16xi32> -> vector<16xf32>
        %add3A_634 = arith.addf %add3A_596, %gather3A_633 : vector<16xf32>
        %add3A_635 = arith.constant 10 : i32
        %add3A_636 = vector.broadcast %add3A_635 : i32 to vector<16xi32>
        %add3A_637 = arith.addi %iota3A, %add3A_636 : vector<16xi32>
        %and3A_638 = arith.constant 15 : i32
        %and3A_639 = vector.broadcast %and3A_638 : i32 to vector<16xi32>
        %and3A_640 = arith.andi %add3A_637, %and3A_639 : vector<16xi32>
        %sub3A_641 = arith.constant 10 : i32
        %sub3A_642 = vector.broadcast %sub3A_641 : i32 to vector<16xi32>
        %sub3A_643 = arith.subi %iota3A, %sub3A_642 : vector<16xi32>
        %and3A_644 = arith.constant 15 : i32
        %and3A_645 = vector.broadcast %and3A_644 : i32 to vector<16xi32>
        %and3A_646 = arith.andi %sub3A_643, %and3A_645 : vector<16xi32>
        %add3A_647 = vector.broadcast %mul3A_251 : i32 to vector<16xi32>
        %add3A_648 = arith.addi %add3A_647, %and3A_640 : vector<16xi32>
        %gather3A_649 = arith.constant 0 : i32
        %gather3A_650 = arith.constant 0 : i32
        %gather3A_651 = tpu.memref_slice %arg6[%gather3A_649, %mul3A_253, %gather3A_650] : memref<2x128x128xf32, #tpu.memory_space<vmem>> -> memref<1x16x128xf32, #tpu.memory_space<vmem>>
        %gather3A_652 = tpu.memref_squeeze %gather3A_651 : memref<1x16x128xf32, #tpu.memory_space<vmem>> -> memref<16x128xf32, #tpu.memory_space<vmem>>
        %gather3A_653 = tpu.vector_load_idx %gather3A_652[%iota3A, %add3A_648] : memref<16x128xf32, #tpu.memory_space<vmem>>[vector<16xi32>, vector<16xi32>], vector<16xf32>,
        %gather3A_654 = arith.constant 0 : i32
        %gather3A_655 = tpu.memref_slice %arg5[%add3A_255, %gather3A_654] : memref<512x128xf32, #tpu.memory_space<vmem>> -> memref<16x128xf32, #tpu.memory_space<vmem>>
        %gather3A_656 = tpu.vector_load_idx %gather3A_655[%and3A_640, %add3A_234] : memref<16x128xf32, #tpu.memory_space<vmem>>[vector<16xi32>, vector<16xi32>], vector<16xf32>,
        %sub3A_657 = arith.subf %gather3A_656, %gather3A_653 : vector<16xf32>
        %mul3A_658 = arith.mulf %sub3A_657, %sub3A_657 : vector<16xf32>
        %add3A_659 = arith.addf %add3A_621, %mul3A_658 : vector<16xf32>
        %ne3A_660 = arith.constant 0.000000e+00 : f32
        %ne3A_661 = vector.broadcast %ne3A_660 : f32 to vector<16xf32>
        %ne3A_662 = arith.cmpf one, %gather3A_653, %ne3A_661 : vector<16xf32>
        %jit3A_663 = arith.constant 1.000000e+00 : f32
        %jit3A_664 = arith.constant 0.000000e+00 : f32
        %broadcast_in_dim3A_665 = vector.broadcast %jit3A_663 : f32 to vector<16xf32>
        %broadcast_in_dim3A_666 = vector.broadcast %jit3A_664 : f32 to vector<16xf32>
        %select_n3A_667 = arith.select %ne3A_662, %broadcast_in_dim3A_665, %broadcast_in_dim3A_666 : vector<16xi1>, vector<16xf32>
        %add3A_668 = arith.addf %add3A_630, %select_n3A_667 : vector<16xf32>
        %broadcast_in_dim3A_669 = vector.shape_cast %and3A_646 : vector<16xi32> to vector<16x1xi32>
        %gather3A_670 = vector.shape_cast %broadcast_in_dim3A_669 : vector<16x1xi32> to vector<16xi32>
        %gather3A_671 = tpu.dynamic_gather %select_n3A_667[%gather3A_670] in [0] : vector<16xf32>, vector<16xi32> -> vector<16xf32>
        %add3A_672 = arith.addf %add3A_634, %gather3A_671 : vector<16xf32>
        %add3A_673 = arith.constant 11 : i32
        %add3A_674 = vector.broadcast %add3A_673 : i32 to vector<16xi32>
        %add3A_675 = arith.addi %iota3A, %add3A_674 : vector<16xi32>
        %and3A_676 = arith.constant 15 : i32
        %and3A_677 = vector.broadcast %and3A_676 : i32 to vector<16xi32>
        %and3A_678 = arith.andi %add3A_675, %and3A_677 : vector<16xi32>
        %sub3A_679 = arith.constant 11 : i32
        %sub3A_680 = vector.broadcast %sub3A_679 : i32 to vector<16xi32>
        %sub3A_681 = arith.subi %iota3A, %sub3A_680 : vector<16xi32>
        %and3A_682 = arith.constant 15 : i32
        %and3A_683 = vector.broadcast %and3A_682 : i32 to vector<16xi32>
        %and3A_684 = arith.andi %sub3A_681, %and3A_683 : vector<16xi32>
        %add3A_685 = vector.broadcast %mul3A_251 : i32 to vector<16xi32>
        %add3A_686 = arith.addi %add3A_685, %and3A_678 : vector<16xi32>
        %gather3A_687 = arith.constant 0 : i32
        %gather3A_688 = arith.constant 0 : i32
        %gather3A_689 = tpu.memref_slice %arg6[%gather3A_687, %mul3A_253, %gather3A_688] : memref<2x128x128xf32, #tpu.memory_space<vmem>> -> memref<1x16x128xf32, #tpu.memory_space<vmem>>
        %gather3A_690 = tpu.memref_squeeze %gather3A_689 : memref<1x16x128xf32, #tpu.memory_space<vmem>> -> memref<16x128xf32, #tpu.memory_space<vmem>>
        %gather3A_691 = tpu.vector_load_idx %gather3A_690[%iota3A, %add3A_686] : memref<16x128xf32, #tpu.memory_space<vmem>>[vector<16xi32>, vector<16xi32>], vector<16xf32>,
        %gather3A_692 = arith.constant 0 : i32
        %gather3A_693 = tpu.memref_slice %arg5[%add3A_255, %gather3A_692] : memref<512x128xf32, #tpu.memory_space<vmem>> -> memref<16x128xf32, #tpu.memory_space<vmem>>
        %gather3A_694 = tpu.vector_load_idx %gather3A_693[%and3A_678, %add3A_234] : memref<16x128xf32, #tpu.memory_space<vmem>>[vector<16xi32>, vector<16xi32>], vector<16xf32>,
        %sub3A_695 = arith.subf %gather3A_694, %gather3A_691 : vector<16xf32>
        %mul3A_696 = arith.mulf %sub3A_695, %sub3A_695 : vector<16xf32>
        %add3A_697 = arith.addf %add3A_659, %mul3A_696 : vector<16xf32>
        %ne3A_698 = arith.constant 0.000000e+00 : f32
        %ne3A_699 = vector.broadcast %ne3A_698 : f32 to vector<16xf32>
        %ne3A_700 = arith.cmpf one, %gather3A_691, %ne3A_699 : vector<16xf32>
        %jit3A_701 = arith.constant 1.000000e+00 : f32
        %jit3A_702 = arith.constant 0.000000e+00 : f32
        %broadcast_in_dim3A_703 = vector.broadcast %jit3A_701 : f32 to vector<16xf32>
        %broadcast_in_dim3A_704 = vector.broadcast %jit3A_702 : f32 to vector<16xf32>
        %select_n3A_705 = arith.select %ne3A_700, %broadcast_in_dim3A_703, %broadcast_in_dim3A_704 : vector<16xi1>, vector<16xf32>
        %add3A_706 = arith.addf %add3A_668, %select_n3A_705 : vector<16xf32>
        %broadcast_in_dim3A_707 = vector.shape_cast %and3A_684 : vector<16xi32> to vector<16x1xi32>
        %gather3A_708 = vector.shape_cast %broadcast_in_dim3A_707 : vector<16x1xi32> to vector<16xi32>
        %gather3A_709 = tpu.dynamic_gather %select_n3A_705[%gather3A_708] in [0] : vector<16xf32>, vector<16xi32> -> vector<16xf32>
        %add3A_710 = arith.addf %add3A_672, %gather3A_709 : vector<16xf32>
        %add3A_711 = arith.constant 12 : i32
        %add3A_712 = vector.broadcast %add3A_711 : i32 to vector<16xi32>
        %add3A_713 = arith.addi %iota3A, %add3A_712 : vector<16xi32>
        %and3A_714 = arith.constant 15 : i32
        %and3A_715 = vector.broadcast %and3A_714 : i32 to vector<16xi32>
        %and3A_716 = arith.andi %add3A_713, %and3A_715 : vector<16xi32>
        %sub3A_717 = arith.constant 12 : i32
        %sub3A_718 = vector.broadcast %sub3A_717 : i32 to vector<16xi32>
        %sub3A_719 = arith.subi %iota3A, %sub3A_718 : vector<16xi32>
        %and3A_720 = arith.constant 15 : i32
        %and3A_721 = vector.broadcast %and3A_720 : i32 to vector<16xi32>
        %and3A_722 = arith.andi %sub3A_719, %and3A_721 : vector<16xi32>
        %add3A_723 = vector.broadcast %mul3A_251 : i32 to vector<16xi32>
        %add3A_724 = arith.addi %add3A_723, %and3A_716 : vector<16xi32>
        %gather3A_725 = arith.constant 0 : i32
        %gather3A_726 = arith.constant 0 : i32
        %gather3A_727 = tpu.memref_slice %arg6[%gather3A_725, %mul3A_253, %gather3A_726] : memref<2x128x128xf32, #tpu.memory_space<vmem>> -> memref<1x16x128xf32, #tpu.memory_space<vmem>>
        %gather3A_728 = tpu.memref_squeeze %gather3A_727 : memref<1x16x128xf32, #tpu.memory_space<vmem>> -> memref<16x128xf32, #tpu.memory_space<vmem>>
        %gather3A_729 = tpu.vector_load_idx %gather3A_728[%iota3A, %add3A_724] : memref<16x128xf32, #tpu.memory_space<vmem>>[vector<16xi32>, vector<16xi32>], vector<16xf32>,
        %gather3A_730 = arith.constant 0 : i32
        %gather3A_731 = tpu.memref_slice %arg5[%add3A_255, %gather3A_730] : memref<512x128xf32, #tpu.memory_space<vmem>> -> memref<16x128xf32, #tpu.memory_space<vmem>>
        %gather3A_732 = tpu.vector_load_idx %gather3A_731[%and3A_716, %add3A_234] : memref<16x128xf32, #tpu.memory_space<vmem>>[vector<16xi32>, vector<16xi32>], vector<16xf32>,
        %sub3A_733 = arith.subf %gather3A_732, %gather3A_729 : vector<16xf32>
        %mul3A_734 = arith.mulf %sub3A_733, %sub3A_733 : vector<16xf32>
        %add3A_735 = arith.addf %add3A_697, %mul3A_734 : vector<16xf32>
        %ne3A_736 = arith.constant 0.000000e+00 : f32
        %ne3A_737 = vector.broadcast %ne3A_736 : f32 to vector<16xf32>
        %ne3A_738 = arith.cmpf one, %gather3A_729, %ne3A_737 : vector<16xf32>
        %jit3A_739 = arith.constant 1.000000e+00 : f32
        %jit3A_740 = arith.constant 0.000000e+00 : f32
        %broadcast_in_dim3A_741 = vector.broadcast %jit3A_739 : f32 to vector<16xf32>
        %broadcast_in_dim3A_742 = vector.broadcast %jit3A_740 : f32 to vector<16xf32>
        %select_n3A_743 = arith.select %ne3A_738, %broadcast_in_dim3A_741, %broadcast_in_dim3A_742 : vector<16xi1>, vector<16xf32>
        %add3A_744 = arith.addf %add3A_706, %select_n3A_743 : vector<16xf32>
        %broadcast_in_dim3A_745 = vector.shape_cast %and3A_722 : vector<16xi32> to vector<16x1xi32>
        %gather3A_746 = vector.shape_cast %broadcast_in_dim3A_745 : vector<16x1xi32> to vector<16xi32>
        %gather3A_747 = tpu.dynamic_gather %select_n3A_743[%gather3A_746] in [0] : vector<16xf32>, vector<16xi32> -> vector<16xf32>
        %add3A_748 = arith.addf %add3A_710, %gather3A_747 : vector<16xf32>
        %add3A_749 = arith.constant 13 : i32
        %add3A_750 = vector.broadcast %add3A_749 : i32 to vector<16xi32>
        %add3A_751 = arith.addi %iota3A, %add3A_750 : vector<16xi32>
        %and3A_752 = arith.constant 15 : i32
        %and3A_753 = vector.broadcast %and3A_752 : i32 to vector<16xi32>
        %and3A_754 = arith.andi %add3A_751, %and3A_753 : vector<16xi32>
        %sub3A_755 = arith.constant 13 : i32
        %sub3A_756 = vector.broadcast %sub3A_755 : i32 to vector<16xi32>
        %sub3A_757 = arith.subi %iota3A, %sub3A_756 : vector<16xi32>
        %and3A_758 = arith.constant 15 : i32
        %and3A_759 = vector.broadcast %and3A_758 : i32 to vector<16xi32>
        %and3A_760 = arith.andi %sub3A_757, %and3A_759 : vector<16xi32>
        %add3A_761 = vector.broadcast %mul3A_251 : i32 to vector<16xi32>
        %add3A_762 = arith.addi %add3A_761, %and3A_754 : vector<16xi32>
        %gather3A_763 = arith.constant 0 : i32
        %gather3A_764 = arith.constant 0 : i32
        %gather3A_765 = tpu.memref_slice %arg6[%gather3A_763, %mul3A_253, %gather3A_764] : memref<2x128x128xf32, #tpu.memory_space<vmem>> -> memref<1x16x128xf32, #tpu.memory_space<vmem>>
        %gather3A_766 = tpu.memref_squeeze %gather3A_765 : memref<1x16x128xf32, #tpu.memory_space<vmem>> -> memref<16x128xf32, #tpu.memory_space<vmem>>
        %gather3A_767 = tpu.vector_load_idx %gather3A_766[%iota3A, %add3A_762] : memref<16x128xf32, #tpu.memory_space<vmem>>[vector<16xi32>, vector<16xi32>], vector<16xf32>,
        %gather3A_768 = arith.constant 0 : i32
        %gather3A_769 = tpu.memref_slice %arg5[%add3A_255, %gather3A_768] : memref<512x128xf32, #tpu.memory_space<vmem>> -> memref<16x128xf32, #tpu.memory_space<vmem>>
        %gather3A_770 = tpu.vector_load_idx %gather3A_769[%and3A_754, %add3A_234] : memref<16x128xf32, #tpu.memory_space<vmem>>[vector<16xi32>, vector<16xi32>], vector<16xf32>,
        %sub3A_771 = arith.subf %gather3A_770, %gather3A_767 : vector<16xf32>
        %mul3A_772 = arith.mulf %sub3A_771, %sub3A_771 : vector<16xf32>
        %add3A_773 = arith.addf %add3A_735, %mul3A_772 : vector<16xf32>
        %ne3A_774 = arith.constant 0.000000e+00 : f32
        %ne3A_775 = vector.broadcast %ne3A_774 : f32 to vector<16xf32>
        %ne3A_776 = arith.cmpf one, %gather3A_767, %ne3A_775 : vector<16xf32>
        %jit3A_777 = arith.constant 1.000000e+00 : f32
        %jit3A_778 = arith.constant 0.000000e+00 : f32
        %broadcast_in_dim3A_779 = vector.broadcast %jit3A_777 : f32 to vector<16xf32>
        %broadcast_in_dim3A_780 = vector.broadcast %jit3A_778 : f32 to vector<16xf32>
        %select_n3A_781 = arith.select %ne3A_776, %broadcast_in_dim3A_779, %broadcast_in_dim3A_780 : vector<16xi1>, vector<16xf32>
        %add3A_782 = arith.addf %add3A_744, %select_n3A_781 : vector<16xf32>
        %broadcast_in_dim3A_783 = vector.shape_cast %and3A_760 : vector<16xi32> to vector<16x1xi32>
        %gather3A_784 = vector.shape_cast %broadcast_in_dim3A_783 : vector<16x1xi32> to vector<16xi32>
        %gather3A_785 = tpu.dynamic_gather %select_n3A_781[%gather3A_784] in [0] : vector<16xf32>, vector<16xi32> -> vector<16xf32>
        %add3A_786 = arith.addf %add3A_748, %gather3A_785 : vector<16xf32>
        %add3A_787 = arith.constant 14 : i32
        %add3A_788 = vector.broadcast %add3A_787 : i32 to vector<16xi32>
        %add3A_789 = arith.addi %iota3A, %add3A_788 : vector<16xi32>
        %and3A_790 = arith.constant 15 : i32
        %and3A_791 = vector.broadcast %and3A_790 : i32 to vector<16xi32>
        %and3A_792 = arith.andi %add3A_789, %and3A_791 : vector<16xi32>
        %sub3A_793 = arith.constant 14 : i32
        %sub3A_794 = vector.broadcast %sub3A_793 : i32 to vector<16xi32>
        %sub3A_795 = arith.subi %iota3A, %sub3A_794 : vector<16xi32>
        %and3A_796 = arith.constant 15 : i32
        %and3A_797 = vector.broadcast %and3A_796 : i32 to vector<16xi32>
        %and3A_798 = arith.andi %sub3A_795, %and3A_797 : vector<16xi32>
        %add3A_799 = vector.broadcast %mul3A_251 : i32 to vector<16xi32>
        %add3A_800 = arith.addi %add3A_799, %and3A_792 : vector<16xi32>
        %gather3A_801 = arith.constant 0 : i32
        %gather3A_802 = arith.constant 0 : i32
        %gather3A_803 = tpu.memref_slice %arg6[%gather3A_801, %mul3A_253, %gather3A_802] : memref<2x128x128xf32, #tpu.memory_space<vmem>> -> memref<1x16x128xf32, #tpu.memory_space<vmem>>
        %gather3A_804 = tpu.memref_squeeze %gather3A_803 : memref<1x16x128xf32, #tpu.memory_space<vmem>> -> memref<16x128xf32, #tpu.memory_space<vmem>>
        %gather3A_805 = tpu.vector_load_idx %gather3A_804[%iota3A, %add3A_800] : memref<16x128xf32, #tpu.memory_space<vmem>>[vector<16xi32>, vector<16xi32>], vector<16xf32>,
        %gather3A_806 = arith.constant 0 : i32
        %gather3A_807 = tpu.memref_slice %arg5[%add3A_255, %gather3A_806] : memref<512x128xf32, #tpu.memory_space<vmem>> -> memref<16x128xf32, #tpu.memory_space<vmem>>
        %gather3A_808 = tpu.vector_load_idx %gather3A_807[%and3A_792, %add3A_234] : memref<16x128xf32, #tpu.memory_space<vmem>>[vector<16xi32>, vector<16xi32>], vector<16xf32>,
        %sub3A_809 = arith.subf %gather3A_808, %gather3A_805 : vector<16xf32>
        %mul3A_810 = arith.mulf %sub3A_809, %sub3A_809 : vector<16xf32>
        %add3A_811 = arith.addf %add3A_773, %mul3A_810 : vector<16xf32>
        %ne3A_812 = arith.constant 0.000000e+00 : f32
        %ne3A_813 = vector.broadcast %ne3A_812 : f32 to vector<16xf32>
        %ne3A_814 = arith.cmpf one, %gather3A_805, %ne3A_813 : vector<16xf32>
        %jit3A_815 = arith.constant 1.000000e+00 : f32
        %jit3A_816 = arith.constant 0.000000e+00 : f32
        %broadcast_in_dim3A_817 = vector.broadcast %jit3A_815 : f32 to vector<16xf32>
        %broadcast_in_dim3A_818 = vector.broadcast %jit3A_816 : f32 to vector<16xf32>
        %select_n3A_819 = arith.select %ne3A_814, %broadcast_in_dim3A_817, %broadcast_in_dim3A_818 : vector<16xi1>, vector<16xf32>
        %add3A_820 = arith.addf %add3A_782, %select_n3A_819 : vector<16xf32>
        %broadcast_in_dim3A_821 = vector.shape_cast %and3A_798 : vector<16xi32> to vector<16x1xi32>
        %gather3A_822 = vector.shape_cast %broadcast_in_dim3A_821 : vector<16x1xi32> to vector<16xi32>
        %gather3A_823 = tpu.dynamic_gather %select_n3A_819[%gather3A_822] in [0] : vector<16xf32>, vector<16xi32> -> vector<16xf32>
        %add3A_824 = arith.addf %add3A_786, %gather3A_823 : vector<16xf32>
        %add3A_825 = arith.constant 15 : i32
        %add3A_826 = vector.broadcast %add3A_825 : i32 to vector<16xi32>
        %add3A_827 = arith.addi %iota3A, %add3A_826 : vector<16xi32>
        %and3A_828 = arith.constant 15 : i32
        %and3A_829 = vector.broadcast %and3A_828 : i32 to vector<16xi32>
        %and3A_830 = arith.andi %add3A_827, %and3A_829 : vector<16xi32>
        %sub3A_831 = arith.constant 15 : i32
        %sub3A_832 = vector.broadcast %sub3A_831 : i32 to vector<16xi32>
        %sub3A_833 = arith.subi %iota3A, %sub3A_832 : vector<16xi32>
        %and3A_834 = arith.constant 15 : i32
        %and3A_835 = vector.broadcast %and3A_834 : i32 to vector<16xi32>
        %and3A_836 = arith.andi %sub3A_833, %and3A_835 : vector<16xi32>
        %add3A_837 = vector.broadcast %mul3A_251 : i32 to vector<16xi32>
        %add3A_838 = arith.addi %add3A_837, %and3A_830 : vector<16xi32>
        %gather3A_839 = arith.constant 0 : i32
        %gather3A_840 = arith.constant 0 : i32
        %gather3A_841 = tpu.memref_slice %arg6[%gather3A_839, %mul3A_253, %gather3A_840] : memref<2x128x128xf32, #tpu.memory_space<vmem>> -> memref<1x16x128xf32, #tpu.memory_space<vmem>>
        %gather3A_842 = tpu.memref_squeeze %gather3A_841 : memref<1x16x128xf32, #tpu.memory_space<vmem>> -> memref<16x128xf32, #tpu.memory_space<vmem>>
        %gather3A_843 = tpu.vector_load_idx %gather3A_842[%iota3A, %add3A_838] : memref<16x128xf32, #tpu.memory_space<vmem>>[vector<16xi32>, vector<16xi32>], vector<16xf32>,
        %gather3A_844 = arith.constant 0 : i32
        %gather3A_845 = tpu.memref_slice %arg5[%add3A_255, %gather3A_844] : memref<512x128xf32, #tpu.memory_space<vmem>> -> memref<16x128xf32, #tpu.memory_space<vmem>>
        %gather3A_846 = tpu.vector_load_idx %gather3A_845[%and3A_830, %add3A_234] : memref<16x128xf32, #tpu.memory_space<vmem>>[vector<16xi32>, vector<16xi32>], vector<16xf32>,
        %sub3A_847 = arith.subf %gather3A_846, %gather3A_843 : vector<16xf32>
        %mul3A_848 = arith.mulf %sub3A_847, %sub3A_847 : vector<16xf32>
        %add3A_849 = arith.addf %add3A_811, %mul3A_848 : vector<16xf32>
        %ne3A_850 = arith.constant 0.000000e+00 : f32
        %ne3A_851 = vector.broadcast %ne3A_850 : f32 to vector<16xf32>
        %ne3A_852 = arith.cmpf one, %gather3A_843, %ne3A_851 : vector<16xf32>
        %jit3A_853 = arith.constant 1.000000e+00 : f32
        %jit3A_854 = arith.constant 0.000000e+00 : f32
        %broadcast_in_dim3A_855 = vector.broadcast %jit3A_853 : f32 to vector<16xf32>
        %broadcast_in_dim3A_856 = vector.broadcast %jit3A_854 : f32 to vector<16xf32>
        %select_n3A_857 = arith.select %ne3A_852, %broadcast_in_dim3A_855, %broadcast_in_dim3A_856 : vector<16xi1>, vector<16xf32>
        %add3A_858 = arith.addf %add3A_820, %select_n3A_857 : vector<16xf32>
        %broadcast_in_dim3A_859 = vector.shape_cast %and3A_836 : vector<16xi32> to vector<16x1xi32>
        %gather3A_860 = vector.shape_cast %broadcast_in_dim3A_859 : vector<16x1xi32> to vector<16xi32>
        %gather3A_861 = tpu.dynamic_gather %select_n3A_857[%gather3A_860] in [0] : vector<16xf32>, vector<16xi32> -> vector<16xf32>
        %add3A_862 = arith.addf %add3A_824, %gather3A_861 : vector<16xf32>
        %add3A_863 = arith.constant 0 : i32
        %add3A_864 = arith.addi %add3A_863, %mul3A_251 : i32
        %eq3A_865 = arith.constant 0 : i32
        %eq3A_866 = arith.cmpi eq, %scan3A_229, %eq3A_865 : i32
        %get3A = arith.index_cast %add3A_864 : i32 to index
        %get3A_867 = tpu.vector_load %arg7[%get3A] {strides = array<i32>} : memref<512xf32, #tpu.memory_space<vmem>>, vector<16xf32>,
        %jit3A_868 = arith.constant 0.000000e+00 : f32
        %broadcast_in_dim3A_869 = vector.broadcast %jit3A_868 : f32 to vector<16xf32>
        %select_n3A_870 = arith.select %eq3A_866, %broadcast_in_dim3A_869, %get3A_867 : vector<16xf32>
        %add3A_871 = arith.addf %select_n3A_870, %add3A_862 : vector<16xf32>
        %swap3A_872 = arith.index_cast %add3A_864 : i32 to index
        %swap3A_873 = tpu.vector_load %arg7[%swap3A_872] {strides = array<i32>} : memref<512xf32, #tpu.memory_space<vmem>>, vector<16xf32>,
        tpu.vector_store %arg7[%swap3A_872], %add3A_871 {strides = array<i32>} : memref<512xf32, #tpu.memory_space<vmem>>, vector<16xf32>,
        scf.yield %add3A_849, %add3A_858 : vector<16xf32>, vector<16xf32>
      }
      %scan3A_240 = arith.constant 8 : i32
      %mul3A_241 = arith.constant 16 : i32
      %mul3A_242 = arith.muli %scan3A_229, %mul3A_241 : i32
      %swap3A = arith.index_cast %mul3A_242 : i32 to index
      %swap3A_243 = tpu.vector_load %arg8[%swap3A] {strides = array<i32>} : memref<128xf32, #tpu.memory_space<vmem>>, vector<16xf32>,
      tpu.vector_store %arg8[%swap3A], %scan3A_239#0 {strides = array<i32>} : memref<128xf32, #tpu.memory_space<vmem>>, vector<16xf32>,
      %swap3A_244 = arith.index_cast %mul3A_242 : i32 to index
      %swap3A_245 = tpu.vector_load %arg9[%swap3A_244] {strides = array<i32>} : memref<128xf32, #tpu.memory_space<vmem>>, vector<16xf32>,
      tpu.vector_store %arg9[%swap3A_244], %scan3A_239#1 {strides = array<i32>} : memref<128xf32, #tpu.memory_space<vmem>>, vector<16xf32>,
      %scan3A_246 = arith.constant 0 : i32
      scf.yield %scan3A_246 : i32
    }
    %scan3A_121 = arith.constant 8 : i32
    %dma_wait3A_122 = arith.constant 1 : i32
    %dma_wait3A_123 = arith.constant 0 : i32
    %dma_wait3A_124 = arith.constant 0 : i32
    %dma_wait3A_125 = tpu.memref_slice %arg6[%dma_wait3A_122, %dma_wait3A_123, %dma_wait3A_124] : memref<2x128x128xf32, #tpu.memory_space<vmem>> -> memref<1x128x128xf32, #tpu.memory_space<vmem>>
    %dma_wait3A_126 = tpu.memref_squeeze %dma_wait3A_125 : memref<1x128x128xf32, #tpu.memory_space<vmem>> -> memref<128x128xf32, #tpu.memory_space<vmem>>
    %dma_wait3A_127 = tpu.memref_slice %arg3[%mul3A_29, %add3A_104] : memref<1024x1024xf32, #tpu.memory_space<hbm>> -> memref<128x128xf32, #tpu.memory_space<hbm>>
    %dma_wait3A_128 = arith.constant 0 : i32
    %dma_wait3A_129 = arith.constant 0 : i32
    %dma_wait3A_130 = tpu.memref_slice %arg6[%dma_wait3A_122, %dma_wait3A_128, %dma_wait3A_129] : memref<2x128x128xf32, #tpu.memory_space<vmem>> -> memref<1x128x128xf32, #tpu.memory_space<vmem>>
    %dma_wait3A_131 = tpu.memref_squeeze %dma_wait3A_130 : memref<1x128x128xf32, #tpu.memory_space<vmem>> -> memref<128x128xf32, #tpu.memory_space<vmem>>
    %dma_wait3A_132 = tpu.memref_slice %arg3[%mul3A_29, %add3A_104] : memref<1024x1024xf32, #tpu.memory_space<hbm>> -> memref<128x128xf32, #tpu.memory_space<hbm>>
    tpu.wait_dma2 semaphore(%arg14 : memref<!tpu.dma_semaphore, #tpu.memory_space<semaphore_mem>>) src(%dma_wait3A_132 : memref<128x128xf32, #tpu.memory_space<hbm>>) dst(%dma_wait3A_131 : memref<128x128xf32, #tpu.memory_space<vmem>>)
    %dma_wait3A_133 = arith.constant 128 : i32
    %dma_wait3A_134 = arith.constant 0 : i32
    %dma_wait3A_135 = tpu.memref_slice %arg5[%dma_wait3A_133, %dma_wait3A_134] : memref<512x128xf32, #tpu.memory_space<vmem>> -> memref<128x128xf32, #tpu.memory_space<vmem>>
    %dma_wait3A_136 = tpu.memref_slice %arg2[%add3A_56, %mul3A_29] : memref<1024x1024xf32, #tpu.memory_space<hbm>> -> memref<128x128xf32, #tpu.memory_space<hbm>>
    %dma_wait3A_137 = arith.constant 128 : i32
    %dma_wait3A_138 = arith.constant 0 : i32
    %dma_wait3A_139 = tpu.memref_slice %arg5[%dma_wait3A_137, %dma_wait3A_138] : memref<512x128xf32, #tpu.memory_space<vmem>> -> memref<128x128xf32, #tpu.memory_space<vmem>>
    %dma_wait3A_140 = tpu.memref_slice %arg2[%add3A_56, %mul3A_29] : memref<1024x1024xf32, #tpu.memory_space<hbm>> -> memref<128x128xf32, #tpu.memory_space<hbm>>
    tpu.wait_dma2 semaphore(%arg12 : memref<!tpu.dma_semaphore, #tpu.memory_space<semaphore_mem>>) src(%dma_wait3A_140 : memref<128x128xf32, #tpu.memory_space<hbm>>) dst(%dma_wait3A_139 : memref<128x128xf32, #tpu.memory_space<vmem>>)
    %add3A_141 = arith.constant 256 : i32
    %add3A_142 = arith.addi %mul3A_31, %add3A_141 : i32
    %dma_start3A_143 = arith.constant 0 : i32
    %dma_start3A_144 = arith.constant 0 : i32
    %dma_start3A_145 = arith.constant 0 : i32
    %dma_start3A_146 = tpu.memref_slice %arg6[%dma_start3A_143, %dma_start3A_144, %dma_start3A_145] : memref<2x128x128xf32, #tpu.memory_space<vmem>> -> memref<1x128x128xf32, #tpu.memory_space<vmem>>
    %dma_start3A_147 = tpu.memref_squeeze %dma_start3A_146 : memref<1x128x128xf32, #tpu.memory_space<vmem>> -> memref<128x128xf32, #tpu.memory_space<vmem>>
    %dma_start3A_148 = tpu.memref_slice %arg3[%mul3A_29, %add3A_142] : memref<1024x1024xf32, #tpu.memory_space<hbm>> -> memref<128x128xf32, #tpu.memory_space<hbm>>
    %dma_start3A_149 = arith.constant 0 : i32
    %dma_start3A_150 = arith.constant 0 : i32
    %dma_start3A_151 = tpu.memref_slice %arg6[%dma_start3A_143, %dma_start3A_149, %dma_start3A_150] : memref<2x128x128xf32, #tpu.memory_space<vmem>> -> memref<1x128x128xf32, #tpu.memory_space<vmem>>
    %dma_start3A_152 = tpu.memref_squeeze %dma_start3A_151 : memref<1x128x128xf32, #tpu.memory_space<vmem>> -> memref<128x128xf32, #tpu.memory_space<vmem>>
    %dma_start3A_153 = tpu.memref_slice %arg3[%mul3A_29, %add3A_142] : memref<1024x1024xf32, #tpu.memory_space<hbm>> -> memref<128x128xf32, #tpu.memory_space<hbm>>
    tpu.enqueue_dma source(%dma_start3A_153 : memref<128x128xf32, #tpu.memory_space<hbm>>) target(%dma_start3A_152 : memref<128x128xf32, #tpu.memory_space<vmem>>) target_semaphore(%arg13 : memref<!tpu.dma_semaphore, #tpu.memory_space<semaphore_mem>>)
    %scan3A_154 = arith.constant 0 : i32
    %scan3A_155 = arith.constant 0 : i32
    %scan3A_156 = arith.constant 8 : i32
    %scan3A_157 = arith.addi %scan3A_155, %scan3A_156 : i32
    %scan3A_158 = arith.constant 1 : i32
    %scan3A_159 = scf.for %scan3A_229 = %scan3A_155 to %scan3A_157 step %scan3A_158 iter_args(%scan3A_230 = %scan3A_154) -> (i32)  : i32 {
      %mul3A_231 = arith.constant 16 : i32
      %mul3A_232 = arith.muli %scan3A_229, %mul3A_231 : i32
      %add3A_233 = vector.broadcast %mul3A_232 : i32 to vector<16xi32>
      %add3A_234 = arith.addi %add3A_233, %iota3A : vector<16xi32>
      %scan3A_235 = arith.constant 0 : i32
      %scan3A_236 = arith.constant 8 : i32
      %scan3A_237 = arith.addi %scan3A_235, %scan3A_236 : i32
      %scan3A_238 = arith.constant 1 : i32
      %scan3A_239:2 = scf.for %scan3A_252 = %scan3A_235 to %scan3A_237 step %scan3A_238 iter_args(%scan3A_253 = %broadcast_in_dim3A_32, %scan3A_254 = %broadcast_in_dim3A_32) -> (vector<16xf32>, vector<16xf32>)  : i32 {
        %mul3A_255 = arith.constant 16 : i32
        %mul3A_256 = arith.muli %scan3A_252, %mul3A_255 : i32
        %mul3A_257 = arith.constant 16 : i32
        %mul3A_258 = arith.muli %scan3A_229, %mul3A_257 : i32
        %add3A_259 = arith.constant 128 : i32
        %add3A_260 = arith.addi %add3A_259, %mul3A_256 : i32
        %add3A_261 = arith.constant 0 : i32
        %add3A_262 = vector.broadcast %add3A_261 : i32 to vector<16xi32>
        %add3A_263 = arith.addi %iota3A, %add3A_262 : vector<16xi32>
        %and3A_264 = arith.constant 15 : i32
        %and3A_265 = vector.broadcast %and3A_264 : i32 to vector<16xi32>
        %and3A_266 = arith.andi %add3A_263, %and3A_265 : vector<16xi32>
        %sub3A_267 = arith.constant 0 : i32
        %sub3A_268 = vector.broadcast %sub3A_267 : i32 to vector<16xi32>
        %sub3A_269 = arith.subi %iota3A, %sub3A_268 : vector<16xi32>
        %and3A_270 = arith.constant 15 : i32
        %and3A_271 = vector.broadcast %and3A_270 : i32 to vector<16xi32>
        %and3A_272 = arith.andi %sub3A_269, %and3A_271 : vector<16xi32>
        %add3A_273 = vector.broadcast %mul3A_256 : i32 to vector<16xi32>
        %add3A_274 = arith.addi %add3A_273, %and3A_266 : vector<16xi32>
        %gather3A = arith.constant 1 : i32
        %gather3A_275 = arith.constant 0 : i32
        %gather3A_276 = tpu.memref_slice %arg6[%gather3A, %mul3A_258, %gather3A_275] : memref<2x128x128xf32, #tpu.memory_space<vmem>> -> memref<1x16x128xf32, #tpu.memory_space<vmem>>
        %gather3A_277 = tpu.memref_squeeze %gather3A_276 : memref<1x16x128xf32, #tpu.memory_space<vmem>> -> memref<16x128xf32, #tpu.memory_space<vmem>>
        %gather3A_278 = tpu.vector_load_idx %gather3A_277[%iota3A, %add3A_274] : memref<16x128xf32, #tpu.memory_space<vmem>>[vector<16xi32>, vector<16xi32>], vector<16xf32>,
        %gather3A_279 = arith.constant 0 : i32
        %gather3A_280 = tpu.memref_slice %arg5[%add3A_260, %gather3A_279] : memref<512x128xf32, #tpu.memory_space<vmem>> -> memref<16x128xf32, #tpu.memory_space<vmem>>
        %gather3A_281 = tpu.vector_load_idx %gather3A_280[%and3A_266, %add3A_234] : memref<16x128xf32, #tpu.memory_space<vmem>>[vector<16xi32>, vector<16xi32>], vector<16xf32>,
        %sub3A_282 = arith.subf %gather3A_281, %gather3A_278 : vector<16xf32>
        %mul3A_283 = arith.mulf %sub3A_282, %sub3A_282 : vector<16xf32>
        %add3A_284 = arith.addf %scan3A_253, %mul3A_283 : vector<16xf32>
        %ne3A_285 = arith.constant 0.000000e+00 : f32
        %ne3A_286 = vector.broadcast %ne3A_285 : f32 to vector<16xf32>
        %ne3A_287 = arith.cmpf one, %gather3A_278, %ne3A_286 : vector<16xf32>
        %jit3A_288 = arith.constant 1.000000e+00 : f32
        %jit3A_289 = arith.constant 0.000000e+00 : f32
        %broadcast_in_dim3A_290 = vector.broadcast %jit3A_288 : f32 to vector<16xf32>
        %broadcast_in_dim3A_291 = vector.broadcast %jit3A_289 : f32 to vector<16xf32>
        %select_n3A_292 = arith.select %ne3A_287, %broadcast_in_dim3A_290, %broadcast_in_dim3A_291 : vector<16xi1>, vector<16xf32>
        %add3A_293 = arith.addf %scan3A_254, %select_n3A_292 : vector<16xf32>
        %broadcast_in_dim3A_294 = vector.shape_cast %and3A_272 : vector<16xi32> to vector<16x1xi32>
        %gather3A_295 = vector.shape_cast %broadcast_in_dim3A_294 : vector<16x1xi32> to vector<16xi32>
        %gather3A_296 = tpu.dynamic_gather %select_n3A_292[%gather3A_295] in [0] : vector<16xf32>, vector<16xi32> -> vector<16xf32>
        %add3A_297 = arith.addf %broadcast_in_dim3A_32, %gather3A_296 : vector<16xf32>
        %add3A_298 = arith.constant 1 : i32
        %add3A_299 = vector.broadcast %add3A_298 : i32 to vector<16xi32>
        %add3A_300 = arith.addi %iota3A, %add3A_299 : vector<16xi32>
        %and3A_301 = arith.constant 15 : i32
        %and3A_302 = vector.broadcast %and3A_301 : i32 to vector<16xi32>
        %and3A_303 = arith.andi %add3A_300, %and3A_302 : vector<16xi32>
        %sub3A_304 = arith.constant 1 : i32
        %sub3A_305 = vector.broadcast %sub3A_304 : i32 to vector<16xi32>
        %sub3A_306 = arith.subi %iota3A, %sub3A_305 : vector<16xi32>
        %and3A_307 = arith.constant 15 : i32
        %and3A_308 = vector.broadcast %and3A_307 : i32 to vector<16xi32>
        %and3A_309 = arith.andi %sub3A_306, %and3A_308 : vector<16xi32>
        %add3A_310 = vector.broadcast %mul3A_256 : i32 to vector<16xi32>
        %add3A_311 = arith.addi %add3A_310, %and3A_303 : vector<16xi32>
        %gather3A_312 = arith.constant 1 : i32
        %gather3A_313 = arith.constant 0 : i32
        %gather3A_314 = tpu.memref_slice %arg6[%gather3A_312, %mul3A_258, %gather3A_313] : memref<2x128x128xf32, #tpu.memory_space<vmem>> -> memref<1x16x128xf32, #tpu.memory_space<vmem>>
        %gather3A_315 = tpu.memref_squeeze %gather3A_314 : memref<1x16x128xf32, #tpu.memory_space<vmem>> -> memref<16x128xf32, #tpu.memory_space<vmem>>
        %gather3A_316 = tpu.vector_load_idx %gather3A_315[%iota3A, %add3A_311] : memref<16x128xf32, #tpu.memory_space<vmem>>[vector<16xi32>, vector<16xi32>], vector<16xf32>,
        %gather3A_317 = arith.constant 0 : i32
        %gather3A_318 = tpu.memref_slice %arg5[%add3A_260, %gather3A_317] : memref<512x128xf32, #tpu.memory_space<vmem>> -> memref<16x128xf32, #tpu.memory_space<vmem>>
        %gather3A_319 = tpu.vector_load_idx %gather3A_318[%and3A_303, %add3A_234] : memref<16x128xf32, #tpu.memory_space<vmem>>[vector<16xi32>, vector<16xi32>], vector<16xf32>,
        %sub3A_320 = arith.subf %gather3A_319, %gather3A_316 : vector<16xf32>
        %mul3A_321 = arith.mulf %sub3A_320, %sub3A_320 : vector<16xf32>
        %add3A_322 = arith.addf %add3A_284, %mul3A_321 : vector<16xf32>
        %ne3A_323 = arith.constant 0.000000e+00 : f32
        %ne3A_324 = vector.broadcast %ne3A_323 : f32 to vector<16xf32>
        %ne3A_325 = arith.cmpf one, %gather3A_316, %ne3A_324 : vector<16xf32>
        %jit3A_326 = arith.constant 1.000000e+00 : f32
        %jit3A_327 = arith.constant 0.000000e+00 : f32
        %broadcast_in_dim3A_328 = vector.broadcast %jit3A_326 : f32 to vector<16xf32>
        %broadcast_in_dim3A_329 = vector.broadcast %jit3A_327 : f32 to vector<16xf32>
        %select_n3A_330 = arith.select %ne3A_325, %broadcast_in_dim3A_328, %broadcast_in_dim3A_329 : vector<16xi1>, vector<16xf32>
        %add3A_331 = arith.addf %add3A_293, %select_n3A_330 : vector<16xf32>
        %broadcast_in_dim3A_332 = vector.shape_cast %and3A_309 : vector<16xi32> to vector<16x1xi32>
        %gather3A_333 = vector.shape_cast %broadcast_in_dim3A_332 : vector<16x1xi32> to vector<16xi32>
        %gather3A_334 = tpu.dynamic_gather %select_n3A_330[%gather3A_333] in [0] : vector<16xf32>, vector<16xi32> -> vector<16xf32>
        %add3A_335 = arith.addf %add3A_297, %gather3A_334 : vector<16xf32>
        %add3A_336 = arith.constant 2 : i32
        %add3A_337 = vector.broadcast %add3A_336 : i32 to vector<16xi32>
        %add3A_338 = arith.addi %iota3A, %add3A_337 : vector<16xi32>
        %and3A_339 = arith.constant 15 : i32
        %and3A_340 = vector.broadcast %and3A_339 : i32 to vector<16xi32>
        %and3A_341 = arith.andi %add3A_338, %and3A_340 : vector<16xi32>
        %sub3A_342 = arith.constant 2 : i32
        %sub3A_343 = vector.broadcast %sub3A_342 : i32 to vector<16xi32>
        %sub3A_344 = arith.subi %iota3A, %sub3A_343 : vector<16xi32>
        %and3A_345 = arith.constant 15 : i32
        %and3A_346 = vector.broadcast %and3A_345 : i32 to vector<16xi32>
        %and3A_347 = arith.andi %sub3A_344, %and3A_346 : vector<16xi32>
        %add3A_348 = vector.broadcast %mul3A_256 : i32 to vector<16xi32>
        %add3A_349 = arith.addi %add3A_348, %and3A_341 : vector<16xi32>
        %gather3A_350 = arith.constant 1 : i32
        %gather3A_351 = arith.constant 0 : i32
        %gather3A_352 = tpu.memref_slice %arg6[%gather3A_350, %mul3A_258, %gather3A_351] : memref<2x128x128xf32, #tpu.memory_space<vmem>> -> memref<1x16x128xf32, #tpu.memory_space<vmem>>
        %gather3A_353 = tpu.memref_squeeze %gather3A_352 : memref<1x16x128xf32, #tpu.memory_space<vmem>> -> memref<16x128xf32, #tpu.memory_space<vmem>>
        %gather3A_354 = tpu.vector_load_idx %gather3A_353[%iota3A, %add3A_349] : memref<16x128xf32, #tpu.memory_space<vmem>>[vector<16xi32>, vector<16xi32>], vector<16xf32>,
        %gather3A_355 = arith.constant 0 : i32
        %gather3A_356 = tpu.memref_slice %arg5[%add3A_260, %gather3A_355] : memref<512x128xf32, #tpu.memory_space<vmem>> -> memref<16x128xf32, #tpu.memory_space<vmem>>
        %gather3A_357 = tpu.vector_load_idx %gather3A_356[%and3A_341, %add3A_234] : memref<16x128xf32, #tpu.memory_space<vmem>>[vector<16xi32>, vector<16xi32>], vector<16xf32>,
        %sub3A_358 = arith.subf %gather3A_357, %gather3A_354 : vector<16xf32>
        %mul3A_359 = arith.mulf %sub3A_358, %sub3A_358 : vector<16xf32>
        %add3A_360 = arith.addf %add3A_322, %mul3A_359 : vector<16xf32>
        %ne3A_361 = arith.constant 0.000000e+00 : f32
        %ne3A_362 = vector.broadcast %ne3A_361 : f32 to vector<16xf32>
        %ne3A_363 = arith.cmpf one, %gather3A_354, %ne3A_362 : vector<16xf32>
        %jit3A_364 = arith.constant 1.000000e+00 : f32
        %jit3A_365 = arith.constant 0.000000e+00 : f32
        %broadcast_in_dim3A_366 = vector.broadcast %jit3A_364 : f32 to vector<16xf32>
        %broadcast_in_dim3A_367 = vector.broadcast %jit3A_365 : f32 to vector<16xf32>
        %select_n3A_368 = arith.select %ne3A_363, %broadcast_in_dim3A_366, %broadcast_in_dim3A_367 : vector<16xi1>, vector<16xf32>
        %add3A_369 = arith.addf %add3A_331, %select_n3A_368 : vector<16xf32>
        %broadcast_in_dim3A_370 = vector.shape_cast %and3A_347 : vector<16xi32> to vector<16x1xi32>
        %gather3A_371 = vector.shape_cast %broadcast_in_dim3A_370 : vector<16x1xi32> to vector<16xi32>
        %gather3A_372 = tpu.dynamic_gather %select_n3A_368[%gather3A_371] in [0] : vector<16xf32>, vector<16xi32> -> vector<16xf32>
        %add3A_373 = arith.addf %add3A_335, %gather3A_372 : vector<16xf32>
        %add3A_374 = arith.constant 3 : i32
        %add3A_375 = vector.broadcast %add3A_374 : i32 to vector<16xi32>
        %add3A_376 = arith.addi %iota3A, %add3A_375 : vector<16xi32>
        %and3A_377 = arith.constant 15 : i32
        %and3A_378 = vector.broadcast %and3A_377 : i32 to vector<16xi32>
        %and3A_379 = arith.andi %add3A_376, %and3A_378 : vector<16xi32>
        %sub3A_380 = arith.constant 3 : i32
        %sub3A_381 = vector.broadcast %sub3A_380 : i32 to vector<16xi32>
        %sub3A_382 = arith.subi %iota3A, %sub3A_381 : vector<16xi32>
        %and3A_383 = arith.constant 15 : i32
        %and3A_384 = vector.broadcast %and3A_383 : i32 to vector<16xi32>
        %and3A_385 = arith.andi %sub3A_382, %and3A_384 : vector<16xi32>
        %add3A_386 = vector.broadcast %mul3A_256 : i32 to vector<16xi32>
        %add3A_387 = arith.addi %add3A_386, %and3A_379 : vector<16xi32>
        %gather3A_388 = arith.constant 1 : i32
        %gather3A_389 = arith.constant 0 : i32
        %gather3A_390 = tpu.memref_slice %arg6[%gather3A_388, %mul3A_258, %gather3A_389] : memref<2x128x128xf32, #tpu.memory_space<vmem>> -> memref<1x16x128xf32, #tpu.memory_space<vmem>>
        %gather3A_391 = tpu.memref_squeeze %gather3A_390 : memref<1x16x128xf32, #tpu.memory_space<vmem>> -> memref<16x128xf32, #tpu.memory_space<vmem>>
        %gather3A_392 = tpu.vector_load_idx %gather3A_391[%iota3A, %add3A_387] : memref<16x128xf32, #tpu.memory_space<vmem>>[vector<16xi32>, vector<16xi32>], vector<16xf32>,
        %gather3A_393 = arith.constant 0 : i32
        %gather3A_394 = tpu.memref_slice %arg5[%add3A_260, %gather3A_393] : memref<512x128xf32, #tpu.memory_space<vmem>> -> memref<16x128xf32, #tpu.memory_space<vmem>>
        %gather3A_395 = tpu.vector_load_idx %gather3A_394[%and3A_379, %add3A_234] : memref<16x128xf32, #tpu.memory_space<vmem>>[vector<16xi32>, vector<16xi32>], vector<16xf32>,
        %sub3A_396 = arith.subf %gather3A_395, %gather3A_392 : vector<16xf32>
        %mul3A_397 = arith.mulf %sub3A_396, %sub3A_396 : vector<16xf32>
        %add3A_398 = arith.addf %add3A_360, %mul3A_397 : vector<16xf32>
        %ne3A_399 = arith.constant 0.000000e+00 : f32
        %ne3A_400 = vector.broadcast %ne3A_399 : f32 to vector<16xf32>
        %ne3A_401 = arith.cmpf one, %gather3A_392, %ne3A_400 : vector<16xf32>
        %jit3A_402 = arith.constant 1.000000e+00 : f32
        %jit3A_403 = arith.constant 0.000000e+00 : f32
        %broadcast_in_dim3A_404 = vector.broadcast %jit3A_402 : f32 to vector<16xf32>
        %broadcast_in_dim3A_405 = vector.broadcast %jit3A_403 : f32 to vector<16xf32>
        %select_n3A_406 = arith.select %ne3A_401, %broadcast_in_dim3A_404, %broadcast_in_dim3A_405 : vector<16xi1>, vector<16xf32>
        %add3A_407 = arith.addf %add3A_369, %select_n3A_406 : vector<16xf32>
        %broadcast_in_dim3A_408 = vector.shape_cast %and3A_385 : vector<16xi32> to vector<16x1xi32>
        %gather3A_409 = vector.shape_cast %broadcast_in_dim3A_408 : vector<16x1xi32> to vector<16xi32>
        %gather3A_410 = tpu.dynamic_gather %select_n3A_406[%gather3A_409] in [0] : vector<16xf32>, vector<16xi32> -> vector<16xf32>
        %add3A_411 = arith.addf %add3A_373, %gather3A_410 : vector<16xf32>
        %add3A_412 = arith.constant 4 : i32
        %add3A_413 = vector.broadcast %add3A_412 : i32 to vector<16xi32>
        %add3A_414 = arith.addi %iota3A, %add3A_413 : vector<16xi32>
        %and3A_415 = arith.constant 15 : i32
        %and3A_416 = vector.broadcast %and3A_415 : i32 to vector<16xi32>
        %and3A_417 = arith.andi %add3A_414, %and3A_416 : vector<16xi32>
        %sub3A_418 = arith.constant 4 : i32
        %sub3A_419 = vector.broadcast %sub3A_418 : i32 to vector<16xi32>
        %sub3A_420 = arith.subi %iota3A, %sub3A_419 : vector<16xi32>
        %and3A_421 = arith.constant 15 : i32
        %and3A_422 = vector.broadcast %and3A_421 : i32 to vector<16xi32>
        %and3A_423 = arith.andi %sub3A_420, %and3A_422 : vector<16xi32>
        %add3A_424 = vector.broadcast %mul3A_256 : i32 to vector<16xi32>
        %add3A_425 = arith.addi %add3A_424, %and3A_417 : vector<16xi32>
        %gather3A_426 = arith.constant 1 : i32
        %gather3A_427 = arith.constant 0 : i32
        %gather3A_428 = tpu.memref_slice %arg6[%gather3A_426, %mul3A_258, %gather3A_427] : memref<2x128x128xf32, #tpu.memory_space<vmem>> -> memref<1x16x128xf32, #tpu.memory_space<vmem>>
        %gather3A_429 = tpu.memref_squeeze %gather3A_428 : memref<1x16x128xf32, #tpu.memory_space<vmem>> -> memref<16x128xf32, #tpu.memory_space<vmem>>
        %gather3A_430 = tpu.vector_load_idx %gather3A_429[%iota3A, %add3A_425] : memref<16x128xf32, #tpu.memory_space<vmem>>[vector<16xi32>, vector<16xi32>], vector<16xf32>,
        %gather3A_431 = arith.constant 0 : i32
        %gather3A_432 = tpu.memref_slice %arg5[%add3A_260, %gather3A_431] : memref<512x128xf32, #tpu.memory_space<vmem>> -> memref<16x128xf32, #tpu.memory_space<vmem>>
        %gather3A_433 = tpu.vector_load_idx %gather3A_432[%and3A_417, %add3A_234] : memref<16x128xf32, #tpu.memory_space<vmem>>[vector<16xi32>, vector<16xi32>], vector<16xf32>,
        %sub3A_434 = arith.subf %gather3A_433, %gather3A_430 : vector<16xf32>
        %mul3A_435 = arith.mulf %sub3A_434, %sub3A_434 : vector<16xf32>
        %add3A_436 = arith.addf %add3A_398, %mul3A_435 : vector<16xf32>
        %ne3A_437 = arith.constant 0.000000e+00 : f32
        %ne3A_438 = vector.broadcast %ne3A_437 : f32 to vector<16xf32>
        %ne3A_439 = arith.cmpf one, %gather3A_430, %ne3A_438 : vector<16xf32>
        %jit3A_440 = arith.constant 1.000000e+00 : f32
        %jit3A_441 = arith.constant 0.000000e+00 : f32
        %broadcast_in_dim3A_442 = vector.broadcast %jit3A_440 : f32 to vector<16xf32>
        %broadcast_in_dim3A_443 = vector.broadcast %jit3A_441 : f32 to vector<16xf32>
        %select_n3A_444 = arith.select %ne3A_439, %broadcast_in_dim3A_442, %broadcast_in_dim3A_443 : vector<16xi1>, vector<16xf32>
        %add3A_445 = arith.addf %add3A_407, %select_n3A_444 : vector<16xf32>
        %broadcast_in_dim3A_446 = vector.shape_cast %and3A_423 : vector<16xi32> to vector<16x1xi32>
        %gather3A_447 = vector.shape_cast %broadcast_in_dim3A_446 : vector<16x1xi32> to vector<16xi32>
        %gather3A_448 = tpu.dynamic_gather %select_n3A_444[%gather3A_447] in [0] : vector<16xf32>, vector<16xi32> -> vector<16xf32>
        %add3A_449 = arith.addf %add3A_411, %gather3A_448 : vector<16xf32>
        %add3A_450 = arith.constant 5 : i32
        %add3A_451 = vector.broadcast %add3A_450 : i32 to vector<16xi32>
        %add3A_452 = arith.addi %iota3A, %add3A_451 : vector<16xi32>
        %and3A_453 = arith.constant 15 : i32
        %and3A_454 = vector.broadcast %and3A_453 : i32 to vector<16xi32>
        %and3A_455 = arith.andi %add3A_452, %and3A_454 : vector<16xi32>
        %sub3A_456 = arith.constant 5 : i32
        %sub3A_457 = vector.broadcast %sub3A_456 : i32 to vector<16xi32>
        %sub3A_458 = arith.subi %iota3A, %sub3A_457 : vector<16xi32>
        %and3A_459 = arith.constant 15 : i32
        %and3A_460 = vector.broadcast %and3A_459 : i32 to vector<16xi32>
        %and3A_461 = arith.andi %sub3A_458, %and3A_460 : vector<16xi32>
        %add3A_462 = vector.broadcast %mul3A_256 : i32 to vector<16xi32>
        %add3A_463 = arith.addi %add3A_462, %and3A_455 : vector<16xi32>
        %gather3A_464 = arith.constant 1 : i32
        %gather3A_465 = arith.constant 0 : i32
        %gather3A_466 = tpu.memref_slice %arg6[%gather3A_464, %mul3A_258, %gather3A_465] : memref<2x128x128xf32, #tpu.memory_space<vmem>> -> memref<1x16x128xf32, #tpu.memory_space<vmem>>
        %gather3A_467 = tpu.memref_squeeze %gather3A_466 : memref<1x16x128xf32, #tpu.memory_space<vmem>> -> memref<16x128xf32, #tpu.memory_space<vmem>>
        %gather3A_468 = tpu.vector_load_idx %gather3A_467[%iota3A, %add3A_463] : memref<16x128xf32, #tpu.memory_space<vmem>>[vector<16xi32>, vector<16xi32>], vector<16xf32>,
        %gather3A_469 = arith.constant 0 : i32
        %gather3A_470 = tpu.memref_slice %arg5[%add3A_260, %gather3A_469] : memref<512x128xf32, #tpu.memory_space<vmem>> -> memref<16x128xf32, #tpu.memory_space<vmem>>
        %gather3A_471 = tpu.vector_load_idx %gather3A_470[%and3A_455, %add3A_234] : memref<16x128xf32, #tpu.memory_space<vmem>>[vector<16xi32>, vector<16xi32>], vector<16xf32>,
        %sub3A_472 = arith.subf %gather3A_471, %gather3A_468 : vector<16xf32>
        %mul3A_473 = arith.mulf %sub3A_472, %sub3A_472 : vector<16xf32>
        %add3A_474 = arith.addf %add3A_436, %mul3A_473 : vector<16xf32>
        %ne3A_475 = arith.constant 0.000000e+00 : f32
        %ne3A_476 = vector.broadcast %ne3A_475 : f32 to vector<16xf32>
        %ne3A_477 = arith.cmpf one, %gather3A_468, %ne3A_476 : vector<16xf32>
        %jit3A_478 = arith.constant 1.000000e+00 : f32
        %jit3A_479 = arith.constant 0.000000e+00 : f32
        %broadcast_in_dim3A_480 = vector.broadcast %jit3A_478 : f32 to vector<16xf32>
        %broadcast_in_dim3A_481 = vector.broadcast %jit3A_479 : f32 to vector<16xf32>
        %select_n3A_482 = arith.select %ne3A_477, %broadcast_in_dim3A_480, %broadcast_in_dim3A_481 : vector<16xi1>, vector<16xf32>
        %add3A_483 = arith.addf %add3A_445, %select_n3A_482 : vector<16xf32>
        %broadcast_in_dim3A_484 = vector.shape_cast %and3A_461 : vector<16xi32> to vector<16x1xi32>
        %gather3A_485 = vector.shape_cast %broadcast_in_dim3A_484 : vector<16x1xi32> to vector<16xi32>
        %gather3A_486 = tpu.dynamic_gather %select_n3A_482[%gather3A_485] in [0] : vector<16xf32>, vector<16xi32> -> vector<16xf32>
        %add3A_487 = arith.addf %add3A_449, %gather3A_486 : vector<16xf32>
        %add3A_488 = arith.constant 6 : i32
        %add3A_489 = vector.broadcast %add3A_488 : i32 to vector<16xi32>
        %add3A_490 = arith.addi %iota3A, %add3A_489 : vector<16xi32>
        %and3A_491 = arith.constant 15 : i32
        %and3A_492 = vector.broadcast %and3A_491 : i32 to vector<16xi32>
        %and3A_493 = arith.andi %add3A_490, %and3A_492 : vector<16xi32>
        %sub3A_494 = arith.constant 6 : i32
        %sub3A_495 = vector.broadcast %sub3A_494 : i32 to vector<16xi32>
        %sub3A_496 = arith.subi %iota3A, %sub3A_495 : vector<16xi32>
        %and3A_497 = arith.constant 15 : i32
        %and3A_498 = vector.broadcast %and3A_497 : i32 to vector<16xi32>
        %and3A_499 = arith.andi %sub3A_496, %and3A_498 : vector<16xi32>
        %add3A_500 = vector.broadcast %mul3A_256 : i32 to vector<16xi32>
        %add3A_501 = arith.addi %add3A_500, %and3A_493 : vector<16xi32>
        %gather3A_502 = arith.constant 1 : i32
        %gather3A_503 = arith.constant 0 : i32
        %gather3A_504 = tpu.memref_slice %arg6[%gather3A_502, %mul3A_258, %gather3A_503] : memref<2x128x128xf32, #tpu.memory_space<vmem>> -> memref<1x16x128xf32, #tpu.memory_space<vmem>>
        %gather3A_505 = tpu.memref_squeeze %gather3A_504 : memref<1x16x128xf32, #tpu.memory_space<vmem>> -> memref<16x128xf32, #tpu.memory_space<vmem>>
        %gather3A_506 = tpu.vector_load_idx %gather3A_505[%iota3A, %add3A_501] : memref<16x128xf32, #tpu.memory_space<vmem>>[vector<16xi32>, vector<16xi32>], vector<16xf32>,
        %gather3A_507 = arith.constant 0 : i32
        %gather3A_508 = tpu.memref_slice %arg5[%add3A_260, %gather3A_507] : memref<512x128xf32, #tpu.memory_space<vmem>> -> memref<16x128xf32, #tpu.memory_space<vmem>>
        %gather3A_509 = tpu.vector_load_idx %gather3A_508[%and3A_493, %add3A_234] : memref<16x128xf32, #tpu.memory_space<vmem>>[vector<16xi32>, vector<16xi32>], vector<16xf32>,
        %sub3A_510 = arith.subf %gather3A_509, %gather3A_506 : vector<16xf32>
        %mul3A_511 = arith.mulf %sub3A_510, %sub3A_510 : vector<16xf32>
        %add3A_512 = arith.addf %add3A_474, %mul3A_511 : vector<16xf32>
        %ne3A_513 = arith.constant 0.000000e+00 : f32
        %ne3A_514 = vector.broadcast %ne3A_513 : f32 to vector<16xf32>
        %ne3A_515 = arith.cmpf one, %gather3A_506, %ne3A_514 : vector<16xf32>
        %jit3A_516 = arith.constant 1.000000e+00 : f32
        %jit3A_517 = arith.constant 0.000000e+00 : f32
        %broadcast_in_dim3A_518 = vector.broadcast %jit3A_516 : f32 to vector<16xf32>
        %broadcast_in_dim3A_519 = vector.broadcast %jit3A_517 : f32 to vector<16xf32>
        %select_n3A_520 = arith.select %ne3A_515, %broadcast_in_dim3A_518, %broadcast_in_dim3A_519 : vector<16xi1>, vector<16xf32>
        %add3A_521 = arith.addf %add3A_483, %select_n3A_520 : vector<16xf32>
        %broadcast_in_dim3A_522 = vector.shape_cast %and3A_499 : vector<16xi32> to vector<16x1xi32>
        %gather3A_523 = vector.shape_cast %broadcast_in_dim3A_522 : vector<16x1xi32> to vector<16xi32>
        %gather3A_524 = tpu.dynamic_gather %select_n3A_520[%gather3A_523] in [0] : vector<16xf32>, vector<16xi32> -> vector<16xf32>
        %add3A_525 = arith.addf %add3A_487, %gather3A_524 : vector<16xf32>
        %add3A_526 = arith.constant 7 : i32
        %add3A_527 = vector.broadcast %add3A_526 : i32 to vector<16xi32>
        %add3A_528 = arith.addi %iota3A, %add3A_527 : vector<16xi32>
        %and3A_529 = arith.constant 15 : i32
        %and3A_530 = vector.broadcast %and3A_529 : i32 to vector<16xi32>
        %and3A_531 = arith.andi %add3A_528, %and3A_530 : vector<16xi32>
        %sub3A_532 = arith.constant 7 : i32
        %sub3A_533 = vector.broadcast %sub3A_532 : i32 to vector<16xi32>
        %sub3A_534 = arith.subi %iota3A, %sub3A_533 : vector<16xi32>
        %and3A_535 = arith.constant 15 : i32
        %and3A_536 = vector.broadcast %and3A_535 : i32 to vector<16xi32>
        %and3A_537 = arith.andi %sub3A_534, %and3A_536 : vector<16xi32>
        %add3A_538 = vector.broadcast %mul3A_256 : i32 to vector<16xi32>
        %add3A_539 = arith.addi %add3A_538, %and3A_531 : vector<16xi32>
        %gather3A_540 = arith.constant 1 : i32
        %gather3A_541 = arith.constant 0 : i32
        %gather3A_542 = tpu.memref_slice %arg6[%gather3A_540, %mul3A_258, %gather3A_541] : memref<2x128x128xf32, #tpu.memory_space<vmem>> -> memref<1x16x128xf32, #tpu.memory_space<vmem>>
        %gather3A_543 = tpu.memref_squeeze %gather3A_542 : memref<1x16x128xf32, #tpu.memory_space<vmem>> -> memref<16x128xf32, #tpu.memory_space<vmem>>
        %gather3A_544 = tpu.vector_load_idx %gather3A_543[%iota3A, %add3A_539] : memref<16x128xf32, #tpu.memory_space<vmem>>[vector<16xi32>, vector<16xi32>], vector<16xf32>,
        %gather3A_545 = arith.constant 0 : i32
        %gather3A_546 = tpu.memref_slice %arg5[%add3A_260, %gather3A_545] : memref<512x128xf32, #tpu.memory_space<vmem>> -> memref<16x128xf32, #tpu.memory_space<vmem>>
        %gather3A_547 = tpu.vector_load_idx %gather3A_546[%and3A_531, %add3A_234] : memref<16x128xf32, #tpu.memory_space<vmem>>[vector<16xi32>, vector<16xi32>], vector<16xf32>,
        %sub3A_548 = arith.subf %gather3A_547, %gather3A_544 : vector<16xf32>
        %mul3A_549 = arith.mulf %sub3A_548, %sub3A_548 : vector<16xf32>
        %add3A_550 = arith.addf %add3A_512, %mul3A_549 : vector<16xf32>
        %ne3A_551 = arith.constant 0.000000e+00 : f32
        %ne3A_552 = vector.broadcast %ne3A_551 : f32 to vector<16xf32>
        %ne3A_553 = arith.cmpf one, %gather3A_544, %ne3A_552 : vector<16xf32>
        %jit3A_554 = arith.constant 1.000000e+00 : f32
        %jit3A_555 = arith.constant 0.000000e+00 : f32
        %broadcast_in_dim3A_556 = vector.broadcast %jit3A_554 : f32 to vector<16xf32>
        %broadcast_in_dim3A_557 = vector.broadcast %jit3A_555 : f32 to vector<16xf32>
        %select_n3A_558 = arith.select %ne3A_553, %broadcast_in_dim3A_556, %broadcast_in_dim3A_557 : vector<16xi1>, vector<16xf32>
        %add3A_559 = arith.addf %add3A_521, %select_n3A_558 : vector<16xf32>
        %broadcast_in_dim3A_560 = vector.shape_cast %and3A_537 : vector<16xi32> to vector<16x1xi32>
        %gather3A_561 = vector.shape_cast %broadcast_in_dim3A_560 : vector<16x1xi32> to vector<16xi32>
        %gather3A_562 = tpu.dynamic_gather %select_n3A_558[%gather3A_561] in [0] : vector<16xf32>, vector<16xi32> -> vector<16xf32>
        %add3A_563 = arith.addf %add3A_525, %gather3A_562 : vector<16xf32>
        %add3A_564 = arith.constant 8 : i32
        %add3A_565 = vector.broadcast %add3A_564 : i32 to vector<16xi32>
        %add3A_566 = arith.addi %iota3A, %add3A_565 : vector<16xi32>
        %and3A_567 = arith.constant 15 : i32
        %and3A_568 = vector.broadcast %and3A_567 : i32 to vector<16xi32>
        %and3A_569 = arith.andi %add3A_566, %and3A_568 : vector<16xi32>
        %sub3A_570 = arith.constant 8 : i32
        %sub3A_571 = vector.broadcast %sub3A_570 : i32 to vector<16xi32>
        %sub3A_572 = arith.subi %iota3A, %sub3A_571 : vector<16xi32>
        %and3A_573 = arith.constant 15 : i32
        %and3A_574 = vector.broadcast %and3A_573 : i32 to vector<16xi32>
        %and3A_575 = arith.andi %sub3A_572, %and3A_574 : vector<16xi32>
        %add3A_576 = vector.broadcast %mul3A_256 : i32 to vector<16xi32>
        %add3A_577 = arith.addi %add3A_576, %and3A_569 : vector<16xi32>
        %gather3A_578 = arith.constant 1 : i32
        %gather3A_579 = arith.constant 0 : i32
        %gather3A_580 = tpu.memref_slice %arg6[%gather3A_578, %mul3A_258, %gather3A_579] : memref<2x128x128xf32, #tpu.memory_space<vmem>> -> memref<1x16x128xf32, #tpu.memory_space<vmem>>
        %gather3A_581 = tpu.memref_squeeze %gather3A_580 : memref<1x16x128xf32, #tpu.memory_space<vmem>> -> memref<16x128xf32, #tpu.memory_space<vmem>>
        %gather3A_582 = tpu.vector_load_idx %gather3A_581[%iota3A, %add3A_577] : memref<16x128xf32, #tpu.memory_space<vmem>>[vector<16xi32>, vector<16xi32>], vector<16xf32>,
        %gather3A_583 = arith.constant 0 : i32
        %gather3A_584 = tpu.memref_slice %arg5[%add3A_260, %gather3A_583] : memref<512x128xf32, #tpu.memory_space<vmem>> -> memref<16x128xf32, #tpu.memory_space<vmem>>
        %gather3A_585 = tpu.vector_load_idx %gather3A_584[%and3A_569, %add3A_234] : memref<16x128xf32, #tpu.memory_space<vmem>>[vector<16xi32>, vector<16xi32>], vector<16xf32>,
        %sub3A_586 = arith.subf %gather3A_585, %gather3A_582 : vector<16xf32>
        %mul3A_587 = arith.mulf %sub3A_586, %sub3A_586 : vector<16xf32>
        %add3A_588 = arith.addf %add3A_550, %mul3A_587 : vector<16xf32>
        %ne3A_589 = arith.constant 0.000000e+00 : f32
        %ne3A_590 = vector.broadcast %ne3A_589 : f32 to vector<16xf32>
        %ne3A_591 = arith.cmpf one, %gather3A_582, %ne3A_590 : vector<16xf32>
        %jit3A_592 = arith.constant 1.000000e+00 : f32
        %jit3A_593 = arith.constant 0.000000e+00 : f32
        %broadcast_in_dim3A_594 = vector.broadcast %jit3A_592 : f32 to vector<16xf32>
        %broadcast_in_dim3A_595 = vector.broadcast %jit3A_593 : f32 to vector<16xf32>
        %select_n3A_596 = arith.select %ne3A_591, %broadcast_in_dim3A_594, %broadcast_in_dim3A_595 : vector<16xi1>, vector<16xf32>
        %add3A_597 = arith.addf %add3A_559, %select_n3A_596 : vector<16xf32>
        %broadcast_in_dim3A_598 = vector.shape_cast %and3A_575 : vector<16xi32> to vector<16x1xi32>
        %gather3A_599 = vector.shape_cast %broadcast_in_dim3A_598 : vector<16x1xi32> to vector<16xi32>
        %gather3A_600 = tpu.dynamic_gather %select_n3A_596[%gather3A_599] in [0] : vector<16xf32>, vector<16xi32> -> vector<16xf32>
        %add3A_601 = arith.addf %add3A_563, %gather3A_600 : vector<16xf32>
        %add3A_602 = arith.constant 9 : i32
        %add3A_603 = vector.broadcast %add3A_602 : i32 to vector<16xi32>
        %add3A_604 = arith.addi %iota3A, %add3A_603 : vector<16xi32>
        %and3A_605 = arith.constant 15 : i32
        %and3A_606 = vector.broadcast %and3A_605 : i32 to vector<16xi32>
        %and3A_607 = arith.andi %add3A_604, %and3A_606 : vector<16xi32>
        %sub3A_608 = arith.constant 9 : i32
        %sub3A_609 = vector.broadcast %sub3A_608 : i32 to vector<16xi32>
        %sub3A_610 = arith.subi %iota3A, %sub3A_609 : vector<16xi32>
        %and3A_611 = arith.constant 15 : i32
        %and3A_612 = vector.broadcast %and3A_611 : i32 to vector<16xi32>
        %and3A_613 = arith.andi %sub3A_610, %and3A_612 : vector<16xi32>
        %add3A_614 = vector.broadcast %mul3A_256 : i32 to vector<16xi32>
        %add3A_615 = arith.addi %add3A_614, %and3A_607 : vector<16xi32>
        %gather3A_616 = arith.constant 1 : i32
        %gather3A_617 = arith.constant 0 : i32
        %gather3A_618 = tpu.memref_slice %arg6[%gather3A_616, %mul3A_258, %gather3A_617] : memref<2x128x128xf32, #tpu.memory_space<vmem>> -> memref<1x16x128xf32, #tpu.memory_space<vmem>>
        %gather3A_619 = tpu.memref_squeeze %gather3A_618 : memref<1x16x128xf32, #tpu.memory_space<vmem>> -> memref<16x128xf32, #tpu.memory_space<vmem>>
        %gather3A_620 = tpu.vector_load_idx %gather3A_619[%iota3A, %add3A_615] : memref<16x128xf32, #tpu.memory_space<vmem>>[vector<16xi32>, vector<16xi32>], vector<16xf32>,
        %gather3A_621 = arith.constant 0 : i32
        %gather3A_622 = tpu.memref_slice %arg5[%add3A_260, %gather3A_621] : memref<512x128xf32, #tpu.memory_space<vmem>> -> memref<16x128xf32, #tpu.memory_space<vmem>>
        %gather3A_623 = tpu.vector_load_idx %gather3A_622[%and3A_607, %add3A_234] : memref<16x128xf32, #tpu.memory_space<vmem>>[vector<16xi32>, vector<16xi32>], vector<16xf32>,
        %sub3A_624 = arith.subf %gather3A_623, %gather3A_620 : vector<16xf32>
        %mul3A_625 = arith.mulf %sub3A_624, %sub3A_624 : vector<16xf32>
        %add3A_626 = arith.addf %add3A_588, %mul3A_625 : vector<16xf32>
        %ne3A_627 = arith.constant 0.000000e+00 : f32
        %ne3A_628 = vector.broadcast %ne3A_627 : f32 to vector<16xf32>
        %ne3A_629 = arith.cmpf one, %gather3A_620, %ne3A_628 : vector<16xf32>
        %jit3A_630 = arith.constant 1.000000e+00 : f32
        %jit3A_631 = arith.constant 0.000000e+00 : f32
        %broadcast_in_dim3A_632 = vector.broadcast %jit3A_630 : f32 to vector<16xf32>
        %broadcast_in_dim3A_633 = vector.broadcast %jit3A_631 : f32 to vector<16xf32>
        %select_n3A_634 = arith.select %ne3A_629, %broadcast_in_dim3A_632, %broadcast_in_dim3A_633 : vector<16xi1>, vector<16xf32>
        %add3A_635 = arith.addf %add3A_597, %select_n3A_634 : vector<16xf32>
        %broadcast_in_dim3A_636 = vector.shape_cast %and3A_613 : vector<16xi32> to vector<16x1xi32>
        %gather3A_637 = vector.shape_cast %broadcast_in_dim3A_636 : vector<16x1xi32> to vector<16xi32>
        %gather3A_638 = tpu.dynamic_gather %select_n3A_634[%gather3A_637] in [0] : vector<16xf32>, vector<16xi32> -> vector<16xf32>
        %add3A_639 = arith.addf %add3A_601, %gather3A_638 : vector<16xf32>
        %add3A_640 = arith.constant 10 : i32
        %add3A_641 = vector.broadcast %add3A_640 : i32 to vector<16xi32>
        %add3A_642 = arith.addi %iota3A, %add3A_641 : vector<16xi32>
        %and3A_643 = arith.constant 15 : i32
        %and3A_644 = vector.broadcast %and3A_643 : i32 to vector<16xi32>
        %and3A_645 = arith.andi %add3A_642, %and3A_644 : vector<16xi32>
        %sub3A_646 = arith.constant 10 : i32
        %sub3A_647 = vector.broadcast %sub3A_646 : i32 to vector<16xi32>
        %sub3A_648 = arith.subi %iota3A, %sub3A_647 : vector<16xi32>
        %and3A_649 = arith.constant 15 : i32
        %and3A_650 = vector.broadcast %and3A_649 : i32 to vector<16xi32>
        %and3A_651 = arith.andi %sub3A_648, %and3A_650 : vector<16xi32>
        %add3A_652 = vector.broadcast %mul3A_256 : i32 to vector<16xi32>
        %add3A_653 = arith.addi %add3A_652, %and3A_645 : vector<16xi32>
        %gather3A_654 = arith.constant 1 : i32
        %gather3A_655 = arith.constant 0 : i32
        %gather3A_656 = tpu.memref_slice %arg6[%gather3A_654, %mul3A_258, %gather3A_655] : memref<2x128x128xf32, #tpu.memory_space<vmem>> -> memref<1x16x128xf32, #tpu.memory_space<vmem>>
        %gather3A_657 = tpu.memref_squeeze %gather3A_656 : memref<1x16x128xf32, #tpu.memory_space<vmem>> -> memref<16x128xf32, #tpu.memory_space<vmem>>
        %gather3A_658 = tpu.vector_load_idx %gather3A_657[%iota3A, %add3A_653] : memref<16x128xf32, #tpu.memory_space<vmem>>[vector<16xi32>, vector<16xi32>], vector<16xf32>,
        %gather3A_659 = arith.constant 0 : i32
        %gather3A_660 = tpu.memref_slice %arg5[%add3A_260, %gather3A_659] : memref<512x128xf32, #tpu.memory_space<vmem>> -> memref<16x128xf32, #tpu.memory_space<vmem>>
        %gather3A_661 = tpu.vector_load_idx %gather3A_660[%and3A_645, %add3A_234] : memref<16x128xf32, #tpu.memory_space<vmem>>[vector<16xi32>, vector<16xi32>], vector<16xf32>,
        %sub3A_662 = arith.subf %gather3A_661, %gather3A_658 : vector<16xf32>
        %mul3A_663 = arith.mulf %sub3A_662, %sub3A_662 : vector<16xf32>
        %add3A_664 = arith.addf %add3A_626, %mul3A_663 : vector<16xf32>
        %ne3A_665 = arith.constant 0.000000e+00 : f32
        %ne3A_666 = vector.broadcast %ne3A_665 : f32 to vector<16xf32>
        %ne3A_667 = arith.cmpf one, %gather3A_658, %ne3A_666 : vector<16xf32>
        %jit3A_668 = arith.constant 1.000000e+00 : f32
        %jit3A_669 = arith.constant 0.000000e+00 : f32
        %broadcast_in_dim3A_670 = vector.broadcast %jit3A_668 : f32 to vector<16xf32>
        %broadcast_in_dim3A_671 = vector.broadcast %jit3A_669 : f32 to vector<16xf32>
        %select_n3A_672 = arith.select %ne3A_667, %broadcast_in_dim3A_670, %broadcast_in_dim3A_671 : vector<16xi1>, vector<16xf32>
        %add3A_673 = arith.addf %add3A_635, %select_n3A_672 : vector<16xf32>
        %broadcast_in_dim3A_674 = vector.shape_cast %and3A_651 : vector<16xi32> to vector<16x1xi32>
        %gather3A_675 = vector.shape_cast %broadcast_in_dim3A_674 : vector<16x1xi32> to vector<16xi32>
        %gather3A_676 = tpu.dynamic_gather %select_n3A_672[%gather3A_675] in [0] : vector<16xf32>, vector<16xi32> -> vector<16xf32>
        %add3A_677 = arith.addf %add3A_639, %gather3A_676 : vector<16xf32>
        %add3A_678 = arith.constant 11 : i32
        %add3A_679 = vector.broadcast %add3A_678 : i32 to vector<16xi32>
        %add3A_680 = arith.addi %iota3A, %add3A_679 : vector<16xi32>
        %and3A_681 = arith.constant 15 : i32
        %and3A_682 = vector.broadcast %and3A_681 : i32 to vector<16xi32>
        %and3A_683 = arith.andi %add3A_680, %and3A_682 : vector<16xi32>
        %sub3A_684 = arith.constant 11 : i32
        %sub3A_685 = vector.broadcast %sub3A_684 : i32 to vector<16xi32>
        %sub3A_686 = arith.subi %iota3A, %sub3A_685 : vector<16xi32>
        %and3A_687 = arith.constant 15 : i32
        %and3A_688 = vector.broadcast %and3A_687 : i32 to vector<16xi32>
        %and3A_689 = arith.andi %sub3A_686, %and3A_688 : vector<16xi32>
        %add3A_690 = vector.broadcast %mul3A_256 : i32 to vector<16xi32>
        %add3A_691 = arith.addi %add3A_690, %and3A_683 : vector<16xi32>
        %gather3A_692 = arith.constant 1 : i32
        %gather3A_693 = arith.constant 0 : i32
        %gather3A_694 = tpu.memref_slice %arg6[%gather3A_692, %mul3A_258, %gather3A_693] : memref<2x128x128xf32, #tpu.memory_space<vmem>> -> memref<1x16x128xf32, #tpu.memory_space<vmem>>
        %gather3A_695 = tpu.memref_squeeze %gather3A_694 : memref<1x16x128xf32, #tpu.memory_space<vmem>> -> memref<16x128xf32, #tpu.memory_space<vmem>>
        %gather3A_696 = tpu.vector_load_idx %gather3A_695[%iota3A, %add3A_691] : memref<16x128xf32, #tpu.memory_space<vmem>>[vector<16xi32>, vector<16xi32>], vector<16xf32>,
        %gather3A_697 = arith.constant 0 : i32
        %gather3A_698 = tpu.memref_slice %arg5[%add3A_260, %gather3A_697] : memref<512x128xf32, #tpu.memory_space<vmem>> -> memref<16x128xf32, #tpu.memory_space<vmem>>
        %gather3A_699 = tpu.vector_load_idx %gather3A_698[%and3A_683, %add3A_234] : memref<16x128xf32, #tpu.memory_space<vmem>>[vector<16xi32>, vector<16xi32>], vector<16xf32>,
        %sub3A_700 = arith.subf %gather3A_699, %gather3A_696 : vector<16xf32>
        %mul3A_701 = arith.mulf %sub3A_700, %sub3A_700 : vector<16xf32>
        %add3A_702 = arith.addf %add3A_664, %mul3A_701 : vector<16xf32>
        %ne3A_703 = arith.constant 0.000000e+00 : f32
        %ne3A_704 = vector.broadcast %ne3A_703 : f32 to vector<16xf32>
        %ne3A_705 = arith.cmpf one, %gather3A_696, %ne3A_704 : vector<16xf32>
        %jit3A_706 = arith.constant 1.000000e+00 : f32
        %jit3A_707 = arith.constant 0.000000e+00 : f32
        %broadcast_in_dim3A_708 = vector.broadcast %jit3A_706 : f32 to vector<16xf32>
        %broadcast_in_dim3A_709 = vector.broadcast %jit3A_707 : f32 to vector<16xf32>
        %select_n3A_710 = arith.select %ne3A_705, %broadcast_in_dim3A_708, %broadcast_in_dim3A_709 : vector<16xi1>, vector<16xf32>
        %add3A_711 = arith.addf %add3A_673, %select_n3A_710 : vector<16xf32>
        %broadcast_in_dim3A_712 = vector.shape_cast %and3A_689 : vector<16xi32> to vector<16x1xi32>
        %gather3A_713 = vector.shape_cast %broadcast_in_dim3A_712 : vector<16x1xi32> to vector<16xi32>
        %gather3A_714 = tpu.dynamic_gather %select_n3A_710[%gather3A_713] in [0] : vector<16xf32>, vector<16xi32> -> vector<16xf32>
        %add3A_715 = arith.addf %add3A_677, %gather3A_714 : vector<16xf32>
        %add3A_716 = arith.constant 12 : i32
        %add3A_717 = vector.broadcast %add3A_716 : i32 to vector<16xi32>
        %add3A_718 = arith.addi %iota3A, %add3A_717 : vector<16xi32>
        %and3A_719 = arith.constant 15 : i32
        %and3A_720 = vector.broadcast %and3A_719 : i32 to vector<16xi32>
        %and3A_721 = arith.andi %add3A_718, %and3A_720 : vector<16xi32>
        %sub3A_722 = arith.constant 12 : i32
        %sub3A_723 = vector.broadcast %sub3A_722 : i32 to vector<16xi32>
        %sub3A_724 = arith.subi %iota3A, %sub3A_723 : vector<16xi32>
        %and3A_725 = arith.constant 15 : i32
        %and3A_726 = vector.broadcast %and3A_725 : i32 to vector<16xi32>
        %and3A_727 = arith.andi %sub3A_724, %and3A_726 : vector<16xi32>
        %add3A_728 = vector.broadcast %mul3A_256 : i32 to vector<16xi32>
        %add3A_729 = arith.addi %add3A_728, %and3A_721 : vector<16xi32>
        %gather3A_730 = arith.constant 1 : i32
        %gather3A_731 = arith.constant 0 : i32
        %gather3A_732 = tpu.memref_slice %arg6[%gather3A_730, %mul3A_258, %gather3A_731] : memref<2x128x128xf32, #tpu.memory_space<vmem>> -> memref<1x16x128xf32, #tpu.memory_space<vmem>>
        %gather3A_733 = tpu.memref_squeeze %gather3A_732 : memref<1x16x128xf32, #tpu.memory_space<vmem>> -> memref<16x128xf32, #tpu.memory_space<vmem>>
        %gather3A_734 = tpu.vector_load_idx %gather3A_733[%iota3A, %add3A_729] : memref<16x128xf32, #tpu.memory_space<vmem>>[vector<16xi32>, vector<16xi32>], vector<16xf32>,
        %gather3A_735 = arith.constant 0 : i32
        %gather3A_736 = tpu.memref_slice %arg5[%add3A_260, %gather3A_735] : memref<512x128xf32, #tpu.memory_space<vmem>> -> memref<16x128xf32, #tpu.memory_space<vmem>>
        %gather3A_737 = tpu.vector_load_idx %gather3A_736[%and3A_721, %add3A_234] : memref<16x128xf32, #tpu.memory_space<vmem>>[vector<16xi32>, vector<16xi32>], vector<16xf32>,
        %sub3A_738 = arith.subf %gather3A_737, %gather3A_734 : vector<16xf32>
        %mul3A_739 = arith.mulf %sub3A_738, %sub3A_738 : vector<16xf32>
        %add3A_740 = arith.addf %add3A_702, %mul3A_739 : vector<16xf32>
        %ne3A_741 = arith.constant 0.000000e+00 : f32
        %ne3A_742 = vector.broadcast %ne3A_741 : f32 to vector<16xf32>
        %ne3A_743 = arith.cmpf one, %gather3A_734, %ne3A_742 : vector<16xf32>
        %jit3A_744 = arith.constant 1.000000e+00 : f32
        %jit3A_745 = arith.constant 0.000000e+00 : f32
        %broadcast_in_dim3A_746 = vector.broadcast %jit3A_744 : f32 to vector<16xf32>
        %broadcast_in_dim3A_747 = vector.broadcast %jit3A_745 : f32 to vector<16xf32>
        %select_n3A_748 = arith.select %ne3A_743, %broadcast_in_dim3A_746, %broadcast_in_dim3A_747 : vector<16xi1>, vector<16xf32>
        %add3A_749 = arith.addf %add3A_711, %select_n3A_748 : vector<16xf32>
        %broadcast_in_dim3A_750 = vector.shape_cast %and3A_727 : vector<16xi32> to vector<16x1xi32>
        %gather3A_751 = vector.shape_cast %broadcast_in_dim3A_750 : vector<16x1xi32> to vector<16xi32>
        %gather3A_752 = tpu.dynamic_gather %select_n3A_748[%gather3A_751] in [0] : vector<16xf32>, vector<16xi32> -> vector<16xf32>
        %add3A_753 = arith.addf %add3A_715, %gather3A_752 : vector<16xf32>
        %add3A_754 = arith.constant 13 : i32
        %add3A_755 = vector.broadcast %add3A_754 : i32 to vector<16xi32>
        %add3A_756 = arith.addi %iota3A, %add3A_755 : vector<16xi32>
        %and3A_757 = arith.constant 15 : i32
        %and3A_758 = vector.broadcast %and3A_757 : i32 to vector<16xi32>
        %and3A_759 = arith.andi %add3A_756, %and3A_758 : vector<16xi32>
        %sub3A_760 = arith.constant 13 : i32
        %sub3A_761 = vector.broadcast %sub3A_760 : i32 to vector<16xi32>
        %sub3A_762 = arith.subi %iota3A, %sub3A_761 : vector<16xi32>
        %and3A_763 = arith.constant 15 : i32
        %and3A_764 = vector.broadcast %and3A_763 : i32 to vector<16xi32>
        %and3A_765 = arith.andi %sub3A_762, %and3A_764 : vector<16xi32>
        %add3A_766 = vector.broadcast %mul3A_256 : i32 to vector<16xi32>
        %add3A_767 = arith.addi %add3A_766, %and3A_759 : vector<16xi32>
        %gather3A_768 = arith.constant 1 : i32
        %gather3A_769 = arith.constant 0 : i32
        %gather3A_770 = tpu.memref_slice %arg6[%gather3A_768, %mul3A_258, %gather3A_769] : memref<2x128x128xf32, #tpu.memory_space<vmem>> -> memref<1x16x128xf32, #tpu.memory_space<vmem>>
        %gather3A_771 = tpu.memref_squeeze %gather3A_770 : memref<1x16x128xf32, #tpu.memory_space<vmem>> -> memref<16x128xf32, #tpu.memory_space<vmem>>
        %gather3A_772 = tpu.vector_load_idx %gather3A_771[%iota3A, %add3A_767] : memref<16x128xf32, #tpu.memory_space<vmem>>[vector<16xi32>, vector<16xi32>], vector<16xf32>,
        %gather3A_773 = arith.constant 0 : i32
        %gather3A_774 = tpu.memref_slice %arg5[%add3A_260, %gather3A_773] : memref<512x128xf32, #tpu.memory_space<vmem>> -> memref<16x128xf32, #tpu.memory_space<vmem>>
        %gather3A_775 = tpu.vector_load_idx %gather3A_774[%and3A_759, %add3A_234] : memref<16x128xf32, #tpu.memory_space<vmem>>[vector<16xi32>, vector<16xi32>], vector<16xf32>,
        %sub3A_776 = arith.subf %gather3A_775, %gather3A_772 : vector<16xf32>
        %mul3A_777 = arith.mulf %sub3A_776, %sub3A_776 : vector<16xf32>
        %add3A_778 = arith.addf %add3A_740, %mul3A_777 : vector<16xf32>
        %ne3A_779 = arith.constant 0.000000e+00 : f32
        %ne3A_780 = vector.broadcast %ne3A_779 : f32 to vector<16xf32>
        %ne3A_781 = arith.cmpf one, %gather3A_772, %ne3A_780 : vector<16xf32>
        %jit3A_782 = arith.constant 1.000000e+00 : f32
        %jit3A_783 = arith.constant 0.000000e+00 : f32
        %broadcast_in_dim3A_784 = vector.broadcast %jit3A_782 : f32 to vector<16xf32>
        %broadcast_in_dim3A_785 = vector.broadcast %jit3A_783 : f32 to vector<16xf32>
        %select_n3A_786 = arith.select %ne3A_781, %broadcast_in_dim3A_784, %broadcast_in_dim3A_785 : vector<16xi1>, vector<16xf32>
        %add3A_787 = arith.addf %add3A_749, %select_n3A_786 : vector<16xf32>
        %broadcast_in_dim3A_788 = vector.shape_cast %and3A_765 : vector<16xi32> to vector<16x1xi32>
        %gather3A_789 = vector.shape_cast %broadcast_in_dim3A_788 : vector<16x1xi32> to vector<16xi32>
        %gather3A_790 = tpu.dynamic_gather %select_n3A_786[%gather3A_789] in [0] : vector<16xf32>, vector<16xi32> -> vector<16xf32>
        %add3A_791 = arith.addf %add3A_753, %gather3A_790 : vector<16xf32>
        %add3A_792 = arith.constant 14 : i32
        %add3A_793 = vector.broadcast %add3A_792 : i32 to vector<16xi32>
        %add3A_794 = arith.addi %iota3A, %add3A_793 : vector<16xi32>
        %and3A_795 = arith.constant 15 : i32
        %and3A_796 = vector.broadcast %and3A_795 : i32 to vector<16xi32>
        %and3A_797 = arith.andi %add3A_794, %and3A_796 : vector<16xi32>
        %sub3A_798 = arith.constant 14 : i32
        %sub3A_799 = vector.broadcast %sub3A_798 : i32 to vector<16xi32>
        %sub3A_800 = arith.subi %iota3A, %sub3A_799 : vector<16xi32>
        %and3A_801 = arith.constant 15 : i32
        %and3A_802 = vector.broadcast %and3A_801 : i32 to vector<16xi32>
        %and3A_803 = arith.andi %sub3A_800, %and3A_802 : vector<16xi32>
        %add3A_804 = vector.broadcast %mul3A_256 : i32 to vector<16xi32>
        %add3A_805 = arith.addi %add3A_804, %and3A_797 : vector<16xi32>
        %gather3A_806 = arith.constant 1 : i32
        %gather3A_807 = arith.constant 0 : i32
        %gather3A_808 = tpu.memref_slice %arg6[%gather3A_806, %mul3A_258, %gather3A_807] : memref<2x128x128xf32, #tpu.memory_space<vmem>> -> memref<1x16x128xf32, #tpu.memory_space<vmem>>
        %gather3A_809 = tpu.memref_squeeze %gather3A_808 : memref<1x16x128xf32, #tpu.memory_space<vmem>> -> memref<16x128xf32, #tpu.memory_space<vmem>>
        %gather3A_810 = tpu.vector_load_idx %gather3A_809[%iota3A, %add3A_805] : memref<16x128xf32, #tpu.memory_space<vmem>>[vector<16xi32>, vector<16xi32>], vector<16xf32>,
        %gather3A_811 = arith.constant 0 : i32
        %gather3A_812 = tpu.memref_slice %arg5[%add3A_260, %gather3A_811] : memref<512x128xf32, #tpu.memory_space<vmem>> -> memref<16x128xf32, #tpu.memory_space<vmem>>
        %gather3A_813 = tpu.vector_load_idx %gather3A_812[%and3A_797, %add3A_234] : memref<16x128xf32, #tpu.memory_space<vmem>>[vector<16xi32>, vector<16xi32>], vector<16xf32>,
        %sub3A_814 = arith.subf %gather3A_813, %gather3A_810 : vector<16xf32>
        %mul3A_815 = arith.mulf %sub3A_814, %sub3A_814 : vector<16xf32>
        %add3A_816 = arith.addf %add3A_778, %mul3A_815 : vector<16xf32>
        %ne3A_817 = arith.constant 0.000000e+00 : f32
        %ne3A_818 = vector.broadcast %ne3A_817 : f32 to vector<16xf32>
        %ne3A_819 = arith.cmpf one, %gather3A_810, %ne3A_818 : vector<16xf32>
        %jit3A_820 = arith.constant 1.000000e+00 : f32
        %jit3A_821 = arith.constant 0.000000e+00 : f32
        %broadcast_in_dim3A_822 = vector.broadcast %jit3A_820 : f32 to vector<16xf32>
        %broadcast_in_dim3A_823 = vector.broadcast %jit3A_821 : f32 to vector<16xf32>
        %select_n3A_824 = arith.select %ne3A_819, %broadcast_in_dim3A_822, %broadcast_in_dim3A_823 : vector<16xi1>, vector<16xf32>
        %add3A_825 = arith.addf %add3A_787, %select_n3A_824 : vector<16xf32>
        %broadcast_in_dim3A_826 = vector.shape_cast %and3A_803 : vector<16xi32> to vector<16x1xi32>
        %gather3A_827 = vector.shape_cast %broadcast_in_dim3A_826 : vector<16x1xi32> to vector<16xi32>
        %gather3A_828 = tpu.dynamic_gather %select_n3A_824[%gather3A_827] in [0] : vector<16xf32>, vector<16xi32> -> vector<16xf32>
        %add3A_829 = arith.addf %add3A_791, %gather3A_828 : vector<16xf32>
        %add3A_830 = arith.constant 15 : i32
        %add3A_831 = vector.broadcast %add3A_830 : i32 to vector<16xi32>
        %add3A_832 = arith.addi %iota3A, %add3A_831 : vector<16xi32>
        %and3A_833 = arith.constant 15 : i32
        %and3A_834 = vector.broadcast %and3A_833 : i32 to vector<16xi32>
        %and3A_835 = arith.andi %add3A_832, %and3A_834 : vector<16xi32>
        %sub3A_836 = arith.constant 15 : i32
        %sub3A_837 = vector.broadcast %sub3A_836 : i32 to vector<16xi32>
        %sub3A_838 = arith.subi %iota3A, %sub3A_837 : vector<16xi32>
        %and3A_839 = arith.constant 15 : i32
        %and3A_840 = vector.broadcast %and3A_839 : i32 to vector<16xi32>
        %and3A_841 = arith.andi %sub3A_838, %and3A_840 : vector<16xi32>
        %add3A_842 = vector.broadcast %mul3A_256 : i32 to vector<16xi32>
        %add3A_843 = arith.addi %add3A_842, %and3A_835 : vector<16xi32>
        %gather3A_844 = arith.constant 1 : i32
        %gather3A_845 = arith.constant 0 : i32
        %gather3A_846 = tpu.memref_slice %arg6[%gather3A_844, %mul3A_258, %gather3A_845] : memref<2x128x128xf32, #tpu.memory_space<vmem>> -> memref<1x16x128xf32, #tpu.memory_space<vmem>>
        %gather3A_847 = tpu.memref_squeeze %gather3A_846 : memref<1x16x128xf32, #tpu.memory_space<vmem>> -> memref<16x128xf32, #tpu.memory_space<vmem>>
        %gather3A_848 = tpu.vector_load_idx %gather3A_847[%iota3A, %add3A_843] : memref<16x128xf32, #tpu.memory_space<vmem>>[vector<16xi32>, vector<16xi32>], vector<16xf32>,
        %gather3A_849 = arith.constant 0 : i32
        %gather3A_850 = tpu.memref_slice %arg5[%add3A_260, %gather3A_849] : memref<512x128xf32, #tpu.memory_space<vmem>> -> memref<16x128xf32, #tpu.memory_space<vmem>>
        %gather3A_851 = tpu.vector_load_idx %gather3A_850[%and3A_835, %add3A_234] : memref<16x128xf32, #tpu.memory_space<vmem>>[vector<16xi32>, vector<16xi32>], vector<16xf32>,
        %sub3A_852 = arith.subf %gather3A_851, %gather3A_848 : vector<16xf32>
        %mul3A_853 = arith.mulf %sub3A_852, %sub3A_852 : vector<16xf32>
        %add3A_854 = arith.addf %add3A_816, %mul3A_853 : vector<16xf32>
        %ne3A_855 = arith.constant 0.000000e+00 : f32
        %ne3A_856 = vector.broadcast %ne3A_855 : f32 to vector<16xf32>
        %ne3A_857 = arith.cmpf one, %gather3A_848, %ne3A_856 : vector<16xf32>
        %jit3A_858 = arith.constant 1.000000e+00 : f32
        %jit3A_859 = arith.constant 0.000000e+00 : f32
        %broadcast_in_dim3A_860 = vector.broadcast %jit3A_858 : f32 to vector<16xf32>
        %broadcast_in_dim3A_861 = vector.broadcast %jit3A_859 : f32 to vector<16xf32>
        %select_n3A_862 = arith.select %ne3A_857, %broadcast_in_dim3A_860, %broadcast_in_dim3A_861 : vector<16xi1>, vector<16xf32>
        %add3A_863 = arith.addf %add3A_825, %select_n3A_862 : vector<16xf32>
        %broadcast_in_dim3A_864 = vector.shape_cast %and3A_841 : vector<16xi32> to vector<16x1xi32>
        %gather3A_865 = vector.shape_cast %broadcast_in_dim3A_864 : vector<16x1xi32> to vector<16xi32>
        %gather3A_866 = tpu.dynamic_gather %select_n3A_862[%gather3A_865] in [0] : vector<16xf32>, vector<16xi32> -> vector<16xf32>
        %add3A_867 = arith.addf %add3A_829, %gather3A_866 : vector<16xf32>
        %add3A_868 = arith.constant 128 : i32
        %add3A_869 = arith.addi %add3A_868, %mul3A_256 : i32
        %eq3A_870 = arith.constant 0 : i32
        %eq3A_871 = arith.cmpi eq, %scan3A_229, %eq3A_870 : i32
        %get3A_872 = arith.index_cast %add3A_869 : i32 to index
        %get3A_873 = tpu.vector_load %arg7[%get3A_872] {strides = array<i32>} : memref<512xf32, #tpu.memory_space<vmem>>, vector<16xf32>,
        %jit3A_874 = arith.constant 0.000000e+00 : f32
        %broadcast_in_dim3A_875 = vector.broadcast %jit3A_874 : f32 to vector<16xf32>
        %select_n3A_876 = arith.select %eq3A_871, %broadcast_in_dim3A_875, %get3A_873 : vector<16xf32>
        %add3A_877 = arith.addf %select_n3A_876, %add3A_867 : vector<16xf32>
        %swap3A_878 = arith.index_cast %add3A_869 : i32 to index
        %swap3A_879 = tpu.vector_load %arg7[%swap3A_878] {strides = array<i32>} : memref<512xf32, #tpu.memory_space<vmem>>, vector<16xf32>,
        tpu.vector_store %arg7[%swap3A_878], %add3A_877 {strides = array<i32>} : memref<512xf32, #tpu.memory_space<vmem>>, vector<16xf32>,
        scf.yield %add3A_854, %add3A_863 : vector<16xf32>, vector<16xf32>
      }
      %scan3A_240 = arith.constant 8 : i32
      %mul3A_241 = arith.constant 16 : i32
      %mul3A_242 = arith.muli %scan3A_229, %mul3A_241 : i32
      %get3A = arith.index_cast %mul3A_242 : i32 to index
      %get3A_243 = tpu.vector_load %arg8[%get3A] {strides = array<i32>} : memref<128xf32, #tpu.memory_space<vmem>>, vector<16xf32>,
      %add3A_244 = arith.addf %get3A_243, %scan3A_239#0 : vector<16xf32>
      %swap3A = arith.index_cast %mul3A_242 : i32 to index
      %swap3A_245 = tpu.vector_load %arg8[%swap3A] {strides = array<i32>} : memref<128xf32, #tpu.memory_space<vmem>>, vector<16xf32>,
      tpu.vector_store %arg8[%swap3A], %add3A_244 {strides = array<i32>} : memref<128xf32, #tpu.memory_space<vmem>>, vector<16xf32>,
      %get3A_246 = arith.index_cast %mul3A_242 : i32 to index
      %get3A_247 = tpu.vector_load %arg9[%get3A_246] {strides = array<i32>} : memref<128xf32, #tpu.memory_space<vmem>>, vector<16xf32>,
      %add3A_248 = arith.addf %get3A_247, %scan3A_239#1 : vector<16xf32>
      %swap3A_249 = arith.index_cast %mul3A_242 : i32 to index
      %swap3A_250 = tpu.vector_load %arg9[%swap3A_249] {strides = array<i32>} : memref<128xf32, #tpu.memory_space<vmem>>, vector<16xf32>,
      tpu.vector_store %arg9[%swap3A_249], %add3A_248 {strides = array<i32>} : memref<128xf32, #tpu.memory_space<vmem>>, vector<16xf32>,
      %scan3A_251 = arith.constant 0 : i32
      scf.yield %scan3A_251 : i32
    }
    %scan3A_160 = arith.constant 8 : i32
    %dma_wait3A_161 = arith.constant 0 : i32
    %dma_wait3A_162 = arith.constant 0 : i32
    %dma_wait3A_163 = arith.constant 0 : i32
    %dma_wait3A_164 = tpu.memref_slice %arg6[%dma_wait3A_161, %dma_wait3A_162, %dma_wait3A_163] : memref<2x128x128xf32, #tpu.memory_space<vmem>> -> memref<1x128x128xf32, #tpu.memory_space<vmem>>
    %dma_wait3A_165 = tpu.memref_squeeze %dma_wait3A_164 : memref<1x128x128xf32, #tpu.memory_space<vmem>> -> memref<128x128xf32, #tpu.memory_space<vmem>>
    %dma_wait3A_166 = tpu.memref_slice %arg3[%mul3A_29, %add3A_142] : memref<1024x1024xf32, #tpu.memory_space<hbm>> -> memref<128x128xf32, #tpu.memory_space<hbm>>
    %dma_wait3A_167 = arith.constant 0 : i32
    %dma_wait3A_168 = arith.constant 0 : i32
    %dma_wait3A_169 = tpu.memref_slice %arg6[%dma_wait3A_161, %dma_wait3A_167, %dma_wait3A_168] : memref<2x128x128xf32, #tpu.memory_space<vmem>> -> memref<1x128x128xf32, #tpu.memory_space<vmem>>
    %dma_wait3A_170 = tpu.memref_squeeze %dma_wait3A_169 : memref<1x128x128xf32, #tpu.memory_space<vmem>> -> memref<128x128xf32, #tpu.memory_space<vmem>>
    %dma_wait3A_171 = tpu.memref_slice %arg3[%mul3A_29, %add3A_142] : memref<1024x1024xf32, #tpu.memory_space<hbm>> -> memref<128x128xf32, #tpu.memory_space<hbm>>
    tpu.wait_dma2 semaphore(%arg13 : memref<!tpu.dma_semaphore, #tpu.memory_space<semaphore_mem>>) src(%dma_wait3A_171 : memref<128x128xf32, #tpu.memory_space<hbm>>) dst(%dma_wait3A_170 : memref<128x128xf32, #tpu.memory_space<vmem>>)
    %dma_wait3A_172 = arith.constant 256 : i32
    %dma_wait3A_173 = arith.constant 0 : i32
    %dma_wait3A_174 = tpu.memref_slice %arg5[%dma_wait3A_172, %dma_wait3A_173] : memref<512x128xf32, #tpu.memory_space<vmem>> -> memref<128x128xf32, #tpu.memory_space<vmem>>
    %dma_wait3A_175 = tpu.memref_slice %arg2[%add3A_66, %mul3A_29] : memref<1024x1024xf32, #tpu.memory_space<hbm>> -> memref<128x128xf32, #tpu.memory_space<hbm>>
    %dma_wait3A_176 = arith.constant 256 : i32
    %dma_wait3A_177 = arith.constant 0 : i32
    %dma_wait3A_178 = tpu.memref_slice %arg5[%dma_wait3A_176, %dma_wait3A_177] : memref<512x128xf32, #tpu.memory_space<vmem>> -> memref<128x128xf32, #tpu.memory_space<vmem>>
    %dma_wait3A_179 = tpu.memref_slice %arg2[%add3A_66, %mul3A_29] : memref<1024x1024xf32, #tpu.memory_space<hbm>> -> memref<128x128xf32, #tpu.memory_space<hbm>>
    tpu.wait_dma2 semaphore(%arg12 : memref<!tpu.dma_semaphore, #tpu.memory_space<semaphore_mem>>) src(%dma_wait3A_179 : memref<128x128xf32, #tpu.memory_space<hbm>>) dst(%dma_wait3A_178 : memref<128x128xf32, #tpu.memory_space<vmem>>)
    %add3A_180 = arith.constant 384 : i32
    %add3A_181 = arith.addi %mul3A_31, %add3A_180 : i32
    %dma_start3A_182 = arith.constant 1 : i32
    %dma_start3A_183 = arith.constant 0 : i32
    %dma_start3A_184 = arith.constant 0 : i32
    %dma_start3A_185 = tpu.memref_slice %arg6[%dma_start3A_182, %dma_start3A_183, %dma_start3A_184] : memref<2x128x128xf32, #tpu.memory_space<vmem>> -> memref<1x128x128xf32, #tpu.memory_space<vmem>>
    %dma_start3A_186 = tpu.memref_squeeze %dma_start3A_185 : memref<1x128x128xf32, #tpu.memory_space<vmem>> -> memref<128x128xf32, #tpu.memory_space<vmem>>
    %dma_start3A_187 = tpu.memref_slice %arg3[%mul3A_29, %add3A_181] : memref<1024x1024xf32, #tpu.memory_space<hbm>> -> memref<128x128xf32, #tpu.memory_space<hbm>>
    %dma_start3A_188 = arith.constant 0 : i32
    %dma_start3A_189 = arith.constant 0 : i32
    %dma_start3A_190 = tpu.memref_slice %arg6[%dma_start3A_182, %dma_start3A_188, %dma_start3A_189] : memref<2x128x128xf32, #tpu.memory_space<vmem>> -> memref<1x128x128xf32, #tpu.memory_space<vmem>>
    %dma_start3A_191 = tpu.memref_squeeze %dma_start3A_190 : memref<1x128x128xf32, #tpu.memory_space<vmem>> -> memref<128x128xf32, #tpu.memory_space<vmem>>
    %dma_start3A_192 = tpu.memref_slice %arg3[%mul3A_29, %add3A_181] : memref<1024x1024xf32, #tpu.memory_space<hbm>> -> memref<128x128xf32, #tpu.memory_space<hbm>>
    tpu.enqueue_dma source(%dma_start3A_192 : memref<128x128xf32, #tpu.memory_space<hbm>>) target(%dma_start3A_191 : memref<128x128xf32, #tpu.memory_space<vmem>>) target_semaphore(%arg14 : memref<!tpu.dma_semaphore, #tpu.memory_space<semaphore_mem>>)
    %scan3A_193 = arith.constant 0 : i32
    %scan3A_194 = arith.constant 0 : i32
    %scan3A_195 = arith.constant 8 : i32
    %scan3A_196 = arith.addi %scan3A_194, %scan3A_195 : i32
    %scan3A_197 = arith.constant 1 : i32
    %scan3A_198 = scf.for %scan3A_229 = %scan3A_194 to %scan3A_196 step %scan3A_197 iter_args(%scan3A_230 = %scan3A_193) -> (i32)  : i32 {
      %mul3A_231 = arith.constant 16 : i32
      %mul3A_232 = arith.muli %scan3A_229, %mul3A_231 : i32
      %add3A_233 = vector.broadcast %mul3A_232 : i32 to vector<16xi32>
      %add3A_234 = arith.addi %add3A_233, %iota3A : vector<16xi32>
      %scan3A_235 = arith.constant 0 : i32
      %scan3A_236 = arith.constant 8 : i32
      %scan3A_237 = arith.addi %scan3A_235, %scan3A_236 : i32
      %scan3A_238 = arith.constant 1 : i32
      %scan3A_239:2 = scf.for %scan3A_252 = %scan3A_235 to %scan3A_237 step %scan3A_238 iter_args(%scan3A_253 = %broadcast_in_dim3A_32, %scan3A_254 = %broadcast_in_dim3A_32) -> (vector<16xf32>, vector<16xf32>)  : i32 {
        %mul3A_255 = arith.constant 16 : i32
        %mul3A_256 = arith.muli %scan3A_252, %mul3A_255 : i32
        %mul3A_257 = arith.constant 16 : i32
        %mul3A_258 = arith.muli %scan3A_229, %mul3A_257 : i32
        %add3A_259 = arith.constant 256 : i32
        %add3A_260 = arith.addi %add3A_259, %mul3A_256 : i32
        %add3A_261 = arith.constant 0 : i32
        %add3A_262 = vector.broadcast %add3A_261 : i32 to vector<16xi32>
        %add3A_263 = arith.addi %iota3A, %add3A_262 : vector<16xi32>
        %and3A_264 = arith.constant 15 : i32
        %and3A_265 = vector.broadcast %and3A_264 : i32 to vector<16xi32>
        %and3A_266 = arith.andi %add3A_263, %and3A_265 : vector<16xi32>
        %sub3A_267 = arith.constant 0 : i32
        %sub3A_268 = vector.broadcast %sub3A_267 : i32 to vector<16xi32>
        %sub3A_269 = arith.subi %iota3A, %sub3A_268 : vector<16xi32>
        %and3A_270 = arith.constant 15 : i32
        %and3A_271 = vector.broadcast %and3A_270 : i32 to vector<16xi32>
        %and3A_272 = arith.andi %sub3A_269, %and3A_271 : vector<16xi32>
        %add3A_273 = vector.broadcast %mul3A_256 : i32 to vector<16xi32>
        %add3A_274 = arith.addi %add3A_273, %and3A_266 : vector<16xi32>
        %gather3A = arith.constant 0 : i32
        %gather3A_275 = arith.constant 0 : i32
        %gather3A_276 = tpu.memref_slice %arg6[%gather3A, %mul3A_258, %gather3A_275] : memref<2x128x128xf32, #tpu.memory_space<vmem>> -> memref<1x16x128xf32, #tpu.memory_space<vmem>>
        %gather3A_277 = tpu.memref_squeeze %gather3A_276 : memref<1x16x128xf32, #tpu.memory_space<vmem>> -> memref<16x128xf32, #tpu.memory_space<vmem>>
        %gather3A_278 = tpu.vector_load_idx %gather3A_277[%iota3A, %add3A_274] : memref<16x128xf32, #tpu.memory_space<vmem>>[vector<16xi32>, vector<16xi32>], vector<16xf32>,
        %gather3A_279 = arith.constant 0 : i32
        %gather3A_280 = tpu.memref_slice %arg5[%add3A_260, %gather3A_279] : memref<512x128xf32, #tpu.memory_space<vmem>> -> memref<16x128xf32, #tpu.memory_space<vmem>>
        %gather3A_281 = tpu.vector_load_idx %gather3A_280[%and3A_266, %add3A_234] : memref<16x128xf32, #tpu.memory_space<vmem>>[vector<16xi32>, vector<16xi32>], vector<16xf32>,
        %sub3A_282 = arith.subf %gather3A_281, %gather3A_278 : vector<16xf32>
        %mul3A_283 = arith.mulf %sub3A_282, %sub3A_282 : vector<16xf32>
        %add3A_284 = arith.addf %scan3A_253, %mul3A_283 : vector<16xf32>
        %ne3A_285 = arith.constant 0.000000e+00 : f32
        %ne3A_286 = vector.broadcast %ne3A_285 : f32 to vector<16xf32>
        %ne3A_287 = arith.cmpf one, %gather3A_278, %ne3A_286 : vector<16xf32>
        %jit3A_288 = arith.constant 1.000000e+00 : f32
        %jit3A_289 = arith.constant 0.000000e+00 : f32
        %broadcast_in_dim3A_290 = vector.broadcast %jit3A_288 : f32 to vector<16xf32>
        %broadcast_in_dim3A_291 = vector.broadcast %jit3A_289 : f32 to vector<16xf32>
        %select_n3A_292 = arith.select %ne3A_287, %broadcast_in_dim3A_290, %broadcast_in_dim3A_291 : vector<16xi1>, vector<16xf32>
        %add3A_293 = arith.addf %scan3A_254, %select_n3A_292 : vector<16xf32>
        %broadcast_in_dim3A_294 = vector.shape_cast %and3A_272 : vector<16xi32> to vector<16x1xi32>
        %gather3A_295 = vector.shape_cast %broadcast_in_dim3A_294 : vector<16x1xi32> to vector<16xi32>
        %gather3A_296 = tpu.dynamic_gather %select_n3A_292[%gather3A_295] in [0] : vector<16xf32>, vector<16xi32> -> vector<16xf32>
        %add3A_297 = arith.addf %broadcast_in_dim3A_32, %gather3A_296 : vector<16xf32>
        %add3A_298 = arith.constant 1 : i32
        %add3A_299 = vector.broadcast %add3A_298 : i32 to vector<16xi32>
        %add3A_300 = arith.addi %iota3A, %add3A_299 : vector<16xi32>
        %and3A_301 = arith.constant 15 : i32
        %and3A_302 = vector.broadcast %and3A_301 : i32 to vector<16xi32>
        %and3A_303 = arith.andi %add3A_300, %and3A_302 : vector<16xi32>
        %sub3A_304 = arith.constant 1 : i32
        %sub3A_305 = vector.broadcast %sub3A_304 : i32 to vector<16xi32>
        %sub3A_306 = arith.subi %iota3A, %sub3A_305 : vector<16xi32>
        %and3A_307 = arith.constant 15 : i32
        %and3A_308 = vector.broadcast %and3A_307 : i32 to vector<16xi32>
        %and3A_309 = arith.andi %sub3A_306, %and3A_308 : vector<16xi32>
        %add3A_310 = vector.broadcast %mul3A_256 : i32 to vector<16xi32>
        %add3A_311 = arith.addi %add3A_310, %and3A_303 : vector<16xi32>
        %gather3A_312 = arith.constant 0 : i32
        %gather3A_313 = arith.constant 0 : i32
        %gather3A_314 = tpu.memref_slice %arg6[%gather3A_312, %mul3A_258, %gather3A_313] : memref<2x128x128xf32, #tpu.memory_space<vmem>> -> memref<1x16x128xf32, #tpu.memory_space<vmem>>
        %gather3A_315 = tpu.memref_squeeze %gather3A_314 : memref<1x16x128xf32, #tpu.memory_space<vmem>> -> memref<16x128xf32, #tpu.memory_space<vmem>>
        %gather3A_316 = tpu.vector_load_idx %gather3A_315[%iota3A, %add3A_311] : memref<16x128xf32, #tpu.memory_space<vmem>>[vector<16xi32>, vector<16xi32>], vector<16xf32>,
        %gather3A_317 = arith.constant 0 : i32
        %gather3A_318 = tpu.memref_slice %arg5[%add3A_260, %gather3A_317] : memref<512x128xf32, #tpu.memory_space<vmem>> -> memref<16x128xf32, #tpu.memory_space<vmem>>
        %gather3A_319 = tpu.vector_load_idx %gather3A_318[%and3A_303, %add3A_234] : memref<16x128xf32, #tpu.memory_space<vmem>>[vector<16xi32>, vector<16xi32>], vector<16xf32>,
        %sub3A_320 = arith.subf %gather3A_319, %gather3A_316 : vector<16xf32>
        %mul3A_321 = arith.mulf %sub3A_320, %sub3A_320 : vector<16xf32>
        %add3A_322 = arith.addf %add3A_284, %mul3A_321 : vector<16xf32>
        %ne3A_323 = arith.constant 0.000000e+00 : f32
        %ne3A_324 = vector.broadcast %ne3A_323 : f32 to vector<16xf32>
        %ne3A_325 = arith.cmpf one, %gather3A_316, %ne3A_324 : vector<16xf32>
        %jit3A_326 = arith.constant 1.000000e+00 : f32
        %jit3A_327 = arith.constant 0.000000e+00 : f32
        %broadcast_in_dim3A_328 = vector.broadcast %jit3A_326 : f32 to vector<16xf32>
        %broadcast_in_dim3A_329 = vector.broadcast %jit3A_327 : f32 to vector<16xf32>
        %select_n3A_330 = arith.select %ne3A_325, %broadcast_in_dim3A_328, %broadcast_in_dim3A_329 : vector<16xi1>, vector<16xf32>
        %add3A_331 = arith.addf %add3A_293, %select_n3A_330 : vector<16xf32>
        %broadcast_in_dim3A_332 = vector.shape_cast %and3A_309 : vector<16xi32> to vector<16x1xi32>
        %gather3A_333 = vector.shape_cast %broadcast_in_dim3A_332 : vector<16x1xi32> to vector<16xi32>
        %gather3A_334 = tpu.dynamic_gather %select_n3A_330[%gather3A_333] in [0] : vector<16xf32>, vector<16xi32> -> vector<16xf32>
        %add3A_335 = arith.addf %add3A_297, %gather3A_334 : vector<16xf32>
        %add3A_336 = arith.constant 2 : i32
        %add3A_337 = vector.broadcast %add3A_336 : i32 to vector<16xi32>
        %add3A_338 = arith.addi %iota3A, %add3A_337 : vector<16xi32>
        %and3A_339 = arith.constant 15 : i32
        %and3A_340 = vector.broadcast %and3A_339 : i32 to vector<16xi32>
        %and3A_341 = arith.andi %add3A_338, %and3A_340 : vector<16xi32>
        %sub3A_342 = arith.constant 2 : i32
        %sub3A_343 = vector.broadcast %sub3A_342 : i32 to vector<16xi32>
        %sub3A_344 = arith.subi %iota3A, %sub3A_343 : vector<16xi32>
        %and3A_345 = arith.constant 15 : i32
        %and3A_346 = vector.broadcast %and3A_345 : i32 to vector<16xi32>
        %and3A_347 = arith.andi %sub3A_344, %and3A_346 : vector<16xi32>
        %add3A_348 = vector.broadcast %mul3A_256 : i32 to vector<16xi32>
        %add3A_349 = arith.addi %add3A_348, %and3A_341 : vector<16xi32>
        %gather3A_350 = arith.constant 0 : i32
        %gather3A_351 = arith.constant 0 : i32
        %gather3A_352 = tpu.memref_slice %arg6[%gather3A_350, %mul3A_258, %gather3A_351] : memref<2x128x128xf32, #tpu.memory_space<vmem>> -> memref<1x16x128xf32, #tpu.memory_space<vmem>>
        %gather3A_353 = tpu.memref_squeeze %gather3A_352 : memref<1x16x128xf32, #tpu.memory_space<vmem>> -> memref<16x128xf32, #tpu.memory_space<vmem>>
        %gather3A_354 = tpu.vector_load_idx %gather3A_353[%iota3A, %add3A_349] : memref<16x128xf32, #tpu.memory_space<vmem>>[vector<16xi32>, vector<16xi32>], vector<16xf32>,
        %gather3A_355 = arith.constant 0 : i32
        %gather3A_356 = tpu.memref_slice %arg5[%add3A_260, %gather3A_355] : memref<512x128xf32, #tpu.memory_space<vmem>> -> memref<16x128xf32, #tpu.memory_space<vmem>>
        %gather3A_357 = tpu.vector_load_idx %gather3A_356[%and3A_341, %add3A_234] : memref<16x128xf32, #tpu.memory_space<vmem>>[vector<16xi32>, vector<16xi32>], vector<16xf32>,
        %sub3A_358 = arith.subf %gather3A_357, %gather3A_354 : vector<16xf32>
        %mul3A_359 = arith.mulf %sub3A_358, %sub3A_358 : vector<16xf32>
        %add3A_360 = arith.addf %add3A_322, %mul3A_359 : vector<16xf32>
        %ne3A_361 = arith.constant 0.000000e+00 : f32
        %ne3A_362 = vector.broadcast %ne3A_361 : f32 to vector<16xf32>
        %ne3A_363 = arith.cmpf one, %gather3A_354, %ne3A_362 : vector<16xf32>
        %jit3A_364 = arith.constant 1.000000e+00 : f32
        %jit3A_365 = arith.constant 0.000000e+00 : f32
        %broadcast_in_dim3A_366 = vector.broadcast %jit3A_364 : f32 to vector<16xf32>
        %broadcast_in_dim3A_367 = vector.broadcast %jit3A_365 : f32 to vector<16xf32>
        %select_n3A_368 = arith.select %ne3A_363, %broadcast_in_dim3A_366, %broadcast_in_dim3A_367 : vector<16xi1>, vector<16xf32>
        %add3A_369 = arith.addf %add3A_331, %select_n3A_368 : vector<16xf32>
        %broadcast_in_dim3A_370 = vector.shape_cast %and3A_347 : vector<16xi32> to vector<16x1xi32>
        %gather3A_371 = vector.shape_cast %broadcast_in_dim3A_370 : vector<16x1xi32> to vector<16xi32>
        %gather3A_372 = tpu.dynamic_gather %select_n3A_368[%gather3A_371] in [0] : vector<16xf32>, vector<16xi32> -> vector<16xf32>
        %add3A_373 = arith.addf %add3A_335, %gather3A_372 : vector<16xf32>
        %add3A_374 = arith.constant 3 : i32
        %add3A_375 = vector.broadcast %add3A_374 : i32 to vector<16xi32>
        %add3A_376 = arith.addi %iota3A, %add3A_375 : vector<16xi32>
        %and3A_377 = arith.constant 15 : i32
        %and3A_378 = vector.broadcast %and3A_377 : i32 to vector<16xi32>
        %and3A_379 = arith.andi %add3A_376, %and3A_378 : vector<16xi32>
        %sub3A_380 = arith.constant 3 : i32
        %sub3A_381 = vector.broadcast %sub3A_380 : i32 to vector<16xi32>
        %sub3A_382 = arith.subi %iota3A, %sub3A_381 : vector<16xi32>
        %and3A_383 = arith.constant 15 : i32
        %and3A_384 = vector.broadcast %and3A_383 : i32 to vector<16xi32>
        %and3A_385 = arith.andi %sub3A_382, %and3A_384 : vector<16xi32>
        %add3A_386 = vector.broadcast %mul3A_256 : i32 to vector<16xi32>
        %add3A_387 = arith.addi %add3A_386, %and3A_379 : vector<16xi32>
        %gather3A_388 = arith.constant 0 : i32
        %gather3A_389 = arith.constant 0 : i32
        %gather3A_390 = tpu.memref_slice %arg6[%gather3A_388, %mul3A_258, %gather3A_389] : memref<2x128x128xf32, #tpu.memory_space<vmem>> -> memref<1x16x128xf32, #tpu.memory_space<vmem>>
        %gather3A_391 = tpu.memref_squeeze %gather3A_390 : memref<1x16x128xf32, #tpu.memory_space<vmem>> -> memref<16x128xf32, #tpu.memory_space<vmem>>
        %gather3A_392 = tpu.vector_load_idx %gather3A_391[%iota3A, %add3A_387] : memref<16x128xf32, #tpu.memory_space<vmem>>[vector<16xi32>, vector<16xi32>], vector<16xf32>,
        %gather3A_393 = arith.constant 0 : i32
        %gather3A_394 = tpu.memref_slice %arg5[%add3A_260, %gather3A_393] : memref<512x128xf32, #tpu.memory_space<vmem>> -> memref<16x128xf32, #tpu.memory_space<vmem>>
        %gather3A_395 = tpu.vector_load_idx %gather3A_394[%and3A_379, %add3A_234] : memref<16x128xf32, #tpu.memory_space<vmem>>[vector<16xi32>, vector<16xi32>], vector<16xf32>,
        %sub3A_396 = arith.subf %gather3A_395, %gather3A_392 : vector<16xf32>
        %mul3A_397 = arith.mulf %sub3A_396, %sub3A_396 : vector<16xf32>
        %add3A_398 = arith.addf %add3A_360, %mul3A_397 : vector<16xf32>
        %ne3A_399 = arith.constant 0.000000e+00 : f32
        %ne3A_400 = vector.broadcast %ne3A_399 : f32 to vector<16xf32>
        %ne3A_401 = arith.cmpf one, %gather3A_392, %ne3A_400 : vector<16xf32>
        %jit3A_402 = arith.constant 1.000000e+00 : f32
        %jit3A_403 = arith.constant 0.000000e+00 : f32
        %broadcast_in_dim3A_404 = vector.broadcast %jit3A_402 : f32 to vector<16xf32>
        %broadcast_in_dim3A_405 = vector.broadcast %jit3A_403 : f32 to vector<16xf32>
        %select_n3A_406 = arith.select %ne3A_401, %broadcast_in_dim3A_404, %broadcast_in_dim3A_405 : vector<16xi1>, vector<16xf32>
        %add3A_407 = arith.addf %add3A_369, %select_n3A_406 : vector<16xf32>
        %broadcast_in_dim3A_408 = vector.shape_cast %and3A_385 : vector<16xi32> to vector<16x1xi32>
        %gather3A_409 = vector.shape_cast %broadcast_in_dim3A_408 : vector<16x1xi32> to vector<16xi32>
        %gather3A_410 = tpu.dynamic_gather %select_n3A_406[%gather3A_409] in [0] : vector<16xf32>, vector<16xi32> -> vector<16xf32>
        %add3A_411 = arith.addf %add3A_373, %gather3A_410 : vector<16xf32>
        %add3A_412 = arith.constant 4 : i32
        %add3A_413 = vector.broadcast %add3A_412 : i32 to vector<16xi32>
        %add3A_414 = arith.addi %iota3A, %add3A_413 : vector<16xi32>
        %and3A_415 = arith.constant 15 : i32
        %and3A_416 = vector.broadcast %and3A_415 : i32 to vector<16xi32>
        %and3A_417 = arith.andi %add3A_414, %and3A_416 : vector<16xi32>
        %sub3A_418 = arith.constant 4 : i32
        %sub3A_419 = vector.broadcast %sub3A_418 : i32 to vector<16xi32>
        %sub3A_420 = arith.subi %iota3A, %sub3A_419 : vector<16xi32>
        %and3A_421 = arith.constant 15 : i32
        %and3A_422 = vector.broadcast %and3A_421 : i32 to vector<16xi32>
        %and3A_423 = arith.andi %sub3A_420, %and3A_422 : vector<16xi32>
        %add3A_424 = vector.broadcast %mul3A_256 : i32 to vector<16xi32>
        %add3A_425 = arith.addi %add3A_424, %and3A_417 : vector<16xi32>
        %gather3A_426 = arith.constant 0 : i32
        %gather3A_427 = arith.constant 0 : i32
        %gather3A_428 = tpu.memref_slice %arg6[%gather3A_426, %mul3A_258, %gather3A_427] : memref<2x128x128xf32, #tpu.memory_space<vmem>> -> memref<1x16x128xf32, #tpu.memory_space<vmem>>
        %gather3A_429 = tpu.memref_squeeze %gather3A_428 : memref<1x16x128xf32, #tpu.memory_space<vmem>> -> memref<16x128xf32, #tpu.memory_space<vmem>>
        %gather3A_430 = tpu.vector_load_idx %gather3A_429[%iota3A, %add3A_425] : memref<16x128xf32, #tpu.memory_space<vmem>>[vector<16xi32>, vector<16xi32>], vector<16xf32>,
        %gather3A_431 = arith.constant 0 : i32
        %gather3A_432 = tpu.memref_slice %arg5[%add3A_260, %gather3A_431] : memref<512x128xf32, #tpu.memory_space<vmem>> -> memref<16x128xf32, #tpu.memory_space<vmem>>
        %gather3A_433 = tpu.vector_load_idx %gather3A_432[%and3A_417, %add3A_234] : memref<16x128xf32, #tpu.memory_space<vmem>>[vector<16xi32>, vector<16xi32>], vector<16xf32>,
        %sub3A_434 = arith.subf %gather3A_433, %gather3A_430 : vector<16xf32>
        %mul3A_435 = arith.mulf %sub3A_434, %sub3A_434 : vector<16xf32>
        %add3A_436 = arith.addf %add3A_398, %mul3A_435 : vector<16xf32>
        %ne3A_437 = arith.constant 0.000000e+00 : f32
        %ne3A_438 = vector.broadcast %ne3A_437 : f32 to vector<16xf32>
        %ne3A_439 = arith.cmpf one, %gather3A_430, %ne3A_438 : vector<16xf32>
        %jit3A_440 = arith.constant 1.000000e+00 : f32
        %jit3A_441 = arith.constant 0.000000e+00 : f32
        %broadcast_in_dim3A_442 = vector.broadcast %jit3A_440 : f32 to vector<16xf32>
        %broadcast_in_dim3A_443 = vector.broadcast %jit3A_441 : f32 to vector<16xf32>
        %select_n3A_444 = arith.select %ne3A_439, %broadcast_in_dim3A_442, %broadcast_in_dim3A_443 : vector<16xi1>, vector<16xf32>
        %add3A_445 = arith.addf %add3A_407, %select_n3A_444 : vector<16xf32>
        %broadcast_in_dim3A_446 = vector.shape_cast %and3A_423 : vector<16xi32> to vector<16x1xi32>
        %gather3A_447 = vector.shape_cast %broadcast_in_dim3A_446 : vector<16x1xi32> to vector<16xi32>
        %gather3A_448 = tpu.dynamic_gather %select_n3A_444[%gather3A_447] in [0] : vector<16xf32>, vector<16xi32> -> vector<16xf32>
        %add3A_449 = arith.addf %add3A_411, %gather3A_448 : vector<16xf32>
        %add3A_450 = arith.constant 5 : i32
        %add3A_451 = vector.broadcast %add3A_450 : i32 to vector<16xi32>
        %add3A_452 = arith.addi %iota3A, %add3A_451 : vector<16xi32>
        %and3A_453 = arith.constant 15 : i32
        %and3A_454 = vector.broadcast %and3A_453 : i32 to vector<16xi32>
        %and3A_455 = arith.andi %add3A_452, %and3A_454 : vector<16xi32>
        %sub3A_456 = arith.constant 5 : i32
        %sub3A_457 = vector.broadcast %sub3A_456 : i32 to vector<16xi32>
        %sub3A_458 = arith.subi %iota3A, %sub3A_457 : vector<16xi32>
        %and3A_459 = arith.constant 15 : i32
        %and3A_460 = vector.broadcast %and3A_459 : i32 to vector<16xi32>
        %and3A_461 = arith.andi %sub3A_458, %and3A_460 : vector<16xi32>
        %add3A_462 = vector.broadcast %mul3A_256 : i32 to vector<16xi32>
        %add3A_463 = arith.addi %add3A_462, %and3A_455 : vector<16xi32>
        %gather3A_464 = arith.constant 0 : i32
        %gather3A_465 = arith.constant 0 : i32
        %gather3A_466 = tpu.memref_slice %arg6[%gather3A_464, %mul3A_258, %gather3A_465] : memref<2x128x128xf32, #tpu.memory_space<vmem>> -> memref<1x16x128xf32, #tpu.memory_space<vmem>>
        %gather3A_467 = tpu.memref_squeeze %gather3A_466 : memref<1x16x128xf32, #tpu.memory_space<vmem>> -> memref<16x128xf32, #tpu.memory_space<vmem>>
        %gather3A_468 = tpu.vector_load_idx %gather3A_467[%iota3A, %add3A_463] : memref<16x128xf32, #tpu.memory_space<vmem>>[vector<16xi32>, vector<16xi32>], vector<16xf32>,
        %gather3A_469 = arith.constant 0 : i32
        %gather3A_470 = tpu.memref_slice %arg5[%add3A_260, %gather3A_469] : memref<512x128xf32, #tpu.memory_space<vmem>> -> memref<16x128xf32, #tpu.memory_space<vmem>>
        %gather3A_471 = tpu.vector_load_idx %gather3A_470[%and3A_455, %add3A_234] : memref<16x128xf32, #tpu.memory_space<vmem>>[vector<16xi32>, vector<16xi32>], vector<16xf32>,
        %sub3A_472 = arith.subf %gather3A_471, %gather3A_468 : vector<16xf32>
        %mul3A_473 = arith.mulf %sub3A_472, %sub3A_472 : vector<16xf32>
        %add3A_474 = arith.addf %add3A_436, %mul3A_473 : vector<16xf32>
        %ne3A_475 = arith.constant 0.000000e+00 : f32
        %ne3A_476 = vector.broadcast %ne3A_475 : f32 to vector<16xf32>
        %ne3A_477 = arith.cmpf one, %gather3A_468, %ne3A_476 : vector<16xf32>
        %jit3A_478 = arith.constant 1.000000e+00 : f32
        %jit3A_479 = arith.constant 0.000000e+00 : f32
        %broadcast_in_dim3A_480 = vector.broadcast %jit3A_478 : f32 to vector<16xf32>
        %broadcast_in_dim3A_481 = vector.broadcast %jit3A_479 : f32 to vector<16xf32>
        %select_n3A_482 = arith.select %ne3A_477, %broadcast_in_dim3A_480, %broadcast_in_dim3A_481 : vector<16xi1>, vector<16xf32>
        %add3A_483 = arith.addf %add3A_445, %select_n3A_482 : vector<16xf32>
        %broadcast_in_dim3A_484 = vector.shape_cast %and3A_461 : vector<16xi32> to vector<16x1xi32>
        %gather3A_485 = vector.shape_cast %broadcast_in_dim3A_484 : vector<16x1xi32> to vector<16xi32>
        %gather3A_486 = tpu.dynamic_gather %select_n3A_482[%gather3A_485] in [0] : vector<16xf32>, vector<16xi32> -> vector<16xf32>
        %add3A_487 = arith.addf %add3A_449, %gather3A_486 : vector<16xf32>
        %add3A_488 = arith.constant 6 : i32
        %add3A_489 = vector.broadcast %add3A_488 : i32 to vector<16xi32>
        %add3A_490 = arith.addi %iota3A, %add3A_489 : vector<16xi32>
        %and3A_491 = arith.constant 15 : i32
        %and3A_492 = vector.broadcast %and3A_491 : i32 to vector<16xi32>
        %and3A_493 = arith.andi %add3A_490, %and3A_492 : vector<16xi32>
        %sub3A_494 = arith.constant 6 : i32
        %sub3A_495 = vector.broadcast %sub3A_494 : i32 to vector<16xi32>
        %sub3A_496 = arith.subi %iota3A, %sub3A_495 : vector<16xi32>
        %and3A_497 = arith.constant 15 : i32
        %and3A_498 = vector.broadcast %and3A_497 : i32 to vector<16xi32>
        %and3A_499 = arith.andi %sub3A_496, %and3A_498 : vector<16xi32>
        %add3A_500 = vector.broadcast %mul3A_256 : i32 to vector<16xi32>
        %add3A_501 = arith.addi %add3A_500, %and3A_493 : vector<16xi32>
        %gather3A_502 = arith.constant 0 : i32
        %gather3A_503 = arith.constant 0 : i32
        %gather3A_504 = tpu.memref_slice %arg6[%gather3A_502, %mul3A_258, %gather3A_503] : memref<2x128x128xf32, #tpu.memory_space<vmem>> -> memref<1x16x128xf32, #tpu.memory_space<vmem>>
        %gather3A_505 = tpu.memref_squeeze %gather3A_504 : memref<1x16x128xf32, #tpu.memory_space<vmem>> -> memref<16x128xf32, #tpu.memory_space<vmem>>
        %gather3A_506 = tpu.vector_load_idx %gather3A_505[%iota3A, %add3A_501] : memref<16x128xf32, #tpu.memory_space<vmem>>[vector<16xi32>, vector<16xi32>], vector<16xf32>,
        %gather3A_507 = arith.constant 0 : i32
        %gather3A_508 = tpu.memref_slice %arg5[%add3A_260, %gather3A_507] : memref<512x128xf32, #tpu.memory_space<vmem>> -> memref<16x128xf32, #tpu.memory_space<vmem>>
        %gather3A_509 = tpu.vector_load_idx %gather3A_508[%and3A_493, %add3A_234] : memref<16x128xf32, #tpu.memory_space<vmem>>[vector<16xi32>, vector<16xi32>], vector<16xf32>,
        %sub3A_510 = arith.subf %gather3A_509, %gather3A_506 : vector<16xf32>
        %mul3A_511 = arith.mulf %sub3A_510, %sub3A_510 : vector<16xf32>
        %add3A_512 = arith.addf %add3A_474, %mul3A_511 : vector<16xf32>
        %ne3A_513 = arith.constant 0.000000e+00 : f32
        %ne3A_514 = vector.broadcast %ne3A_513 : f32 to vector<16xf32>
        %ne3A_515 = arith.cmpf one, %gather3A_506, %ne3A_514 : vector<16xf32>
        %jit3A_516 = arith.constant 1.000000e+00 : f32
        %jit3A_517 = arith.constant 0.000000e+00 : f32
        %broadcast_in_dim3A_518 = vector.broadcast %jit3A_516 : f32 to vector<16xf32>
        %broadcast_in_dim3A_519 = vector.broadcast %jit3A_517 : f32 to vector<16xf32>
        %select_n3A_520 = arith.select %ne3A_515, %broadcast_in_dim3A_518, %broadcast_in_dim3A_519 : vector<16xi1>, vector<16xf32>
        %add3A_521 = arith.addf %add3A_483, %select_n3A_520 : vector<16xf32>
        %broadcast_in_dim3A_522 = vector.shape_cast %and3A_499 : vector<16xi32> to vector<16x1xi32>
        %gather3A_523 = vector.shape_cast %broadcast_in_dim3A_522 : vector<16x1xi32> to vector<16xi32>
        %gather3A_524 = tpu.dynamic_gather %select_n3A_520[%gather3A_523] in [0] : vector<16xf32>, vector<16xi32> -> vector<16xf32>
        %add3A_525 = arith.addf %add3A_487, %gather3A_524 : vector<16xf32>
        %add3A_526 = arith.constant 7 : i32
        %add3A_527 = vector.broadcast %add3A_526 : i32 to vector<16xi32>
        %add3A_528 = arith.addi %iota3A, %add3A_527 : vector<16xi32>
        %and3A_529 = arith.constant 15 : i32
        %and3A_530 = vector.broadcast %and3A_529 : i32 to vector<16xi32>
        %and3A_531 = arith.andi %add3A_528, %and3A_530 : vector<16xi32>
        %sub3A_532 = arith.constant 7 : i32
        %sub3A_533 = vector.broadcast %sub3A_532 : i32 to vector<16xi32>
        %sub3A_534 = arith.subi %iota3A, %sub3A_533 : vector<16xi32>
        %and3A_535 = arith.constant 15 : i32
        %and3A_536 = vector.broadcast %and3A_535 : i32 to vector<16xi32>
        %and3A_537 = arith.andi %sub3A_534, %and3A_536 : vector<16xi32>
        %add3A_538 = vector.broadcast %mul3A_256 : i32 to vector<16xi32>
        %add3A_539 = arith.addi %add3A_538, %and3A_531 : vector<16xi32>
        %gather3A_540 = arith.constant 0 : i32
        %gather3A_541 = arith.constant 0 : i32
        %gather3A_542 = tpu.memref_slice %arg6[%gather3A_540, %mul3A_258, %gather3A_541] : memref<2x128x128xf32, #tpu.memory_space<vmem>> -> memref<1x16x128xf32, #tpu.memory_space<vmem>>
        %gather3A_543 = tpu.memref_squeeze %gather3A_542 : memref<1x16x128xf32, #tpu.memory_space<vmem>> -> memref<16x128xf32, #tpu.memory_space<vmem>>
        %gather3A_544 = tpu.vector_load_idx %gather3A_543[%iota3A, %add3A_539] : memref<16x128xf32, #tpu.memory_space<vmem>>[vector<16xi32>, vector<16xi32>], vector<16xf32>,
        %gather3A_545 = arith.constant 0 : i32
        %gather3A_546 = tpu.memref_slice %arg5[%add3A_260, %gather3A_545] : memref<512x128xf32, #tpu.memory_space<vmem>> -> memref<16x128xf32, #tpu.memory_space<vmem>>
        %gather3A_547 = tpu.vector_load_idx %gather3A_546[%and3A_531, %add3A_234] : memref<16x128xf32, #tpu.memory_space<vmem>>[vector<16xi32>, vector<16xi32>], vector<16xf32>,
        %sub3A_548 = arith.subf %gather3A_547, %gather3A_544 : vector<16xf32>
        %mul3A_549 = arith.mulf %sub3A_548, %sub3A_548 : vector<16xf32>
        %add3A_550 = arith.addf %add3A_512, %mul3A_549 : vector<16xf32>
        %ne3A_551 = arith.constant 0.000000e+00 : f32
        %ne3A_552 = vector.broadcast %ne3A_551 : f32 to vector<16xf32>
        %ne3A_553 = arith.cmpf one, %gather3A_544, %ne3A_552 : vector<16xf32>
        %jit3A_554 = arith.constant 1.000000e+00 : f32
        %jit3A_555 = arith.constant 0.000000e+00 : f32
        %broadcast_in_dim3A_556 = vector.broadcast %jit3A_554 : f32 to vector<16xf32>
        %broadcast_in_dim3A_557 = vector.broadcast %jit3A_555 : f32 to vector<16xf32>
        %select_n3A_558 = arith.select %ne3A_553, %broadcast_in_dim3A_556, %broadcast_in_dim3A_557 : vector<16xi1>, vector<16xf32>
        %add3A_559 = arith.addf %add3A_521, %select_n3A_558 : vector<16xf32>
        %broadcast_in_dim3A_560 = vector.shape_cast %and3A_537 : vector<16xi32> to vector<16x1xi32>
        %gather3A_561 = vector.shape_cast %broadcast_in_dim3A_560 : vector<16x1xi32> to vector<16xi32>
        %gather3A_562 = tpu.dynamic_gather %select_n3A_558[%gather3A_561] in [0] : vector<16xf32>, vector<16xi32> -> vector<16xf32>
        %add3A_563 = arith.addf %add3A_525, %gather3A_562 : vector<16xf32>
        %add3A_564 = arith.constant 8 : i32
        %add3A_565 = vector.broadcast %add3A_564 : i32 to vector<16xi32>
        %add3A_566 = arith.addi %iota3A, %add3A_565 : vector<16xi32>
        %and3A_567 = arith.constant 15 : i32
        %and3A_568 = vector.broadcast %and3A_567 : i32 to vector<16xi32>
        %and3A_569 = arith.andi %add3A_566, %and3A_568 : vector<16xi32>
        %sub3A_570 = arith.constant 8 : i32
        %sub3A_571 = vector.broadcast %sub3A_570 : i32 to vector<16xi32>
        %sub3A_572 = arith.subi %iota3A, %sub3A_571 : vector<16xi32>
        %and3A_573 = arith.constant 15 : i32
        %and3A_574 = vector.broadcast %and3A_573 : i32 to vector<16xi32>
        %and3A_575 = arith.andi %sub3A_572, %and3A_574 : vector<16xi32>
        %add3A_576 = vector.broadcast %mul3A_256 : i32 to vector<16xi32>
        %add3A_577 = arith.addi %add3A_576, %and3A_569 : vector<16xi32>
        %gather3A_578 = arith.constant 0 : i32
        %gather3A_579 = arith.constant 0 : i32
        %gather3A_580 = tpu.memref_slice %arg6[%gather3A_578, %mul3A_258, %gather3A_579] : memref<2x128x128xf32, #tpu.memory_space<vmem>> -> memref<1x16x128xf32, #tpu.memory_space<vmem>>
        %gather3A_581 = tpu.memref_squeeze %gather3A_580 : memref<1x16x128xf32, #tpu.memory_space<vmem>> -> memref<16x128xf32, #tpu.memory_space<vmem>>
        %gather3A_582 = tpu.vector_load_idx %gather3A_581[%iota3A, %add3A_577] : memref<16x128xf32, #tpu.memory_space<vmem>>[vector<16xi32>, vector<16xi32>], vector<16xf32>,
        %gather3A_583 = arith.constant 0 : i32
        %gather3A_584 = tpu.memref_slice %arg5[%add3A_260, %gather3A_583] : memref<512x128xf32, #tpu.memory_space<vmem>> -> memref<16x128xf32, #tpu.memory_space<vmem>>
        %gather3A_585 = tpu.vector_load_idx %gather3A_584[%and3A_569, %add3A_234] : memref<16x128xf32, #tpu.memory_space<vmem>>[vector<16xi32>, vector<16xi32>], vector<16xf32>,
        %sub3A_586 = arith.subf %gather3A_585, %gather3A_582 : vector<16xf32>
        %mul3A_587 = arith.mulf %sub3A_586, %sub3A_586 : vector<16xf32>
        %add3A_588 = arith.addf %add3A_550, %mul3A_587 : vector<16xf32>
        %ne3A_589 = arith.constant 0.000000e+00 : f32
        %ne3A_590 = vector.broadcast %ne3A_589 : f32 to vector<16xf32>
        %ne3A_591 = arith.cmpf one, %gather3A_582, %ne3A_590 : vector<16xf32>
        %jit3A_592 = arith.constant 1.000000e+00 : f32
        %jit3A_593 = arith.constant 0.000000e+00 : f32
        %broadcast_in_dim3A_594 = vector.broadcast %jit3A_592 : f32 to vector<16xf32>
        %broadcast_in_dim3A_595 = vector.broadcast %jit3A_593 : f32 to vector<16xf32>
        %select_n3A_596 = arith.select %ne3A_591, %broadcast_in_dim3A_594, %broadcast_in_dim3A_595 : vector<16xi1>, vector<16xf32>
        %add3A_597 = arith.addf %add3A_559, %select_n3A_596 : vector<16xf32>
        %broadcast_in_dim3A_598 = vector.shape_cast %and3A_575 : vector<16xi32> to vector<16x1xi32>
        %gather3A_599 = vector.shape_cast %broadcast_in_dim3A_598 : vector<16x1xi32> to vector<16xi32>
        %gather3A_600 = tpu.dynamic_gather %select_n3A_596[%gather3A_599] in [0] : vector<16xf32>, vector<16xi32> -> vector<16xf32>
        %add3A_601 = arith.addf %add3A_563, %gather3A_600 : vector<16xf32>
        %add3A_602 = arith.constant 9 : i32
        %add3A_603 = vector.broadcast %add3A_602 : i32 to vector<16xi32>
        %add3A_604 = arith.addi %iota3A, %add3A_603 : vector<16xi32>
        %and3A_605 = arith.constant 15 : i32
        %and3A_606 = vector.broadcast %and3A_605 : i32 to vector<16xi32>
        %and3A_607 = arith.andi %add3A_604, %and3A_606 : vector<16xi32>
        %sub3A_608 = arith.constant 9 : i32
        %sub3A_609 = vector.broadcast %sub3A_608 : i32 to vector<16xi32>
        %sub3A_610 = arith.subi %iota3A, %sub3A_609 : vector<16xi32>
        %and3A_611 = arith.constant 15 : i32
        %and3A_612 = vector.broadcast %and3A_611 : i32 to vector<16xi32>
        %and3A_613 = arith.andi %sub3A_610, %and3A_612 : vector<16xi32>
        %add3A_614 = vector.broadcast %mul3A_256 : i32 to vector<16xi32>
        %add3A_615 = arith.addi %add3A_614, %and3A_607 : vector<16xi32>
        %gather3A_616 = arith.constant 0 : i32
        %gather3A_617 = arith.constant 0 : i32
        %gather3A_618 = tpu.memref_slice %arg6[%gather3A_616, %mul3A_258, %gather3A_617] : memref<2x128x128xf32, #tpu.memory_space<vmem>> -> memref<1x16x128xf32, #tpu.memory_space<vmem>>
        %gather3A_619 = tpu.memref_squeeze %gather3A_618 : memref<1x16x128xf32, #tpu.memory_space<vmem>> -> memref<16x128xf32, #tpu.memory_space<vmem>>
        %gather3A_620 = tpu.vector_load_idx %gather3A_619[%iota3A, %add3A_615] : memref<16x128xf32, #tpu.memory_space<vmem>>[vector<16xi32>, vector<16xi32>], vector<16xf32>,
        %gather3A_621 = arith.constant 0 : i32
        %gather3A_622 = tpu.memref_slice %arg5[%add3A_260, %gather3A_621] : memref<512x128xf32, #tpu.memory_space<vmem>> -> memref<16x128xf32, #tpu.memory_space<vmem>>
        %gather3A_623 = tpu.vector_load_idx %gather3A_622[%and3A_607, %add3A_234] : memref<16x128xf32, #tpu.memory_space<vmem>>[vector<16xi32>, vector<16xi32>], vector<16xf32>,
        %sub3A_624 = arith.subf %gather3A_623, %gather3A_620 : vector<16xf32>
        %mul3A_625 = arith.mulf %sub3A_624, %sub3A_624 : vector<16xf32>
        %add3A_626 = arith.addf %add3A_588, %mul3A_625 : vector<16xf32>
        %ne3A_627 = arith.constant 0.000000e+00 : f32
        %ne3A_628 = vector.broadcast %ne3A_627 : f32 to vector<16xf32>
        %ne3A_629 = arith.cmpf one, %gather3A_620, %ne3A_628 : vector<16xf32>
        %jit3A_630 = arith.constant 1.000000e+00 : f32
        %jit3A_631 = arith.constant 0.000000e+00 : f32
        %broadcast_in_dim3A_632 = vector.broadcast %jit3A_630 : f32 to vector<16xf32>
        %broadcast_in_dim3A_633 = vector.broadcast %jit3A_631 : f32 to vector<16xf32>
        %select_n3A_634 = arith.select %ne3A_629, %broadcast_in_dim3A_632, %broadcast_in_dim3A_633 : vector<16xi1>, vector<16xf32>
        %add3A_635 = arith.addf %add3A_597, %select_n3A_634 : vector<16xf32>
        %broadcast_in_dim3A_636 = vector.shape_cast %and3A_613 : vector<16xi32> to vector<16x1xi32>
        %gather3A_637 = vector.shape_cast %broadcast_in_dim3A_636 : vector<16x1xi32> to vector<16xi32>
        %gather3A_638 = tpu.dynamic_gather %select_n3A_634[%gather3A_637] in [0] : vector<16xf32>, vector<16xi32> -> vector<16xf32>
        %add3A_639 = arith.addf %add3A_601, %gather3A_638 : vector<16xf32>
        %add3A_640 = arith.constant 10 : i32
        %add3A_641 = vector.broadcast %add3A_640 : i32 to vector<16xi32>
        %add3A_642 = arith.addi %iota3A, %add3A_641 : vector<16xi32>
        %and3A_643 = arith.constant 15 : i32
        %and3A_644 = vector.broadcast %and3A_643 : i32 to vector<16xi32>
        %and3A_645 = arith.andi %add3A_642, %and3A_644 : vector<16xi32>
        %sub3A_646 = arith.constant 10 : i32
        %sub3A_647 = vector.broadcast %sub3A_646 : i32 to vector<16xi32>
        %sub3A_648 = arith.subi %iota3A, %sub3A_647 : vector<16xi32>
        %and3A_649 = arith.constant 15 : i32
        %and3A_650 = vector.broadcast %and3A_649 : i32 to vector<16xi32>
        %and3A_651 = arith.andi %sub3A_648, %and3A_650 : vector<16xi32>
        %add3A_652 = vector.broadcast %mul3A_256 : i32 to vector<16xi32>
        %add3A_653 = arith.addi %add3A_652, %and3A_645 : vector<16xi32>
        %gather3A_654 = arith.constant 0 : i32
        %gather3A_655 = arith.constant 0 : i32
        %gather3A_656 = tpu.memref_slice %arg6[%gather3A_654, %mul3A_258, %gather3A_655] : memref<2x128x128xf32, #tpu.memory_space<vmem>> -> memref<1x16x128xf32, #tpu.memory_space<vmem>>
        %gather3A_657 = tpu.memref_squeeze %gather3A_656 : memref<1x16x128xf32, #tpu.memory_space<vmem>> -> memref<16x128xf32, #tpu.memory_space<vmem>>
        %gather3A_658 = tpu.vector_load_idx %gather3A_657[%iota3A, %add3A_653] : memref<16x128xf32, #tpu.memory_space<vmem>>[vector<16xi32>, vector<16xi32>], vector<16xf32>,
        %gather3A_659 = arith.constant 0 : i32
        %gather3A_660 = tpu.memref_slice %arg5[%add3A_260, %gather3A_659] : memref<512x128xf32, #tpu.memory_space<vmem>> -> memref<16x128xf32, #tpu.memory_space<vmem>>
        %gather3A_661 = tpu.vector_load_idx %gather3A_660[%and3A_645, %add3A_234] : memref<16x128xf32, #tpu.memory_space<vmem>>[vector<16xi32>, vector<16xi32>], vector<16xf32>,
        %sub3A_662 = arith.subf %gather3A_661, %gather3A_658 : vector<16xf32>
        %mul3A_663 = arith.mulf %sub3A_662, %sub3A_662 : vector<16xf32>
        %add3A_664 = arith.addf %add3A_626, %mul3A_663 : vector<16xf32>
        %ne3A_665 = arith.constant 0.000000e+00 : f32
        %ne3A_666 = vector.broadcast %ne3A_665 : f32 to vector<16xf32>
        %ne3A_667 = arith.cmpf one, %gather3A_658, %ne3A_666 : vector<16xf32>
        %jit3A_668 = arith.constant 1.000000e+00 : f32
        %jit3A_669 = arith.constant 0.000000e+00 : f32
        %broadcast_in_dim3A_670 = vector.broadcast %jit3A_668 : f32 to vector<16xf32>
        %broadcast_in_dim3A_671 = vector.broadcast %jit3A_669 : f32 to vector<16xf32>
        %select_n3A_672 = arith.select %ne3A_667, %broadcast_in_dim3A_670, %broadcast_in_dim3A_671 : vector<16xi1>, vector<16xf32>
        %add3A_673 = arith.addf %add3A_635, %select_n3A_672 : vector<16xf32>
        %broadcast_in_dim3A_674 = vector.shape_cast %and3A_651 : vector<16xi32> to vector<16x1xi32>
        %gather3A_675 = vector.shape_cast %broadcast_in_dim3A_674 : vector<16x1xi32> to vector<16xi32>
        %gather3A_676 = tpu.dynamic_gather %select_n3A_672[%gather3A_675] in [0] : vector<16xf32>, vector<16xi32> -> vector<16xf32>
        %add3A_677 = arith.addf %add3A_639, %gather3A_676 : vector<16xf32>
        %add3A_678 = arith.constant 11 : i32
        %add3A_679 = vector.broadcast %add3A_678 : i32 to vector<16xi32>
        %add3A_680 = arith.addi %iota3A, %add3A_679 : vector<16xi32>
        %and3A_681 = arith.constant 15 : i32
        %and3A_682 = vector.broadcast %and3A_681 : i32 to vector<16xi32>
        %and3A_683 = arith.andi %add3A_680, %and3A_682 : vector<16xi32>
        %sub3A_684 = arith.constant 11 : i32
        %sub3A_685 = vector.broadcast %sub3A_684 : i32 to vector<16xi32>
        %sub3A_686 = arith.subi %iota3A, %sub3A_685 : vector<16xi32>
        %and3A_687 = arith.constant 15 : i32
        %and3A_688 = vector.broadcast %and3A_687 : i32 to vector<16xi32>
        %and3A_689 = arith.andi %sub3A_686, %and3A_688 : vector<16xi32>
        %add3A_690 = vector.broadcast %mul3A_256 : i32 to vector<16xi32>
        %add3A_691 = arith.addi %add3A_690, %and3A_683 : vector<16xi32>
        %gather3A_692 = arith.constant 0 : i32
        %gather3A_693 = arith.constant 0 : i32
        %gather3A_694 = tpu.memref_slice %arg6[%gather3A_692, %mul3A_258, %gather3A_693] : memref<2x128x128xf32, #tpu.memory_space<vmem>> -> memref<1x16x128xf32, #tpu.memory_space<vmem>>
        %gather3A_695 = tpu.memref_squeeze %gather3A_694 : memref<1x16x128xf32, #tpu.memory_space<vmem>> -> memref<16x128xf32, #tpu.memory_space<vmem>>
        %gather3A_696 = tpu.vector_load_idx %gather3A_695[%iota3A, %add3A_691] : memref<16x128xf32, #tpu.memory_space<vmem>>[vector<16xi32>, vector<16xi32>], vector<16xf32>,
        %gather3A_697 = arith.constant 0 : i32
        %gather3A_698 = tpu.memref_slice %arg5[%add3A_260, %gather3A_697] : memref<512x128xf32, #tpu.memory_space<vmem>> -> memref<16x128xf32, #tpu.memory_space<vmem>>
        %gather3A_699 = tpu.vector_load_idx %gather3A_698[%and3A_683, %add3A_234] : memref<16x128xf32, #tpu.memory_space<vmem>>[vector<16xi32>, vector<16xi32>], vector<16xf32>,
        %sub3A_700 = arith.subf %gather3A_699, %gather3A_696 : vector<16xf32>
        %mul3A_701 = arith.mulf %sub3A_700, %sub3A_700 : vector<16xf32>
        %add3A_702 = arith.addf %add3A_664, %mul3A_701 : vector<16xf32>
        %ne3A_703 = arith.constant 0.000000e+00 : f32
        %ne3A_704 = vector.broadcast %ne3A_703 : f32 to vector<16xf32>
        %ne3A_705 = arith.cmpf one, %gather3A_696, %ne3A_704 : vector<16xf32>
        %jit3A_706 = arith.constant 1.000000e+00 : f32
        %jit3A_707 = arith.constant 0.000000e+00 : f32
        %broadcast_in_dim3A_708 = vector.broadcast %jit3A_706 : f32 to vector<16xf32>
        %broadcast_in_dim3A_709 = vector.broadcast %jit3A_707 : f32 to vector<16xf32>
        %select_n3A_710 = arith.select %ne3A_705, %broadcast_in_dim3A_708, %broadcast_in_dim3A_709 : vector<16xi1>, vector<16xf32>
        %add3A_711 = arith.addf %add3A_673, %select_n3A_710 : vector<16xf32>
        %broadcast_in_dim3A_712 = vector.shape_cast %and3A_689 : vector<16xi32> to vector<16x1xi32>
        %gather3A_713 = vector.shape_cast %broadcast_in_dim3A_712 : vector<16x1xi32> to vector<16xi32>
        %gather3A_714 = tpu.dynamic_gather %select_n3A_710[%gather3A_713] in [0] : vector<16xf32>, vector<16xi32> -> vector<16xf32>
        %add3A_715 = arith.addf %add3A_677, %gather3A_714 : vector<16xf32>
        %add3A_716 = arith.constant 12 : i32
        %add3A_717 = vector.broadcast %add3A_716 : i32 to vector<16xi32>
        %add3A_718 = arith.addi %iota3A, %add3A_717 : vector<16xi32>
        %and3A_719 = arith.constant 15 : i32
        %and3A_720 = vector.broadcast %and3A_719 : i32 to vector<16xi32>
        %and3A_721 = arith.andi %add3A_718, %and3A_720 : vector<16xi32>
        %sub3A_722 = arith.constant 12 : i32
        %sub3A_723 = vector.broadcast %sub3A_722 : i32 to vector<16xi32>
        %sub3A_724 = arith.subi %iota3A, %sub3A_723 : vector<16xi32>
        %and3A_725 = arith.constant 15 : i32
        %and3A_726 = vector.broadcast %and3A_725 : i32 to vector<16xi32>
        %and3A_727 = arith.andi %sub3A_724, %and3A_726 : vector<16xi32>
        %add3A_728 = vector.broadcast %mul3A_256 : i32 to vector<16xi32>
        %add3A_729 = arith.addi %add3A_728, %and3A_721 : vector<16xi32>
        %gather3A_730 = arith.constant 0 : i32
        %gather3A_731 = arith.constant 0 : i32
        %gather3A_732 = tpu.memref_slice %arg6[%gather3A_730, %mul3A_258, %gather3A_731] : memref<2x128x128xf32, #tpu.memory_space<vmem>> -> memref<1x16x128xf32, #tpu.memory_space<vmem>>
        %gather3A_733 = tpu.memref_squeeze %gather3A_732 : memref<1x16x128xf32, #tpu.memory_space<vmem>> -> memref<16x128xf32, #tpu.memory_space<vmem>>
        %gather3A_734 = tpu.vector_load_idx %gather3A_733[%iota3A, %add3A_729] : memref<16x128xf32, #tpu.memory_space<vmem>>[vector<16xi32>, vector<16xi32>], vector<16xf32>,
        %gather3A_735 = arith.constant 0 : i32
        %gather3A_736 = tpu.memref_slice %arg5[%add3A_260, %gather3A_735] : memref<512x128xf32, #tpu.memory_space<vmem>> -> memref<16x128xf32, #tpu.memory_space<vmem>>
        %gather3A_737 = tpu.vector_load_idx %gather3A_736[%and3A_721, %add3A_234] : memref<16x128xf32, #tpu.memory_space<vmem>>[vector<16xi32>, vector<16xi32>], vector<16xf32>,
        %sub3A_738 = arith.subf %gather3A_737, %gather3A_734 : vector<16xf32>
        %mul3A_739 = arith.mulf %sub3A_738, %sub3A_738 : vector<16xf32>
        %add3A_740 = arith.addf %add3A_702, %mul3A_739 : vector<16xf32>
        %ne3A_741 = arith.constant 0.000000e+00 : f32
        %ne3A_742 = vector.broadcast %ne3A_741 : f32 to vector<16xf32>
        %ne3A_743 = arith.cmpf one, %gather3A_734, %ne3A_742 : vector<16xf32>
        %jit3A_744 = arith.constant 1.000000e+00 : f32
        %jit3A_745 = arith.constant 0.000000e+00 : f32
        %broadcast_in_dim3A_746 = vector.broadcast %jit3A_744 : f32 to vector<16xf32>
        %broadcast_in_dim3A_747 = vector.broadcast %jit3A_745 : f32 to vector<16xf32>
        %select_n3A_748 = arith.select %ne3A_743, %broadcast_in_dim3A_746, %broadcast_in_dim3A_747 : vector<16xi1>, vector<16xf32>
        %add3A_749 = arith.addf %add3A_711, %select_n3A_748 : vector<16xf32>
        %broadcast_in_dim3A_750 = vector.shape_cast %and3A_727 : vector<16xi32> to vector<16x1xi32>
        %gather3A_751 = vector.shape_cast %broadcast_in_dim3A_750 : vector<16x1xi32> to vector<16xi32>
        %gather3A_752 = tpu.dynamic_gather %select_n3A_748[%gather3A_751] in [0] : vector<16xf32>, vector<16xi32> -> vector<16xf32>
        %add3A_753 = arith.addf %add3A_715, %gather3A_752 : vector<16xf32>
        %add3A_754 = arith.constant 13 : i32
        %add3A_755 = vector.broadcast %add3A_754 : i32 to vector<16xi32>
        %add3A_756 = arith.addi %iota3A, %add3A_755 : vector<16xi32>
        %and3A_757 = arith.constant 15 : i32
        %and3A_758 = vector.broadcast %and3A_757 : i32 to vector<16xi32>
        %and3A_759 = arith.andi %add3A_756, %and3A_758 : vector<16xi32>
        %sub3A_760 = arith.constant 13 : i32
        %sub3A_761 = vector.broadcast %sub3A_760 : i32 to vector<16xi32>
        %sub3A_762 = arith.subi %iota3A, %sub3A_761 : vector<16xi32>
        %and3A_763 = arith.constant 15 : i32
        %and3A_764 = vector.broadcast %and3A_763 : i32 to vector<16xi32>
        %and3A_765 = arith.andi %sub3A_762, %and3A_764 : vector<16xi32>
        %add3A_766 = vector.broadcast %mul3A_256 : i32 to vector<16xi32>
        %add3A_767 = arith.addi %add3A_766, %and3A_759 : vector<16xi32>
        %gather3A_768 = arith.constant 0 : i32
        %gather3A_769 = arith.constant 0 : i32
        %gather3A_770 = tpu.memref_slice %arg6[%gather3A_768, %mul3A_258, %gather3A_769] : memref<2x128x128xf32, #tpu.memory_space<vmem>> -> memref<1x16x128xf32, #tpu.memory_space<vmem>>
        %gather3A_771 = tpu.memref_squeeze %gather3A_770 : memref<1x16x128xf32, #tpu.memory_space<vmem>> -> memref<16x128xf32, #tpu.memory_space<vmem>>
        %gather3A_772 = tpu.vector_load_idx %gather3A_771[%iota3A, %add3A_767] : memref<16x128xf32, #tpu.memory_space<vmem>>[vector<16xi32>, vector<16xi32>], vector<16xf32>,
        %gather3A_773 = arith.constant 0 : i32
        %gather3A_774 = tpu.memref_slice %arg5[%add3A_260, %gather3A_773] : memref<512x128xf32, #tpu.memory_space<vmem>> -> memref<16x128xf32, #tpu.memory_space<vmem>>
        %gather3A_775 = tpu.vector_load_idx %gather3A_774[%and3A_759, %add3A_234] : memref<16x128xf32, #tpu.memory_space<vmem>>[vector<16xi32>, vector<16xi32>], vector<16xf32>,
        %sub3A_776 = arith.subf %gather3A_775, %gather3A_772 : vector<16xf32>
        %mul3A_777 = arith.mulf %sub3A_776, %sub3A_776 : vector<16xf32>
        %add3A_778 = arith.addf %add3A_740, %mul3A_777 : vector<16xf32>
        %ne3A_779 = arith.constant 0.000000e+00 : f32
        %ne3A_780 = vector.broadcast %ne3A_779 : f32 to vector<16xf32>
        %ne3A_781 = arith.cmpf one, %gather3A_772, %ne3A_780 : vector<16xf32>
        %jit3A_782 = arith.constant 1.000000e+00 : f32
        %jit3A_783 = arith.constant 0.000000e+00 : f32
        %broadcast_in_dim3A_784 = vector.broadcast %jit3A_782 : f32 to vector<16xf32>
        %broadcast_in_dim3A_785 = vector.broadcast %jit3A_783 : f32 to vector<16xf32>
        %select_n3A_786 = arith.select %ne3A_781, %broadcast_in_dim3A_784, %broadcast_in_dim3A_785 : vector<16xi1>, vector<16xf32>
        %add3A_787 = arith.addf %add3A_749, %select_n3A_786 : vector<16xf32>
        %broadcast_in_dim3A_788 = vector.shape_cast %and3A_765 : vector<16xi32> to vector<16x1xi32>
        %gather3A_789 = vector.shape_cast %broadcast_in_dim3A_788 : vector<16x1xi32> to vector<16xi32>
        %gather3A_790 = tpu.dynamic_gather %select_n3A_786[%gather3A_789] in [0] : vector<16xf32>, vector<16xi32> -> vector<16xf32>
        %add3A_791 = arith.addf %add3A_753, %gather3A_790 : vector<16xf32>
        %add3A_792 = arith.constant 14 : i32
        %add3A_793 = vector.broadcast %add3A_792 : i32 to vector<16xi32>
        %add3A_794 = arith.addi %iota3A, %add3A_793 : vector<16xi32>
        %and3A_795 = arith.constant 15 : i32
        %and3A_796 = vector.broadcast %and3A_795 : i32 to vector<16xi32>
        %and3A_797 = arith.andi %add3A_794, %and3A_796 : vector<16xi32>
        %sub3A_798 = arith.constant 14 : i32
        %sub3A_799 = vector.broadcast %sub3A_798 : i32 to vector<16xi32>
        %sub3A_800 = arith.subi %iota3A, %sub3A_799 : vector<16xi32>
        %and3A_801 = arith.constant 15 : i32
        %and3A_802 = vector.broadcast %and3A_801 : i32 to vector<16xi32>
        %and3A_803 = arith.andi %sub3A_800, %and3A_802 : vector<16xi32>
        %add3A_804 = vector.broadcast %mul3A_256 : i32 to vector<16xi32>
        %add3A_805 = arith.addi %add3A_804, %and3A_797 : vector<16xi32>
        %gather3A_806 = arith.constant 0 : i32
        %gather3A_807 = arith.constant 0 : i32
        %gather3A_808 = tpu.memref_slice %arg6[%gather3A_806, %mul3A_258, %gather3A_807] : memref<2x128x128xf32, #tpu.memory_space<vmem>> -> memref<1x16x128xf32, #tpu.memory_space<vmem>>
        %gather3A_809 = tpu.memref_squeeze %gather3A_808 : memref<1x16x128xf32, #tpu.memory_space<vmem>> -> memref<16x128xf32, #tpu.memory_space<vmem>>
        %gather3A_810 = tpu.vector_load_idx %gather3A_809[%iota3A, %add3A_805] : memref<16x128xf32, #tpu.memory_space<vmem>>[vector<16xi32>, vector<16xi32>], vector<16xf32>,
        %gather3A_811 = arith.constant 0 : i32
        %gather3A_812 = tpu.memref_slice %arg5[%add3A_260, %gather3A_811] : memref<512x128xf32, #tpu.memory_space<vmem>> -> memref<16x128xf32, #tpu.memory_space<vmem>>
        %gather3A_813 = tpu.vector_load_idx %gather3A_812[%and3A_797, %add3A_234] : memref<16x128xf32, #tpu.memory_space<vmem>>[vector<16xi32>, vector<16xi32>], vector<16xf32>,
        %sub3A_814 = arith.subf %gather3A_813, %gather3A_810 : vector<16xf32>
        %mul3A_815 = arith.mulf %sub3A_814, %sub3A_814 : vector<16xf32>
        %add3A_816 = arith.addf %add3A_778, %mul3A_815 : vector<16xf32>
        %ne3A_817 = arith.constant 0.000000e+00 : f32
        %ne3A_818 = vector.broadcast %ne3A_817 : f32 to vector<16xf32>
        %ne3A_819 = arith.cmpf one, %gather3A_810, %ne3A_818 : vector<16xf32>
        %jit3A_820 = arith.constant 1.000000e+00 : f32
        %jit3A_821 = arith.constant 0.000000e+00 : f32
        %broadcast_in_dim3A_822 = vector.broadcast %jit3A_820 : f32 to vector<16xf32>
        %broadcast_in_dim3A_823 = vector.broadcast %jit3A_821 : f32 to vector<16xf32>
        %select_n3A_824 = arith.select %ne3A_819, %broadcast_in_dim3A_822, %broadcast_in_dim3A_823 : vector<16xi1>, vector<16xf32>
        %add3A_825 = arith.addf %add3A_787, %select_n3A_824 : vector<16xf32>
        %broadcast_in_dim3A_826 = vector.shape_cast %and3A_803 : vector<16xi32> to vector<16x1xi32>
        %gather3A_827 = vector.shape_cast %broadcast_in_dim3A_826 : vector<16x1xi32> to vector<16xi32>
        %gather3A_828 = tpu.dynamic_gather %select_n3A_824[%gather3A_827] in [0] : vector<16xf32>, vector<16xi32> -> vector<16xf32>
        %add3A_829 = arith.addf %add3A_791, %gather3A_828 : vector<16xf32>
        %add3A_830 = arith.constant 15 : i32
        %add3A_831 = vector.broadcast %add3A_830 : i32 to vector<16xi32>
        %add3A_832 = arith.addi %iota3A, %add3A_831 : vector<16xi32>
        %and3A_833 = arith.constant 15 : i32
        %and3A_834 = vector.broadcast %and3A_833 : i32 to vector<16xi32>
        %and3A_835 = arith.andi %add3A_832, %and3A_834 : vector<16xi32>
        %sub3A_836 = arith.constant 15 : i32
        %sub3A_837 = vector.broadcast %sub3A_836 : i32 to vector<16xi32>
        %sub3A_838 = arith.subi %iota3A, %sub3A_837 : vector<16xi32>
        %and3A_839 = arith.constant 15 : i32
        %and3A_840 = vector.broadcast %and3A_839 : i32 to vector<16xi32>
        %and3A_841 = arith.andi %sub3A_838, %and3A_840 : vector<16xi32>
        %add3A_842 = vector.broadcast %mul3A_256 : i32 to vector<16xi32>
        %add3A_843 = arith.addi %add3A_842, %and3A_835 : vector<16xi32>
        %gather3A_844 = arith.constant 0 : i32
        %gather3A_845 = arith.constant 0 : i32
        %gather3A_846 = tpu.memref_slice %arg6[%gather3A_844, %mul3A_258, %gather3A_845] : memref<2x128x128xf32, #tpu.memory_space<vmem>> -> memref<1x16x128xf32, #tpu.memory_space<vmem>>
        %gather3A_847 = tpu.memref_squeeze %gather3A_846 : memref<1x16x128xf32, #tpu.memory_space<vmem>> -> memref<16x128xf32, #tpu.memory_space<vmem>>
        %gather3A_848 = tpu.vector_load_idx %gather3A_847[%iota3A, %add3A_843] : memref<16x128xf32, #tpu.memory_space<vmem>>[vector<16xi32>, vector<16xi32>], vector<16xf32>,
        %gather3A_849 = arith.constant 0 : i32
        %gather3A_850 = tpu.memref_slice %arg5[%add3A_260, %gather3A_849] : memref<512x128xf32, #tpu.memory_space<vmem>> -> memref<16x128xf32, #tpu.memory_space<vmem>>
        %gather3A_851 = tpu.vector_load_idx %gather3A_850[%and3A_835, %add3A_234] : memref<16x128xf32, #tpu.memory_space<vmem>>[vector<16xi32>, vector<16xi32>], vector<16xf32>,
        %sub3A_852 = arith.subf %gather3A_851, %gather3A_848 : vector<16xf32>
        %mul3A_853 = arith.mulf %sub3A_852, %sub3A_852 : vector<16xf32>
        %add3A_854 = arith.addf %add3A_816, %mul3A_853 : vector<16xf32>
        %ne3A_855 = arith.constant 0.000000e+00 : f32
        %ne3A_856 = vector.broadcast %ne3A_855 : f32 to vector<16xf32>
        %ne3A_857 = arith.cmpf one, %gather3A_848, %ne3A_856 : vector<16xf32>
        %jit3A_858 = arith.constant 1.000000e+00 : f32
        %jit3A_859 = arith.constant 0.000000e+00 : f32
        %broadcast_in_dim3A_860 = vector.broadcast %jit3A_858 : f32 to vector<16xf32>
        %broadcast_in_dim3A_861 = vector.broadcast %jit3A_859 : f32 to vector<16xf32>
        %select_n3A_862 = arith.select %ne3A_857, %broadcast_in_dim3A_860, %broadcast_in_dim3A_861 : vector<16xi1>, vector<16xf32>
        %add3A_863 = arith.addf %add3A_825, %select_n3A_862 : vector<16xf32>
        %broadcast_in_dim3A_864 = vector.shape_cast %and3A_841 : vector<16xi32> to vector<16x1xi32>
        %gather3A_865 = vector.shape_cast %broadcast_in_dim3A_864 : vector<16x1xi32> to vector<16xi32>
        %gather3A_866 = tpu.dynamic_gather %select_n3A_862[%gather3A_865] in [0] : vector<16xf32>, vector<16xi32> -> vector<16xf32>
        %add3A_867 = arith.addf %add3A_829, %gather3A_866 : vector<16xf32>
        %add3A_868 = arith.constant 256 : i32
        %add3A_869 = arith.addi %add3A_868, %mul3A_256 : i32
        %eq3A_870 = arith.constant 0 : i32
        %eq3A_871 = arith.cmpi eq, %scan3A_229, %eq3A_870 : i32
        %get3A_872 = arith.index_cast %add3A_869 : i32 to index
        %get3A_873 = tpu.vector_load %arg7[%get3A_872] {strides = array<i32>} : memref<512xf32, #tpu.memory_space<vmem>>, vector<16xf32>,
        %jit3A_874 = arith.constant 0.000000e+00 : f32
        %broadcast_in_dim3A_875 = vector.broadcast %jit3A_874 : f32 to vector<16xf32>
        %select_n3A_876 = arith.select %eq3A_871, %broadcast_in_dim3A_875, %get3A_873 : vector<16xf32>
        %add3A_877 = arith.addf %select_n3A_876, %add3A_867 : vector<16xf32>
        %swap3A_878 = arith.index_cast %add3A_869 : i32 to index
        %swap3A_879 = tpu.vector_load %arg7[%swap3A_878] {strides = array<i32>} : memref<512xf32, #tpu.memory_space<vmem>>, vector<16xf32>,
        tpu.vector_store %arg7[%swap3A_878], %add3A_877 {strides = array<i32>} : memref<512xf32, #tpu.memory_space<vmem>>, vector<16xf32>,
        scf.yield %add3A_854, %add3A_863 : vector<16xf32>, vector<16xf32>
      }
      %scan3A_240 = arith.constant 8 : i32
      %mul3A_241 = arith.constant 16 : i32
      %mul3A_242 = arith.muli %scan3A_229, %mul3A_241 : i32
      %get3A = arith.index_cast %mul3A_242 : i32 to index
      %get3A_243 = tpu.vector_load %arg8[%get3A] {strides = array<i32>} : memref<128xf32, #tpu.memory_space<vmem>>, vector<16xf32>,
      %add3A_244 = arith.addf %get3A_243, %scan3A_239#0 : vector<16xf32>
      %swap3A = arith.index_cast %mul3A_242 : i32 to index
      %swap3A_245 = tpu.vector_load %arg8[%swap3A] {strides = array<i32>} : memref<128xf32, #tpu.memory_space<vmem>>, vector<16xf32>,
      tpu.vector_store %arg8[%swap3A], %add3A_244 {strides = array<i32>} : memref<128xf32, #tpu.memory_space<vmem>>, vector<16xf32>,
      %get3A_246 = arith.index_cast %mul3A_242 : i32 to index
      %get3A_247 = tpu.vector_load %arg9[%get3A_246] {strides = array<i32>} : memref<128xf32, #tpu.memory_space<vmem>>, vector<16xf32>,
      %add3A_248 = arith.addf %get3A_247, %scan3A_239#1 : vector<16xf32>
      %swap3A_249 = arith.index_cast %mul3A_242 : i32 to index
      %swap3A_250 = tpu.vector_load %arg9[%swap3A_249] {strides = array<i32>} : memref<128xf32, #tpu.memory_space<vmem>>, vector<16xf32>,
      tpu.vector_store %arg9[%swap3A_249], %add3A_248 {strides = array<i32>} : memref<128xf32, #tpu.memory_space<vmem>>, vector<16xf32>,
      %scan3A_251 = arith.constant 0 : i32
      scf.yield %scan3A_251 : i32
    }
    %scan3A_199 = arith.constant 8 : i32
    %dma_wait3A_200 = arith.constant 1 : i32
    %dma_wait3A_201 = arith.constant 0 : i32
    %dma_wait3A_202 = arith.constant 0 : i32
    %dma_wait3A_203 = tpu.memref_slice %arg6[%dma_wait3A_200, %dma_wait3A_201, %dma_wait3A_202] : memref<2x128x128xf32, #tpu.memory_space<vmem>> -> memref<1x128x128xf32, #tpu.memory_space<vmem>>
    %dma_wait3A_204 = tpu.memref_squeeze %dma_wait3A_203 : memref<1x128x128xf32, #tpu.memory_space<vmem>> -> memref<128x128xf32, #tpu.memory_space<vmem>>
    %dma_wait3A_205 = tpu.memref_slice %arg3[%mul3A_29, %add3A_181] : memref<1024x1024xf32, #tpu.memory_space<hbm>> -> memref<128x128xf32, #tpu.memory_space<hbm>>
    %dma_wait3A_206 = arith.constant 0 : i32
    %dma_wait3A_207 = arith.constant 0 : i32
    %dma_wait3A_208 = tpu.memref_slice %arg6[%dma_wait3A_200, %dma_wait3A_206, %dma_wait3A_207] : memref<2x128x128xf32, #tpu.memory_space<vmem>> -> memref<1x128x128xf32, #tpu.memory_space<vmem>>
    %dma_wait3A_209 = tpu.memref_squeeze %dma_wait3A_208 : memref<1x128x128xf32, #tpu.memory_space<vmem>> -> memref<128x128xf32, #tpu.memory_space<vmem>>
    %dma_wait3A_210 = tpu.memref_slice %arg3[%mul3A_29, %add3A_181] : memref<1024x1024xf32, #tpu.memory_space<hbm>> -> memref<128x128xf32, #tpu.memory_space<hbm>>
    tpu.wait_dma2 semaphore(%arg14 : memref<!tpu.dma_semaphore, #tpu.memory_space<semaphore_mem>>) src(%dma_wait3A_210 : memref<128x128xf32, #tpu.memory_space<hbm>>) dst(%dma_wait3A_209 : memref<128x128xf32, #tpu.memory_space<vmem>>)
    %dma_wait3A_211 = arith.constant 384 : i32
    %dma_wait3A_212 = arith.constant 0 : i32
    %dma_wait3A_213 = tpu.memref_slice %arg5[%dma_wait3A_211, %dma_wait3A_212] : memref<512x128xf32, #tpu.memory_space<vmem>> -> memref<128x128xf32, #tpu.memory_space<vmem>>
    %dma_wait3A_214 = tpu.memref_slice %arg2[%add3A_76, %mul3A_29] : memref<1024x1024xf32, #tpu.memory_space<hbm>> -> memref<128x128xf32, #tpu.memory_space<hbm>>
    %dma_wait3A_215 = arith.constant 384 : i32
    %dma_wait3A_216 = arith.constant 0 : i32
    %dma_wait3A_217 = tpu.memref_slice %arg5[%dma_wait3A_215, %dma_wait3A_216] : memref<512x128xf32, #tpu.memory_space<vmem>> -> memref<128x128xf32, #tpu.memory_space<vmem>>
    %dma_wait3A_218 = tpu.memref_slice %arg2[%add3A_76, %mul3A_29] : memref<1024x1024xf32, #tpu.memory_space<hbm>> -> memref<128x128xf32, #tpu.memory_space<hbm>>
    tpu.wait_dma2 semaphore(%arg12 : memref<!tpu.dma_semaphore, #tpu.memory_space<semaphore_mem>>) src(%dma_wait3A_218 : memref<128x128xf32, #tpu.memory_space<hbm>>) dst(%dma_wait3A_217 : memref<128x128xf32, #tpu.memory_space<vmem>>)
    %scan3A_219 = arith.constant 0 : i32
    %scan3A_220 = arith.constant 0 : i32
    %scan3A_221 = arith.constant 8 : i32
    %scan3A_222 = arith.addi %scan3A_220, %scan3A_221 : i32
    %scan3A_223 = arith.constant 1 : i32
    %scan3A_224 = scf.for %scan3A_229 = %scan3A_220 to %scan3A_222 step %scan3A_223 iter_args(%scan3A_230 = %scan3A_219) -> (i32)  : i32 {
      %mul3A_231 = arith.constant 16 : i32
      %mul3A_232 = arith.muli %scan3A_229, %mul3A_231 : i32
      %add3A_233 = vector.broadcast %mul3A_232 : i32 to vector<16xi32>
      %add3A_234 = arith.addi %add3A_233, %iota3A : vector<16xi32>
      %scan3A_235 = arith.constant 0 : i32
      %scan3A_236 = arith.constant 8 : i32
      %scan3A_237 = arith.addi %scan3A_235, %scan3A_236 : i32
      %scan3A_238 = arith.constant 1 : i32
      %scan3A_239:2 = scf.for %scan3A_252 = %scan3A_235 to %scan3A_237 step %scan3A_238 iter_args(%scan3A_253 = %broadcast_in_dim3A_32, %scan3A_254 = %broadcast_in_dim3A_32) -> (vector<16xf32>, vector<16xf32>)  : i32 {
        %mul3A_255 = arith.constant 16 : i32
        %mul3A_256 = arith.muli %scan3A_252, %mul3A_255 : i32
        %mul3A_257 = arith.constant 16 : i32
        %mul3A_258 = arith.muli %scan3A_229, %mul3A_257 : i32
        %add3A_259 = arith.constant 384 : i32
        %add3A_260 = arith.addi %add3A_259, %mul3A_256 : i32
        %add3A_261 = arith.constant 0 : i32
        %add3A_262 = vector.broadcast %add3A_261 : i32 to vector<16xi32>
        %add3A_263 = arith.addi %iota3A, %add3A_262 : vector<16xi32>
        %and3A_264 = arith.constant 15 : i32
        %and3A_265 = vector.broadcast %and3A_264 : i32 to vector<16xi32>
        %and3A_266 = arith.andi %add3A_263, %and3A_265 : vector<16xi32>
        %sub3A_267 = arith.constant 0 : i32
        %sub3A_268 = vector.broadcast %sub3A_267 : i32 to vector<16xi32>
        %sub3A_269 = arith.subi %iota3A, %sub3A_268 : vector<16xi32>
        %and3A_270 = arith.constant 15 : i32
        %and3A_271 = vector.broadcast %and3A_270 : i32 to vector<16xi32>
        %and3A_272 = arith.andi %sub3A_269, %and3A_271 : vector<16xi32>
        %add3A_273 = vector.broadcast %mul3A_256 : i32 to vector<16xi32>
        %add3A_274 = arith.addi %add3A_273, %and3A_266 : vector<16xi32>
        %gather3A = arith.constant 1 : i32
        %gather3A_275 = arith.constant 0 : i32
        %gather3A_276 = tpu.memref_slice %arg6[%gather3A, %mul3A_258, %gather3A_275] : memref<2x128x128xf32, #tpu.memory_space<vmem>> -> memref<1x16x128xf32, #tpu.memory_space<vmem>>
        %gather3A_277 = tpu.memref_squeeze %gather3A_276 : memref<1x16x128xf32, #tpu.memory_space<vmem>> -> memref<16x128xf32, #tpu.memory_space<vmem>>
        %gather3A_278 = tpu.vector_load_idx %gather3A_277[%iota3A, %add3A_274] : memref<16x128xf32, #tpu.memory_space<vmem>>[vector<16xi32>, vector<16xi32>], vector<16xf32>,
        %gather3A_279 = arith.constant 0 : i32
        %gather3A_280 = tpu.memref_slice %arg5[%add3A_260, %gather3A_279] : memref<512x128xf32, #tpu.memory_space<vmem>> -> memref<16x128xf32, #tpu.memory_space<vmem>>
        %gather3A_281 = tpu.vector_load_idx %gather3A_280[%and3A_266, %add3A_234] : memref<16x128xf32, #tpu.memory_space<vmem>>[vector<16xi32>, vector<16xi32>], vector<16xf32>,
        %sub3A_282 = arith.subf %gather3A_281, %gather3A_278 : vector<16xf32>
        %mul3A_283 = arith.mulf %sub3A_282, %sub3A_282 : vector<16xf32>
        %add3A_284 = arith.addf %scan3A_253, %mul3A_283 : vector<16xf32>
        %ne3A_285 = arith.constant 0.000000e+00 : f32
        %ne3A_286 = vector.broadcast %ne3A_285 : f32 to vector<16xf32>
        %ne3A_287 = arith.cmpf one, %gather3A_278, %ne3A_286 : vector<16xf32>
        %jit3A_288 = arith.constant 1.000000e+00 : f32
        %jit3A_289 = arith.constant 0.000000e+00 : f32
        %broadcast_in_dim3A_290 = vector.broadcast %jit3A_288 : f32 to vector<16xf32>
        %broadcast_in_dim3A_291 = vector.broadcast %jit3A_289 : f32 to vector<16xf32>
        %select_n3A_292 = arith.select %ne3A_287, %broadcast_in_dim3A_290, %broadcast_in_dim3A_291 : vector<16xi1>, vector<16xf32>
        %add3A_293 = arith.addf %scan3A_254, %select_n3A_292 : vector<16xf32>
        %broadcast_in_dim3A_294 = vector.shape_cast %and3A_272 : vector<16xi32> to vector<16x1xi32>
        %gather3A_295 = vector.shape_cast %broadcast_in_dim3A_294 : vector<16x1xi32> to vector<16xi32>
        %gather3A_296 = tpu.dynamic_gather %select_n3A_292[%gather3A_295] in [0] : vector<16xf32>, vector<16xi32> -> vector<16xf32>
        %add3A_297 = arith.addf %broadcast_in_dim3A_32, %gather3A_296 : vector<16xf32>
        %add3A_298 = arith.constant 1 : i32
        %add3A_299 = vector.broadcast %add3A_298 : i32 to vector<16xi32>
        %add3A_300 = arith.addi %iota3A, %add3A_299 : vector<16xi32>
        %and3A_301 = arith.constant 15 : i32
        %and3A_302 = vector.broadcast %and3A_301 : i32 to vector<16xi32>
        %and3A_303 = arith.andi %add3A_300, %and3A_302 : vector<16xi32>
        %sub3A_304 = arith.constant 1 : i32
        %sub3A_305 = vector.broadcast %sub3A_304 : i32 to vector<16xi32>
        %sub3A_306 = arith.subi %iota3A, %sub3A_305 : vector<16xi32>
        %and3A_307 = arith.constant 15 : i32
        %and3A_308 = vector.broadcast %and3A_307 : i32 to vector<16xi32>
        %and3A_309 = arith.andi %sub3A_306, %and3A_308 : vector<16xi32>
        %add3A_310 = vector.broadcast %mul3A_256 : i32 to vector<16xi32>
        %add3A_311 = arith.addi %add3A_310, %and3A_303 : vector<16xi32>
        %gather3A_312 = arith.constant 1 : i32
        %gather3A_313 = arith.constant 0 : i32
        %gather3A_314 = tpu.memref_slice %arg6[%gather3A_312, %mul3A_258, %gather3A_313] : memref<2x128x128xf32, #tpu.memory_space<vmem>> -> memref<1x16x128xf32, #tpu.memory_space<vmem>>
        %gather3A_315 = tpu.memref_squeeze %gather3A_314 : memref<1x16x128xf32, #tpu.memory_space<vmem>> -> memref<16x128xf32, #tpu.memory_space<vmem>>
        %gather3A_316 = tpu.vector_load_idx %gather3A_315[%iota3A, %add3A_311] : memref<16x128xf32, #tpu.memory_space<vmem>>[vector<16xi32>, vector<16xi32>], vector<16xf32>,
        %gather3A_317 = arith.constant 0 : i32
        %gather3A_318 = tpu.memref_slice %arg5[%add3A_260, %gather3A_317] : memref<512x128xf32, #tpu.memory_space<vmem>> -> memref<16x128xf32, #tpu.memory_space<vmem>>
        %gather3A_319 = tpu.vector_load_idx %gather3A_318[%and3A_303, %add3A_234] : memref<16x128xf32, #tpu.memory_space<vmem>>[vector<16xi32>, vector<16xi32>], vector<16xf32>,
        %sub3A_320 = arith.subf %gather3A_319, %gather3A_316 : vector<16xf32>
        %mul3A_321 = arith.mulf %sub3A_320, %sub3A_320 : vector<16xf32>
        %add3A_322 = arith.addf %add3A_284, %mul3A_321 : vector<16xf32>
        %ne3A_323 = arith.constant 0.000000e+00 : f32
        %ne3A_324 = vector.broadcast %ne3A_323 : f32 to vector<16xf32>
        %ne3A_325 = arith.cmpf one, %gather3A_316, %ne3A_324 : vector<16xf32>
        %jit3A_326 = arith.constant 1.000000e+00 : f32
        %jit3A_327 = arith.constant 0.000000e+00 : f32
        %broadcast_in_dim3A_328 = vector.broadcast %jit3A_326 : f32 to vector<16xf32>
        %broadcast_in_dim3A_329 = vector.broadcast %jit3A_327 : f32 to vector<16xf32>
        %select_n3A_330 = arith.select %ne3A_325, %broadcast_in_dim3A_328, %broadcast_in_dim3A_329 : vector<16xi1>, vector<16xf32>
        %add3A_331 = arith.addf %add3A_293, %select_n3A_330 : vector<16xf32>
        %broadcast_in_dim3A_332 = vector.shape_cast %and3A_309 : vector<16xi32> to vector<16x1xi32>
        %gather3A_333 = vector.shape_cast %broadcast_in_dim3A_332 : vector<16x1xi32> to vector<16xi32>
        %gather3A_334 = tpu.dynamic_gather %select_n3A_330[%gather3A_333] in [0] : vector<16xf32>, vector<16xi32> -> vector<16xf32>
        %add3A_335 = arith.addf %add3A_297, %gather3A_334 : vector<16xf32>
        %add3A_336 = arith.constant 2 : i32
        %add3A_337 = vector.broadcast %add3A_336 : i32 to vector<16xi32>
        %add3A_338 = arith.addi %iota3A, %add3A_337 : vector<16xi32>
        %and3A_339 = arith.constant 15 : i32
        %and3A_340 = vector.broadcast %and3A_339 : i32 to vector<16xi32>
        %and3A_341 = arith.andi %add3A_338, %and3A_340 : vector<16xi32>
        %sub3A_342 = arith.constant 2 : i32
        %sub3A_343 = vector.broadcast %sub3A_342 : i32 to vector<16xi32>
        %sub3A_344 = arith.subi %iota3A, %sub3A_343 : vector<16xi32>
        %and3A_345 = arith.constant 15 : i32
        %and3A_346 = vector.broadcast %and3A_345 : i32 to vector<16xi32>
        %and3A_347 = arith.andi %sub3A_344, %and3A_346 : vector<16xi32>
        %add3A_348 = vector.broadcast %mul3A_256 : i32 to vector<16xi32>
        %add3A_349 = arith.addi %add3A_348, %and3A_341 : vector<16xi32>
        %gather3A_350 = arith.constant 1 : i32
        %gather3A_351 = arith.constant 0 : i32
        %gather3A_352 = tpu.memref_slice %arg6[%gather3A_350, %mul3A_258, %gather3A_351] : memref<2x128x128xf32, #tpu.memory_space<vmem>> -> memref<1x16x128xf32, #tpu.memory_space<vmem>>
        %gather3A_353 = tpu.memref_squeeze %gather3A_352 : memref<1x16x128xf32, #tpu.memory_space<vmem>> -> memref<16x128xf32, #tpu.memory_space<vmem>>
        %gather3A_354 = tpu.vector_load_idx %gather3A_353[%iota3A, %add3A_349] : memref<16x128xf32, #tpu.memory_space<vmem>>[vector<16xi32>, vector<16xi32>], vector<16xf32>,
        %gather3A_355 = arith.constant 0 : i32
        %gather3A_356 = tpu.memref_slice %arg5[%add3A_260, %gather3A_355] : memref<512x128xf32, #tpu.memory_space<vmem>> -> memref<16x128xf32, #tpu.memory_space<vmem>>
        %gather3A_357 = tpu.vector_load_idx %gather3A_356[%and3A_341, %add3A_234] : memref<16x128xf32, #tpu.memory_space<vmem>>[vector<16xi32>, vector<16xi32>], vector<16xf32>,
        %sub3A_358 = arith.subf %gather3A_357, %gather3A_354 : vector<16xf32>
        %mul3A_359 = arith.mulf %sub3A_358, %sub3A_358 : vector<16xf32>
        %add3A_360 = arith.addf %add3A_322, %mul3A_359 : vector<16xf32>
        %ne3A_361 = arith.constant 0.000000e+00 : f32
        %ne3A_362 = vector.broadcast %ne3A_361 : f32 to vector<16xf32>
        %ne3A_363 = arith.cmpf one, %gather3A_354, %ne3A_362 : vector<16xf32>
        %jit3A_364 = arith.constant 1.000000e+00 : f32
        %jit3A_365 = arith.constant 0.000000e+00 : f32
        %broadcast_in_dim3A_366 = vector.broadcast %jit3A_364 : f32 to vector<16xf32>
        %broadcast_in_dim3A_367 = vector.broadcast %jit3A_365 : f32 to vector<16xf32>
        %select_n3A_368 = arith.select %ne3A_363, %broadcast_in_dim3A_366, %broadcast_in_dim3A_367 : vector<16xi1>, vector<16xf32>
        %add3A_369 = arith.addf %add3A_331, %select_n3A_368 : vector<16xf32>
        %broadcast_in_dim3A_370 = vector.shape_cast %and3A_347 : vector<16xi32> to vector<16x1xi32>
        %gather3A_371 = vector.shape_cast %broadcast_in_dim3A_370 : vector<16x1xi32> to vector<16xi32>
        %gather3A_372 = tpu.dynamic_gather %select_n3A_368[%gather3A_371] in [0] : vector<16xf32>, vector<16xi32> -> vector<16xf32>
        %add3A_373 = arith.addf %add3A_335, %gather3A_372 : vector<16xf32>
        %add3A_374 = arith.constant 3 : i32
        %add3A_375 = vector.broadcast %add3A_374 : i32 to vector<16xi32>
        %add3A_376 = arith.addi %iota3A, %add3A_375 : vector<16xi32>
        %and3A_377 = arith.constant 15 : i32
        %and3A_378 = vector.broadcast %and3A_377 : i32 to vector<16xi32>
        %and3A_379 = arith.andi %add3A_376, %and3A_378 : vector<16xi32>
        %sub3A_380 = arith.constant 3 : i32
        %sub3A_381 = vector.broadcast %sub3A_380 : i32 to vector<16xi32>
        %sub3A_382 = arith.subi %iota3A, %sub3A_381 : vector<16xi32>
        %and3A_383 = arith.constant 15 : i32
        %and3A_384 = vector.broadcast %and3A_383 : i32 to vector<16xi32>
        %and3A_385 = arith.andi %sub3A_382, %and3A_384 : vector<16xi32>
        %add3A_386 = vector.broadcast %mul3A_256 : i32 to vector<16xi32>
        %add3A_387 = arith.addi %add3A_386, %and3A_379 : vector<16xi32>
        %gather3A_388 = arith.constant 1 : i32
        %gather3A_389 = arith.constant 0 : i32
        %gather3A_390 = tpu.memref_slice %arg6[%gather3A_388, %mul3A_258, %gather3A_389] : memref<2x128x128xf32, #tpu.memory_space<vmem>> -> memref<1x16x128xf32, #tpu.memory_space<vmem>>
        %gather3A_391 = tpu.memref_squeeze %gather3A_390 : memref<1x16x128xf32, #tpu.memory_space<vmem>> -> memref<16x128xf32, #tpu.memory_space<vmem>>
        %gather3A_392 = tpu.vector_load_idx %gather3A_391[%iota3A, %add3A_387] : memref<16x128xf32, #tpu.memory_space<vmem>>[vector<16xi32>, vector<16xi32>], vector<16xf32>,
        %gather3A_393 = arith.constant 0 : i32
        %gather3A_394 = tpu.memref_slice %arg5[%add3A_260, %gather3A_393] : memref<512x128xf32, #tpu.memory_space<vmem>> -> memref<16x128xf32, #tpu.memory_space<vmem>>
        %gather3A_395 = tpu.vector_load_idx %gather3A_394[%and3A_379, %add3A_234] : memref<16x128xf32, #tpu.memory_space<vmem>>[vector<16xi32>, vector<16xi32>], vector<16xf32>,
        %sub3A_396 = arith.subf %gather3A_395, %gather3A_392 : vector<16xf32>
        %mul3A_397 = arith.mulf %sub3A_396, %sub3A_396 : vector<16xf32>
        %add3A_398 = arith.addf %add3A_360, %mul3A_397 : vector<16xf32>
        %ne3A_399 = arith.constant 0.000000e+00 : f32
        %ne3A_400 = vector.broadcast %ne3A_399 : f32 to vector<16xf32>
        %ne3A_401 = arith.cmpf one, %gather3A_392, %ne3A_400 : vector<16xf32>
        %jit3A_402 = arith.constant 1.000000e+00 : f32
        %jit3A_403 = arith.constant 0.000000e+00 : f32
        %broadcast_in_dim3A_404 = vector.broadcast %jit3A_402 : f32 to vector<16xf32>
        %broadcast_in_dim3A_405 = vector.broadcast %jit3A_403 : f32 to vector<16xf32>
        %select_n3A_406 = arith.select %ne3A_401, %broadcast_in_dim3A_404, %broadcast_in_dim3A_405 : vector<16xi1>, vector<16xf32>
        %add3A_407 = arith.addf %add3A_369, %select_n3A_406 : vector<16xf32>
        %broadcast_in_dim3A_408 = vector.shape_cast %and3A_385 : vector<16xi32> to vector<16x1xi32>
        %gather3A_409 = vector.shape_cast %broadcast_in_dim3A_408 : vector<16x1xi32> to vector<16xi32>
        %gather3A_410 = tpu.dynamic_gather %select_n3A_406[%gather3A_409] in [0] : vector<16xf32>, vector<16xi32> -> vector<16xf32>
        %add3A_411 = arith.addf %add3A_373, %gather3A_410 : vector<16xf32>
        %add3A_412 = arith.constant 4 : i32
        %add3A_413 = vector.broadcast %add3A_412 : i32 to vector<16xi32>
        %add3A_414 = arith.addi %iota3A, %add3A_413 : vector<16xi32>
        %and3A_415 = arith.constant 15 : i32
        %and3A_416 = vector.broadcast %and3A_415 : i32 to vector<16xi32>
        %and3A_417 = arith.andi %add3A_414, %and3A_416 : vector<16xi32>
        %sub3A_418 = arith.constant 4 : i32
        %sub3A_419 = vector.broadcast %sub3A_418 : i32 to vector<16xi32>
        %sub3A_420 = arith.subi %iota3A, %sub3A_419 : vector<16xi32>
        %and3A_421 = arith.constant 15 : i32
        %and3A_422 = vector.broadcast %and3A_421 : i32 to vector<16xi32>
        %and3A_423 = arith.andi %sub3A_420, %and3A_422 : vector<16xi32>
        %add3A_424 = vector.broadcast %mul3A_256 : i32 to vector<16xi32>
        %add3A_425 = arith.addi %add3A_424, %and3A_417 : vector<16xi32>
        %gather3A_426 = arith.constant 1 : i32
        %gather3A_427 = arith.constant 0 : i32
        %gather3A_428 = tpu.memref_slice %arg6[%gather3A_426, %mul3A_258, %gather3A_427] : memref<2x128x128xf32, #tpu.memory_space<vmem>> -> memref<1x16x128xf32, #tpu.memory_space<vmem>>
        %gather3A_429 = tpu.memref_squeeze %gather3A_428 : memref<1x16x128xf32, #tpu.memory_space<vmem>> -> memref<16x128xf32, #tpu.memory_space<vmem>>
        %gather3A_430 = tpu.vector_load_idx %gather3A_429[%iota3A, %add3A_425] : memref<16x128xf32, #tpu.memory_space<vmem>>[vector<16xi32>, vector<16xi32>], vector<16xf32>,
        %gather3A_431 = arith.constant 0 : i32
        %gather3A_432 = tpu.memref_slice %arg5[%add3A_260, %gather3A_431] : memref<512x128xf32, #tpu.memory_space<vmem>> -> memref<16x128xf32, #tpu.memory_space<vmem>>
        %gather3A_433 = tpu.vector_load_idx %gather3A_432[%and3A_417, %add3A_234] : memref<16x128xf32, #tpu.memory_space<vmem>>[vector<16xi32>, vector<16xi32>], vector<16xf32>,
        %sub3A_434 = arith.subf %gather3A_433, %gather3A_430 : vector<16xf32>
        %mul3A_435 = arith.mulf %sub3A_434, %sub3A_434 : vector<16xf32>
        %add3A_436 = arith.addf %add3A_398, %mul3A_435 : vector<16xf32>
        %ne3A_437 = arith.constant 0.000000e+00 : f32
        %ne3A_438 = vector.broadcast %ne3A_437 : f32 to vector<16xf32>
        %ne3A_439 = arith.cmpf one, %gather3A_430, %ne3A_438 : vector<16xf32>
        %jit3A_440 = arith.constant 1.000000e+00 : f32
        %jit3A_441 = arith.constant 0.000000e+00 : f32
        %broadcast_in_dim3A_442 = vector.broadcast %jit3A_440 : f32 to vector<16xf32>
        %broadcast_in_dim3A_443 = vector.broadcast %jit3A_441 : f32 to vector<16xf32>
        %select_n3A_444 = arith.select %ne3A_439, %broadcast_in_dim3A_442, %broadcast_in_dim3A_443 : vector<16xi1>, vector<16xf32>
        %add3A_445 = arith.addf %add3A_407, %select_n3A_444 : vector<16xf32>
        %broadcast_in_dim3A_446 = vector.shape_cast %and3A_423 : vector<16xi32> to vector<16x1xi32>
        %gather3A_447 = vector.shape_cast %broadcast_in_dim3A_446 : vector<16x1xi32> to vector<16xi32>
        %gather3A_448 = tpu.dynamic_gather %select_n3A_444[%gather3A_447] in [0] : vector<16xf32>, vector<16xi32> -> vector<16xf32>
        %add3A_449 = arith.addf %add3A_411, %gather3A_448 : vector<16xf32>
        %add3A_450 = arith.constant 5 : i32
        %add3A_451 = vector.broadcast %add3A_450 : i32 to vector<16xi32>
        %add3A_452 = arith.addi %iota3A, %add3A_451 : vector<16xi32>
        %and3A_453 = arith.constant 15 : i32
        %and3A_454 = vector.broadcast %and3A_453 : i32 to vector<16xi32>
        %and3A_455 = arith.andi %add3A_452, %and3A_454 : vector<16xi32>
        %sub3A_456 = arith.constant 5 : i32
        %sub3A_457 = vector.broadcast %sub3A_456 : i32 to vector<16xi32>
        %sub3A_458 = arith.subi %iota3A, %sub3A_457 : vector<16xi32>
        %and3A_459 = arith.constant 15 : i32
        %and3A_460 = vector.broadcast %and3A_459 : i32 to vector<16xi32>
        %and3A_461 = arith.andi %sub3A_458, %and3A_460 : vector<16xi32>
        %add3A_462 = vector.broadcast %mul3A_256 : i32 to vector<16xi32>
        %add3A_463 = arith.addi %add3A_462, %and3A_455 : vector<16xi32>
        %gather3A_464 = arith.constant 1 : i32
        %gather3A_465 = arith.constant 0 : i32
        %gather3A_466 = tpu.memref_slice %arg6[%gather3A_464, %mul3A_258, %gather3A_465] : memref<2x128x128xf32, #tpu.memory_space<vmem>> -> memref<1x16x128xf32, #tpu.memory_space<vmem>>
        %gather3A_467 = tpu.memref_squeeze %gather3A_466 : memref<1x16x128xf32, #tpu.memory_space<vmem>> -> memref<16x128xf32, #tpu.memory_space<vmem>>
        %gather3A_468 = tpu.vector_load_idx %gather3A_467[%iota3A, %add3A_463] : memref<16x128xf32, #tpu.memory_space<vmem>>[vector<16xi32>, vector<16xi32>], vector<16xf32>,
        %gather3A_469 = arith.constant 0 : i32
        %gather3A_470 = tpu.memref_slice %arg5[%add3A_260, %gather3A_469] : memref<512x128xf32, #tpu.memory_space<vmem>> -> memref<16x128xf32, #tpu.memory_space<vmem>>
        %gather3A_471 = tpu.vector_load_idx %gather3A_470[%and3A_455, %add3A_234] : memref<16x128xf32, #tpu.memory_space<vmem>>[vector<16xi32>, vector<16xi32>], vector<16xf32>,
        %sub3A_472 = arith.subf %gather3A_471, %gather3A_468 : vector<16xf32>
        %mul3A_473 = arith.mulf %sub3A_472, %sub3A_472 : vector<16xf32>
        %add3A_474 = arith.addf %add3A_436, %mul3A_473 : vector<16xf32>
        %ne3A_475 = arith.constant 0.000000e+00 : f32
        %ne3A_476 = vector.broadcast %ne3A_475 : f32 to vector<16xf32>
        %ne3A_477 = arith.cmpf one, %gather3A_468, %ne3A_476 : vector<16xf32>
        %jit3A_478 = arith.constant 1.000000e+00 : f32
        %jit3A_479 = arith.constant 0.000000e+00 : f32
        %broadcast_in_dim3A_480 = vector.broadcast %jit3A_478 : f32 to vector<16xf32>
        %broadcast_in_dim3A_481 = vector.broadcast %jit3A_479 : f32 to vector<16xf32>
        %select_n3A_482 = arith.select %ne3A_477, %broadcast_in_dim3A_480, %broadcast_in_dim3A_481 : vector<16xi1>, vector<16xf32>
        %add3A_483 = arith.addf %add3A_445, %select_n3A_482 : vector<16xf32>
        %broadcast_in_dim3A_484 = vector.shape_cast %and3A_461 : vector<16xi32> to vector<16x1xi32>
        %gather3A_485 = vector.shape_cast %broadcast_in_dim3A_484 : vector<16x1xi32> to vector<16xi32>
        %gather3A_486 = tpu.dynamic_gather %select_n3A_482[%gather3A_485] in [0] : vector<16xf32>, vector<16xi32> -> vector<16xf32>
        %add3A_487 = arith.addf %add3A_449, %gather3A_486 : vector<16xf32>
        %add3A_488 = arith.constant 6 : i32
        %add3A_489 = vector.broadcast %add3A_488 : i32 to vector<16xi32>
        %add3A_490 = arith.addi %iota3A, %add3A_489 : vector<16xi32>
        %and3A_491 = arith.constant 15 : i32
        %and3A_492 = vector.broadcast %and3A_491 : i32 to vector<16xi32>
        %and3A_493 = arith.andi %add3A_490, %and3A_492 : vector<16xi32>
        %sub3A_494 = arith.constant 6 : i32
        %sub3A_495 = vector.broadcast %sub3A_494 : i32 to vector<16xi32>
        %sub3A_496 = arith.subi %iota3A, %sub3A_495 : vector<16xi32>
        %and3A_497 = arith.constant 15 : i32
        %and3A_498 = vector.broadcast %and3A_497 : i32 to vector<16xi32>
        %and3A_499 = arith.andi %sub3A_496, %and3A_498 : vector<16xi32>
        %add3A_500 = vector.broadcast %mul3A_256 : i32 to vector<16xi32>
        %add3A_501 = arith.addi %add3A_500, %and3A_493 : vector<16xi32>
        %gather3A_502 = arith.constant 1 : i32
        %gather3A_503 = arith.constant 0 : i32
        %gather3A_504 = tpu.memref_slice %arg6[%gather3A_502, %mul3A_258, %gather3A_503] : memref<2x128x128xf32, #tpu.memory_space<vmem>> -> memref<1x16x128xf32, #tpu.memory_space<vmem>>
        %gather3A_505 = tpu.memref_squeeze %gather3A_504 : memref<1x16x128xf32, #tpu.memory_space<vmem>> -> memref<16x128xf32, #tpu.memory_space<vmem>>
        %gather3A_506 = tpu.vector_load_idx %gather3A_505[%iota3A, %add3A_501] : memref<16x128xf32, #tpu.memory_space<vmem>>[vector<16xi32>, vector<16xi32>], vector<16xf32>,
        %gather3A_507 = arith.constant 0 : i32
        %gather3A_508 = tpu.memref_slice %arg5[%add3A_260, %gather3A_507] : memref<512x128xf32, #tpu.memory_space<vmem>> -> memref<16x128xf32, #tpu.memory_space<vmem>>
        %gather3A_509 = tpu.vector_load_idx %gather3A_508[%and3A_493, %add3A_234] : memref<16x128xf32, #tpu.memory_space<vmem>>[vector<16xi32>, vector<16xi32>], vector<16xf32>,
        %sub3A_510 = arith.subf %gather3A_509, %gather3A_506 : vector<16xf32>
        %mul3A_511 = arith.mulf %sub3A_510, %sub3A_510 : vector<16xf32>
        %add3A_512 = arith.addf %add3A_474, %mul3A_511 : vector<16xf32>
        %ne3A_513 = arith.constant 0.000000e+00 : f32
        %ne3A_514 = vector.broadcast %ne3A_513 : f32 to vector<16xf32>
        %ne3A_515 = arith.cmpf one, %gather3A_506, %ne3A_514 : vector<16xf32>
        %jit3A_516 = arith.constant 1.000000e+00 : f32
        %jit3A_517 = arith.constant 0.000000e+00 : f32
        %broadcast_in_dim3A_518 = vector.broadcast %jit3A_516 : f32 to vector<16xf32>
        %broadcast_in_dim3A_519 = vector.broadcast %jit3A_517 : f32 to vector<16xf32>
        %select_n3A_520 = arith.select %ne3A_515, %broadcast_in_dim3A_518, %broadcast_in_dim3A_519 : vector<16xi1>, vector<16xf32>
        %add3A_521 = arith.addf %add3A_483, %select_n3A_520 : vector<16xf32>
        %broadcast_in_dim3A_522 = vector.shape_cast %and3A_499 : vector<16xi32> to vector<16x1xi32>
        %gather3A_523 = vector.shape_cast %broadcast_in_dim3A_522 : vector<16x1xi32> to vector<16xi32>
        %gather3A_524 = tpu.dynamic_gather %select_n3A_520[%gather3A_523] in [0] : vector<16xf32>, vector<16xi32> -> vector<16xf32>
        %add3A_525 = arith.addf %add3A_487, %gather3A_524 : vector<16xf32>
        %add3A_526 = arith.constant 7 : i32
        %add3A_527 = vector.broadcast %add3A_526 : i32 to vector<16xi32>
        %add3A_528 = arith.addi %iota3A, %add3A_527 : vector<16xi32>
        %and3A_529 = arith.constant 15 : i32
        %and3A_530 = vector.broadcast %and3A_529 : i32 to vector<16xi32>
        %and3A_531 = arith.andi %add3A_528, %and3A_530 : vector<16xi32>
        %sub3A_532 = arith.constant 7 : i32
        %sub3A_533 = vector.broadcast %sub3A_532 : i32 to vector<16xi32>
        %sub3A_534 = arith.subi %iota3A, %sub3A_533 : vector<16xi32>
        %and3A_535 = arith.constant 15 : i32
        %and3A_536 = vector.broadcast %and3A_535 : i32 to vector<16xi32>
        %and3A_537 = arith.andi %sub3A_534, %and3A_536 : vector<16xi32>
        %add3A_538 = vector.broadcast %mul3A_256 : i32 to vector<16xi32>
        %add3A_539 = arith.addi %add3A_538, %and3A_531 : vector<16xi32>
        %gather3A_540 = arith.constant 1 : i32
        %gather3A_541 = arith.constant 0 : i32
        %gather3A_542 = tpu.memref_slice %arg6[%gather3A_540, %mul3A_258, %gather3A_541] : memref<2x128x128xf32, #tpu.memory_space<vmem>> -> memref<1x16x128xf32, #tpu.memory_space<vmem>>
        %gather3A_543 = tpu.memref_squeeze %gather3A_542 : memref<1x16x128xf32, #tpu.memory_space<vmem>> -> memref<16x128xf32, #tpu.memory_space<vmem>>
        %gather3A_544 = tpu.vector_load_idx %gather3A_543[%iota3A, %add3A_539] : memref<16x128xf32, #tpu.memory_space<vmem>>[vector<16xi32>, vector<16xi32>], vector<16xf32>,
        %gather3A_545 = arith.constant 0 : i32
        %gather3A_546 = tpu.memref_slice %arg5[%add3A_260, %gather3A_545] : memref<512x128xf32, #tpu.memory_space<vmem>> -> memref<16x128xf32, #tpu.memory_space<vmem>>
        %gather3A_547 = tpu.vector_load_idx %gather3A_546[%and3A_531, %add3A_234] : memref<16x128xf32, #tpu.memory_space<vmem>>[vector<16xi32>, vector<16xi32>], vector<16xf32>,
        %sub3A_548 = arith.subf %gather3A_547, %gather3A_544 : vector<16xf32>
        %mul3A_549 = arith.mulf %sub3A_548, %sub3A_548 : vector<16xf32>
        %add3A_550 = arith.addf %add3A_512, %mul3A_549 : vector<16xf32>
        %ne3A_551 = arith.constant 0.000000e+00 : f32
        %ne3A_552 = vector.broadcast %ne3A_551 : f32 to vector<16xf32>
        %ne3A_553 = arith.cmpf one, %gather3A_544, %ne3A_552 : vector<16xf32>
        %jit3A_554 = arith.constant 1.000000e+00 : f32
        %jit3A_555 = arith.constant 0.000000e+00 : f32
        %broadcast_in_dim3A_556 = vector.broadcast %jit3A_554 : f32 to vector<16xf32>
        %broadcast_in_dim3A_557 = vector.broadcast %jit3A_555 : f32 to vector<16xf32>
        %select_n3A_558 = arith.select %ne3A_553, %broadcast_in_dim3A_556, %broadcast_in_dim3A_557 : vector<16xi1>, vector<16xf32>
        %add3A_559 = arith.addf %add3A_521, %select_n3A_558 : vector<16xf32>
        %broadcast_in_dim3A_560 = vector.shape_cast %and3A_537 : vector<16xi32> to vector<16x1xi32>
        %gather3A_561 = vector.shape_cast %broadcast_in_dim3A_560 : vector<16x1xi32> to vector<16xi32>
        %gather3A_562 = tpu.dynamic_gather %select_n3A_558[%gather3A_561] in [0] : vector<16xf32>, vector<16xi32> -> vector<16xf32>
        %add3A_563 = arith.addf %add3A_525, %gather3A_562 : vector<16xf32>
        %add3A_564 = arith.constant 8 : i32
        %add3A_565 = vector.broadcast %add3A_564 : i32 to vector<16xi32>
        %add3A_566 = arith.addi %iota3A, %add3A_565 : vector<16xi32>
        %and3A_567 = arith.constant 15 : i32
        %and3A_568 = vector.broadcast %and3A_567 : i32 to vector<16xi32>
        %and3A_569 = arith.andi %add3A_566, %and3A_568 : vector<16xi32>
        %sub3A_570 = arith.constant 8 : i32
        %sub3A_571 = vector.broadcast %sub3A_570 : i32 to vector<16xi32>
        %sub3A_572 = arith.subi %iota3A, %sub3A_571 : vector<16xi32>
        %and3A_573 = arith.constant 15 : i32
        %and3A_574 = vector.broadcast %and3A_573 : i32 to vector<16xi32>
        %and3A_575 = arith.andi %sub3A_572, %and3A_574 : vector<16xi32>
        %add3A_576 = vector.broadcast %mul3A_256 : i32 to vector<16xi32>
        %add3A_577 = arith.addi %add3A_576, %and3A_569 : vector<16xi32>
        %gather3A_578 = arith.constant 1 : i32
        %gather3A_579 = arith.constant 0 : i32
        %gather3A_580 = tpu.memref_slice %arg6[%gather3A_578, %mul3A_258, %gather3A_579] : memref<2x128x128xf32, #tpu.memory_space<vmem>> -> memref<1x16x128xf32, #tpu.memory_space<vmem>>
        %gather3A_581 = tpu.memref_squeeze %gather3A_580 : memref<1x16x128xf32, #tpu.memory_space<vmem>> -> memref<16x128xf32, #tpu.memory_space<vmem>>
        %gather3A_582 = tpu.vector_load_idx %gather3A_581[%iota3A, %add3A_577] : memref<16x128xf32, #tpu.memory_space<vmem>>[vector<16xi32>, vector<16xi32>], vector<16xf32>,
        %gather3A_583 = arith.constant 0 : i32
        %gather3A_584 = tpu.memref_slice %arg5[%add3A_260, %gather3A_583] : memref<512x128xf32, #tpu.memory_space<vmem>> -> memref<16x128xf32, #tpu.memory_space<vmem>>
        %gather3A_585 = tpu.vector_load_idx %gather3A_584[%and3A_569, %add3A_234] : memref<16x128xf32, #tpu.memory_space<vmem>>[vector<16xi32>, vector<16xi32>], vector<16xf32>,
        %sub3A_586 = arith.subf %gather3A_585, %gather3A_582 : vector<16xf32>
        %mul3A_587 = arith.mulf %sub3A_586, %sub3A_586 : vector<16xf32>
        %add3A_588 = arith.addf %add3A_550, %mul3A_587 : vector<16xf32>
        %ne3A_589 = arith.constant 0.000000e+00 : f32
        %ne3A_590 = vector.broadcast %ne3A_589 : f32 to vector<16xf32>
        %ne3A_591 = arith.cmpf one, %gather3A_582, %ne3A_590 : vector<16xf32>
        %jit3A_592 = arith.constant 1.000000e+00 : f32
        %jit3A_593 = arith.constant 0.000000e+00 : f32
        %broadcast_in_dim3A_594 = vector.broadcast %jit3A_592 : f32 to vector<16xf32>
        %broadcast_in_dim3A_595 = vector.broadcast %jit3A_593 : f32 to vector<16xf32>
        %select_n3A_596 = arith.select %ne3A_591, %broadcast_in_dim3A_594, %broadcast_in_dim3A_595 : vector<16xi1>, vector<16xf32>
        %add3A_597 = arith.addf %add3A_559, %select_n3A_596 : vector<16xf32>
        %broadcast_in_dim3A_598 = vector.shape_cast %and3A_575 : vector<16xi32> to vector<16x1xi32>
        %gather3A_599 = vector.shape_cast %broadcast_in_dim3A_598 : vector<16x1xi32> to vector<16xi32>
        %gather3A_600 = tpu.dynamic_gather %select_n3A_596[%gather3A_599] in [0] : vector<16xf32>, vector<16xi32> -> vector<16xf32>
        %add3A_601 = arith.addf %add3A_563, %gather3A_600 : vector<16xf32>
        %add3A_602 = arith.constant 9 : i32
        %add3A_603 = vector.broadcast %add3A_602 : i32 to vector<16xi32>
        %add3A_604 = arith.addi %iota3A, %add3A_603 : vector<16xi32>
        %and3A_605 = arith.constant 15 : i32
        %and3A_606 = vector.broadcast %and3A_605 : i32 to vector<16xi32>
        %and3A_607 = arith.andi %add3A_604, %and3A_606 : vector<16xi32>
        %sub3A_608 = arith.constant 9 : i32
        %sub3A_609 = vector.broadcast %sub3A_608 : i32 to vector<16xi32>
        %sub3A_610 = arith.subi %iota3A, %sub3A_609 : vector<16xi32>
        %and3A_611 = arith.constant 15 : i32
        %and3A_612 = vector.broadcast %and3A_611 : i32 to vector<16xi32>
        %and3A_613 = arith.andi %sub3A_610, %and3A_612 : vector<16xi32>
        %add3A_614 = vector.broadcast %mul3A_256 : i32 to vector<16xi32>
        %add3A_615 = arith.addi %add3A_614, %and3A_607 : vector<16xi32>
        %gather3A_616 = arith.constant 1 : i32
        %gather3A_617 = arith.constant 0 : i32
        %gather3A_618 = tpu.memref_slice %arg6[%gather3A_616, %mul3A_258, %gather3A_617] : memref<2x128x128xf32, #tpu.memory_space<vmem>> -> memref<1x16x128xf32, #tpu.memory_space<vmem>>
        %gather3A_619 = tpu.memref_squeeze %gather3A_618 : memref<1x16x128xf32, #tpu.memory_space<vmem>> -> memref<16x128xf32, #tpu.memory_space<vmem>>
        %gather3A_620 = tpu.vector_load_idx %gather3A_619[%iota3A, %add3A_615] : memref<16x128xf32, #tpu.memory_space<vmem>>[vector<16xi32>, vector<16xi32>], vector<16xf32>,
        %gather3A_621 = arith.constant 0 : i32
        %gather3A_622 = tpu.memref_slice %arg5[%add3A_260, %gather3A_621] : memref<512x128xf32, #tpu.memory_space<vmem>> -> memref<16x128xf32, #tpu.memory_space<vmem>>
        %gather3A_623 = tpu.vector_load_idx %gather3A_622[%and3A_607, %add3A_234] : memref<16x128xf32, #tpu.memory_space<vmem>>[vector<16xi32>, vector<16xi32>], vector<16xf32>,
        %sub3A_624 = arith.subf %gather3A_623, %gather3A_620 : vector<16xf32>
        %mul3A_625 = arith.mulf %sub3A_624, %sub3A_624 : vector<16xf32>
        %add3A_626 = arith.addf %add3A_588, %mul3A_625 : vector<16xf32>
        %ne3A_627 = arith.constant 0.000000e+00 : f32
        %ne3A_628 = vector.broadcast %ne3A_627 : f32 to vector<16xf32>
        %ne3A_629 = arith.cmpf one, %gather3A_620, %ne3A_628 : vector<16xf32>
        %jit3A_630 = arith.constant 1.000000e+00 : f32
        %jit3A_631 = arith.constant 0.000000e+00 : f32
        %broadcast_in_dim3A_632 = vector.broadcast %jit3A_630 : f32 to vector<16xf32>
        %broadcast_in_dim3A_633 = vector.broadcast %jit3A_631 : f32 to vector<16xf32>
        %select_n3A_634 = arith.select %ne3A_629, %broadcast_in_dim3A_632, %broadcast_in_dim3A_633 : vector<16xi1>, vector<16xf32>
        %add3A_635 = arith.addf %add3A_597, %select_n3A_634 : vector<16xf32>
        %broadcast_in_dim3A_636 = vector.shape_cast %and3A_613 : vector<16xi32> to vector<16x1xi32>
        %gather3A_637 = vector.shape_cast %broadcast_in_dim3A_636 : vector<16x1xi32> to vector<16xi32>
        %gather3A_638 = tpu.dynamic_gather %select_n3A_634[%gather3A_637] in [0] : vector<16xf32>, vector<16xi32> -> vector<16xf32>
        %add3A_639 = arith.addf %add3A_601, %gather3A_638 : vector<16xf32>
        %add3A_640 = arith.constant 10 : i32
        %add3A_641 = vector.broadcast %add3A_640 : i32 to vector<16xi32>
        %add3A_642 = arith.addi %iota3A, %add3A_641 : vector<16xi32>
        %and3A_643 = arith.constant 15 : i32
        %and3A_644 = vector.broadcast %and3A_643 : i32 to vector<16xi32>
        %and3A_645 = arith.andi %add3A_642, %and3A_644 : vector<16xi32>
        %sub3A_646 = arith.constant 10 : i32
        %sub3A_647 = vector.broadcast %sub3A_646 : i32 to vector<16xi32>
        %sub3A_648 = arith.subi %iota3A, %sub3A_647 : vector<16xi32>
        %and3A_649 = arith.constant 15 : i32
        %and3A_650 = vector.broadcast %and3A_649 : i32 to vector<16xi32>
        %and3A_651 = arith.andi %sub3A_648, %and3A_650 : vector<16xi32>
        %add3A_652 = vector.broadcast %mul3A_256 : i32 to vector<16xi32>
        %add3A_653 = arith.addi %add3A_652, %and3A_645 : vector<16xi32>
        %gather3A_654 = arith.constant 1 : i32
        %gather3A_655 = arith.constant 0 : i32
        %gather3A_656 = tpu.memref_slice %arg6[%gather3A_654, %mul3A_258, %gather3A_655] : memref<2x128x128xf32, #tpu.memory_space<vmem>> -> memref<1x16x128xf32, #tpu.memory_space<vmem>>
        %gather3A_657 = tpu.memref_squeeze %gather3A_656 : memref<1x16x128xf32, #tpu.memory_space<vmem>> -> memref<16x128xf32, #tpu.memory_space<vmem>>
        %gather3A_658 = tpu.vector_load_idx %gather3A_657[%iota3A, %add3A_653] : memref<16x128xf32, #tpu.memory_space<vmem>>[vector<16xi32>, vector<16xi32>], vector<16xf32>,
        %gather3A_659 = arith.constant 0 : i32
        %gather3A_660 = tpu.memref_slice %arg5[%add3A_260, %gather3A_659] : memref<512x128xf32, #tpu.memory_space<vmem>> -> memref<16x128xf32, #tpu.memory_space<vmem>>
        %gather3A_661 = tpu.vector_load_idx %gather3A_660[%and3A_645, %add3A_234] : memref<16x128xf32, #tpu.memory_space<vmem>>[vector<16xi32>, vector<16xi32>], vector<16xf32>,
        %sub3A_662 = arith.subf %gather3A_661, %gather3A_658 : vector<16xf32>
        %mul3A_663 = arith.mulf %sub3A_662, %sub3A_662 : vector<16xf32>
        %add3A_664 = arith.addf %add3A_626, %mul3A_663 : vector<16xf32>
        %ne3A_665 = arith.constant 0.000000e+00 : f32
        %ne3A_666 = vector.broadcast %ne3A_665 : f32 to vector<16xf32>
        %ne3A_667 = arith.cmpf one, %gather3A_658, %ne3A_666 : vector<16xf32>
        %jit3A_668 = arith.constant 1.000000e+00 : f32
        %jit3A_669 = arith.constant 0.000000e+00 : f32
        %broadcast_in_dim3A_670 = vector.broadcast %jit3A_668 : f32 to vector<16xf32>
        %broadcast_in_dim3A_671 = vector.broadcast %jit3A_669 : f32 to vector<16xf32>
        %select_n3A_672 = arith.select %ne3A_667, %broadcast_in_dim3A_670, %broadcast_in_dim3A_671 : vector<16xi1>, vector<16xf32>
        %add3A_673 = arith.addf %add3A_635, %select_n3A_672 : vector<16xf32>
        %broadcast_in_dim3A_674 = vector.shape_cast %and3A_651 : vector<16xi32> to vector<16x1xi32>
        %gather3A_675 = vector.shape_cast %broadcast_in_dim3A_674 : vector<16x1xi32> to vector<16xi32>
        %gather3A_676 = tpu.dynamic_gather %select_n3A_672[%gather3A_675] in [0] : vector<16xf32>, vector<16xi32> -> vector<16xf32>
        %add3A_677 = arith.addf %add3A_639, %gather3A_676 : vector<16xf32>
        %add3A_678 = arith.constant 11 : i32
        %add3A_679 = vector.broadcast %add3A_678 : i32 to vector<16xi32>
        %add3A_680 = arith.addi %iota3A, %add3A_679 : vector<16xi32>
        %and3A_681 = arith.constant 15 : i32
        %and3A_682 = vector.broadcast %and3A_681 : i32 to vector<16xi32>
        %and3A_683 = arith.andi %add3A_680, %and3A_682 : vector<16xi32>
        %sub3A_684 = arith.constant 11 : i32
        %sub3A_685 = vector.broadcast %sub3A_684 : i32 to vector<16xi32>
        %sub3A_686 = arith.subi %iota3A, %sub3A_685 : vector<16xi32>
        %and3A_687 = arith.constant 15 : i32
        %and3A_688 = vector.broadcast %and3A_687 : i32 to vector<16xi32>
        %and3A_689 = arith.andi %sub3A_686, %and3A_688 : vector<16xi32>
        %add3A_690 = vector.broadcast %mul3A_256 : i32 to vector<16xi32>
        %add3A_691 = arith.addi %add3A_690, %and3A_683 : vector<16xi32>
        %gather3A_692 = arith.constant 1 : i32
        %gather3A_693 = arith.constant 0 : i32
        %gather3A_694 = tpu.memref_slice %arg6[%gather3A_692, %mul3A_258, %gather3A_693] : memref<2x128x128xf32, #tpu.memory_space<vmem>> -> memref<1x16x128xf32, #tpu.memory_space<vmem>>
        %gather3A_695 = tpu.memref_squeeze %gather3A_694 : memref<1x16x128xf32, #tpu.memory_space<vmem>> -> memref<16x128xf32, #tpu.memory_space<vmem>>
        %gather3A_696 = tpu.vector_load_idx %gather3A_695[%iota3A, %add3A_691] : memref<16x128xf32, #tpu.memory_space<vmem>>[vector<16xi32>, vector<16xi32>], vector<16xf32>,
        %gather3A_697 = arith.constant 0 : i32
        %gather3A_698 = tpu.memref_slice %arg5[%add3A_260, %gather3A_697] : memref<512x128xf32, #tpu.memory_space<vmem>> -> memref<16x128xf32, #tpu.memory_space<vmem>>
        %gather3A_699 = tpu.vector_load_idx %gather3A_698[%and3A_683, %add3A_234] : memref<16x128xf32, #tpu.memory_space<vmem>>[vector<16xi32>, vector<16xi32>], vector<16xf32>,
        %sub3A_700 = arith.subf %gather3A_699, %gather3A_696 : vector<16xf32>
        %mul3A_701 = arith.mulf %sub3A_700, %sub3A_700 : vector<16xf32>
        %add3A_702 = arith.addf %add3A_664, %mul3A_701 : vector<16xf32>
        %ne3A_703 = arith.constant 0.000000e+00 : f32
        %ne3A_704 = vector.broadcast %ne3A_703 : f32 to vector<16xf32>
        %ne3A_705 = arith.cmpf one, %gather3A_696, %ne3A_704 : vector<16xf32>
        %jit3A_706 = arith.constant 1.000000e+00 : f32
        %jit3A_707 = arith.constant 0.000000e+00 : f32
        %broadcast_in_dim3A_708 = vector.broadcast %jit3A_706 : f32 to vector<16xf32>
        %broadcast_in_dim3A_709 = vector.broadcast %jit3A_707 : f32 to vector<16xf32>
        %select_n3A_710 = arith.select %ne3A_705, %broadcast_in_dim3A_708, %broadcast_in_dim3A_709 : vector<16xi1>, vector<16xf32>
        %add3A_711 = arith.addf %add3A_673, %select_n3A_710 : vector<16xf32>
        %broadcast_in_dim3A_712 = vector.shape_cast %and3A_689 : vector<16xi32> to vector<16x1xi32>
        %gather3A_713 = vector.shape_cast %broadcast_in_dim3A_712 : vector<16x1xi32> to vector<16xi32>
        %gather3A_714 = tpu.dynamic_gather %select_n3A_710[%gather3A_713] in [0] : vector<16xf32>, vector<16xi32> -> vector<16xf32>
        %add3A_715 = arith.addf %add3A_677, %gather3A_714 : vector<16xf32>
        %add3A_716 = arith.constant 12 : i32
        %add3A_717 = vector.broadcast %add3A_716 : i32 to vector<16xi32>
        %add3A_718 = arith.addi %iota3A, %add3A_717 : vector<16xi32>
        %and3A_719 = arith.constant 15 : i32
        %and3A_720 = vector.broadcast %and3A_719 : i32 to vector<16xi32>
        %and3A_721 = arith.andi %add3A_718, %and3A_720 : vector<16xi32>
        %sub3A_722 = arith.constant 12 : i32
        %sub3A_723 = vector.broadcast %sub3A_722 : i32 to vector<16xi32>
        %sub3A_724 = arith.subi %iota3A, %sub3A_723 : vector<16xi32>
        %and3A_725 = arith.constant 15 : i32
        %and3A_726 = vector.broadcast %and3A_725 : i32 to vector<16xi32>
        %and3A_727 = arith.andi %sub3A_724, %and3A_726 : vector<16xi32>
        %add3A_728 = vector.broadcast %mul3A_256 : i32 to vector<16xi32>
        %add3A_729 = arith.addi %add3A_728, %and3A_721 : vector<16xi32>
        %gather3A_730 = arith.constant 1 : i32
        %gather3A_731 = arith.constant 0 : i32
        %gather3A_732 = tpu.memref_slice %arg6[%gather3A_730, %mul3A_258, %gather3A_731] : memref<2x128x128xf32, #tpu.memory_space<vmem>> -> memref<1x16x128xf32, #tpu.memory_space<vmem>>
        %gather3A_733 = tpu.memref_squeeze %gather3A_732 : memref<1x16x128xf32, #tpu.memory_space<vmem>> -> memref<16x128xf32, #tpu.memory_space<vmem>>
        %gather3A_734 = tpu.vector_load_idx %gather3A_733[%iota3A, %add3A_729] : memref<16x128xf32, #tpu.memory_space<vmem>>[vector<16xi32>, vector<16xi32>], vector<16xf32>,
        %gather3A_735 = arith.constant 0 : i32
        %gather3A_736 = tpu.memref_slice %arg5[%add3A_260, %gather3A_735] : memref<512x128xf32, #tpu.memory_space<vmem>> -> memref<16x128xf32, #tpu.memory_space<vmem>>
        %gather3A_737 = tpu.vector_load_idx %gather3A_736[%and3A_721, %add3A_234] : memref<16x128xf32, #tpu.memory_space<vmem>>[vector<16xi32>, vector<16xi32>], vector<16xf32>,
        %sub3A_738 = arith.subf %gather3A_737, %gather3A_734 : vector<16xf32>
        %mul3A_739 = arith.mulf %sub3A_738, %sub3A_738 : vector<16xf32>
        %add3A_740 = arith.addf %add3A_702, %mul3A_739 : vector<16xf32>
        %ne3A_741 = arith.constant 0.000000e+00 : f32
        %ne3A_742 = vector.broadcast %ne3A_741 : f32 to vector<16xf32>
        %ne3A_743 = arith.cmpf one, %gather3A_734, %ne3A_742 : vector<16xf32>
        %jit3A_744 = arith.constant 1.000000e+00 : f32
        %jit3A_745 = arith.constant 0.000000e+00 : f32
        %broadcast_in_dim3A_746 = vector.broadcast %jit3A_744 : f32 to vector<16xf32>
        %broadcast_in_dim3A_747 = vector.broadcast %jit3A_745 : f32 to vector<16xf32>
        %select_n3A_748 = arith.select %ne3A_743, %broadcast_in_dim3A_746, %broadcast_in_dim3A_747 : vector<16xi1>, vector<16xf32>
        %add3A_749 = arith.addf %add3A_711, %select_n3A_748 : vector<16xf32>
        %broadcast_in_dim3A_750 = vector.shape_cast %and3A_727 : vector<16xi32> to vector<16x1xi32>
        %gather3A_751 = vector.shape_cast %broadcast_in_dim3A_750 : vector<16x1xi32> to vector<16xi32>
        %gather3A_752 = tpu.dynamic_gather %select_n3A_748[%gather3A_751] in [0] : vector<16xf32>, vector<16xi32> -> vector<16xf32>
        %add3A_753 = arith.addf %add3A_715, %gather3A_752 : vector<16xf32>
        %add3A_754 = arith.constant 13 : i32
        %add3A_755 = vector.broadcast %add3A_754 : i32 to vector<16xi32>
        %add3A_756 = arith.addi %iota3A, %add3A_755 : vector<16xi32>
        %and3A_757 = arith.constant 15 : i32
        %and3A_758 = vector.broadcast %and3A_757 : i32 to vector<16xi32>
        %and3A_759 = arith.andi %add3A_756, %and3A_758 : vector<16xi32>
        %sub3A_760 = arith.constant 13 : i32
        %sub3A_761 = vector.broadcast %sub3A_760 : i32 to vector<16xi32>
        %sub3A_762 = arith.subi %iota3A, %sub3A_761 : vector<16xi32>
        %and3A_763 = arith.constant 15 : i32
        %and3A_764 = vector.broadcast %and3A_763 : i32 to vector<16xi32>
        %and3A_765 = arith.andi %sub3A_762, %and3A_764 : vector<16xi32>
        %add3A_766 = vector.broadcast %mul3A_256 : i32 to vector<16xi32>
        %add3A_767 = arith.addi %add3A_766, %and3A_759 : vector<16xi32>
        %gather3A_768 = arith.constant 1 : i32
        %gather3A_769 = arith.constant 0 : i32
        %gather3A_770 = tpu.memref_slice %arg6[%gather3A_768, %mul3A_258, %gather3A_769] : memref<2x128x128xf32, #tpu.memory_space<vmem>> -> memref<1x16x128xf32, #tpu.memory_space<vmem>>
        %gather3A_771 = tpu.memref_squeeze %gather3A_770 : memref<1x16x128xf32, #tpu.memory_space<vmem>> -> memref<16x128xf32, #tpu.memory_space<vmem>>
        %gather3A_772 = tpu.vector_load_idx %gather3A_771[%iota3A, %add3A_767] : memref<16x128xf32, #tpu.memory_space<vmem>>[vector<16xi32>, vector<16xi32>], vector<16xf32>,
        %gather3A_773 = arith.constant 0 : i32
        %gather3A_774 = tpu.memref_slice %arg5[%add3A_260, %gather3A_773] : memref<512x128xf32, #tpu.memory_space<vmem>> -> memref<16x128xf32, #tpu.memory_space<vmem>>
        %gather3A_775 = tpu.vector_load_idx %gather3A_774[%and3A_759, %add3A_234] : memref<16x128xf32, #tpu.memory_space<vmem>>[vector<16xi32>, vector<16xi32>], vector<16xf32>,
        %sub3A_776 = arith.subf %gather3A_775, %gather3A_772 : vector<16xf32>
        %mul3A_777 = arith.mulf %sub3A_776, %sub3A_776 : vector<16xf32>
        %add3A_778 = arith.addf %add3A_740, %mul3A_777 : vector<16xf32>
        %ne3A_779 = arith.constant 0.000000e+00 : f32
        %ne3A_780 = vector.broadcast %ne3A_779 : f32 to vector<16xf32>
        %ne3A_781 = arith.cmpf one, %gather3A_772, %ne3A_780 : vector<16xf32>
        %jit3A_782 = arith.constant 1.000000e+00 : f32
        %jit3A_783 = arith.constant 0.000000e+00 : f32
        %broadcast_in_dim3A_784 = vector.broadcast %jit3A_782 : f32 to vector<16xf32>
        %broadcast_in_dim3A_785 = vector.broadcast %jit3A_783 : f32 to vector<16xf32>
        %select_n3A_786 = arith.select %ne3A_781, %broadcast_in_dim3A_784, %broadcast_in_dim3A_785 : vector<16xi1>, vector<16xf32>
        %add3A_787 = arith.addf %add3A_749, %select_n3A_786 : vector<16xf32>
        %broadcast_in_dim3A_788 = vector.shape_cast %and3A_765 : vector<16xi32> to vector<16x1xi32>
        %gather3A_789 = vector.shape_cast %broadcast_in_dim3A_788 : vector<16x1xi32> to vector<16xi32>
        %gather3A_790 = tpu.dynamic_gather %select_n3A_786[%gather3A_789] in [0] : vector<16xf32>, vector<16xi32> -> vector<16xf32>
        %add3A_791 = arith.addf %add3A_753, %gather3A_790 : vector<16xf32>
        %add3A_792 = arith.constant 14 : i32
        %add3A_793 = vector.broadcast %add3A_792 : i32 to vector<16xi32>
        %add3A_794 = arith.addi %iota3A, %add3A_793 : vector<16xi32>
        %and3A_795 = arith.constant 15 : i32
        %and3A_796 = vector.broadcast %and3A_795 : i32 to vector<16xi32>
        %and3A_797 = arith.andi %add3A_794, %and3A_796 : vector<16xi32>
        %sub3A_798 = arith.constant 14 : i32
        %sub3A_799 = vector.broadcast %sub3A_798 : i32 to vector<16xi32>
        %sub3A_800 = arith.subi %iota3A, %sub3A_799 : vector<16xi32>
        %and3A_801 = arith.constant 15 : i32
        %and3A_802 = vector.broadcast %and3A_801 : i32 to vector<16xi32>
        %and3A_803 = arith.andi %sub3A_800, %and3A_802 : vector<16xi32>
        %add3A_804 = vector.broadcast %mul3A_256 : i32 to vector<16xi32>
        %add3A_805 = arith.addi %add3A_804, %and3A_797 : vector<16xi32>
        %gather3A_806 = arith.constant 1 : i32
        %gather3A_807 = arith.constant 0 : i32
        %gather3A_808 = tpu.memref_slice %arg6[%gather3A_806, %mul3A_258, %gather3A_807] : memref<2x128x128xf32, #tpu.memory_space<vmem>> -> memref<1x16x128xf32, #tpu.memory_space<vmem>>
        %gather3A_809 = tpu.memref_squeeze %gather3A_808 : memref<1x16x128xf32, #tpu.memory_space<vmem>> -> memref<16x128xf32, #tpu.memory_space<vmem>>
        %gather3A_810 = tpu.vector_load_idx %gather3A_809[%iota3A, %add3A_805] : memref<16x128xf32, #tpu.memory_space<vmem>>[vector<16xi32>, vector<16xi32>], vector<16xf32>,
        %gather3A_811 = arith.constant 0 : i32
        %gather3A_812 = tpu.memref_slice %arg5[%add3A_260, %gather3A_811] : memref<512x128xf32, #tpu.memory_space<vmem>> -> memref<16x128xf32, #tpu.memory_space<vmem>>
        %gather3A_813 = tpu.vector_load_idx %gather3A_812[%and3A_797, %add3A_234] : memref<16x128xf32, #tpu.memory_space<vmem>>[vector<16xi32>, vector<16xi32>], vector<16xf32>,
        %sub3A_814 = arith.subf %gather3A_813, %gather3A_810 : vector<16xf32>
        %mul3A_815 = arith.mulf %sub3A_814, %sub3A_814 : vector<16xf32>
        %add3A_816 = arith.addf %add3A_778, %mul3A_815 : vector<16xf32>
        %ne3A_817 = arith.constant 0.000000e+00 : f32
        %ne3A_818 = vector.broadcast %ne3A_817 : f32 to vector<16xf32>
        %ne3A_819 = arith.cmpf one, %gather3A_810, %ne3A_818 : vector<16xf32>
        %jit3A_820 = arith.constant 1.000000e+00 : f32
        %jit3A_821 = arith.constant 0.000000e+00 : f32
        %broadcast_in_dim3A_822 = vector.broadcast %jit3A_820 : f32 to vector<16xf32>
        %broadcast_in_dim3A_823 = vector.broadcast %jit3A_821 : f32 to vector<16xf32>
        %select_n3A_824 = arith.select %ne3A_819, %broadcast_in_dim3A_822, %broadcast_in_dim3A_823 : vector<16xi1>, vector<16xf32>
        %add3A_825 = arith.addf %add3A_787, %select_n3A_824 : vector<16xf32>
        %broadcast_in_dim3A_826 = vector.shape_cast %and3A_803 : vector<16xi32> to vector<16x1xi32>
        %gather3A_827 = vector.shape_cast %broadcast_in_dim3A_826 : vector<16x1xi32> to vector<16xi32>
        %gather3A_828 = tpu.dynamic_gather %select_n3A_824[%gather3A_827] in [0] : vector<16xf32>, vector<16xi32> -> vector<16xf32>
        %add3A_829 = arith.addf %add3A_791, %gather3A_828 : vector<16xf32>
        %add3A_830 = arith.constant 15 : i32
        %add3A_831 = vector.broadcast %add3A_830 : i32 to vector<16xi32>
        %add3A_832 = arith.addi %iota3A, %add3A_831 : vector<16xi32>
        %and3A_833 = arith.constant 15 : i32
        %and3A_834 = vector.broadcast %and3A_833 : i32 to vector<16xi32>
        %and3A_835 = arith.andi %add3A_832, %and3A_834 : vector<16xi32>
        %sub3A_836 = arith.constant 15 : i32
        %sub3A_837 = vector.broadcast %sub3A_836 : i32 to vector<16xi32>
        %sub3A_838 = arith.subi %iota3A, %sub3A_837 : vector<16xi32>
        %and3A_839 = arith.constant 15 : i32
        %and3A_840 = vector.broadcast %and3A_839 : i32 to vector<16xi32>
        %and3A_841 = arith.andi %sub3A_838, %and3A_840 : vector<16xi32>
        %add3A_842 = vector.broadcast %mul3A_256 : i32 to vector<16xi32>
        %add3A_843 = arith.addi %add3A_842, %and3A_835 : vector<16xi32>
        %gather3A_844 = arith.constant 1 : i32
        %gather3A_845 = arith.constant 0 : i32
        %gather3A_846 = tpu.memref_slice %arg6[%gather3A_844, %mul3A_258, %gather3A_845] : memref<2x128x128xf32, #tpu.memory_space<vmem>> -> memref<1x16x128xf32, #tpu.memory_space<vmem>>
        %gather3A_847 = tpu.memref_squeeze %gather3A_846 : memref<1x16x128xf32, #tpu.memory_space<vmem>> -> memref<16x128xf32, #tpu.memory_space<vmem>>
        %gather3A_848 = tpu.vector_load_idx %gather3A_847[%iota3A, %add3A_843] : memref<16x128xf32, #tpu.memory_space<vmem>>[vector<16xi32>, vector<16xi32>], vector<16xf32>,
        %gather3A_849 = arith.constant 0 : i32
        %gather3A_850 = tpu.memref_slice %arg5[%add3A_260, %gather3A_849] : memref<512x128xf32, #tpu.memory_space<vmem>> -> memref<16x128xf32, #tpu.memory_space<vmem>>
        %gather3A_851 = tpu.vector_load_idx %gather3A_850[%and3A_835, %add3A_234] : memref<16x128xf32, #tpu.memory_space<vmem>>[vector<16xi32>, vector<16xi32>], vector<16xf32>,
        %sub3A_852 = arith.subf %gather3A_851, %gather3A_848 : vector<16xf32>
        %mul3A_853 = arith.mulf %sub3A_852, %sub3A_852 : vector<16xf32>
        %add3A_854 = arith.addf %add3A_816, %mul3A_853 : vector<16xf32>
        %ne3A_855 = arith.constant 0.000000e+00 : f32
        %ne3A_856 = vector.broadcast %ne3A_855 : f32 to vector<16xf32>
        %ne3A_857 = arith.cmpf one, %gather3A_848, %ne3A_856 : vector<16xf32>
        %jit3A_858 = arith.constant 1.000000e+00 : f32
        %jit3A_859 = arith.constant 0.000000e+00 : f32
        %broadcast_in_dim3A_860 = vector.broadcast %jit3A_858 : f32 to vector<16xf32>
        %broadcast_in_dim3A_861 = vector.broadcast %jit3A_859 : f32 to vector<16xf32>
        %select_n3A_862 = arith.select %ne3A_857, %broadcast_in_dim3A_860, %broadcast_in_dim3A_861 : vector<16xi1>, vector<16xf32>
        %add3A_863 = arith.addf %add3A_825, %select_n3A_862 : vector<16xf32>
        %broadcast_in_dim3A_864 = vector.shape_cast %and3A_841 : vector<16xi32> to vector<16x1xi32>
        %gather3A_865 = vector.shape_cast %broadcast_in_dim3A_864 : vector<16x1xi32> to vector<16xi32>
        %gather3A_866 = tpu.dynamic_gather %select_n3A_862[%gather3A_865] in [0] : vector<16xf32>, vector<16xi32> -> vector<16xf32>
        %add3A_867 = arith.addf %add3A_829, %gather3A_866 : vector<16xf32>
        %add3A_868 = arith.constant 384 : i32
        %add3A_869 = arith.addi %add3A_868, %mul3A_256 : i32
        %eq3A_870 = arith.constant 0 : i32
        %eq3A_871 = arith.cmpi eq, %scan3A_229, %eq3A_870 : i32
        %get3A_872 = arith.index_cast %add3A_869 : i32 to index
        %get3A_873 = tpu.vector_load %arg7[%get3A_872] {strides = array<i32>} : memref<512xf32, #tpu.memory_space<vmem>>, vector<16xf32>,
        %jit3A_874 = arith.constant 0.000000e+00 : f32
        %broadcast_in_dim3A_875 = vector.broadcast %jit3A_874 : f32 to vector<16xf32>
        %select_n3A_876 = arith.select %eq3A_871, %broadcast_in_dim3A_875, %get3A_873 : vector<16xf32>
        %add3A_877 = arith.addf %select_n3A_876, %add3A_867 : vector<16xf32>
        %swap3A_878 = arith.index_cast %add3A_869 : i32 to index
        %swap3A_879 = tpu.vector_load %arg7[%swap3A_878] {strides = array<i32>} : memref<512xf32, #tpu.memory_space<vmem>>, vector<16xf32>,
        tpu.vector_store %arg7[%swap3A_878], %add3A_877 {strides = array<i32>} : memref<512xf32, #tpu.memory_space<vmem>>, vector<16xf32>,
        scf.yield %add3A_854, %add3A_863 : vector<16xf32>, vector<16xf32>
      }
      %scan3A_240 = arith.constant 8 : i32
      %mul3A_241 = arith.constant 16 : i32
      %mul3A_242 = arith.muli %scan3A_229, %mul3A_241 : i32
      %get3A = arith.index_cast %mul3A_242 : i32 to index
      %get3A_243 = tpu.vector_load %arg8[%get3A] {strides = array<i32>} : memref<128xf32, #tpu.memory_space<vmem>>, vector<16xf32>,
      %add3A_244 = arith.addf %get3A_243, %scan3A_239#0 : vector<16xf32>
      %swap3A = arith.index_cast %mul3A_242 : i32 to index
      %swap3A_245 = tpu.vector_load %arg8[%swap3A] {strides = array<i32>} : memref<128xf32, #tpu.memory_space<vmem>>, vector<16xf32>,
      tpu.vector_store %arg8[%swap3A], %add3A_244 {strides = array<i32>} : memref<128xf32, #tpu.memory_space<vmem>>, vector<16xf32>,
      %get3A_246 = arith.index_cast %mul3A_242 : i32 to index
      %get3A_247 = tpu.vector_load %arg9[%get3A_246] {strides = array<i32>} : memref<128xf32, #tpu.memory_space<vmem>>, vector<16xf32>,
      %add3A_248 = arith.addf %get3A_247, %scan3A_239#1 : vector<16xf32>
      %swap3A_249 = arith.index_cast %mul3A_242 : i32 to index
      %swap3A_250 = tpu.vector_load %arg9[%swap3A_249] {strides = array<i32>} : memref<128xf32, #tpu.memory_space<vmem>>, vector<16xf32>,
      tpu.vector_store %arg9[%swap3A_249], %add3A_248 {strides = array<i32>} : memref<128xf32, #tpu.memory_space<vmem>>, vector<16xf32>,
      %scan3A_251 = arith.constant 0 : i32
      scf.yield %scan3A_251 : i32
    }
    %scan3A_225 = arith.constant 8 : i32
    "tpu.region"() ({
      %run_scoped3A = tpu.sem_alloc : memref<!tpu.dma_semaphore, #tpu.memory_space<semaphore_mem>>
      %dma_start3A_229 = tpu.memref_slice %arg16[%select_n3A_28, %mul3A_29] : memref<2x1024xf32, #tpu.memory_space<vmem_shared>> -> memref<1x128xf32, #tpu.memory_space<vmem_shared>>
      %dma_start3A_230 = tpu.memref_squeeze %dma_start3A_229 : memref<1x128xf32, #tpu.memory_space<vmem_shared>> -> memref<128xf32, #tpu.memory_space<vmem_shared>>
      %dma_start3A_231 = tpu.memref_slice %arg16[%select_n3A_28, %mul3A_29] : memref<2x1024xf32, #tpu.memory_space<vmem_shared>> -> memref<1x128xf32, #tpu.memory_space<vmem_shared>>
      %dma_start3A_232 = tpu.memref_squeeze %dma_start3A_231 : memref<1x128xf32, #tpu.memory_space<vmem_shared>> -> memref<128xf32, #tpu.memory_space<vmem_shared>>
      tpu.enqueue_dma source(%arg8 : memref<128xf32, #tpu.memory_space<vmem>>) target(%dma_start3A_232 : memref<128xf32, #tpu.memory_space<vmem_shared>>) target_semaphore(%run_scoped3A : memref<!tpu.dma_semaphore, #tpu.memory_space<semaphore_mem>>)
      %dma_wait3A_233 = tpu.memref_slice %arg16[%select_n3A_28, %mul3A_29] : memref<2x1024xf32, #tpu.memory_space<vmem_shared>> -> memref<1x128xf32, #tpu.memory_space<vmem_shared>>
      %dma_wait3A_234 = tpu.memref_squeeze %dma_wait3A_233 : memref<1x128xf32, #tpu.memory_space<vmem_shared>> -> memref<128xf32, #tpu.memory_space<vmem_shared>>
      %dma_wait3A_235 = tpu.memref_slice %arg16[%select_n3A_28, %mul3A_29] : memref<2x1024xf32, #tpu.memory_space<vmem_shared>> -> memref<1x128xf32, #tpu.memory_space<vmem_shared>>
      %dma_wait3A_236 = tpu.memref_squeeze %dma_wait3A_235 : memref<1x128xf32, #tpu.memory_space<vmem_shared>> -> memref<128xf32, #tpu.memory_space<vmem_shared>>
      tpu.wait_dma2 semaphore(%run_scoped3A : memref<!tpu.dma_semaphore, #tpu.memory_space<semaphore_mem>>) src(%arg8 : memref<128xf32, #tpu.memory_space<vmem>>) dst(%dma_wait3A_236 : memref<128xf32, #tpu.memory_space<vmem_shared>>)
      tpu.yield
    }) : () -> ()
    "tpu.region"() ({
      %run_scoped3A = tpu.sem_alloc : memref<!tpu.dma_semaphore, #tpu.memory_space<semaphore_mem>>
      %dma_start3A_229 = tpu.memref_slice %arg17[%select_n3A_28, %mul3A_29] : memref<2x1024xf32, #tpu.memory_space<vmem_shared>> -> memref<1x128xf32, #tpu.memory_space<vmem_shared>>
      %dma_start3A_230 = tpu.memref_squeeze %dma_start3A_229 : memref<1x128xf32, #tpu.memory_space<vmem_shared>> -> memref<128xf32, #tpu.memory_space<vmem_shared>>
      %dma_start3A_231 = tpu.memref_slice %arg17[%select_n3A_28, %mul3A_29] : memref<2x1024xf32, #tpu.memory_space<vmem_shared>> -> memref<1x128xf32, #tpu.memory_space<vmem_shared>>
      %dma_start3A_232 = tpu.memref_squeeze %dma_start3A_231 : memref<1x128xf32, #tpu.memory_space<vmem_shared>> -> memref<128xf32, #tpu.memory_space<vmem_shared>>
      tpu.enqueue_dma source(%arg9 : memref<128xf32, #tpu.memory_space<vmem>>) target(%dma_start3A_232 : memref<128xf32, #tpu.memory_space<vmem_shared>>) target_semaphore(%run_scoped3A : memref<!tpu.dma_semaphore, #tpu.memory_space<semaphore_mem>>)
      %dma_wait3A_233 = tpu.memref_slice %arg17[%select_n3A_28, %mul3A_29] : memref<2x1024xf32, #tpu.memory_space<vmem_shared>> -> memref<1x128xf32, #tpu.memory_space<vmem_shared>>
      %dma_wait3A_234 = tpu.memref_squeeze %dma_wait3A_233 : memref<1x128xf32, #tpu.memory_space<vmem_shared>> -> memref<128xf32, #tpu.memory_space<vmem_shared>>
      %dma_wait3A_235 = tpu.memref_slice %arg17[%select_n3A_28, %mul3A_29] : memref<2x1024xf32, #tpu.memory_space<vmem_shared>> -> memref<1x128xf32, #tpu.memory_space<vmem_shared>>
      %dma_wait3A_236 = tpu.memref_squeeze %dma_wait3A_235 : memref<1x128xf32, #tpu.memory_space<vmem_shared>> -> memref<128xf32, #tpu.memory_space<vmem_shared>>
      tpu.wait_dma2 semaphore(%run_scoped3A : memref<!tpu.dma_semaphore, #tpu.memory_space<semaphore_mem>>) src(%arg9 : memref<128xf32, #tpu.memory_space<vmem>>) dst(%dma_wait3A_236 : memref<128xf32, #tpu.memory_space<vmem_shared>>)
      tpu.yield
    }) : () -> ()
    "tpu.region"() ({
      %run_scoped3A = tpu.sem_alloc : memref<!tpu.dma_semaphore, #tpu.memory_space<semaphore_mem>>
      %dma_start3A_229 = tpu.memref_slice %arg15[%select_n3A, %mul3A_31] : memref<8x1024xf32, #tpu.memory_space<vmem_shared>> -> memref<1x512xf32, #tpu.memory_space<vmem_shared>>
      %dma_start3A_230 = tpu.memref_squeeze %dma_start3A_229 : memref<1x512xf32, #tpu.memory_space<vmem_shared>> -> memref<512xf32, #tpu.memory_space<vmem_shared>>
      %dma_start3A_231 = tpu.memref_slice %arg15[%select_n3A, %mul3A_31] : memref<8x1024xf32, #tpu.memory_space<vmem_shared>> -> memref<1x512xf32, #tpu.memory_space<vmem_shared>>
      %dma_start3A_232 = tpu.memref_squeeze %dma_start3A_231 : memref<1x512xf32, #tpu.memory_space<vmem_shared>> -> memref<512xf32, #tpu.memory_space<vmem_shared>>
      tpu.enqueue_dma source(%arg7 : memref<512xf32, #tpu.memory_space<vmem>>) target(%dma_start3A_232 : memref<512xf32, #tpu.memory_space<vmem_shared>>) target_semaphore(%run_scoped3A : memref<!tpu.dma_semaphore, #tpu.memory_space<semaphore_mem>>)
      %dma_wait3A_233 = tpu.memref_slice %arg15[%select_n3A, %mul3A_31] : memref<8x1024xf32, #tpu.memory_space<vmem_shared>> -> memref<1x512xf32, #tpu.memory_space<vmem_shared>>
      %dma_wait3A_234 = tpu.memref_squeeze %dma_wait3A_233 : memref<1x512xf32, #tpu.memory_space<vmem_shared>> -> memref<512xf32, #tpu.memory_space<vmem_shared>>
      %dma_wait3A_235 = tpu.memref_slice %arg15[%select_n3A, %mul3A_31] : memref<8x1024xf32, #tpu.memory_space<vmem_shared>> -> memref<1x512xf32, #tpu.memory_space<vmem_shared>>
      %dma_wait3A_236 = tpu.memref_squeeze %dma_wait3A_235 : memref<1x512xf32, #tpu.memory_space<vmem_shared>> -> memref<512xf32, #tpu.memory_space<vmem_shared>>
      tpu.wait_dma2 semaphore(%run_scoped3A : memref<!tpu.dma_semaphore, #tpu.memory_space<semaphore_mem>>) src(%arg7 : memref<512xf32, #tpu.memory_space<vmem>>) dst(%dma_wait3A_236 : memref<512xf32, #tpu.memory_space<vmem_shared>>)
      tpu.yield
    }) : () -> ()
    %barrier3A = arith.constant 0 : index
    tpu.barrier barrier_id(%barrier3A)
    %eq3A_226 = arith.constant 0 : i32
    %eq3A_227 = arith.cmpi eq, %arg1, %eq3A_226 : i32
    %convert_element_type3A = arith.extui %eq3A_227 : i1 to i32
    %cond3A = arith.constant 0 : i32
    %cond3A_228 = arith.cmpi ne, %convert_element_type3A, %cond3A : i32
    scf.if %cond3A_228 {
      "tpu.region"() ({
        %run_scoped3A = tpu.sem_alloc : memref<!tpu.dma_semaphore, #tpu.memory_space<semaphore_mem>>
        %dma_start3A_267 = arith.constant 0 : i32
        %dma_start3A_268 = arith.constant 0 : i32
        %dma_start3A_269 = tpu.memref_slice %arg10[%dma_start3A_267, %dma_start3A_268] : memref<12x1024xf32, #tpu.memory_space<vmem>> -> memref<8x1024xf32, #tpu.memory_space<vmem>>
        %dma_start3A_270 = arith.constant 0 : i32
        %dma_start3A_271 = arith.constant 0 : i32
        %dma_start3A_272 = tpu.memref_slice %arg10[%dma_start3A_270, %dma_start3A_271] : memref<12x1024xf32, #tpu.memory_space<vmem>> -> memref<8x1024xf32, #tpu.memory_space<vmem>>
        tpu.enqueue_dma source(%arg15 : memref<8x1024xf32, #tpu.memory_space<vmem_shared>>) target(%dma_start3A_272 : memref<8x1024xf32, #tpu.memory_space<vmem>>) target_semaphore(%run_scoped3A : memref<!tpu.dma_semaphore, #tpu.memory_space<semaphore_mem>>)
        %dma_wait3A_273 = arith.constant 0 : i32
        %dma_wait3A_274 = arith.constant 0 : i32
        %dma_wait3A_275 = tpu.memref_slice %arg10[%dma_wait3A_273, %dma_wait3A_274] : memref<12x1024xf32, #tpu.memory_space<vmem>> -> memref<8x1024xf32, #tpu.memory_space<vmem>>
        %dma_wait3A_276 = arith.constant 0 : i32
        %dma_wait3A_277 = arith.constant 0 : i32
        %dma_wait3A_278 = tpu.memref_slice %arg10[%dma_wait3A_276, %dma_wait3A_277] : memref<12x1024xf32, #tpu.memory_space<vmem>> -> memref<8x1024xf32, #tpu.memory_space<vmem>>
        tpu.wait_dma2 semaphore(%run_scoped3A : memref<!tpu.dma_semaphore, #tpu.memory_space<semaphore_mem>>) src(%arg15 : memref<8x1024xf32, #tpu.memory_space<vmem_shared>>) dst(%dma_wait3A_278 : memref<8x1024xf32, #tpu.memory_space<vmem>>)
        tpu.yield
      }) : () -> ()
      "tpu.region"() ({
        %run_scoped3A = tpu.sem_alloc : memref<!tpu.dma_semaphore, #tpu.memory_space<semaphore_mem>>
        %dma_start3A_267 = arith.constant 8 : i32
        %dma_start3A_268 = arith.constant 0 : i32
        %dma_start3A_269 = tpu.memref_slice %arg10[%dma_start3A_267, %dma_start3A_268] : memref<12x1024xf32, #tpu.memory_space<vmem>> -> memref<2x1024xf32, #tpu.memory_space<vmem>>
        %dma_start3A_270 = arith.constant 8 : i32
        %dma_start3A_271 = arith.constant 0 : i32
        %dma_start3A_272 = tpu.memref_slice %arg10[%dma_start3A_270, %dma_start3A_271] : memref<12x1024xf32, #tpu.memory_space<vmem>> -> memref<2x1024xf32, #tpu.memory_space<vmem>>
        tpu.enqueue_dma source(%arg16 : memref<2x1024xf32, #tpu.memory_space<vmem_shared>>) target(%dma_start3A_272 : memref<2x1024xf32, #tpu.memory_space<vmem>>) target_semaphore(%run_scoped3A : memref<!tpu.dma_semaphore, #tpu.memory_space<semaphore_mem>>)
        %dma_wait3A_273 = arith.constant 8 : i32
        %dma_wait3A_274 = arith.constant 0 : i32
        %dma_wait3A_275 = tpu.memref_slice %arg10[%dma_wait3A_273, %dma_wait3A_274] : memref<12x1024xf32, #tpu.memory_space<vmem>> -> memref<2x1024xf32, #tpu.memory_space<vmem>>
        %dma_wait3A_276 = arith.constant 8 : i32
        %dma_wait3A_277 = arith.constant 0 : i32
        %dma_wait3A_278 = tpu.memref_slice %arg10[%dma_wait3A_276, %dma_wait3A_277] : memref<12x1024xf32, #tpu.memory_space<vmem>> -> memref<2x1024xf32, #tpu.memory_space<vmem>>
        tpu.wait_dma2 semaphore(%run_scoped3A : memref<!tpu.dma_semaphore, #tpu.memory_space<semaphore_mem>>) src(%arg16 : memref<2x1024xf32, #tpu.memory_space<vmem_shared>>) dst(%dma_wait3A_278 : memref<2x1024xf32, #tpu.memory_space<vmem>>)
        tpu.yield
      }) : () -> ()
      "tpu.region"() ({
        %run_scoped3A = tpu.sem_alloc : memref<!tpu.dma_semaphore, #tpu.memory_space<semaphore_mem>>
        %dma_start3A_267 = arith.constant 10 : i32
        %dma_start3A_268 = arith.constant 0 : i32
        %dma_start3A_269 = tpu.memref_slice %arg10[%dma_start3A_267, %dma_start3A_268] : memref<12x1024xf32, #tpu.memory_space<vmem>> -> memref<2x1024xf32, #tpu.memory_space<vmem>>
        %dma_start3A_270 = arith.constant 10 : i32
        %dma_start3A_271 = arith.constant 0 : i32
        %dma_start3A_272 = tpu.memref_slice %arg10[%dma_start3A_270, %dma_start3A_271] : memref<12x1024xf32, #tpu.memory_space<vmem>> -> memref<2x1024xf32, #tpu.memory_space<vmem>>
        tpu.enqueue_dma source(%arg17 : memref<2x1024xf32, #tpu.memory_space<vmem_shared>>) target(%dma_start3A_272 : memref<2x1024xf32, #tpu.memory_space<vmem>>) target_semaphore(%run_scoped3A : memref<!tpu.dma_semaphore, #tpu.memory_space<semaphore_mem>>)
        %dma_wait3A_273 = arith.constant 10 : i32
        %dma_wait3A_274 = arith.constant 0 : i32
        %dma_wait3A_275 = tpu.memref_slice %arg10[%dma_wait3A_273, %dma_wait3A_274] : memref<12x1024xf32, #tpu.memory_space<vmem>> -> memref<2x1024xf32, #tpu.memory_space<vmem>>
        %dma_wait3A_276 = arith.constant 10 : i32
        %dma_wait3A_277 = arith.constant 0 : i32
        %dma_wait3A_278 = tpu.memref_slice %arg10[%dma_wait3A_276, %dma_wait3A_277] : memref<12x1024xf32, #tpu.memory_space<vmem>> -> memref<2x1024xf32, #tpu.memory_space<vmem>>
        tpu.wait_dma2 semaphore(%run_scoped3A : memref<!tpu.dma_semaphore, #tpu.memory_space<semaphore_mem>>) src(%arg17 : memref<2x1024xf32, #tpu.memory_space<vmem_shared>>) dst(%dma_wait3A_278 : memref<2x1024xf32, #tpu.memory_space<vmem>>)
        tpu.yield
      }) : () -> ()
      %scan3A_229 = arith.constant 0 : i32
      %scan3A_230 = arith.constant 64 : i32
      %scan3A_231 = arith.addi %scan3A_229, %scan3A_230 : i32
      %scan3A_232 = arith.constant 1 : i32
      %scan3A_233:3 = scf.for %scan3A_267 = %scan3A_229 to %scan3A_231 step %scan3A_232 iter_args(%scan3A_268 = %broadcast_in_dim3A_32, %scan3A_269 = %broadcast_in_dim3A_32, %scan3A_270 = %broadcast_in_dim3A_32) -> (vector<16xf32>, vector<16xf32>, vector<16xf32>)  : i32 {
        %mul3A_271 = arith.constant 16 : i32
        %mul3A_272 = arith.muli %scan3A_267, %mul3A_271 : i32
        %get3A = arith.constant 0 : i32
        %get3A_273 = arith.index_cast %get3A : i32 to index
        %get3A_274 = arith.index_cast %mul3A_272 : i32 to index
        %get3A_275 = tpu.vector_load %arg10[%get3A_273, %get3A_274] {strides = array<i32>} : memref<12x1024xf32, #tpu.memory_space<vmem>>, vector<16xf32>,
        %get3A_276 = arith.constant 1 : i32
        %get3A_277 = arith.index_cast %get3A_276 : i32 to index
        %get3A_278 = arith.index_cast %mul3A_272 : i32 to index
        %get3A_279 = tpu.vector_load %arg10[%get3A_277, %get3A_278] {strides = array<i32>} : memref<12x1024xf32, #tpu.memory_space<vmem>>, vector<16xf32>,
        %add3A_280 = arith.addf %get3A_275, %get3A_279 : vector<16xf32>
        %get3A_281 = arith.constant 2 : i32
        %get3A_282 = arith.index_cast %get3A_281 : i32 to index
        %get3A_283 = arith.index_cast %mul3A_272 : i32 to index
        %get3A_284 = tpu.vector_load %arg10[%get3A_282, %get3A_283] {strides = array<i32>} : memref<12x1024xf32, #tpu.memory_space<vmem>>, vector<16xf32>,
        %add3A_285 = arith.addf %add3A_280, %get3A_284 : vector<16xf32>
        %get3A_286 = arith.constant 3 : i32
        %get3A_287 = arith.index_cast %get3A_286 : i32 to index
        %get3A_288 = arith.index_cast %mul3A_272 : i32 to index
        %get3A_289 = tpu.vector_load %arg10[%get3A_287, %get3A_288] {strides = array<i32>} : memref<12x1024xf32, #tpu.memory_space<vmem>>, vector<16xf32>,
        %add3A_290 = arith.addf %add3A_285, %get3A_289 : vector<16xf32>
        %get3A_291 = arith.constant 4 : i32
        %get3A_292 = arith.index_cast %get3A_291 : i32 to index
        %get3A_293 = arith.index_cast %mul3A_272 : i32 to index
        %get3A_294 = tpu.vector_load %arg10[%get3A_292, %get3A_293] {strides = array<i32>} : memref<12x1024xf32, #tpu.memory_space<vmem>>, vector<16xf32>,
        %add3A_295 = arith.addf %add3A_290, %get3A_294 : vector<16xf32>
        %get3A_296 = arith.constant 5 : i32
        %get3A_297 = arith.index_cast %get3A_296 : i32 to index
        %get3A_298 = arith.index_cast %mul3A_272 : i32 to index
        %get3A_299 = tpu.vector_load %arg10[%get3A_297, %get3A_298] {strides = array<i32>} : memref<12x1024xf32, #tpu.memory_space<vmem>>, vector<16xf32>,
        %add3A_300 = arith.addf %add3A_295, %get3A_299 : vector<16xf32>
        %get3A_301 = arith.constant 6 : i32
        %get3A_302 = arith.index_cast %get3A_301 : i32 to index
        %get3A_303 = arith.index_cast %mul3A_272 : i32 to index
        %get3A_304 = tpu.vector_load %arg10[%get3A_302, %get3A_303] {strides = array<i32>} : memref<12x1024xf32, #tpu.memory_space<vmem>>, vector<16xf32>,
        %add3A_305 = arith.addf %add3A_300, %get3A_304 : vector<16xf32>
        %get3A_306 = arith.constant 7 : i32
        %get3A_307 = arith.index_cast %get3A_306 : i32 to index
        %get3A_308 = arith.index_cast %mul3A_272 : i32 to index
        %get3A_309 = tpu.vector_load %arg10[%get3A_307, %get3A_308] {strides = array<i32>} : memref<12x1024xf32, #tpu.memory_space<vmem>>, vector<16xf32>,
        %add3A_310 = arith.addf %add3A_305, %get3A_309 : vector<16xf32>
        %get3A_311 = arith.constant 8 : i32
        %get3A_312 = arith.index_cast %get3A_311 : i32 to index
        %get3A_313 = arith.index_cast %mul3A_272 : i32 to index
        %get3A_314 = tpu.vector_load %arg10[%get3A_312, %get3A_313] {strides = array<i32>} : memref<12x1024xf32, #tpu.memory_space<vmem>>, vector<16xf32>,
        %get3A_315 = arith.constant 9 : i32
        %get3A_316 = arith.index_cast %get3A_315 : i32 to index
        %get3A_317 = arith.index_cast %mul3A_272 : i32 to index
        %get3A_318 = tpu.vector_load %arg10[%get3A_316, %get3A_317] {strides = array<i32>} : memref<12x1024xf32, #tpu.memory_space<vmem>>, vector<16xf32>,
        %add3A_319 = arith.addf %get3A_314, %get3A_318 : vector<16xf32>
        %get3A_320 = arith.constant 10 : i32
        %get3A_321 = arith.index_cast %get3A_320 : i32 to index
        %get3A_322 = arith.index_cast %mul3A_272 : i32 to index
        %get3A_323 = tpu.vector_load %arg10[%get3A_321, %get3A_322] {strides = array<i32>} : memref<12x1024xf32, #tpu.memory_space<vmem>>, vector<16xf32>,
        %get3A_324 = arith.constant 11 : i32
        %get3A_325 = arith.index_cast %get3A_324 : i32 to index
        %get3A_326 = arith.index_cast %mul3A_272 : i32 to index
        %get3A_327 = tpu.vector_load %arg10[%get3A_325, %get3A_326] {strides = array<i32>} : memref<12x1024xf32, #tpu.memory_space<vmem>>, vector<16xf32>,
        %add3A_328 = arith.addf %get3A_323, %get3A_327 : vector<16xf32>
        %gt3A = arith.constant 0.000000e+00 : f32
        %gt3A_329 = vector.broadcast %gt3A : f32 to vector<16xf32>
        %gt3A_330 = arith.cmpf ogt, %add3A_328, %gt3A_329 : vector<16xf32>
        %gt3A_331 = arith.constant 0.000000e+00 : f32
        %gt3A_332 = vector.broadcast %gt3A_331 : f32 to vector<16xf32>
        %gt3A_333 = arith.cmpf ogt, %add3A_310, %gt3A_332 : vector<16xf32>
        %or3A = arith.ori %gt3A_330, %gt3A_333 : vector<16xi1>
        %jit3A_334 = arith.constant 0.000000e+00 : f32
        %broadcast_in_dim3A_335 = vector.broadcast %jit3A_334 : f32 to vector<16xf32>
        %select_n3A_336 = arith.select %or3A, %add3A_319, %broadcast_in_dim3A_335 : vector<16xi1>, vector<16xf32>
        %add3A_337 = arith.addf %scan3A_270, %select_n3A_336 : vector<16xf32>
        %add3A_338 = arith.addf %scan3A_268, %add3A_310 : vector<16xf32>
        %add3A_339 = arith.addf %scan3A_269, %add3A_319 : vector<16xf32>
        scf.yield %add3A_338, %add3A_339, %add3A_337 : vector<16xf32>, vector<16xf32>, vector<16xf32>
      }
      %scan3A_234 = arith.constant 64 : i32
      %broadcast_in_dim3A_235 = arith.constant 1.000000e+00 : f32
      %broadcast_in_dim3A_236 = vector.broadcast %broadcast_in_dim3A_235 : f32 to vector<16xf32>
      %reduce_sum3A = arith.constant true
      %reduce_sum3A_237 = vector.broadcast %reduce_sum3A : i1 to vector<16xi1>
      %reduce_sum3A_238 = tpu.scan <sum>, %scan3A_233#0 masked %reduce_sum3A_237 : vector<16xf32>, vector<16xi1> -> vector<16xf32>
      %reduce_sum3A_239 = vector.extract %reduce_sum3A_238[15] : f32 from vector<16xf32>
      %mul3A_240 = vector.broadcast %reduce_sum3A_239 : f32 to vector<16xf32>
      %mul3A_241 = arith.mulf %broadcast_in_dim3A_236, %mul3A_240 : vector<16xf32>
      %reduce_sum3A_242 = arith.constant true
      %reduce_sum3A_243 = vector.broadcast %reduce_sum3A_242 : i1 to vector<16xi1>
      %reduce_sum3A_244 = tpu.scan <sum>, %scan3A_233#1 masked %reduce_sum3A_243 : vector<16xf32>, vector<16xi1> -> vector<16xf32>
      %reduce_sum3A_245 = vector.extract %reduce_sum3A_244[15] : f32 from vector<16xf32>
      %mul3A_246 = vector.broadcast %reduce_sum3A_245 : f32 to vector<16xf32>
      %mul3A_247 = arith.mulf %broadcast_in_dim3A_236, %mul3A_246 : vector<16xf32>
      %reduce_sum3A_248 = arith.constant true
      %reduce_sum3A_249 = vector.broadcast %reduce_sum3A_248 : i1 to vector<16xi1>
      %reduce_sum3A_250 = tpu.scan <sum>, %scan3A_233#2 masked %reduce_sum3A_249 : vector<16xf32>, vector<16xi1> -> vector<16xf32>
      %reduce_sum3A_251 = vector.extract %reduce_sum3A_250[15] : f32 from vector<16xf32>
      %mul3A_252 = vector.broadcast %reduce_sum3A_251 : f32 to vector<16xf32>
      %mul3A_253 = arith.mulf %broadcast_in_dim3A_236, %mul3A_252 : vector<16xf32>
      %ge3A = arith.constant 0x49800000 : f32
      %ge3A_254 = vector.broadcast %ge3A : f32 to vector<16xf32>
      %ge3A_255 = arith.cmpf oge, %mul3A_241, %ge3A_254 : vector<16xf32>
      %sub3A_256 = arith.constant 0x49800000 : f32
      %sub3A_257 = vector.broadcast %sub3A_256 : f32 to vector<16xf32>
      %sub3A_258 = arith.subf %sub3A_257, %mul3A_241 : vector<16xf32>
      %div3A_259 = arith.divf %mul3A_241, %sub3A_258 : vector<16xf32>
      %jit3A_260 = arith.constant 0.000000e+00 : f32
      %broadcast_in_dim3A_261 = vector.broadcast %jit3A_260 : f32 to vector<16xf32>
      %select_n3A_262 = arith.select %ge3A_255, %broadcast_in_dim3A_261, %div3A_259 : vector<16xi1>, vector<16xf32>
      %sub3A_263 = arith.subf %mul3A_247, %mul3A_253 : vector<16xf32>
      %mul3A_264 = arith.mulf %select_n3A_262, %sub3A_263 : vector<16xf32>
      %add3A_265 = arith.addf %mul3A_253, %mul3A_264 : vector<16xf32>
      %swap3A = arith.constant 0 : index
      %swap3A_266 = tpu.vector_load %arg11[%swap3A] {strides = array<i32>} : memref<16xf32, #tpu.memory_space<vmem>>, vector<16xf32>,
      tpu.vector_store %arg11[%swap3A], %add3A_265 {strides = array<i32>} : memref<16xf32, #tpu.memory_space<vmem>>, vector<16xf32>,
      "tpu.region"() ({
        %run_scoped3A = tpu.sem_alloc : memref<!tpu.dma_semaphore, #tpu.memory_space<semaphore_mem>>
        tpu.enqueue_dma source(%arg11 : memref<16xf32, #tpu.memory_space<vmem>>) target(%arg4 : memref<16xf32, #tpu.memory_space<hbm>>) target_semaphore(%run_scoped3A : memref<!tpu.dma_semaphore, #tpu.memory_space<semaphore_mem>>)
        tpu.wait_dma2 semaphore(%run_scoped3A : memref<!tpu.dma_semaphore, #tpu.memory_space<semaphore_mem>>) src(%arg11 : memref<16xf32, #tpu.memory_space<vmem>>) dst(%arg4 : memref<16xf32, #tpu.memory_space<hbm>>)
        tpu.yield
      }) : () -> ()
    } else {
    }
    return
  }
}

</mosaic_0001>

<sc_bundles>
// kernel: kernel.3.cloned.1.call-start
scs
__scs_entry_jumppad:
0x0: {  	(pc) =	sbr.rel $0x88, $3  }
0x1: {  	(tag) =	ssettag $0x0;
	lr =	simm.s32 $0x1  }
0x2: {  	[smem:$0x3F9F] =	sst lr;
	_ =	strace $0xD0000000  }
0x3: {  	_ = 	snop  }
0x4: {  	_ = 	snop  }
0x5: {  	_ = 	snop  }
0x6: {  	_ = 	snop  }
0x7: {  	_ = 	snop  }
__scs_overlays_trampoline_lowered:
0x8: {  	[smem:$0x3FAE] =	sst s0  }
0x9: {  	[smem:$0x3FAF] =	sst s1  }
0xa: {  	[smem:$0x3FB0] =	sst s2  }
0xb: {  	[smem:$0x3FB1] =	sst s3  }
0xc: {  	[smem:$0x3FB2] =	sst s4  }
0xd: {  	[smem:$0x3FB3] =	sst s5  }
0xe: {  	[smem:$0x3FB4] =	sst s6  }
0xf: {  	[smem:$0x3FB5] =	sst s7  }
0x10: {  	[smem:$0x3FB6] =	sst s8  }
0x11: {  	[smem:$0x3FB7] =	sst s9;
	s0 =	simm.s32 @!p0 $0x0  }
0x12: {  	s1 =	sld [smem:$0x3F9D];
	s0 =	simm.s32 @p0 $0x1  }
0x13: {  	[smem:$0x3FB8] =	sst s0;
	s0 =	simm.s32 @!p1 $0x0  }
0x14: {  	s2 =	sld [smem:$0x3F9C];
	s0 =	simm.s32 @p1 $0x1  }
0x15: {  	[smem:$0x3FB9] =	sst s0;
	s0 =	simm.s32 @!p2 $0x0  }
0x16: {  	s3 =	sld [smem:$0x3FDB];
	s0 =	simm.s32 @p2 $0x1  }
0x17: {  	s4 =	simm.s32 $0x1BF5;
	[smem:$0x3FBB] =	sst s0  }
0x18: {  	s0 =	sld [smem:$0x3F9E];
	_ =	swait.ge [sflag:s4], $0x0  }
0x19: {  	s7 =	sld [smem:$0x3F9F]  }
0x1a: {  	s8 =	sadd.s32 $0xFFFFE003, lr  }
0x1b: {  	s9 =	sadd.s32 $0xFFFFFEF7, lr;
	s5 =	simm.s32 $0xFFFFFFFF;
	p2 =	slt.u32 s8, $0xFFFFF086  }
0x1c: {  	p1 =	slt.u32 s9, $0xF7A;
	s5 =	simm.s32 @!p2 $0x0  }
0x1d: {  	s5 =	simm.s32 @p1 $0x1;
	p0 =	seq.s32 s7, s2  }
0x1e: {  	s7 =	smul.u32 @!p0 $0xF7A, s2;
	p2 =	seq.s32 @!p0 s5, $0x0  }
0x1f: {  	s9 =	smul.u32 $0xF7A, s1;
	s8 =	simm.s32 @!p0 $0x1BF5;
	p2 =	por !p2, p0  }
0x20: {  	[sflag:s8] =	ssyncset.s32 @!p0 $0xFFFFF086;
	s6 =	sadd.s32 @!p0 s3, s7;
	s7 =	simm.s32 @!p0 $0x108  }
0x21: {  	s3 =	sadd.s32 s3, s9;
	s6 =	sadd.s32 @!p0 $0x88, s6;
	s7 =	simm.s32 @p2 $0x1082  }
0x22: {  	[simem:s7], [sflag:s8] =	dma.local @!p0 [hbm:s6], $0xF7A  }
0x23: {  	s9 =	sor.u32 $0xD0000000, s2;
	s6 =	simm.s32 $0x108;
	_ =	swait.ge @!p0 [sflag:s8], $0x0  }
0x24: {  	s3 =	sadd.s32 $0x88, s3;
	s6 =	simm.s32 @!p1 $0x1082;
	[sflag:s4] =	ssyncset.s32 $0xFFFFF086  }
0x25: {  	[simem:s6], [sflag:s4] =	dma.local [hbm:s3], $0xF7A  }
0x26: {  	[smem:$0x3F9F] =	sst s1;
	(tag) =	ssettag s2;
	_ =	strace s9  }
0x27: {  	s1 =	sld [smem:$0x3FAF]  }
0x28: {  	s2 =	sld [smem:$0x3FB0]  }
0x29: {  	s4 =	sld [smem:$0x3FB2]  }
0x2a: {  	p0 =	seq.s32 s5, $0x0;
	s5 =	sld [smem:$0x3FB3]  }
0x2b: {  	s6 =	sld [smem:$0x3FB4]  }
0x2c: {  	s7 =	sld [smem:$0x3FB5]  }
0x2d: {  	s3 =	simm.s32 $0x108;
	s8 =	sld [smem:$0x3FB6]  }
0x2e: {  	s3 =	simm.s32 @!p0 $0x1082;
	s9 =	sld [smem:$0x3FB7]  }
0x2f: {  	lr =	sadd.s32 s0, s3;
	s0 =	sld [smem:$0x3FAE]  }
0x30: {  	s3 =	sld [smem:$0x3FB1]  }
0x31: {  	[smem:$0x3FBA] =	sst s10  }
0x32: {  	s10 =	sld [smem:$0x3FB8];
	_ =	sdelay $0x3  }
0x33: {  	p0 =	seq.s32 s10, $0x1;
	s10 =	sld [smem:$0x3FBA];
	_ =	sdelay $0x3  }
0x34: {  	[smem:$0x3FBA] =	sst s10  }
0x35: {  	s10 =	sld [smem:$0x3FB9];
	_ =	sdelay $0x3  }
0x36: {  	p1 =	seq.s32 s10, $0x1;
	s10 =	sld [smem:$0x3FBA];
	_ =	sdelay $0x3  }
0x37: {  	[smem:$0x3FBA] =	sst s10  }
0x38: {  	s10 =	sld [smem:$0x3FBB]  }
0x39: {  	_ = 	snop;
	(pc) =	sbr.ind lr, $3  }
0x3a: {  	_ = 	snop  }
0x3b: {  	_ = 	snop  }
0x3c: {  	p2 =	seq.s32 s10, $0x1;
	s10 =	sld [smem:$0x3FBA]  }
0x3d: {  	_ =	shalt  }
0x3e: {  	_ =	shalt  }
0x3f: {  	_ =	shalt  }
0x40: {  	_ =	shalt  }
0x41: {  	_ =	shalt  }
0x42: {  	_ =	shalt  }
0x43: {  	_ =	shalt  }
0x44: {  	_ =	shalt  }
0x45: {  	_ =	shalt  }
0x46: {  	_ =	shalt  }
0x47: {  	_ =	shalt  }
0x48: {  	_ =	shalt  }
0x49: {  	_ =	shalt  }
0x4a: {  	_ =	shalt  }
0x4b: {  	_ =	shalt  }
0x4c: {  	_ =	shalt  }
0x4d: {  	_ =	shalt  }
0x4e: {  	_ =	shalt  }
0x4f: {  	_ =	shalt  }
0x50: {  	_ =	shalt  }
0x51: {  	_ =	shalt  }
0x52: {  	_ =	shalt  }
0x53: {  	_ =	shalt  }
0x54: {  	_ =	shalt  }
0x55: {  	_ =	shalt  }
0x56: {  	_ =	shalt  }
0x57: {  	_ =	shalt  }
0x58: {  	_ =	shalt  }
0x59: {  	_ =	shalt  }
0x5a: {  	_ =	shalt  }
0x5b: {  	_ =	shalt  }
0x5c: {  	_ =	shalt  }
0x5d: {  	_ =	shalt  }
0x5e: {  	_ =	shalt  }
0x5f: {  	_ =	shalt  }
0x60: {  	_ =	shalt  }
0x61: {  	_ =	shalt  }
0x62: {  	_ =	shalt  }
0x63: {  	_ =	shalt  }
0x64: {  	_ =	shalt  }
0x65: {  	_ =	shalt  }
0x66: {  	_ =	shalt  }
0x67: {  	_ =	shalt  }
0x68: {  	_ =	shalt  }
0x69: {  	_ =	shalt  }
0x6a: {  	_ =	shalt  }
0x6b: {  	_ =	shalt  }
0x6c: {  	_ =	shalt  }
0x6d: {  	_ =	shalt  }
0x6e: {  	_ =	shalt  }
0x6f: {  	_ =	shalt  }
0x70: {  	_ =	shalt  }
0x71: {  	_ =	shalt  }
0x72: {  	_ =	shalt  }
0x73: {  	_ =	shalt  }
0x74: {  	_ =	shalt  }
0x75: {  	_ =	shalt  }
0x76: {  	_ =	shalt  }
0x77: {  	_ =	shalt  }
0x78: {  	_ =	shalt  }
0x79: {  	_ =	shalt  }
0x7a: {  	_ =	shalt  }
0x7b: {  	_ =	shalt  }
0x7c: {  	_ =	shalt  }
0x7d: {  	_ =	shalt  }
0x7e: {  	_ =	shalt  }
0x7f: {  	_ =	shalt  }
0x80: {  	_ =	shalt  }
0x81: {  	_ =	shalt  }
0x82: {  	_ =	shalt  }
0x83: {  	_ =	shalt  }
0x84: {  	_ =	shalt  }
0x85: {  	_ =	shalt  }
0x86: {  	_ =	shalt  }
0x87: {  	_ =	shalt  }
.Lfunc_end0:
.L_simem_size_0:
called_computation_lowered:
.L_overlay_start_0:
0x88: {  	s0 =	sld [smem:$0x3FD9]  }
0x89: {  	s1 =	sld [smem:$0x3FFE];
	_ =	sdelay $0x3  }
0x8a: {  	s0 =	sadd.s32 s1, s0  }
0x8b: {  	[smem:$0x3FC6] =	sst s0  }
0x8c: {  	_ = 	snop  }
0x8d: {  	s0 =	sld [smem:$0x3FC9]  }
0x8e: {  	s17 =	sld [smem:$0x3FC8]  }
0x8f: {  	s2 =	sld [smem:$0x3FD0];
	(tm) =	ssettm $0x1  }
0x90: {  	s3 =	sld [smem:$0x3FFB];
	_ =	sdelay $0x3  }
0x91: {  	_ =	strace s3  }
0x92: {  	s3 =	sld [smem:$0x3FFC];
	_ =	sdelay $0x3  }
0x93: {  	_ =	strace s3  }
0x94: {  	s3 =	sld [smem:$0x3FFD];
	_ =	sdelay $0x3  }
0x95: {  	_ =	strace s3  }
0x96: {  	_ =	strace $0x8FFFFFFF  }
0x97: {  	s18 =	sld [smem:$0x3FDB];
	_ =	sdelay $0x1  }
0x98: {  	s4 =	simm.s32 $_scs_section_size  }
0x99: {  	s5 =	simm.s32 $_size__tile_overlayer_lowered;
	s6 =	simm.s32 $_tile_overlayer_lowered  }
0x9a: {  	s21 =	simm.s32 $0x1BFF;
	s20 =	sshll.u32 s6, $0x1;
	s3 =	sadd.s32 s4, s18  }
0x9b: {  	s7 =	simm.s32 $0x0;
	s19 =	sshll.u32 s5, $0x1;
	s5 =	sadd.s32 s20, s3  }
0x9c: {  	[timem:s7], [sflag:s21] =	dma.local [hbm:s5], s19  }
0x9d: {  	_ =	swait.ge [sflag:s21], s19  }
0x9e: {  	s4 =	ssub.s32 $0x0, s19;
	[sflag:s21] =	ssyncset.done $0x0  }
0x9f: {  	[sflag:s21] =	ssyncadd.s32 s4;
	_ =	sdelay $0x1  }
0xa0: {  	s22 =	simm.s32 $0x1B8B  }
0xa1: {  	_ =	swait.ge [sflag:s22], $0x1  }
0xa2: {  	[sflag:s22] =	ssyncset.done $0x0  }
0xa3: {  	s23 =	simm.s32 $0x1B8E;
	[sflag:s22] =	ssyncadd.s32 $0xFFFFFFFF  }
0xa4: {  	s24 =	simm.s32 $execute0_lowered;
	[smem:$0x3FD2] =	sst s23  }
0xa5: {  	s4 =	sshll.u32 s24, $0x1;
	_ =	strace $0x80000046;
	[dreg:$0x1] =	wrdreg $0xFFFFFFFF  }
0xa6: {  	s25 =	simm.s32 $_size_execute0_lowered;
	s3 =	sadd.s32 s3, s4;
	[dreg:$0x0] =	wrdreg $0x0  }
0xa7: {  	s4 =	sshll.u32 s25, $0x1;
	[dreg:$0x2] =	wrdreg s3  }
0xa8: {  	[dreg:$0x3] =	wrdreg s4  }
0xa9: {  	[dreg:$0x4] =	wrdreg $0xC0  }
0xaa: {  	_ =	task [dreg:s7], $0x5FFFF  }
0xab: {  	[dreg:$0x1] =	wrdreg $0xFFFFFFFF  }
0xac: {  	[dreg:$0x0] =	wrdreg $0x60  }
0xad: {  	[dreg:$0x2] =	wrdreg s0  }
0xae: {  	[dreg:$0x3] =	wrdreg s17  }
0xaf: {  	[dreg:$0x4] =	wrdreg s2  }
0xb0: {  	[dreg:$0x5] =	wrdreg $0x1C5800  }
0xb1: {  	[dreg:$0x6] =	wrdreg $0x1C6000  }
0xb2: {  	[dreg:$0x7] =	wrdreg $0x1C3800  }
0xb3: {  	[dreg:$0x8] =	wrdreg $0x9  }
0xb4: {  	_ =	task.clear_ibuf [dreg:s7], $0x9FFFF;
	_ =	strace $0x90000046  }
0xb5: {  	s26 =	simm.s32 $0x9;
	_ =	strace $0x80000048  }
0xb6: {  	_ =	swait.ge [sflag:s26], $0x1  }
0xb7: {  	[sflag:s26] =	ssyncadd.s32 $0xFFFFFFFF  }
0xb8: {  	_ =	strace $0x90000048  }
0xb9: {  	_ =	sfence  }
0xba: {  	s28 =	sld [smem:$0x0];
	_ =	sdelay $0x1  }
0xbb: {  	s29 =	srdreg.scid  }
0xbc: {  	s30 =	sshll.u32 s29, $0xD;
	s31 =	sshrl.u32 s29, $0x2  }
0xbd: {  	s1 =	sand.u32 $0x1, s29;
	s2 =	sand.u32 $0x4000, s30;
	s0 =	sadd.s32 s31, s28  }
0xbe: {  	s1 =	sor.u32 s2, s1;
	s0 =	sshll.u32 s0, $0x11  }
0xbf: {  	s0 =	sor.u32 s0, s1  }
0xc0: {  	s0 =	sadd.s32 $0x8F2B, s0  }
0xc1: {  	[sflag:s0] =	ssyncadd.remote.s32 $0x1  }
0xc2: {  	_ =	sfence.sel $0xFFFF  }
0xc3: {  	[dreg:$0x0] =	wrdreg $0xFFFFFFFF;
	(pc) =	sbr.abs _section_cstart, $3  }
0xc4: {  	[dreg:$0x1] =	wrdreg $0xFFFFFFFF  }
0xc5: {  	_ =	task.clear_ibuf [dreg:s7], $0x2FFFF;
	_ =	strace $0x9FFFFFFF  }
0xc6: {  	(tm) =	ssettm $0x7FFFFFFF  }
0xc7: {  	_ =	shalt  }
tec
execute0_lowered:
.L_overlay_start_1:
0x0: {  	(tag) =	ssettag $0x1  }
0x1: {  	v0 =	vimm.s32 $0xF  }
0x2: {  	vm14 =	vcmask $0x300;
	vm13 =	vcmask $0x704;
	vm12 =	vcmask $0xB08  }
0x3: {  	vm11 =	vcmask $0xF0C;
	vm10 =	vcmask $0x1310;
	vm9 =	vcmask $0x1714  }
0x4: {  	vm8 =	vcmask $0x1B18;
	vm7 =	vcmask $0x1F1C;
	v27 =	vlaneseq.u32  }
0x5: {  	vm6 =	vcmask $0x2320;
	vm5 =	vcmask $0x2724;
	vm4 =	vcmask $0x2B28  }
0x6: {  	v1 =	vimm.s32 $0x8F;
	vm3 =	vcmask $0x2F2C;
	vm1 =	vcmask $0x3330  }
0x7: {  	vm0 =	vcmask $0x3734;
	v2 =	vimm.s32 $0x10F;
	vm2 =	vcmask $0x3B38  }
0x8: {  	v10 =	vimm.s32 $0x18F;
	v13 =	vimm.s32 $0x20F;
	v33 =	vimm.s32 $0x28F  }
0x9: {  	v36 =	vimm.s32 $0x30F;
	v39 =	vimm.s32 $0x38F;
	v42 =	vimm.s32 $0x40F  }
0xa: {  	v45 =	vimm.s32 $0x48F;
	v48 =	vimm.s32 $0x50F;
	v51 =	vimm.s32 $0x58F  }
0xb: {  	v54 =	vimm.s32 $0x60F;
	v57 =	vimm.s32 $0x68F;
	v60 =	vimm.s32 $0x70F  }
0xc: {  	v63 =	vimm.s32 $0x780;
	v6 =	vimm.s32 $0x781;
	v17 =	vimm.f32 $0.0e+00  }
0xd: {  	v3 =	vimm.s32 $0x782;
	v0 =	vsel vm14, $0x80, v0;
	v20 =	vmul.u32 $0x81, v27  }
0xe: {  	v1 =	vsel vm14, $0x100, v1;
	v2 =	vsel vm14, $0x180, v2;
	v3 =	vsel vm14, $0x3, v3  }
0xf: {  	v0 =	vsel vm13, $0x101, v0;
	v1 =	vsel vm13, $0x181, v1;
	v9 =	vsel vm13, $0x201, v2  }
0x10: {  	v2 =	vsel vm14, $0x200, v10;
	v3 =	vsel vm13, $0x84, v3;
	v0 =	vsel vm12, $0x182, v0  }
0x11: {  	v1 =	vsel vm12, $0x202, v1;
	v2 =	vsel vm13, $0x281, v2;
	v10 =	vsel vm12, $0x105, v3  }
0x12: {  	v0 =	vsel vm11, $0x203, v0;
	v1 =	vsel vm11, $0x283, v1;
	v2 =	vsel vm12, $0x302, v2  }
0x13: {  	v0 =	vsel vm10, $0x284, v0;
	v1 =	vsel vm10, $0x304, v1;
	v2 =	vsel vm11, $0x383, v2  }
0x14: {  	v0 =	vsel vm9, $0x305, v0;
	v8 =	vsel vm9, $0x385, v1;
	v1 =	vsel vm12, $0x282, v9  }
0x15: {  	v2 =	vsel vm10, $0x404, v2;
	v9 =	vimm.s32 $0xEDCBA987;
	v0 =	vsel vm8, $0x386, v0  }
0x16: {  	v1 =	vsel vm11, $0x303, v1;
	v2 =	vsel vm9, $0x485, v2;
	v0 =	vsel vm7, $0x407, v0  }
0x17: {  	v1 =	vsel vm10, $0x384, v1;
	v2 =	vsel vm8, $0x506, v2;
	v0 =	vsel vm6, $0x488, v0  }
0x18: {  	v1 =	vsel vm9, $0x405, v1;
	v12 =	vsel vm7, $0x587, v2;
	v2 =	vsel vm14, $0x280, v13  }
0x19: {  	v13 =	vimm.s32 $0xDCBA9876;
	v0 =	vsel vm5, $0x509, v0;
	v1 =	vsel vm8, $0x486, v1  }
0x1a: {  	v2 =	vsel vm13, $0x301, v2;
	v0 =	vsel vm4, $0x58A, v0;
	v1 =	vsel vm7, $0x507, v1  }
0x1b: {  	v32 =	vsel vm12, $0x382, v2;
	v2 =	vsel vm14, $0x300, v33;
	v33 =	vimm.s32 $0x783  }
0x1c: {  	v0 =	vsel vm3, $0x60B, v0;
	v1 =	vsel vm6, $0x588, v1;
	v35 =	vsel vm13, $0x381, v2  }
0x1d: {  	v2 =	vsel vm14, $0x380, v36;
	v0 =	vsel vm1, $0x68C, v0;
	v1 =	vsel vm5, $0x609, v1  }
0x1e: {  	v2 =	vsel vm13, $0x401, v2;
	v0 =	vsel vm0, $0x70D, v0;
	v11 =	vsel vm4, $0x68A, v1  }
0x1f: {  	v1 =	vsel vm6, $0x608, v12;
	v2 =	vsel vm12, $0x482, v2;
	v0 =	vsel vm2, $0x78E, v0  }
0x20: {  	v1 =	vsel vm5, $0x689, v1;
	v2 =	vsel vm11, $0x503, v2;
	[tilespmem:$0x1FF10] =	vst v0;
	v0 =	vsel vm8, $0x406, v8  }
0x21: {  	v1 =	vsel vm4, $0x70A, v1;
	v2 =	vsel vm10, $0x584, v2;
	v0 =	vsel vm7, $0x487, v0  }
0x22: {  	v14 =	vsel vm3, $0x78B, v1;
	v1 =	vsel vm11, $0x403, v32;
	v2 =	vsel vm9, $0x605, v2  }
0x23: {  	v0 =	vsel vm6, $0x508, v0;
	v1 =	vsel vm10, $0x484, v1;
	v2 =	vsel vm8, $0x686, v2  }
0x24: {  	v0 =	vsel vm5, $0x589, v0;
	v34 =	vsel vm9, $0x505, v1;
	v1 =	vsel vm12, $0x402, v35  }
0x25: {  	v38 =	vsel vm7, $0x707, v2;
	v2 =	vsel vm14, $0x400, v39;
	v39 =	vimm.s32 $0xCBA98765  }
0x26: {  	v0 =	vsel vm4, $0x60A, v0;
	v1 =	vsel vm11, $0x483, v1;
	v2 =	vsel vm13, $0x481, v2  }
0x27: {  	v0 =	vsel vm3, $0x68B, v0;
	v1 =	vsel vm10, $0x504, v1;
	v41 =	vsel vm12, $0x502, v2  }
0x28: {  	v2 =	vsel vm14, $0x480, v42;
	v0 =	vsel vm1, $0x70C, v0;
	v1 =	vsel vm9, $0x585, v1  }
0x29: {  	v44 =	vsel vm13, $0x501, v2;
	v2 =	vsel vm14, $0x500, v45;
	v45 =	vimm.s32 $0x3210FEDC  }
0x2a: {  	v0 =	vsel vm0, $0x78D, v0;
	v1 =	vsel vm8, $0x606, v1;
	v2 =	vsel vm13, $0x581, v2  }
0x2b: {  	v0 =	vsel vm2, $0xE, v0;
	v1 =	vsel vm7, $0x687, v1;
	v2 =	vsel vm12, $0x602, v2  }
0x2c: {  	[tilespmem:$0x1FF20] =	vst v0;
	v0 =	vsel vm3, $0x70B, v11;
	v1 =	vsel vm6, $0x708, v1;
	v2 =	vsel vm11, $0x683, v2  }
0x2d: {  	v0 =	vsel vm1, $0x78C, v0;
	v1 =	vsel vm5, $0x789, v1;
	v2 =	vsel vm10, $0x704, v2  }
0x2e: {  	v0 =	vsel vm0, $0xD, v0;
	v37 =	vsel vm4, $0xA, v1;
	v1 =	vsel vm6, $0x788, v38  }
0x2f: {  	v2 =	vsel vm9, $0x785, v2;
	v0 =	vsel vm2, $0x8E, v0;
	v1 =	vsel vm5, $0x9, v1  }
0x30: {  	v2 =	vsel vm8, $0x6, v2;
	[tilespmem:$0x1FF30] =	vst v0;
	v0 =	vsel vm1, $0xC, v14;
	v1 =	vsel vm4, $0x8A, v1  }
0x31: {  	v47 =	vsel vm7, $0x87, v2;
	v2 =	vsel vm14, $0x580, v48;
	v14 =	vimm.s32 $0x543210FE  }
0x32: {  	v0 =	vsel vm0, $0x8D, v0;
	v40 =	vsel vm3, $0x10B, v1;
	v1 =	vsel vm11, $0x583, v41  }
0x33: {  	v2 =	vsel vm13, $0x601, v2;
	v32 =	vunpack.c.l.s4.s8 v14;
	v14 =	vimm.s32 $0x789  }
0x34: {  	v0 =	vsel vm2, $0x10E, v0;
	v1 =	vsel vm10, $0x604, v1;
	v50 =	vsel vm12, $0x682, v2  }
0x35: {  	v2 =	vsel vm14, $0x600, v51;
	v51 =	vimm.s32 $0x210FEDCB;
	[tilespmem:$0x1FF40] =	vst v0;
	v0 =	vsel vm8, $0x586, v34  }
0x36: {  	v43 =	vsel vm9, $0x685, v1;
	v1 =	vsel vm12, $0x582, v44;
	v53 =	vsel vm13, $0x681, v2  }
0x37: {  	v2 =	vsel vm14, $0x680, v54;
	v36 =	vunpack.c.0.s8.s32 v32;
	v44 =	vimm.s32 $0xBA987654  }
0x38: {  	v54 =	vimm.s32 $0x98765432;
	v0 =	vsel vm7, $0x607, v0;
	v1 =	vsel vm11, $0x603, v1  }
0x39: {  	v2 =	vsel vm13, $0x701, v2;
	v0 =	vsel vm6, $0x688, v0;
	v1 =	vsel vm10, $0x684, v1  }
0x3a: {  	v2 =	vsel vm12, $0x782, v2;
	v0 =	vsel vm5, $0x709, v0;
	v1 =	vsel vm9, $0x705, v1  }
0x3b: {  	v2 =	vsel vm11, $0x3, v2;
	v0 =	vsel vm4, $0x78A, v0;
	v1 =	vsel vm8, $0x786, v1  }
0x3c: {  	v2 =	vsel vm10, $0x84, v2;
	v0 =	vsel vm3, $0xB, v0;
	v1 =	vsel vm7, $0x7, v1  }
0x3d: {  	v2 =	vsel vm9, $0x105, v2;
	v0 =	vsel vm1, $0x8C, v0;
	v1 =	vsel vm6, $0x88, v1  }
0x3e: {  	v2 =	vsel vm8, $0x186, v2;
	v0 =	vsel vm0, $0x10D, v0;
	v1 =	vsel vm5, $0x109, v1  }
0x3f: {  	v56 =	vsel vm7, $0x207, v2;
	v2 =	vsel vm14, $0x700, v57;
	v0 =	vsel vm2, $0x18E, v0  }
0x40: {  	v57 =	vimm.s32 $0x787;
	v46 =	vsel vm4, $0x18A, v1;
	[tilespmem:$0x1FF50] =	vst v0;
	v0 =	vsel vm3, $0x8B, v37  }
0x41: {  	v1 =	vsel vm6, $0x108, v47;
	v2 =	vsel vm13, $0x781, v2;
	v0 =	vsel vm1, $0x10C, v0  }
0x42: {  	v1 =	vsel vm5, $0x189, v1;
	v59 =	vsel vm12, $0x2, v2;
	v0 =	vsel vm0, $0x18D, v0  }
0x43: {  	v2 =	vsel vm14, $0x780, v60;
	v1 =	vsel vm4, $0x20A, v1;
	v0 =	vsel vm2, $0x20E, v0  }
0x44: {  	v62 =	vsel vm13, $0x1, v2;
	v2 =	vsel vm14, $0x1, v63;
	[tilespmem:$0x1FF60] =	vst v0;
	v0 =	vsel vm1, $0x18C, v40  }
0x45: {  	v63 =	vimm.s32 $0xFEDCBA9;
	v49 =	vsel vm3, $0x28B, v1;
	v0 =	vsel vm0, $0x20D, v0  }
0x46: {  	v1 =	vsel vm11, $0x703, v50;
	v2 =	vsel vm13, $0x82, v2;
	v0 =	vsel vm2, $0x28E, v0  }
0x47: {  	v50 =	vimm.s32 $0xA9876543;
	v1 =	vsel vm10, $0x784, v1;
	[tilespmem:$0x1FF70] =	vst v0;
	v0 =	vsel vm8, $0x706, v43  }
0x48: {  	v52 =	vsel vm9, $0x5, v1;
	v1 =	vsel vm12, $0x702, v53;
	v0 =	vsel vm7, $0x787, v0  }
0x49: {  	v2 =	vsel vm12, $0x103, v2;
	v1 =	vsel vm11, $0x783, v1;
	v0 =	vsel vm6, $0x8, v0  }
0x4a: {  	v2 =	vsel vm11, $0x184, v2;
	v1 =	vsel vm10, $0x4, v1;
	v0 =	vsel vm5, $0x89, v0  }
0x4b: {  	v2 =	vsel vm10, $0x205, v2;
	v1 =	vsel vm9, $0x85, v1;
	v0 =	vsel vm4, $0x10A, v0  }
0x4c: {  	v2 =	vsel vm9, $0x286, v2;
	v1 =	vsel vm8, $0x106, v1;
	v0 =	vsel vm3, $0x18B, v0  }
0x4d: {  	v2 =	vsel vm8, $0x307, v2;
	v1 =	vsel vm7, $0x187, v1;
	v0 =	vsel vm1, $0x20C, v0  }
0x4e: {  	v5 =	vsel vm7, $0x388, v2;
	v1 =	vsel vm6, $0x208, v1;
	v0 =	vsel vm0, $0x28D, v0  }
0x4f: {  	v2 =	vsel vm14, $0x2, v6;
	v1 =	vsel vm5, $0x289, v1;
	v0 =	vsel vm2, $0x30E, v0  }
0x50: {  	v55 =	vsel vm4, $0x30A, v1;
	v1 =	vsel vm6, $0x288, v56;
	[tilespmem:$0x1FF80] =	vst v0;
	v0 =	vsel vm3, $0x20B, v46  }
0x51: {  	v2 =	vsel vm13, $0x83, v2;
	v1 =	vsel vm5, $0x309, v1;
	v0 =	vsel vm1, $0x28C, v0  }
0x52: {  	v8 =	vsel vm12, $0x104, v2;
	v1 =	vsel vm4, $0x38A, v1;
	v0 =	vsel vm0, $0x30D, v0  }
0x53: {  	v58 =	vsel vm3, $0x40B, v1;
	v1 =	vsel vm11, $0x83, v59;
	v0 =	vsel vm2, $0x38E, v0  }
0x54: {  	v2 =	vunpack.c.l.s4.s8 v9;
	v1 =	vsel vm10, $0x104, v1;
	[tilespmem:$0x1FF90] =	vst v0;
	v0 =	vsel vm1, $0x30C, v49  }
0x55: {  	v61 =	vsel vm9, $0x185, v1;
	v1 =	vsel vm12, $0x82, v62;
	v0 =	vsel vm0, $0x38D, v0  }
0x56: {  	v34 =	vunpack.c.0.s8.s32 v2;
	v1 =	vsel vm11, $0x103, v1;
	v0 =	vsel vm2, $0x40E, v0  }
0x57: {  	v2 =	vsel vm11, $0x186, v10;
	v1 =	vsel vm10, $0x184, v1;
	[tilespmem:$0x1FFA0] =	vst v0;
	v0 =	vsel vm8, $0x86, v52  }
0x58: {  	v12 =	vsel vm10, $0x207, v2;
	v1 =	vsel vm9, $0x205, v1;
	v0 =	vsel vm7, $0x107, v0  }
0x59: {  	v2 =	vunpack.c.l.s4.s8 v13;
	v1 =	vsel vm8, $0x286, v1;
	v0 =	vsel vm6, $0x188, v0  }
0x5a: {  	v40 =	vimm.s32 $0x784;
	v1 =	vsel vm7, $0x307, v1;
	v0 =	vsel vm5, $0x209, v0  }
0x5b: {  	v3 =	vunpack.c.0.s8.s32 v2;
	v1 =	vsel vm6, $0x388, v1;
	v0 =	vsel vm4, $0x28A, v0  }
0x5c: {  	v2 =	vsel vm14, $0x4, v33;
	v1 =	vsel vm5, $0x409, v1;
	v0 =	vsel vm3, $0x30B, v0  }
0x5d: {  	v4 =	vsel vm4, $0x48A, v1;
	v1 =	vsel vm6, $0x409, v5;
	v0 =	vsel vm1, $0x38C, v0  }
0x5e: {  	v59 =	vsel vm14, $0x8, v57;
	v1 =	vsel vm5, $0x48A, v1;
	v0 =	vsel vm0, $0x40D, v0  }
0x5f: {  	v38 =	vsel vm13, $0x85, v2;
	v1 =	vsel vm4, $0x50B, v1;
	v0 =	vsel vm2, $0x48E, v0  }
0x60: {  	v7 =	vsel vm3, $0x58C, v1;
	v1 =	vsel vm11, $0x185, v8;
	[tilespmem:$0x1FFB0] =	vst v0;
	v0 =	vsel vm3, $0x38B, v55  }
0x61: {  	v2 =	vunpack.c.l.s4.s8 v39;
	v1 =	vsel vm10, $0x206, v1;
	v0 =	vsel vm1, $0x40C, v0  }
0x62: {  	v46 =	vimm.s32 $0x785;
	v1 =	vsel vm9, $0x287, v1;
	v0 =	vsel vm0, $0x48D, v0  }
0x63: {  	v60 =	vsel vm13, $0x89, v59;
	v1 =	vsel vm8, $0x308, v1;
	v0 =	vsel vm2, $0x50E, v0  }
0x64: {  	v18 =	vcombine.low v36, v3;
	v1 =	vsel vm7, $0x389, v1;
	[tilespmem:$0x1FFC0] =	vst v0;
	v0 =	vsel vm1, $0x48C, v58  }
0x65: {  	v48 =	vsel vm14, $0x6, v46;
	v1 =	vsel vm6, $0x40A, v1;
	v0 =	vsel vm0, $0x50D, v0  }
0x66: {  	v62 =	vimm.s32 $0x788;
	v1 =	vsel vm5, $0x48B, v1;
	v0 =	vsel vm2, $0x58E, v0  }
0x67: {  	v11 =	vsel vm4, $0x50C, v1;
	v1 =	vsel vm9, $0x288, v12;
	[tilespmem:$0x1FFD0] =	vst v0;
	v0 =	vsel vm8, $0x206, v61  }
0x68: {  	v49 =	vimm.s32 $0x786;
	v1 =	vsel vm8, $0x309, v1;
	v0 =	vsel vm7, $0x287, v0  }
0x69: {  	v5 =	vimm.s32 $0x43210FED;
	v1 =	vsel vm7, $0x38A, v1;
	v0 =	vsel vm6, $0x308, v0  }
0x6a: {  	v6 =	vunpack.c.l.s4.s8 v5;
	v1 =	vsel vm6, $0x40B, v1;
	v0 =	vsel vm5, $0x389, v0  }
0x6b: {  	v5 =	vunpack.c.0.s8.s32 v2;
	v1 =	vsel vm5, $0x48C, v1;
	v0 =	vsel vm4, $0x40A, v0  }
0x6c: {  	v55 =	vimm.s32 $0x10FEDCBA;
	v1 =	vsel vm4, $0x50D, v1;
	v0 =	vsel vm3, $0x48B, v0  }
0x6d: {  	v37 =	vsel vm3, $0x58E, v1;
	v1 =	vsel vm12, $0x106, v38;
	v0 =	vsel vm1, $0x50C, v0  }
0x6e: {  	v56 =	vunpack.c.l.s4.s8 v55;
	v1 =	vsel vm11, $0x187, v1;
	v0 =	vsel vm0, $0x58D, v0  }
0x6f: {  	v55 =	vimm.s32 $0x78B;
	v1 =	vsel vm10, $0x208, v1;
	v0 =	vsel vm2, $0x60E, v0  }
0x70: {  	v12 =	vimm.s32 $0x76543210;
	v1 =	vsel vm9, $0x289, v1;
	[tilespmem:$0x1FFE0] =	vst v0;
	v0 =	vsel vm3, $0x50B, v4  }
0x71: {  	v1 =	vsel vm8, $0x30A, v1;
	v4 =	vimm.s32 $0x6543210F;
	v0 =	vsel vm1, $0x58C, v0  }
0x72: {  	v1 =	vsel vm7, $0x38B, v1;
	v4 =	vunpack.c.l.s4.s8 v4;
	v0 =	vsel vm0, $0x60D, v0  }
0x73: {  	v61 =	vimm.s32 $0x87654321;
	v1 =	vsel vm6, $0x40C, v1;
	v0 =	vsel vm2, $0x68E, v0  }
0x74: {  	v35 =	vunpack.c.0.s8.s32 v4;
	v4 =	vsel vm14, $0x5, v40;
	[tilespmem:$0x1FFF0] =	vst v0;
	v0 =	vsel vm1, $0x60D, v7  }
0x75: {  	v42 =	vsel vm5, $0x48D, v1;
	v4 =	vsel vm13, $0x86, v4;
	v0 =	vsel vm0, $0x68E, v0  }
0x76: {  	v25 =	vcombine.low v35, v34;
	v41 =	vsel vm12, $0x107, v4;
	v4 =	vunpack.c.l.s4.s8 v45  }
0x77: {  	v45 =	vcombine.low v34, v35;
	v34 =	vcombine.low v3, v36;
	v3 =	vsel vm14, $0xC, v55  }
0x78: {  	v21 =	vsel vm2, $0x70F, v0;
	v0 =	vsel vm3, $0x58D, v11;
	v2 =	vsel vm11, $0x188, v41  }
0x79: {  	v11 =	vimm.s32 $0xFEDCBA98;
	v3 =	vsel vm13, $0x8D, v3;
	v0 =	vsel vm1, $0x60E, v0  }
0x7a: {  	v43 =	vsel vm10, $0x209, v2;
	v2 =	vunpack.c.l.s4.s8 v44;
	v41 =	vunpack.c.0.s8.s32 v4  }
0x7b: {  	v4 =	vunpack.c.l.s4.s8 v50;
	v44 =	vunpack.c.0.s8.s32 v56;
	v3 =	vsel vm12, $0x10E, v3  }
0x7c: {  	v0 =	vsel vm0, $0x68F, v0;
	v1 =	vsel vm9, $0x28A, v43;
	v3 =	vsel vm11, $0x18F, v3  }
0x7d: {  	v22 =	vsel vm2, $0x700, v0;
	v0 =	vsel vm1, $0x60F, v37;
	v37 =	vunpack.c.0.s8.s32 v6  }
0x7e: {  	v1 =	vsel vm8, $0x30B, v1;
	v40 =	vunpack.c.0.s8.s32 v2;
	v2 =	vsel vm14, $0x7, v49  }
0x7f: {  	v6 =	vunpack.c.l.s4.s8 v51;
	v3 =	vsel vm10, $0x200, v3;
	v0 =	vsel vm0, $0x680, v0  }
0x80: {  	v1 =	vsel vm7, $0x38C, v1;
	v2 =	vsel vm13, $0x88, v2;
	v3 =	vsel vm9, $0x281, v3  }
0x81: {  	v23 =	vsel vm2, $0x701, v0;
	v19 =	vcombine.low v37, v5;
	v0 =	vsel vm4, $0x50E, v42  }
0x82: {  	v1 =	vsel vm6, $0x40D, v1;
	v26 =	vcombine.low v41, v40;
	v2 =	vsel vm12, $0x109, v2  }
0x83: {  	v42 =	vunpack.c.0.s8.s32 v4;
	v43 =	vunpack.c.0.s8.s32 v6;
	v6 =	vunpack.c.l.s4.s8 v63  }
0x84: {  	v37 =	vcombine.low v5, v37;
	v3 =	vsel vm8, $0x302, v3;
	v49 =	vcombine.low v40, v41  }
0x85: {  	v0 =	vsel vm3, $0x58F, v0;
	v1 =	vsel vm5, $0x48E, v1;
	v2 =	vsel vm11, $0x18A, v2  }
0x86: {  	v3 =	vsel vm7, $0x383, v3;
	v0 =	vsel vm1, $0x600, v0;
	v1 =	vsel vm4, $0x50F, v1  }
0x87: {  	v2 =	vsel vm10, $0x20B, v2;
	v47 =	vsel vm3, $0x580, v1;
	v1 =	vsel vm13, $0x87, v48  }
0x88: {  	v29 =	vcombine.low v43, v42;
	v3 =	vsel vm6, $0x404, v3;
	v1 =	vsel vm12, $0x108, v1  }
0x89: {  	v51 =	vcombine.low v42, v43;
	v0 =	vsel vm0, $0x681, v0;
	v1 =	vsel vm11, $0x189, v1  }
0x8a: {  	v2 =	vsel vm9, $0x28C, v2;
	v3 =	vsel vm5, $0x485, v3;
	v1 =	vsel vm10, $0x20A, v1  }
0x8b: {  	v24 =	vsel vm2, $0x702, v0;
	v0 =	vsel vm1, $0x601, v47;
	v1 =	vsel vm9, $0x28B, v1  }
0x8c: {  	v53 =	vsel vm8, $0x30D, v2;
	v2 =	vunpack.c.l.s4.s8 v54;
	v1 =	vsel vm8, $0x30C, v1  }
0x8d: {  	v47 =	vunpack.c.0.s8.s32 v6;
	v6 =	vunpack.c.l.s4.s8 v11;
	v1 =	vsel vm7, $0x38D, v1  }
0x8e: {  	v3 =	vsel vm4, $0x506, v3;
	v0 =	vsel vm0, $0x682, v0;
	v1 =	vsel vm6, $0x40E, v1  }
0x8f: {  	v28 =	vsel vm2, $0x703, v0;
	v52 =	vsel vm5, $0x48F, v1;
	v1 =	vsel vm7, $0x38E, v53  }
0x90: {  	v4 =	vunpack.c.0.s8.s32 v2;
	v0 =	vsel vm4, $0x500, v52;
	v1 =	vsel vm6, $0x40F, v1  }
0x91: {  	v2 =	vsel vm14, $0x9, v62;
	v0 =	vsel vm3, $0x581, v0;
	v1 =	vsel vm5, $0x480, v1  }
0x92: {  	v2 =	vsel vm13, $0x8A, v2;
	v0 =	vsel vm1, $0x602, v0;
	v1 =	vsel vm4, $0x501, v1  }
0x93: {  	v7 =	vsel vm12, $0x10B, v2;
	v0 =	vsel vm0, $0x683, v0;
	v1 =	vsel vm3, $0x582, v1  }
0x94: {  	v1 =	vsel vm1, $0x603, v1;
	v30 =	vsel vm2, $0x704, v0;
	v0 =	vsel vm12, $0x10A, v60  }
0x95: {  	v58 =	vsel vm0, $0x684, v1;
	v1 =	vunpack.c.l.s4.s8 v61;
	v0 =	vsel vm11, $0x18B, v0  }
0x96: {  	v3 =	vsel vm3, $0x587, v3;
	v10 =	vsel vm11, $0x18C, v7;
	v0 =	vsel vm10, $0x20C, v0  }
0x97: {  	v0 =	vsel vm9, $0x28D, v0;
	v9 =	vunpack.c.0.s8.s32 v1;
	v1 =	vsel vm10, $0x20D, v10  }
0x98: {  	v6 =	vunpack.c.0.s8.s32 v6;
	v0 =	vsel vm8, $0x30E, v0;
	v1 =	vsel vm9, $0x28E, v1  }
0x99: {  	v57 =	vsel vm1, $0x608, v3;
	v0 =	vsel vm7, $0x38F, v0;
	v1 =	vsel vm8, $0x30F, v1  }
0x9a: {  	v31 =	vcombine.low v44, v4;
	v0 =	vsel vm6, $0x400, v0;
	v1 =	vsel vm7, $0x380, v1  }
0x9b: {  	v6 =	vand.u32 $0xF, v6;
	v0 =	vsel vm5, $0x481, v0;
	v1 =	vsel vm6, $0x401, v1  }
0x9c: {  	v7 =	vunpack.c.l.s4.s8 v12;
	v0 =	vsel vm4, $0x502, v0;
	v1 =	vsel vm5, $0x482, v1  }
0x9d: {  	v52 =	vimm.s32 $0x78A;
	v0 =	vsel vm3, $0x583, v0;
	v1 =	vsel vm4, $0x503, v1  }
0x9e: {  	v54 =	vsel vm14, $0xB, v52;
	v0 =	vsel vm1, $0x604, v0;
	v1 =	vsel vm3, $0x584, v1  }
0x9f: {  	v0 =	vsel vm0, $0x685, v0;
	v13 =	vsel vm1, $0x605, v1;
	v1 =	vsel vm14, $0xA, v14  }
0xa0: {  	s14 =	rddreg [dreg:$0x0];
	v39 =	vsel vm2, $0x706, v0;
	v0 =	vsel vm0, $0x686, v13;
	v53 =	vsel vm13, $0x8B, v1  }
0xa1: {  	s11 =	rddreg [dreg:$0x1];
	v1 =	vsel vm13, $0x8C, v54;
	v46 =	vsel vm2, $0x707, v0;
	v0 =	vsel vm12, $0x10C, v53  }
0xa2: {  	s0 =	rddreg [dreg:$0x2];
	v7 =	vunpack.c.0.s8.s32 v7;
	v1 =	vsel vm12, $0x10D, v1;
	v0 =	vsel vm11, $0x18D, v0  }
0xa3: {  	s3 =	rddreg [dreg:$0x3];
	v44 =	vcombine.low v4, v44;
	v1 =	vsel vm11, $0x18E, v1;
	v0 =	vsel vm10, $0x20E, v0  }
0xa4: {  	s2 =	rddreg [dreg:$0x4];
	s5 =	stileid.u32;
	v6 =	vcombine.low v6, v7;
	v1 =	vsel vm10, $0x20F, v1;
	v0 =	vsel vm9, $0x28F, v0  }
0xa5: {  	s4 =	rddreg [dreg:$0x5];
	s7 =	sshrl.u32 s5, $0x1;
	s8 =	sand.u32 $0x1, s5;
	v60 =	vimm.s32 $0x78D;
	v1 =	vsel vm9, $0x280, v1;
	v0 =	vsel vm8, $0x300, v0  }
0xa6: {  	s1 =	rddreg [dreg:$0x6];
	s6 =	sshll.u32 s8, $0xC;
	s9 =	sshll.u32 s7, $0x11;
	v61 =	vimm.s32 $0x78E;
	v1 =	vsel vm8, $0x301, v1;
	v0 =	vsel vm7, $0x381, v0  }
0xa7: {  	s13 =	simm.s32 $0x0;
	s21 =	simm.s32 $0x10000;
	s9 =	sor.u32 s6, s9;
	v33 =	vsel vm2, $0x705, v58;
	v1 =	vsel vm7, $0x382, v1;
	v0 =	vsel vm6, $0x402, v0  }
0xa8: {  	[smem:$0x7FF] =	sst s13;
	s10 =	sshll.u32 s8, $0x9;
	s9 =	sshrl.u32 s9, $0x3;
	v58 =	vimm.s32 $0x78C;
	v1 =	vsel vm6, $0x403, v1;
	v0 =	vsel vm5, $0x483, v0  }
0xa9: {  	s15 =	sor.u32 $0x80, s10;
	s18 =	sadd.s32 s11, s9;
	s9 =	sshll.u32 s7, $0x7;
	v3 =	vsel vm14, $0xF, v61;
	v1 =	vsel vm5, $0x484, v1;
	v0 =	vsel vm4, $0x504, v0  }
0xaa: {  	s12 =	sshll.u32 s8, $0x10;
	s17 =	sor.u32 s7, s15;
	s16 =	sadd.s32 s14, s9;
	v59 =	vsel vm14, $0xD, v58;
	v1 =	vsel vm4, $0x505, v1;
	v0 =	vsel vm3, $0x585, v0  }
0xab: {  	s20 =	sshll.u32 s17, $0x7;
	s17 =	simm.s32 $0x2000;
	s19 =	sadd.s32 s12, s16;
	v3 =	vsel vm13, $0x80, v3;
	v1 =	vsel vm3, $0x586, v1;
	v0 =	vsel vm1, $0x606, v0  }
0xac: {  	s12 =	sor.u32 $0x100, s10;
	s16 =	simm.s32 $0x400;
	_ =	strace $0x80000047;
	v3 =	vsel vm12, $0x101, v3;
	v1 =	vsel vm1, $0x607, v1;
	v0 =	vsel vm0, $0x687, v0  }
0xad: {  	[tilespmem:s21], [sflag:$0x2] =	stream.strided.gather [hbm4b:s18+s16], $0x4000, s17, s16, $0x38;
	v32 =	vcombine.low v47, v9;
	v1 =	vsel vm0, $0x688, v1;
	v48 =	vsel vm2, $0x708, v0;
	[tilespmem:$0x1C680] =	vst v63  }
0xae: {  	s22 =	simm.s32 $0x4000;
	s10 =	sor.u32 $0x180, s10;
	s29 =	sor.u32 s7, s12;
	v56 =	vsel vm2, $0x709, v1;
	v0 =	vsel vm0, $0x689, v57;
	v1 =	vsel vm14, $0xE, v60  }
0xaf: {  	[tilespmem:s13], [sflag:$0x1] =	stream.strided.gather [hbm4b:s19+s16], $0x4000, s17, s16, $0x38;
	v50 =	vsel vm2, $0x70A, v0;
	v0 =	vsel vm13, $0x8E, v59;
	v1 =	vsel vm13, $0x8F, v1;
	[tilespmem:$0x1C680] =	vst v63  }
0xb0: {  	s28 =	sadd.s32 s14, s20;
	s31 =	sor.u32 s7, s10;
	s30 =	sshll.u32 s29, $0x7;
	v3 =	vsel vm11, $0x182, v3;
	v0 =	vsel vm12, $0x10F, v0;
	v1 =	vsel vm12, $0x100, v1  }
0xb1: {  	[tilespmem:s22], [sflag:$0x1] =	stream.strided.gather [hbm4b:s28+s16], $0x4000, s17, s16, $0x38;
	v47 =	vcombine.low v9, v47;
	v0 =	vsel vm11, $0x180, v0;
	v1 =	vsel vm11, $0x181, v1;
	[tilespmem:$0x1C680] =	vst v63  }
0xb2: {  	s25 =	simm.s32 $0x8000;
	s24 =	sshll.u32 s31, $0x7;
	s23 =	sadd.s32 s14, s30;
	v3 =	vsel vm10, $0x203, v3;
	v0 =	vsel vm10, $0x201, v0;
	v1 =	vsel vm10, $0x202, v1  }
0xb3: {  	[tilespmem:s25], [sflag:$0x1] =	stream.strided.gather [hbm4b:s23+s16], $0x4000, s17, s16, $0x38;
	v3 =	vsel vm9, $0x284, v3;
	v0 =	vsel vm9, $0x282, v0;
	v1 =	vsel vm9, $0x283, v1;
	[tilespmem:$0x1C680] =	vst v63  }
0xb4: {  	s26 =	simm.s32 $0xC000;
	s14 =	sadd.s32 s14, s24;
	s28 =	simm.s32 $0x2;
	v3 =	vsel vm8, $0x305, v3;
	v0 =	vsel vm8, $0x303, v0;
	v1 =	vsel vm8, $0x304, v1  }
0xb5: {  	[tilespmem:s26], [sflag:$0x1] =	stream.strided.gather [hbm4b:s14+s16], $0x4000, s17, s16, $0x38;
	v3 =	vsel vm7, $0x386, v3;
	v0 =	vsel vm7, $0x384, v0;
	v1 =	vsel vm7, $0x385, v1;
	[tilespmem:$0x1C680] =	vst v63  }
0xb6: {  	_ =	swait.ge [sflag:s28], $0x4000;
	v3 =	vsel vm6, $0x407, v3;
	v0 =	vsel vm6, $0x405, v0;
	v1 =	vsel vm6, $0x406, v1  }
0xb7: {  	[sflag:s28] =	ssyncset.done $0x0;
	v3 =	vsel vm5, $0x488, v3;
	v0 =	vsel vm5, $0x486, v0;
	v1 =	vsel vm5, $0x487, v1  }
0xb8: {  	s29 =	simm.s32 $0x1;
	[sflag:s28] =	ssyncadd.s32 $0xFFFFC000;
	v3 =	vsel vm4, $0x509, v3;
	v0 =	vsel vm4, $0x507, v0;
	v1 =	vsel vm4, $0x508, v1  }
0xb9: {  	s30 =	sshll.u32 s7, $0xE;
	_ =	swait.ge [sflag:s29], $0x4000;
	v3 =	vsel vm3, $0x58A, v3;
	v0 =	vsel vm3, $0x588, v0;
	v1 =	vsel vm3, $0x589, v1  }
0xba: {  	s31 =	simm.s32 $0x14000;
	s11 =	sadd.s32 s11, s30;
	[sflag:s29] =	ssyncset.done $0x0;
	v3 =	vsel vm1, $0x60B, v3;
	v0 =	vsel vm1, $0x609, v0;
	v1 =	vsel vm1, $0x60A, v1  }
0xbb: {  	s15 =	sadd.s32 s15, s11;
	v41 =	vmovc v34;
	s14 =	simm.s32 $0x0;
	[sflag:s29] =	ssyncadd.s32 $0xFFFFC000;
	v63 =	vsel vm0, $0x68C, v3;
	v0 =	vsel vm0, $0x68A, v0;
	v62 =	vsel vm0, $0x68B, v1  }
0xbc: {  	[tilespmem:s31], [sflag:$0x3] =	stream.strided.gather [hbm4b:s15+s16], $0x4000, s17, s16, $0x38;
	v35 =	vmovc v6;
	v54 =	vsel vm2, $0x70D, v63;
	v42 =	vmovc v56;
	v52 =	vsel vm2, $0x70B, v0;
	v53 =	vsel vm2, $0x70C, v62;
	[tilespmem:$0x1C680] =	vst v63  }
.LBB2_1:
0xbd: {  	v5 =	vld [tilespmem:$0x1FF60];
	_ =	sdelay $0x3  }
0xbe: {  	s15 =	sshll.u32 s14, $0x4  }
0xbf: {  	v36 =	vor.u32 s15, v5;
	v5 =	vld [tilespmem:$0x1FF70];
	_ =	sdelay $0x4  }
0xc0: {  	v38 =	vor.u32 s15, v5;
	v5 =	vld [tilespmem:$0x1FF80];
	_ =	sdelay $0x4  }
0xc1: {  	v40 =	vor.u32 s15, v5;
	v5 =	vld [tilespmem:$0x1FF90];
	_ =	sdelay $0x3  }
0xc2: {  	v3 =	vld [tilespmem:$0x1FF10]  }
0xc3: {  	v43 =	vor.u32 s15, v5;
	v5 =	vld [tilespmem:$0x1FFA0];
	_ =	sdelay $0x3  }
0xc4: {  	v14 =	vor.u32 s15, v3;
	v3 =	vld [tilespmem:$0x1FF30]  }
0xc5: {  	v55 =	vor.u32 s15, v5;
	v5 =	vld [tilespmem:$0x1FFB0];
	_ =	sdelay $0x3  }
0xc6: {  	v11 =	vor.u32 s15, v3;
	v3 =	vld [tilespmem:$0x1FF40]  }
0xc7: {  	v56 =	vor.u32 s15, v5;
	v5 =	vld [tilespmem:$0x1FFC0];
	_ =	sdelay $0x1  }
0xc8: {  	v0 =	vld [tilespmem:$0x1FF20]  }
0xc9: {  	v1 =	vor.u32 s13, v21  }
0xca: {  	v2 =	vor.u32 s13, v22;
	v34 =	vor.u32 s15, v3;
	v3 =	vld [tilespmem:$0x1FF50]  }
0xcb: {  	s16 =	sshll.u32 s14, $0xB;
	v57 =	vor.u32 s15, v5;
	v5 =	vld [tilespmem:$0x1FFD0]  }
0xcc: {  	v10 =	vor.u32 s13, v28;
	s16 =	sand.u32 $0x3FFFF800, s16  }
0xcd: {  	s16 =	sadd.s32 $0x10000, s16;
	v4 =	vor.u32 s15, v0;
	v0 =	vor.u32 s13, v20  }
0xce: {  	v1 =	vld.idx.msk [tilespmem:v1+s16+$0x0], $0xffff  }
0xcf: {  	v2 =	vld.idx.msk [tilespmem:v2+s16+$0x0], $0xffff  }
0xd0: {  	v15 =	vor.u32 s15, v3;
	v58 =	vor.u32 s15, v5;
	v5 =	vld [tilespmem:$0x1FFE0]  }
0xd1: {  	v10 =	vld.idx.msk [tilespmem:v10+s16+$0x0], $0xffff  }
0xd2: {  	v0 =	vld.idx.msk [tilespmem:v0+s16+$0x0], $0xffff  }
0xd3: {  	[tilespmem:$0x1FE60] =	vst v4;
	v3 =	vld.idx.msk [tilespmem:v4+s13+$0x0], $0xffff;
	v4 =	vor.u32 s13, v23  }
0xd4: {  	v13 =	vor.u32 s15, v20;
	[tilespmem:$0x1FEB0] =	vst v14;
	v14 =	vld.idx.msk [tilespmem:v14+s13+$0x0], $0xffff  }
0xd5: {  	[tilespmem:$0x1FEC0] =	vst v15;
	v15 =	vld.idx.msk [tilespmem:v15+s13+$0x0], $0xffff;
	v5 =	vor.u32 s15, v5  }
0xd6: {  	v6 =	vor.u32 s13, v46;
	v59 =	vor.u32 s13, v48;
	[tilespmem:$0x1FE70] =	vst v5;
	v5 =	vld [tilespmem:$0x1FFF0]  }
0xd7: {  	v7 =	vor.u32 s13, v30;
	v8 =	vor.u32 s13, v33;
	v9 =	vor.u32 s13, v24;
	[tilespmem:$0x1FE90] =	vst v11;
	v11 =	vld.idx.msk [tilespmem:v11+s13+$0x0], $0xffff  }
0xd8: {  	vm2 =	vgt.f32 v1, $0.0e+00;
	vm0 =	vlt.f32 v0, $0.0e+00;
	vm1 =	vgt.f32 v0, $0.0e+00;
	v4 =	vld.idx.msk [tilespmem:v4+s16+$0x0], $0xffff  }
0xd9: {  	[tilespmem:$0x1FEA0] =	vst v13;
	v13 =	vld.idx.msk [tilespmem:v13+s13+$0x0], $0xffff;
	vm0 =	vmor vm1, vm0;
	vm1 =	vlt.f32 v1, $0.0e+00;
	v1 =	vsub.f32 v14, v1  }
0xda: {  	v12 =	vor.u32 s13, v39;
	vm15 =	vlt.f32 v2, $0.0e+00;
	vm3 =	vgt.f32 v2, $0.0e+00  }
0xdb: {  	v1 =	vmul.f32 v1, v1;
	v60 =	vsub.f32 v15, v10;
	v5 =	vor.u32 s15, v5  }
0xdc: {  	[tilespmem:$0x1FE80] =	vst v5;
	v5 =	vsub.f32 v3, v2;
	v2 =	vsel vm0, $0x3F800000, v17;
	vm0 =	vmor vm2, vm1  }
0xdd: {  	vm1 =	vlt.f32 v4, $0.0e+00;
	vm2 =	vgt.f32 v4, $0.0e+00;
	v4 =	vsub.f32 v11, v4  }
0xde: {  	v9 =	vld.idx.msk [tilespmem:v9+s16+$0x0], $0xffff;
	v3 =	vsub.f32 v13, v0;
	v16 =	vadd.f32 v2, v17;
	v2 =	vperm.xlane v2, v27  }
0xdf: {  	v7 =	vld.idx.msk [tilespmem:v7+s16+$0x0], $0xffff;
	v11 =	vsel vm0, $0x3F800000, v17;
	vm0 =	vmor vm3, vm15;
	vm3 =	vgt.f32 v10, $0.0e+00  }
0xe0: {  	[tilespmem:$0x1FEE0] =	vst v36;
	vm15 =	vlt.f32 v10, $0.0e+00;
	v10 =	vld.idx.msk [tilespmem:v36+s13+$0x0], $0xffff;
	v36 =	vor.u32 s13, v52;
	v13 =	vperm.xlane v11, v25  }
0xe1: {  	v3 =	vmul.f32 v3, v3;
	v0 =	vadd.f32 $0.0e+00, v2;
	v11 =	vadd.f32 v11, v16;
	v16 =	vld.idx.msk [tilespmem:v34+s13+$0x0], $0xffff  }
0xe2: {  	v5 =	vmul.f32 v5, v5;
	v4 =	vmul.f32 v4, v4;
	v2 =	vor.u32 s13, v54  }
0xe3: {  	[tilespmem:$0x1FED0] =	vst v34;
	v34 =	vor.u32 s13, v50;
	v3 =	vadd.f32 v3, v17;
	v0 =	vadd.f32 v13, v0  }
0xe4: {  	v13 =	vsel vm0, $0x3F800000, v17;
	vm0 =	vmor vm2, vm1;
	vm1 =	vlt.f32 v9, $0.0e+00  }
0xe5: {  	v8 =	vld.idx.msk [tilespmem:v8+s16+$0x0], $0xffff;
	v11 =	vadd.f32 v13, v11;
	v13 =	vperm.xlane v13, v18;
	v1 =	vadd.f32 v1, v3  }
0xe6: {  	vm2 =	vgt.f32 v9, $0.0e+00;
	v15 =	vsub.f32 v10, v7;
	v9 =	vsub.f32 v16, v9  }
0xe7: {  	v3 =	vld.idx.msk [tilespmem:v38+s13+$0x0], $0xffff;
	v0 =	vadd.f32 v13, v0;
	v13 =	vsel vm0, $0x3F800000, v17;
	vm0 =	vmor vm2, vm1  }
0xe8: {  	vm1 =	vgt.f32 v7, $0.0e+00;
	vm2 =	vlt.f32 v7, $0.0e+00;
	v1 =	vadd.f32 v5, v1  }
0xe9: {  	v7 =	vld.idx.msk [tilespmem:v12+s16+$0x0], $0xffff;
	v11 =	vadd.f32 v13, v11;
	v13 =	vperm.xlane v13, v19;
	v12 =	vsel vm0, $0x3F800000, v17  }
0xea: {  	v5 =	vld.idx.msk [tilespmem:v40+s13+$0x0], $0xffff;
	vm0 =	vmor vm3, vm15;
	vm3 =	vgt.f32 v8, $0.0e+00;
	vm15 =	vlt.f32 v8, $0.0e+00  }
0xeb: {  	v0 =	vadd.f32 v13, v0;
	v11 =	vadd.f32 v12, v11;
	v12 =	vperm.xlane v12, v26  }
0xec: {  	v6 =	vld.idx.msk [tilespmem:v6+s16+$0x0], $0xffff;
	v1 =	vadd.f32 v4, v1;
	v4 =	vor.u32 s13, v42;
	v14 =	vsub.f32 v3, v8  }
0xed: {  	v10 =	vld.idx.msk [tilespmem:v55+s13+$0x0], $0xffff;
	v8 =	vsel vm0, $0x3F800000, v17;
	vm0 =	vmor vm1, vm2;
	v0 =	vadd.f32 v12, v0  }
0xee: {  	v13 =	vld.idx.msk [tilespmem:v59+s16+$0x0], $0xffff;
	v11 =	vadd.f32 v8, v11;
	v8 =	vperm.xlane v8, v29;
	vm1 =	vlt.f32 v7, $0.0e+00  }
0xef: {  	v12 =	vld.idx.msk [tilespmem:v43+s13+$0x0], $0xffff;
	v3 =	vsub.f32 v5, v7;
	vm2 =	vgt.f32 v7, $0.0e+00;
	v7 =	vmul.f32 v9, v9  }
0xf0: {  	v63 =	vmovc v43;
	v43 =	vor.u32 s13, v53;
	v9 =	vmul.f32 v60, v60;
	v5 =	vmul.f32 v15, v15  }
0xf1: {  	v16 =	vmul.f32 v14, v14;
	v0 =	vadd.f32 v8, v0;
	v1 =	vadd.f32 v7, v1  }
0xf2: {  	v8 =	vsel vm0, $0x3F800000, v17;
	vm0 =	vmor vm3, vm15;
	vm3 =	vlt.f32 v6, $0.0e+00  }
0xf3: {  	vm15 =	vgt.f32 v6, $0.0e+00;
	v15 =	vsub.f32 v10, v13;
	v1 =	vadd.f32 v9, v1  }
0xf4: {  	v4 =	vld.idx.msk [tilespmem:v4+s16+$0x0], $0xffff;
	v7 =	vsub.f32 v12, v6;
	v12 =	vperm.xlane v8, v31;
	v8 =	vadd.f32 v8, v11  }
0xf5: {  	v59 =	vmovc v57;
	v57 =	vld.idx.msk [tilespmem:v57+s13+$0x0], $0xffff;
	v11 =	vsel vm0, $0x3F800000, v17;
	vm0 =	vmor vm2, vm1;
	v6 =	vmul.f32 v3, v3  }
0xf6: {  	v14 =	vld.idx.msk [tilespmem:v56+s13+$0x0], $0xffff;
	vm1 =	vlt.f32 v13, $0.0e+00;
	vm2 =	vgt.f32 v13, $0.0e+00;
	v9 =	vsel vm0, $0x3F800000, v17  }
0xf7: {  	[tilespmem:$0x1FEF0] =	vst v38;
	v62 =	vmovc v55;
	v3 =	vld.idx.msk [tilespmem:v34+s16+$0x0], $0xffff;
	vm0 =	vmor vm15, vm3;
	v13 =	vadd.f32 v5, v1;
	vm1 =	vmor vm2, vm1  }
0xf8: {  	v61 =	vmovc v56;
	v0 =	vadd.f32 v12, v0;
	v8 =	vadd.f32 v11, v8;
	v11 =	vperm.xlane v11, v32  }
0xf9: {  	[tilespmem:$0x1FF00] =	vst v40;
	v38 =	vmovc v29;
	v40 =	vmovc v31;
	v10 =	vsel vm0, $0x3F800000, v17;
	v12 =	vperm.xlane v9, v35;
	vm15 =	vlt.f32 v4, $0.0e+00  }
0xfa: {  	v60 =	vmovc v58;
	v34 =	vmovc v19;
	vm0 =	vgt.f32 v4, $0.0e+00;
	v5 =	vperm.xlane v10, v45;
	v11 =	vadd.f32 v11, v0  }
0xfb: {  	v1 =	vadd.f32 v9, v8;
	v9 =	vld.idx.msk [tilespmem:v36+s16+$0x0], $0xffff;
	v0 =	vsub.f32 v14, v4;
	v4 =	vmul.f32 v15, v15  }
0xfc: {  	s19 =	simm.s32 $0x18000;
	p0 =	seq.s32 s14, $0x0;
	s20 =	simm.s32 $0x10;
	v14 =	vsel vm1, $0x3F800000, v17;
	v15 =	vadd.f32 v16, v13;
	v16 =	vld.idx.msk [tilespmem:v58+s13+$0x0], $0xffff;
	v36 =	vmovc v26;
	v13 =	vsub.f32 v57, v3  }
0xfd: {  	s21 =	simm.s32 $0x0;
	s18 =	simm.s32 $0x0;
	s17 =	simm.s32 $0x18000;
	vm1 =	vgt.f32 v3, $0.0e+00;
	vm2 =	vlt.f32 v3, $0.0e+00;
	v8 =	vperm.xlane v14, v41;
	v3 =	vld.idx.msk [tilespmem:v43+s16+$0x0], $0xffff;
	v43 =	vmovc v32;
	v32 =	vmovc v18  }
.LBB2_2:
0xfe: {  	v19 =	vld [tilespmem:$0x1FE80];
	_ =	sdelay $0x1  }
0xff: {  	v7 =	vmul.f32 v7, v7;
	vm0 =	vmor vm0, vm15  }
0x100: {  	vm1 =	vmor vm1, vm2;
	v18 =	vld [tilespmem:$0x1FE70];
	v1 =	vadd.f32 v10, v1;
	v0 =	vmul.f32 v0, v0  }
0x101: {  	v10 =	vsel vm1, $0x3F800000, v17;
	v11 =	vadd.f32 v12, v11;
	v6 =	vadd.f32 v6, v15  }
0x102: {  	v12 =	vperm.xlane v10, v49;
	vm1 =	vgt.f32 v9, $0.0e+00;
	v1 =	vadd.f32 v14, v1  }
0x103: {  	v2 =	vld.idx.msk [tilespmem:v2+s16+$0x0], $0xffff;
	vm2 =	vlt.f32 v9, $0.0e+00;
	v5 =	vadd.f32 v5, v11;
	v11 =	vmul.f32 v13, v13  }
0x104: {  	v6 =	vadd.f32 v7, v6;
	v14 =	vsub.f32 v16, v9;
	v9 =	vsel vm0, $0x3F800000, v17  }
0x105: {  	vm0 =	vmor vm1, vm2;
	vm1 =	vgt.f32 v3, $0.0e+00;
	v1 =	vadd.f32 v9, v1;
	v19 =	vld.idx.msk [tilespmem:v19+s18+$0x0], $0xffff  }
0x106: {  	vm2 =	vlt.f32 v3, $0.0e+00;
	v9 =	vperm.xlane v9, v37;
	v5 =	vadd.f32 v8, v5  }
0x107: {  	vm1 =	vmor vm1, vm2;
	v8 =	vsel vm0, $0x3F800000, v17;
	v1 =	vadd.f32 v10, v1  }
0x108: {  	v4 =	vadd.f32 v4, v6;
	vm0 =	vgt.f32 v2, $0.0e+00;
	v5 =	vadd.f32 v9, v5;
	v18 =	vld.idx.msk [tilespmem:v18+s18+$0x0], $0xffff  }
0x109: {  	v10 =	vsel vm1, $0x3F800000, v17;
	vm1 =	vlt.f32 v2, $0.0e+00;
	v1 =	vadd.f32 v8, v1  }
0x10a: {  	v13 =	vsub.f32 v19, v2;
	v2 =	vadd.f32 v12, v5;
	v5 =	vperm.xlane v8, v51  }
0x10b: {  	v7 =	vmul.f32 v14, v14;
	v0 =	vadd.f32 v0, v4;
	v6 =	vperm.xlane v10, v44  }
0x10c: {  	vm0 =	vmor vm0, vm1;
	v1 =	vadd.f32 v10, v1;
	v2 =	vadd.f32 v5, v2;
	v5 =	vld [tilespmem:s17+$0x0]  }
0x10d: {  	v4 =	vsel vm0, $0x3F800000, v17;
	v0 =	vadd.f32 v11, v0;
	v3 =	vsub.f32 v18, v3  }
0x10e: {  	v1 =	vadd.f32 v4, v1;
	v4 =	vperm.xlane v4, v47;
	v2 =	vadd.f32 v6, v2  }
0x10f: {  	v0 =	vadd.f32 v7, v0;
	v3 =	vmul.f32 v3, v3  }
0x110: {  	v2 =	vadd.f32 v4, v2  }
0x111: {  	v0 =	vadd.f32 v3, v0;
	v3 =	vpsel p0, $0x0, v5  }
0x112: {  	v2 =	vadd.f32 v3, v2  }
0x113: {  	s22 =	smov.u32 s20  }
0x114: {  	v8 =	vor.u32 s22, v20;
	[tilespmem:s17+$0x0] =	vst v2;
	v2 =	vld [tilespmem:$0x1FE60]  }
0x115: {  	v6 =	vor.u32 s22, v21;
	v3 =	vld [tilespmem:$0x1FEA0]  }
0x116: {  	v4 =	vor.u32 s22, v22;
	_ =	sdelay $0x1  }
0x117: {  	v31 =	vmov v22;
	v22 =	vld [tilespmem:$0x1FEB0]  }
0x118: {  	v8 =	vld.idx.msk [tilespmem:v8+s16+$0x0], $0xffff  }
0x119: {  	v14 =	vor.u32 s22, v39;
	v9 =	vmul.f32 v13, v13;
	v6 =	vld.idx.msk [tilespmem:v6+s16+$0x0], $0xffff  }
0x11a: {  	s21 =	sadd.s32 $0x800, s21;
	v10 =	vor.u32 s22, v48;
	v18 =	vor.u32 s22, v24;
	v19 =	vor.u32 s22, v28;
	v11 =	vld.idx.msk [tilespmem:v4+s16+$0x0], $0xffff  }
0x11b: {  	v29 =	vmovc v21;
	v13 =	vor.u32 s22, v33;
	v21 =	vor.u32 s22, v42;
	v0 =	vadd.f32 v9, v0;
	v7 =	vld.idx.msk [tilespmem:v2+s21+$0x0], $0xffff  }
0x11c: {  	v56 =	vmovc v53;
	v58 =	vmovc v47;
	v9 =	vor.u32 s22, v46;
	v5 =	vor.u32 s22, v50;
	v15 =	vld.idx.msk [tilespmem:v3+s21+$0x0], $0xffff;
	v3 =	vor.u32 s22, v53  }
0x11d: {  	vm0 =	vlt.f32 v8, $0.0e+00;
	vm1 =	vgt.f32 v8, $0.0e+00;
	v53 =	vmovc v51;
	v51 =	vmovc v49;
	v49 =	vmov v48  }
0x11e: {  	v48 =	vmovc v37;
	v37 =	vmovc v28;
	v28 =	vmov v20;
	v20 =	vld [tilespmem:$0x1FE90];
	vm2 =	vgt.f32 v6, $0.0e+00;
	v2 =	vor.u32 s22, v23  }
0x11f: {  	v26 =	vld [tilespmem:$0x1FED0];
	v47 =	vmovc v46;
	v46 =	vmovc v41;
	vm3 =	vlt.f32 v11, $0.0e+00;
	vm15 =	vgt.f32 v11, $0.0e+00;
	vm0 =	vmor vm1, vm0  }
0x120: {  	v41 =	vmovc v33;
	v33 =	vmovc v23;
	vm1 =	vlt.f32 v6, $0.0e+00;
	v23 =	vsel vm0, $0x3F800000, v17;
	v7 =	vsub.f32 v7, v11;
	v11 =	vld [tilespmem:$0x1FEC0]  }
0x121: {  	v55 =	vmovc v52;
	v4 =	vor.u32 s22, v52;
	v18 =	vld.idx.msk [tilespmem:v18+s16+$0x0], $0xffff;
	vm0 =	vmor vm2, vm1;
	v1 =	vadd.f32 v23, v1  }
0x122: {  	v52 =	vmovc v50;
	v50 =	vmovc v42;
	v42 =	vmov v35;
	v35 =	vmov v24;
	v22 =	vld.idx.msk [tilespmem:v22+s21+$0x0], $0xffff;
	v24 =	vsel vm0, $0x3F800000, v17  }
0x123: {  	v57 =	vmovc v54;
	v12 =	vor.u32 s22, v30;
	v1 =	vadd.f32 v24, v1;
	v16 =	vld.idx.msk [tilespmem:v2+s16+$0x0], $0xffff;
	v2 =	vor.u32 s22, v54  }
0x124: {  	v54 =	vmovc v44;
	v44 =	vmovc v39;
	v39 =	vmov v30;
	v30 =	vmov v25;
	v25 =	vperm.xlane v24, v25;
	v24 =	vld [tilespmem:$0x1FEE0]  }
0x125: {  	v19 =	vld.idx.msk [tilespmem:v19+s16+$0x0], $0xffff  }
0x126: {  	vm1 =	vmor vm15, vm3;
	v23 =	vperm.xlane v23, v27;
	v20 =	vld.idx.msk [tilespmem:v20+s21+$0x0], $0xffff  }
0x127: {  	v26 =	vld.idx.msk [tilespmem:v26+s21+$0x0], $0xffff;
	v27 =	vsel vm1, $0x3F800000, v17;
	v6 =	vsub.f32 v22, v6;
	v8 =	vsub.f32 v15, v8  }
0x128: {  	vm1 =	vgt.f32 v18, $0.0e+00;
	v15 =	vadd.f32 $0.0e+00, v23;
	v23 =	vperm.xlane v27, v32;
	v11 =	vld.idx.msk [tilespmem:v11+s21+$0x0], $0xffff  }
0x129: {  	v12 =	vld.idx.msk [tilespmem:v12+s16+$0x0], $0xffff;
	v6 =	vmul.f32 v6, v6;
	v8 =	vmul.f32 v8, v8;
	v1 =	vadd.f32 v27, v1  }
0x12a: {  	v15 =	vadd.f32 v25, v15;
	v25 =	vld [tilespmem:$0x1FF00];
	vm0 =	vlt.f32 v16, $0.0e+00;
	vm2 =	vgt.f32 v16, $0.0e+00  }
0x12b: {  	v0 =	vadd.f32 v8, v0;
	v16 =	vsub.f32 v20, v16;
	vm0 =	vmor vm2, vm0  }
0x12c: {  	vm2 =	vgt.f32 v19, $0.0e+00;
	v20 =	vsel vm0, $0x3F800000, v17;
	vm0 =	vlt.f32 v18, $0.0e+00;
	v24 =	vld.idx.msk [tilespmem:v24+s21+$0x0], $0xffff  }
0x12d: {  	vm0 =	vmor vm1, vm0;
	vm1 =	vlt.f32 v19, $0.0e+00;
	v11 =	vsub.f32 v11, v19;
	v19 =	vld [tilespmem:$0x1FEF0]  }
0x12e: {  	v7 =	vmul.f32 v7, v7;
	v8 =	vsub.f32 v26, v18;
	v0 =	vadd.f32 v6, v0  }
0x12f: {  	v13 =	vld.idx.msk [tilespmem:v13+s16+$0x0], $0xffff;
	vm3 =	vgt.f32 v12, $0.0e+00;
	v15 =	vadd.f32 v23, v15;
	v1 =	vadd.f32 v20, v1  }
0x130: {  	v14 =	vld.idx.msk [tilespmem:v14+s16+$0x0], $0xffff;
	v8 =	vmul.f32 v8, v8;
	v0 =	vadd.f32 v7, v0;
	v23 =	vsel vm0, $0x3F800000, v17  }
0x131: {  	v9 =	vld.idx.msk [tilespmem:v9+s16+$0x0], $0xffff;
	v22 =	vperm.xlane v20, v34;
	vm1 =	vmor vm2, vm1;
	v1 =	vadd.f32 v23, v1  }
0x132: {  	v18 =	vsel vm1, $0x3F800000, v17;
	vm1 =	vlt.f32 v12, $0.0e+00;
	v25 =	vld.idx.msk [tilespmem:v25+s21+$0x0], $0xffff;
	v12 =	vsub.f32 v24, v12  }
0x133: {  	v16 =	vmul.f32 v16, v16;
	v27 =	vperm.xlane v18, v38;
	v1 =	vadd.f32 v18, v1;
	v18 =	vld.idx.msk [tilespmem:v10+s16+$0x0], $0xffff  }
0x134: {  	vm2 =	vgt.f32 v13, $0.0e+00;
	v6 =	vadd.f32 v22, v15;
	v15 =	vmul.f32 v12, v12;
	v12 =	vld.idx.msk [tilespmem:v62+s21+$0x0], $0xffff  }
0x135: {  	vm0 =	vlt.f32 v13, $0.0e+00;
	v23 =	vperm.xlane v23, v36;
	v0 =	vadd.f32 v16, v0;
	v19 =	vld.idx.msk [tilespmem:v19+s21+$0x0], $0xffff  }
0x136: {  	vm0 =	vmor vm2, vm0;
	vm2 =	vgt.f32 v9, $0.0e+00;
	vm1 =	vmor vm3, vm1  }
0x137: {  	v6 =	vadd.f32 v23, v6;
	v0 =	vadd.f32 v8, v0;
	v11 =	vmul.f32 v11, v11  }
0x138: {  	v20 =	vld.idx.msk [tilespmem:v63+s21+$0x0], $0xffff;
	v24 =	vsel vm1, $0x3F800000, v17;
	vm1 =	vlt.f32 v14, $0.0e+00;
	v10 =	vsub.f32 v25, v14  }
0x139: {  	v26 =	vperm.xlane v24, v40;
	v16 =	vadd.f32 v11, v0;
	v0 =	vadd.f32 v24, v1  }
0x13a: {  	v23 =	vsub.f32 v12, v18;
	v7 =	vsub.f32 v19, v13;
	v13 =	vsel vm0, $0x3F800000, v17  }
0x13b: {  	vm0 =	vgt.f32 v14, $0.0e+00;
	v14 =	vadd.f32 v27, v6;
	v27 =	vlaneseq.u32  }
0x13c: {  	v22 =	vld.idx.msk [tilespmem:v5+s16+$0x0], $0xffff;
	v6 =	vmul.f32 v10, v10;
	vm0 =	vmor vm0, vm1;
	vm1 =	vlt.f32 v9, $0.0e+00  }
0x13d: {  	v25 =	vld.idx.msk [tilespmem:v59+s21+$0x0], $0xffff;
	v1 =	vadd.f32 v13, v0;
	v19 =	vmul.f32 v7, v7;
	v7 =	vsub.f32 v20, v9  }
0x13e: {  	v20 =	vld.idx.msk [tilespmem:v21+s16+$0x0], $0xffff;
	v9 =	vadd.f32 v26, v14;
	v21 =	vsel vm0, $0x3F800000, v17;
	vm0 =	vmor vm2, vm1  }
0x13f: {  	v24 =	vmovc v35;
	v35 =	vmovc v42;
	v14 =	vperm.xlane v13, v43;
	vm1 =	vgt.f32 v18, $0.0e+00;
	v13 =	vadd.f32 v15, v16  }
0x140: {  	v8 =	vld.idx.msk [tilespmem:v61+s21+$0x0], $0xffff;
	v42 =	vmovc v50;
	v50 =	vmovc v52;
	v10 =	vsel vm0, $0x3F800000, v17;
	vm0 =	vlt.f32 v18, $0.0e+00;
	v12 =	vperm.xlane v21, v35  }
0x141: {  	v52 =	vmovc v55;
	v1 =	vadd.f32 v21, v1;
	v5 =	vperm.xlane v10, v45;
	v11 =	vadd.f32 v14, v9  }
0x142: {  	p1 =	sne.s32 s20, $0x70;
	vm2 =	vlt.f32 v22, $0.0e+00;
	vm0 =	vmor vm1, vm0;
	v9 =	vld.idx.msk [tilespmem:v4+s16+$0x0], $0xffff;
	v4 =	vmul.f32 v23, v23;
	v23 =	vmovc v33;
	v33 =	vmovc v41  }
.Ltmp0:
0x143: {  	v41 =	vmovc v46;
	v46 =	vmovc v47;
	v47 =	vmov v58;
	vm1 =	vgt.f32 v22, $0.0e+00;
	v15 =	vadd.f32 v19, v13;
	(pc) =	sbr.rel @p1 .LBB2_2-.Ltmp0, $4  }
0x144: {  	v13 =	vsub.f32 v25, v22;
	v25 =	vmovc v30;
	v30 =	vmovc v39;
	v39 =	vmov v44;
	v44 =	vmov v54  }
0x145: {  	v3 =	vld.idx.msk [tilespmem:v3+s16+$0x0], $0xffff;
	v54 =	vmovc v57;
	v22 =	vmovc v31;
	v14 =	vsel vm0, $0x3F800000, v17;
	v21 =	vmov v29;
	vm15 =	vlt.f32 v20, $0.0e+00  }
0x146: {  	s19 =	sadd.s32 $0x10, s19;
	v0 =	vsub.f32 v8, v20;
	v8 =	vperm.xlane v14, v41;
	vm0 =	vgt.f32 v20, $0.0e+00;
	v20 =	vmovc v28;
	v28 =	vmovc v37  }
0x147: {  	s20 =	sadd.s32 $0x10, s20;
	s18 =	smov.u32 s21;
	s17 =	smov.u32 s19;
	v16 =	vld.idx.msk [tilespmem:v60+s21+$0x0], $0xffff;
	v37 =	vmovc v48;
	v48 =	vmovc v49;
	v49 =	vmov v51;
	v51 =	vmov v53;
	v53 =	vmov v56  }
0x148: {  	v7 =	vmul.f32 v7, v7  }
0x149: {  	vm0 =	vmor vm0, vm15;
	vm1 =	vmor vm1, vm2;
	v1 =	vadd.f32 v10, v1;
	v59 =	vld [tilespmem:$0x1FE70]  }
0x14a: {  	v0 =	vmul.f32 v0, v0;
	v11 =	vadd.f32 v12, v11;
	v6 =	vadd.f32 v6, v15  }
0x14b: {  	v62 =	vmul.f32 v13, v13;
	v55 =	vld [tilespmem:$0x1FE80];
	v10 =	vsel vm1, $0x3F800000, v17;
	vm1 =	vgt.f32 v9, $0.0e+00  }
0x14c: {  	v60 =	vsel vm0, $0x3F800000, v17;
	vm0 =	vlt.f32 v9, $0.0e+00;
	v5 =	vadd.f32 v5, v11  }
0x14d: {  	v2 =	vld.idx.msk [tilespmem:v2+s16+$0x0], $0xffff;
	v18 =	vperm.xlane v10, v49;
	vm0 =	vmor vm1, vm0;
	v61 =	vperm.xlane v60, v37  }
0x14e: {  	vm1 =	vgt.f32 v3, $0.0e+00;
	vm2 =	vlt.f32 v3, $0.0e+00;
	v5 =	vadd.f32 v8, v5  }
0x14f: {  	v1 =	vadd.f32 v14, v1;
	v6 =	vadd.f32 v7, v6;
	vm1 =	vmor vm1, vm2  }
0x150: {  	v63 =	vsel vm0, $0x3F800000, v17;
	v14 =	vsub.f32 v16, v9;
	v5 =	vadd.f32 v61, v5  }
0x151: {  	v1 =	vadd.f32 v60, v1;
	v4 =	vadd.f32 v4, v6;
	v56 =	vsel vm1, $0x3F800000, v17;
	v12 =	vld.idx.msk [tilespmem:v59+s18+$0x0], $0xffff  }
0x152: {  	v57 =	vperm.xlane v63, v51;
	vm0 =	vgt.f32 v2, $0.0e+00;
	v5 =	vadd.f32 v18, v5  }
0x153: {  	vm1 =	vlt.f32 v2, $0.0e+00;
	v58 =	vperm.xlane v56, v44;
	v0 =	vadd.f32 v0, v4;
	v6 =	vld.idx.msk [tilespmem:v55+s18+$0x0], $0xffff  }
0x154: {  	vm0 =	vmor vm0, vm1;
	v60 =	vmul.f32 v14, v14;
	v59 =	vld [tilespmem:s17+$0x0];
	v5 =	vadd.f32 v57, v5  }
0x155: {  	v1 =	vadd.f32 v10, v1;
	v61 =	vsel vm0, $0x3F800000, v17;
	v0 =	vadd.f32 v62, v0  }
0x156: {  	v62 =	vperm.xlane v61, v47;
	v4 =	vadd.f32 v58, v5;
	v3 =	vsub.f32 v12, v3  }
0x157: {  	v1 =	vadd.f32 v63, v1;
	v0 =	vadd.f32 v60, v0  }
0x158: {  	s14 =	sadd.s32 $0x1, s14;
	v2 =	vsub.f32 v6, v2;
	v4 =	vadd.f32 v62, v4;
	v3 =	vmul.f32 v3, v3  }
0x159: {  	v1 =	vadd.f32 v56, v1;
	v63 =	vpsel p0, $0x0, v59;
	p0 =	sne.s32 s14, $0x8  }
.Ltmp1:
0x15a: {  	v2 =	vmul.f32 v2, v2;
	v0 =	vadd.f32 v3, v0;
	v3 =	vadd.f32 v63, v4;
	(pc) =	sbr.rel @p0 .LBB2_1-.Ltmp1, $4  }
0x15b: {  	v1 =	vadd.f32 v61, v1  }
0x15c: {  	v0 =	vadd.f32 v2, v0;
	[tilespmem:s17+$0x0] =	vst v3  }
0x15d: {  	v19 =	vmov v34;
	[tilespmem:s15+$0x18280] =	vst v1  }
0x15e: {  	v26 =	vmovc v36;
	v29 =	vmovc v38;
	v31 =	vmov v40;
	v18 =	vmov v32;
	v32 =	vmov v43;
	[tilespmem:s15+$0x18200] =	vst v0  }
0x15f: {  	v0 =	vimm.s32 $0xF;
	v1 =	vimm.s32 $0x8F  }
0x160: {  	v27 =	vlaneseq.u32;
	vm3 =	vcmask $0x2F2C;
	vm1 =	vcmask $0x3330  }
0x161: {  	v2 =	vimm.s32 $0x10F;
	vm0 =	vcmask $0x3734;
	vm2 =	vcmask $0x3B38  }
0x162: {  	v37 =	vimm.s32 $0x18F;
	v40 =	vimm.s32 $0x20F;
	v43 =	vimm.s32 $0x28F  }
0x163: {  	v46 =	vimm.s32 $0x30F;
	v49 =	vimm.s32 $0x38F;
	v52 =	vimm.s32 $0x40F  }
0x164: {  	v55 =	vimm.s32 $0x48F;
	v58 =	vimm.s32 $0x50F;
	v61 =	vimm.s32 $0x58F  }
0x165: {  	v4 =	vimm.s32 $0x60F;
	v7 =	vimm.s32 $0x68F;
	v10 =	vimm.s32 $0x70F  }
0x166: {  	v13 =	vimm.s32 $0x780;
	v33 =	vimm.s32 $0x781;
	v17 =	vimm.f32 $0.0e+00  }
0x167: {  	v3 =	vimm.s32 $0x782;
	v0 =	vsel vm14, $0x80, v0;
	v1 =	vsel vm14, $0x100, v1  }
0x168: {  	v20 =	vmul.u32 $0x81, v27;
	v2 =	vsel vm14, $0x180, v2;
	v3 =	vsel vm14, $0x3, v3  }
0x169: {  	v0 =	vsel vm13, $0x101, v0;
	v1 =	vsel vm13, $0x181, v1;
	v36 =	vsel vm13, $0x201, v2  }
0x16a: {  	v2 =	vsel vm14, $0x200, v37;
	v3 =	vsel vm13, $0x84, v3;
	v0 =	vsel vm12, $0x182, v0  }
0x16b: {  	v1 =	vsel vm12, $0x202, v1;
	v2 =	vsel vm13, $0x281, v2;
	v3 =	vsel vm12, $0x105, v3  }
0x16c: {  	v0 =	vsel vm11, $0x203, v0;
	v1 =	vsel vm11, $0x283, v1;
	v2 =	vsel vm12, $0x302, v2  }
0x16d: {  	v3 =	vsel vm11, $0x186, v3;
	v0 =	vsel vm10, $0x284, v0;
	v1 =	vsel vm10, $0x304, v1  }
0x16e: {  	v2 =	vsel vm11, $0x383, v2;
	v0 =	vsel vm9, $0x305, v0;
	v35 =	vsel vm9, $0x385, v1  }
0x16f: {  	v1 =	vsel vm12, $0x282, v36;
	v2 =	vsel vm10, $0x404, v2;
	v36 =	vimm.s32 $0xEDCBA987  }
0x170: {  	v0 =	vsel vm8, $0x386, v0;
	v1 =	vsel vm11, $0x303, v1;
	v2 =	vsel vm9, $0x485, v2  }
0x171: {  	v0 =	vsel vm7, $0x407, v0;
	v1 =	vsel vm10, $0x384, v1;
	v2 =	vsel vm8, $0x506, v2  }
0x172: {  	v0 =	vsel vm6, $0x488, v0;
	v1 =	vsel vm9, $0x405, v1;
	v39 =	vsel vm7, $0x587, v2  }
0x173: {  	v2 =	vsel vm14, $0x280, v40;
	v40 =	vimm.s32 $0x543210FE;
	v0 =	vsel vm5, $0x509, v0  }
0x174: {  	v1 =	vsel vm8, $0x486, v1;
	v2 =	vsel vm13, $0x301, v2;
	v0 =	vsel vm4, $0x58A, v0  }
0x175: {  	v1 =	vsel vm7, $0x507, v1;
	v42 =	vsel vm12, $0x382, v2;
	v2 =	vsel vm14, $0x300, v43  }
0x176: {  	v0 =	vsel vm3, $0x60B, v0;
	v1 =	vsel vm6, $0x588, v1;
	v45 =	vsel vm13, $0x381, v2  }
0x177: {  	v2 =	vsel vm14, $0x380, v46;
	v0 =	vsel vm1, $0x68C, v0;
	v1 =	vsel vm5, $0x609, v1  }
0x178: {  	v2 =	vsel vm13, $0x401, v2;
	v0 =	vsel vm0, $0x70D, v0;
	v38 =	vsel vm4, $0x68A, v1  }
0x179: {  	v1 =	vsel vm6, $0x608, v39;
	v2 =	vsel vm12, $0x482, v2;
	v39 =	vimm.s32 $0xDCBA9876  }
0x17a: {  	v0 =	vsel vm2, $0x78E, v0;
	v1 =	vsel vm5, $0x689, v1;
	v2 =	vsel vm11, $0x503, v2  }
0x17b: {  	[tilespmem:$0x1FD70] =	vst v0;
	v0 =	vsel vm8, $0x406, v35;
	v1 =	vsel vm4, $0x70A, v1;
	v2 =	vsel vm10, $0x584, v2  }
0x17c: {  	v0 =	vsel vm7, $0x487, v0;
	v41 =	vsel vm3, $0x78B, v1;
	v1 =	vsel vm11, $0x403, v42  }
0x17d: {  	v2 =	vsel vm9, $0x605, v2;
	v0 =	vsel vm6, $0x508, v0;
	v1 =	vsel vm10, $0x484, v1  }
0x17e: {  	v2 =	vsel vm8, $0x686, v2;
	v0 =	vsel vm5, $0x589, v0;
	v44 =	vsel vm9, $0x505, v1  }
0x17f: {  	v1 =	vsel vm12, $0x402, v45;
	v48 =	vsel vm7, $0x707, v2;
	v2 =	vsel vm14, $0x400, v49  }
0x180: {  	v49 =	vimm.s32 $0x3210FEDC;
	v0 =	vsel vm4, $0x60A, v0;
	v1 =	vsel vm11, $0x483, v1  }
0x181: {  	v2 =	vsel vm13, $0x481, v2;
	v0 =	vsel vm3, $0x68B, v0;
	v1 =	vsel vm10, $0x504, v1  }
0x182: {  	v51 =	vsel vm12, $0x502, v2;
	v2 =	vsel vm14, $0x480, v52;
	v0 =	vsel vm1, $0x70C, v0  }
0x183: {  	v1 =	vsel vm9, $0x585, v1;
	v54 =	vsel vm13, $0x501, v2;
	v2 =	vsel vm14, $0x500, v55  }
0x184: {  	v0 =	vsel vm0, $0x78D, v0;
	v1 =	vsel vm8, $0x606, v1;
	v2 =	vsel vm13, $0x581, v2  }
0x185: {  	v0 =	vsel vm2, $0xE, v0;
	v1 =	vsel vm7, $0x687, v1;
	v2 =	vsel vm12, $0x602, v2  }
0x186: {  	[tilespmem:$0x1FD80] =	vst v0;
	v0 =	vsel vm3, $0x70B, v38;
	v1 =	vsel vm6, $0x708, v1;
	v2 =	vsel vm11, $0x683, v2  }
0x187: {  	v38 =	vsel vm10, $0x207, v3;
	v3 =	vunpack.c.l.s4.s8 v39;
	v0 =	vsel vm1, $0x78C, v0  }
0x188: {  	v1 =	vsel vm5, $0x789, v1;
	v2 =	vsel vm10, $0x704, v2;
	v0 =	vsel vm0, $0xD, v0  }
0x189: {  	v47 =	vsel vm4, $0xA, v1;
	v1 =	vsel vm6, $0x788, v48;
	v2 =	vsel vm9, $0x785, v2  }
0x18a: {  	v48 =	vimm.s32 $0xBA987654;
	v0 =	vsel vm2, $0x8E, v0;
	v1 =	vsel vm5, $0x9, v1  }
0x18b: {  	v2 =	vsel vm8, $0x6, v2;
	[tilespmem:$0x1FD90] =	vst v0;
	v0 =	vsel vm1, $0xC, v41;
	v1 =	vsel vm4, $0x8A, v1  }
0x18c: {  	v57 =	vsel vm7, $0x87, v2;
	v2 =	vsel vm14, $0x580, v58;
	v41 =	vimm.s32 $0x783  }
0x18d: {  	v58 =	vimm.s32 $0x10FEDCBA;
	v0 =	vsel vm0, $0x8D, v0;
	v50 =	vsel vm3, $0x10B, v1  }
0x18e: {  	v1 =	vsel vm11, $0x583, v51;
	v2 =	vsel vm13, $0x601, v2;
	v0 =	vsel vm2, $0x10E, v0  }
0x18f: {  	v1 =	vsel vm10, $0x604, v1;
	v60 =	vsel vm12, $0x682, v2;
	v2 =	vsel vm14, $0x600, v61  }
0x190: {  	[tilespmem:$0x1FDA0] =	vst v0;
	v0 =	vsel vm8, $0x586, v44;
	v53 =	vsel vm9, $0x685, v1;
	v1 =	vsel vm12, $0x582, v54  }
0x191: {  	v63 =	vsel vm13, $0x681, v2;
	v2 =	vsel vm14, $0x680, v4;
	v4 =	vimm.s32 $0x6543210F  }
0x192: {  	v44 =	vimm.s32 $0xCBA98765;
	v54 =	vimm.s32 $0xA9876543;
	v0 =	vsel vm7, $0x607, v0  }
0x193: {  	v1 =	vsel vm11, $0x603, v1;
	v2 =	vsel vm13, $0x701, v2;
	v4 =	vunpack.c.l.s4.s8 v4  }
0x194: {  	v0 =	vsel vm6, $0x688, v0;
	v1 =	vsel vm10, $0x684, v1;
	v2 =	vsel vm12, $0x782, v2  }
0x195: {  	v0 =	vsel vm5, $0x709, v0;
	v1 =	vsel vm9, $0x705, v1;
	v2 =	vsel vm11, $0x3, v2  }
0x196: {  	v0 =	vsel vm4, $0x78A, v0;
	v1 =	vsel vm8, $0x786, v1;
	v2 =	vsel vm10, $0x84, v2  }
0x197: {  	v0 =	vsel vm3, $0xB, v0;
	v1 =	vsel vm7, $0x7, v1;
	v2 =	vsel vm9, $0x105, v2  }
0x198: {  	v0 =	vsel vm1, $0x8C, v0;
	v1 =	vsel vm6, $0x88, v1;
	v2 =	vsel vm8, $0x186, v2  }
0x199: {  	v0 =	vsel vm0, $0x10D, v0;
	v1 =	vsel vm5, $0x109, v1;
	v6 =	vsel vm7, $0x207, v2  }
0x19a: {  	v2 =	vsel vm14, $0x700, v7;
	v0 =	vsel vm2, $0x18E, v0;
	v56 =	vsel vm4, $0x18A, v1  }
0x19b: {  	v1 =	vsel vm6, $0x108, v57;
	v2 =	vsel vm13, $0x781, v2;
	v57 =	vimm.s32 $0x98765432  }
0x19c: {  	[tilespmem:$0x1FDB0] =	vst v0;
	v0 =	vsel vm3, $0x8B, v47;
	v1 =	vsel vm5, $0x189, v1;
	v9 =	vsel vm12, $0x2, v2  }
0x19d: {  	v2 =	vsel vm14, $0x780, v10;
	v10 =	vimm.s32 $0xFEDCBA9;
	v0 =	vsel vm1, $0x10C, v0  }
0x19e: {  	v1 =	vsel vm4, $0x20A, v1;
	v12 =	vsel vm13, $0x1, v2;
	v2 =	vsel vm14, $0x1, v13  }
0x19f: {  	v10 =	vunpack.c.l.s4.s8 v10;
	v13 =	vimm.s32 $0x76543210;
	v0 =	vsel vm0, $0x18D, v0  }
0x1a0: {  	v59 =	vsel vm3, $0x28B, v1;
	v1 =	vsel vm11, $0x703, v60;
	v2 =	vsel vm13, $0x82, v2  }
0x1a1: {  	v0 =	vsel vm2, $0x20E, v0;
	v1 =	vsel vm10, $0x784, v1;
	v2 =	vsel vm12, $0x103, v2  }
0x1a2: {  	[tilespmem:$0x1FDC0] =	vst v0;
	v0 =	vsel vm1, $0x18C, v50;
	v62 =	vsel vm9, $0x5, v1;
	v1 =	vsel vm12, $0x702, v63  }
0x1a3: {  	v2 =	vsel vm11, $0x184, v2;
	v50 =	vimm.s32 $0x785;
	v63 =	vimm.s32 $0x788  }
0x1a4: {  	v0 =	vsel vm0, $0x20D, v0;
	v1 =	vsel vm11, $0x783, v1;
	v2 =	vsel vm10, $0x205, v2  }
0x1a5: {  	v52 =	vsel vm14, $0x6, v50;
	v0 =	vsel vm2, $0x28E, v0;
	v1 =	vsel vm10, $0x4, v1  }
0x1a6: {  	v2 =	vsel vm9, $0x286, v2;
	[tilespmem:$0x1FDD0] =	vst v0;
	v0 =	vsel vm8, $0x706, v53;
	v1 =	vsel vm9, $0x85, v1  }
0x1a7: {  	v2 =	vsel vm8, $0x307, v2;
	v53 =	vimm.s32 $0x786;
	v0 =	vsel vm7, $0x787, v0  }
0x1a8: {  	v1 =	vsel vm8, $0x106, v1;
	v32 =	vsel vm7, $0x388, v2;
	v2 =	vsel vm14, $0x2, v33  }
0x1a9: {  	v0 =	vsel vm6, $0x8, v0;
	v1 =	vsel vm7, $0x187, v1;
	v2 =	vsel vm13, $0x83, v2  }
0x1aa: {  	v0 =	vsel vm5, $0x89, v0;
	v1 =	vsel vm6, $0x208, v1;
	v35 =	vsel vm12, $0x104, v2  }
0x1ab: {  	v2 =	vunpack.c.l.s4.s8 v36;
	v0 =	vsel vm4, $0x10A, v0;
	v1 =	vsel vm5, $0x289, v1  }
0x1ac: {  	v0 =	vsel vm3, $0x18B, v0;
	v5 =	vsel vm4, $0x30A, v1;
	v1 =	vsel vm6, $0x288, v6  }
0x1ad: {  	v2 =	vunpack.c.0.s8.s32 v2;
	v0 =	vsel vm1, $0x20C, v0;
	v1 =	vsel vm5, $0x309, v1  }
0x1ae: {  	v6 =	vimm.s32 $0x43210FED;
	v0 =	vsel vm0, $0x28D, v0;
	v1 =	vsel vm4, $0x38A, v1  }
0x1af: {  	v0 =	vsel vm2, $0x30E, v0;
	v8 =	vsel vm3, $0x40B, v1;
	v1 =	vsel vm11, $0x83, v9  }
0x1b0: {  	v6 =	vunpack.c.l.s4.s8 v6;
	[tilespmem:$0x1FDE0] =	vst v0;
	v0 =	vsel vm3, $0x20B, v56;
	v1 =	vsel vm10, $0x104, v1  }
0x1b1: {  	v0 =	vsel vm1, $0x28C, v0;
	v11 =	vsel vm9, $0x185, v1;
	v1 =	vsel vm12, $0x82, v12  }
0x1b2: {  	v9 =	vimm.s32 $0x787;
	v0 =	vsel vm0, $0x30D, v0;
	v1 =	vsel vm11, $0x103, v1  }
0x1b3: {  	v60 =	vsel vm14, $0x8, v9;
	v0 =	vsel vm2, $0x38E, v0;
	v1 =	vsel vm10, $0x184, v1  }
0x1b4: {  	v9 =	vsel vm14, $0x9, v63;
	[tilespmem:$0x1FDF0] =	vst v0;
	v0 =	vsel vm1, $0x30C, v59;
	v1 =	vsel vm9, $0x205, v1  }
0x1b5: {  	v61 =	vsel vm13, $0x89, v60;
	v0 =	vsel vm0, $0x38D, v0;
	v1 =	vsel vm8, $0x286, v1  }
0x1b6: {  	v9 =	vsel vm13, $0x8A, v9;
	v0 =	vsel vm2, $0x40E, v0;
	v1 =	vsel vm7, $0x307, v1  }
0x1b7: {  	v12 =	vimm.s32 $0xFEDCBA98;
	[tilespmem:$0x1FE00] =	vst v0;
	v0 =	vsel vm8, $0x86, v62;
	v1 =	vsel vm6, $0x388, v1  }
0x1b8: {  	v60 =	vimm.s32 $0x78D;
	v0 =	vsel vm7, $0x107, v0;
	v1 =	vsel vm5, $0x409, v1  }
0x1b9: {  	v0 =	vsel vm6, $0x188, v0;
	v14 =	vsel vm4, $0x48A, v1;
	v1 =	vsel vm6, $0x409, v32  }
0x1ba: {  	v9 =	vsel vm12, $0x10B, v9;
	v0 =	vsel vm5, $0x209, v0;
	v1 =	vsel vm5, $0x48A, v1  }
0x1bb: {  	v62 =	vimm.s32 $0x87654321;
	v0 =	vsel vm4, $0x28A, v0;
	v1 =	vsel vm4, $0x50B, v1  }
0x1bc: {  	v0 =	vsel vm3, $0x30B, v0;
	v34 =	vsel vm3, $0x58C, v1;
	v1 =	vsel vm11, $0x185, v35  }
0x1bd: {  	v35 =	vunpack.c.0.s8.s32 v3;
	v0 =	vsel vm1, $0x38C, v0;
	v1 =	vsel vm10, $0x206, v1  }
0x1be: {  	v3 =	vsel vm14, $0x4, v41;
	v0 =	vsel vm0, $0x40D, v0;
	v1 =	vsel vm9, $0x287, v1  }
0x1bf: {  	v43 =	vsel vm13, $0x85, v3;
	v0 =	vsel vm2, $0x48E, v0;
	v1 =	vsel vm8, $0x308, v1  }
0x1c0: {  	v3 =	vunpack.c.l.s4.s8 v44;
	[tilespmem:$0x1FE10] =	vst v0;
	v0 =	vsel vm3, $0x38B, v5;
	v1 =	vsel vm7, $0x389, v1  }
0x1c1: {  	v5 =	vimm.s32 $0x784;
	v0 =	vsel vm1, $0x40C, v0;
	v1 =	vsel vm6, $0x40A, v1  }
0x1c2: {  	v5 =	vsel vm14, $0x5, v5;
	v0 =	vsel vm0, $0x48D, v0;
	v1 =	vsel vm5, $0x48B, v1  }
0x1c3: {  	v7 =	vsel vm13, $0x86, v5;
	v5 =	vunpack.c.0.s8.s32 v3;
	v0 =	vsel vm2, $0x50E, v0  }
0x1c4: {  	v37 =	vsel vm4, $0x50C, v1;
	v1 =	vsel vm9, $0x288, v38;
	v45 =	vsel vm12, $0x107, v7  }
0x1c5: {  	v7 =	vunpack.c.l.s4.s8 v54;
	[tilespmem:$0x1FE20] =	vst v0;
	v0 =	vsel vm1, $0x48C, v8;
	v1 =	vsel vm8, $0x309, v1  }
0x1c6: {  	v3 =	vsel vm11, $0x188, v45;
	v8 =	vimm.s32 $0x210FEDCB;
	v0 =	vsel vm0, $0x50D, v0  }
0x1c7: {  	v1 =	vsel vm7, $0x38A, v1;
	v47 =	vsel vm10, $0x209, v3;
	v0 =	vsel vm2, $0x58E, v0  }
0x1c8: {  	v3 =	vunpack.c.l.s4.s8 v48;
	v1 =	vsel vm6, $0x40B, v1;
	[tilespmem:$0x1FE30] =	vst v0;
	v0 =	vsel vm8, $0x206, v11  }
0x1c9: {  	v8 =	vunpack.c.l.s4.s8 v8;
	v1 =	vsel vm5, $0x48C, v1;
	v0 =	vsel vm7, $0x287, v0  }
0x1ca: {  	v48 =	vunpack.c.0.s8.s32 v10;
	v1 =	vsel vm4, $0x50D, v1;
	v0 =	vsel vm6, $0x308, v0  }
0x1cb: {  	v42 =	vsel vm3, $0x58E, v1;
	v1 =	vsel vm12, $0x106, v43;
	v0 =	vsel vm5, $0x389, v0  }
0x1cc: {  	v10 =	vunpack.c.l.s4.s8 v13;
	v1 =	vsel vm11, $0x187, v1;
	v0 =	vsel vm4, $0x40A, v0  }
0x1cd: {  	v3 =	vunpack.c.0.s8.s32 v3;
	v1 =	vsel vm10, $0x208, v1;
	v0 =	vsel vm3, $0x48B, v0  }
0x1ce: {  	v11 =	vsel vm11, $0x18C, v9;
	v1 =	vsel vm9, $0x289, v1;
	v0 =	vsel vm1, $0x50C, v0  }
0x1cf: {  	v9 =	vunpack.c.l.s4.s8 v12;
	v1 =	vsel vm8, $0x30A, v1;
	v0 =	vsel vm0, $0x58D, v0  }
0x1d0: {  	v10 =	vunpack.c.0.s8.s32 v10;
	v1 =	vsel vm7, $0x38B, v1;
	v0 =	vsel vm2, $0x60E, v0  }
0x1d1: {  	v9 =	vunpack.c.0.s8.s32 v9;
	v1 =	vsel vm6, $0x40C, v1;
	[tilespmem:$0x1FE40] =	vst v0;
	v0 =	vsel vm3, $0x50B, v14  }
0x1d2: {  	v46 =	vsel vm5, $0x48D, v1;
	v1 =	vsel vm9, $0x28A, v47;
	v0 =	vsel vm1, $0x58C, v0  }
0x1d3: {  	v9 =	vand.u32 $0xF, v9;
	v1 =	vsel vm8, $0x30B, v1;
	v0 =	vsel vm0, $0x60D, v0  }
0x1d4: {  	v39 =	vcombine.low v9, v10;
	v1 =	vsel vm7, $0x38C, v1;
	v0 =	vsel vm2, $0x68E, v0  }
0x1d5: {  	v1 =	vsel vm6, $0x40D, v1;
	[tilespmem:$0x1FE50] =	vst v0;
	v0 =	vsel vm1, $0x60D, v34;
	v34 =	vunpack.c.0.s8.s32 v4  }
0x1d6: {  	v4 =	vunpack.c.l.s4.s8 v40;
	v1 =	vsel vm5, $0x48E, v1;
	v0 =	vsel vm0, $0x68E, v0  }
0x1d7: {  	v1 =	vsel vm4, $0x50F, v1;
	v21 =	vsel vm2, $0x70F, v0;
	v25 =	vcombine.low v34, v2  }
0x1d8: {  	v0 =	vsel vm3, $0x58D, v37;
	v4 =	vunpack.c.0.s8.s32 v4;
	v37 =	vunpack.c.0.s8.s32 v6  }
0x1d9: {  	v6 =	vunpack.c.l.s4.s8 v49;
	v51 =	vsel vm3, $0x580, v1;
	v1 =	vsel vm13, $0x87, v52  }
0x1da: {  	v43 =	vcombine.low v2, v34;
	v52 =	vimm.s32 $0x789;
	v0 =	vsel vm1, $0x60E, v0  }
0x1db: {  	v1 =	vsel vm12, $0x108, v1;
	v0 =	vsel vm0, $0x68F, v0;
	v18 =	vcombine.low v4, v35  }
0x1dc: {  	v19 =	vcombine.low v37, v5;
	v40 =	vunpack.c.0.s8.s32 v6;
	v1 =	vsel vm11, $0x189, v1  }
0x1dd: {  	v6 =	vsel vm14, $0x7, v53;
	v35 =	vcombine.low v35, v4;
	v53 =	vimm.s32 $0x78A  }
0x1de: {  	v37 =	vcombine.low v5, v37;
	v22 =	vsel vm2, $0x700, v0;
	v0 =	vsel vm1, $0x60F, v42  }
0x1df: {  	v1 =	vsel vm10, $0x20A, v1;
	v6 =	vsel vm13, $0x88, v6;
	v42 =	vunpack.c.0.s8.s32 v7  }
0x1e0: {  	v7 =	vunpack.c.0.s8.s32 v8;
	v8 =	vunpack.c.l.s4.s8 v58;
	v58 =	vimm.s32 $0x78C  }
0x1e1: {  	v0 =	vsel vm0, $0x680, v0;
	v26 =	vcombine.low v40, v3;
	v1 =	vsel vm9, $0x28B, v1  }
0x1e2: {  	v6 =	vsel vm12, $0x109, v6;
	v49 =	vcombine.low v3, v40;
	v23 =	vsel vm2, $0x701, v0  }
0x1e3: {  	v0 =	vsel vm4, $0x50E, v46;
	v1 =	vsel vm8, $0x30C, v1;
	v6 =	vsel vm11, $0x18A, v6  }
0x1e4: {  	v29 =	vcombine.low v7, v42;
	v8 =	vunpack.c.0.s8.s32 v8;
	v0 =	vsel vm3, $0x58F, v0  }
0x1e5: {  	v1 =	vsel vm7, $0x38D, v1;
	v6 =	vsel vm10, $0x20B, v6;
	v0 =	vsel vm1, $0x600, v0  }
0x1e6: {  	v1 =	vsel vm6, $0x40E, v1;
	v6 =	vsel vm9, $0x28C, v6;
	v0 =	vsel vm0, $0x681, v0  }
0x1e7: {  	v55 =	vsel vm5, $0x48F, v1;
	v56 =	vsel vm8, $0x30D, v6;
	v6 =	vunpack.c.l.s4.s8 v57  }
0x1e8: {  	v24 =	vsel vm2, $0x702, v0;
	v0 =	vsel vm1, $0x601, v51;
	v1 =	vsel vm7, $0x38E, v56  }
0x1e9: {  	v56 =	vimm.s32 $0x78B;
	v0 =	vsel vm0, $0x682, v0;
	v1 =	vsel vm6, $0x40F, v1  }
0x1ea: {  	v6 =	vunpack.c.0.s8.s32 v6;
	v28 =	vsel vm2, $0x703, v0;
	v0 =	vsel vm4, $0x500, v55  }
0x1eb: {  	v2 =	vsel vm14, $0xC, v56;
	v1 =	vsel vm5, $0x480, v1;
	v0 =	vsel vm3, $0x581, v0  }
0x1ec: {  	v55 =	vsel vm14, $0xB, v53;
	v1 =	vsel vm4, $0x501, v1;
	v0 =	vsel vm1, $0x602, v0  }
0x1ed: {  	v2 =	vsel vm13, $0x8D, v2;
	v1 =	vsel vm3, $0x582, v1;
	v0 =	vsel vm0, $0x683, v0  }
0x1ee: {  	v2 =	vsel vm12, $0x10E, v2;
	v1 =	vsel vm1, $0x603, v1;
	v30 =	vsel vm2, $0x704, v0  }
0x1ef: {  	v59 =	vsel vm0, $0x684, v1;
	v0 =	vsel vm12, $0x10A, v61;
	v1 =	vunpack.c.l.s4.s8 v62  }
0x1f0: {  	v31 =	vcombine.low v8, v6;
	v2 =	vsel vm11, $0x18F, v2;
	v0 =	vsel vm11, $0x18B, v0  }
0x1f1: {  	v0 =	vsel vm10, $0x20C, v0;
	v47 =	vunpack.c.0.s8.s32 v1;
	v1 =	vsel vm10, $0x20D, v11  }
0x1f2: {  	v2 =	vsel vm10, $0x200, v2;
	v0 =	vsel vm9, $0x28D, v0;
	v1 =	vsel vm9, $0x28E, v1  }
0x1f3: {  	v2 =	vsel vm9, $0x281, v2;
	v0 =	vsel vm8, $0x30E, v0;
	v1 =	vsel vm8, $0x30F, v1  }
0x1f4: {  	v61 =	vimm.s32 $0x78E;
	v0 =	vsel vm7, $0x38F, v0;
	v1 =	vsel vm7, $0x380, v1  }
0x1f5: {  	v33 =	vsel vm2, $0x705, v59;
	v0 =	vsel vm6, $0x400, v0;
	v1 =	vsel vm6, $0x401, v1  }
0x1f6: {  	v2 =	vsel vm8, $0x302, v2;
	v0 =	vsel vm5, $0x481, v0;
	v1 =	vsel vm5, $0x482, v1  }
0x1f7: {  	v59 =	vsel vm14, $0xD, v58;
	v0 =	vsel vm4, $0x502, v0;
	v1 =	vsel vm4, $0x503, v1  }
0x1f8: {  	v2 =	vsel vm7, $0x383, v2;
	v0 =	vsel vm3, $0x583, v0;
	v1 =	vsel vm3, $0x584, v1  }
0x1f9: {  	v0 =	vsel vm1, $0x604, v0;
	v51 =	vsel vm1, $0x605, v1;
	v1 =	vsel vm14, $0xA, v52  }
0x1fa: {  	v0 =	vsel vm0, $0x685, v0;
	v54 =	vsel vm13, $0x8B, v1;
	v1 =	vsel vm13, $0x8C, v55  }
0x1fb: {  	v41 =	vsel vm2, $0x706, v0;
	v0 =	vsel vm0, $0x686, v51;
	v1 =	vsel vm12, $0x10D, v1  }
0x1fc: {  	v44 =	vsel vm2, $0x707, v0;
	v0 =	vsel vm12, $0x10C, v54;
	v1 =	vsel vm11, $0x18E, v1  }
0x1fd: {  	v2 =	vsel vm6, $0x404, v2;
	v0 =	vsel vm11, $0x18D, v0;
	v1 =	vsel vm10, $0x20F, v1  }
0x1fe: {  	v14 =	vcombine.low v48, v47;
	v0 =	vsel vm10, $0x20E, v0;
	v1 =	vsel vm9, $0x280, v1  }
0x1ff: {  	v2 =	vsel vm5, $0x485, v2;
	v0 =	vsel vm9, $0x28F, v0;
	v1 =	vsel vm8, $0x301, v1  }
0x200: {  	v47 =	vcombine.low v47, v48;
	v0 =	vsel vm8, $0x300, v0;
	v1 =	vsel vm7, $0x382, v1  }
0x201: {  	v2 =	vsel vm4, $0x506, v2;
	v0 =	vsel vm7, $0x381, v0;
	v1 =	vsel vm6, $0x403, v1  }
0x202: {  	v2 =	vsel vm3, $0x587, v2;
	v0 =	vsel vm6, $0x402, v0;
	v1 =	vsel vm5, $0x484, v1  }
0x203: {  	v57 =	vsel vm1, $0x608, v2;
	v0 =	vsel vm5, $0x483, v0;
	v1 =	vsel vm4, $0x505, v1  }
0x204: {  	v2 =	vsel vm14, $0xF, v61;
	v0 =	vsel vm4, $0x504, v0;
	v1 =	vsel vm3, $0x586, v1  }
0x205: {  	v2 =	vsel vm13, $0x80, v2;
	v0 =	vsel vm3, $0x585, v0;
	v1 =	vsel vm1, $0x607, v1  }
0x206: {  	v2 =	vsel vm12, $0x101, v2;
	v0 =	vsel vm1, $0x606, v0;
	v1 =	vsel vm0, $0x688, v1  }
0x207: {  	v52 =	vcombine.low v6, v8;
	v0 =	vsel vm0, $0x687, v0;
	v46 =	vsel vm2, $0x709, v1  }
0x208: {  	v1 =	vsel vm14, $0xE, v60;
	v45 =	vsel vm2, $0x708, v0;
	v0 =	vsel vm0, $0x689, v57  }
0x209: {  	v1 =	vsel vm13, $0x8F, v1;
	v50 =	vsel vm2, $0x70A, v0;
	v0 =	vsel vm13, $0x8E, v59  }
0x20a: {  	v2 =	vsel vm11, $0x182, v2;
	v1 =	vsel vm12, $0x100, v1;
	v0 =	vsel vm12, $0x10F, v0  }
0x20b: {  	v2 =	vsel vm10, $0x203, v2;
	v1 =	vsel vm11, $0x181, v1;
	v0 =	vsel vm11, $0x180, v0  }
0x20c: {  	v51 =	vcombine.low v42, v7;
	v1 =	vsel vm10, $0x202, v1;
	v0 =	vsel vm10, $0x201, v0  }
0x20d: {  	v2 =	vsel vm9, $0x284, v2;
	v1 =	vsel vm9, $0x283, v1;
	v0 =	vsel vm9, $0x282, v0  }
0x20e: {  	s13 =	simm.s32 $0x3;
	v2 =	vsel vm8, $0x305, v2;
	v1 =	vsel vm8, $0x304, v1;
	v0 =	vsel vm8, $0x303, v0  }
0x20f: {  	_ =	swait.ge [sflag:s13], $0x4000;
	v2 =	vsel vm7, $0x386, v2;
	v1 =	vsel vm7, $0x385, v1;
	v0 =	vsel vm7, $0x384, v0  }
0x210: {  	[sflag:s13] =	ssyncset.done $0x0;
	v2 =	vsel vm6, $0x407, v2;
	v1 =	vsel vm6, $0x406, v1;
	v0 =	vsel vm6, $0x405, v0  }
0x211: {  	s30 =	simm.s32 $0x1;
	[sflag:s13] =	ssyncadd.s32 $0xFFFFC000;
	v2 =	vsel vm5, $0x488, v2;
	v1 =	vsel vm5, $0x487, v1;
	v0 =	vsel vm5, $0x486, v0  }
0x212: {  	_ =	swait.ge [sflag:s30], $0x4000;
	v2 =	vsel vm4, $0x509, v2;
	v1 =	vsel vm4, $0x508, v1;
	v0 =	vsel vm4, $0x507, v0  }
0x213: {  	s12 =	sadd.s32 s12, s11;
	s31 =	simm.s32 $0x400;
	[sflag:s30] =	ssyncset.done $0x0;
	v2 =	vsel vm3, $0x58A, v2;
	v1 =	vsel vm3, $0x589, v1;
	v0 =	vsel vm3, $0x588, v0  }
0x214: {  	s14 =	simm.s32 $0x2000;
	s15 =	simm.s32 $0x10000;
	[sflag:s30] =	ssyncadd.s32 $0xFFFFC000;
	v2 =	vsel vm1, $0x60B, v2;
	v1 =	vsel vm1, $0x60A, v1;
	v0 =	vsel vm1, $0x609, v0  }
0x215: {  	[tilespmem:s15], [sflag:$0x2] =	stream.strided.gather [hbm4b:s12+s31], $0x4000, s14, s31, $0x38;
	v63 =	vsel vm0, $0x68C, v2;
	v62 =	vsel vm0, $0x68B, v1;
	v0 =	vsel vm0, $0x68A, v0;
	[tilespmem:$0x1C680] =	vst v63  }
0x216: {  	s13 =	simm.s32 $0x0;
	s12 =	simm.s32 $0x0;
	v42 =	vmovc v14;
	v55 =	vsel vm2, $0x70D, v63;
	v54 =	vsel vm2, $0x70C, v62;
	v53 =	vsel vm2, $0x70B, v0  }
.LBB2_5:
0x217: {  	v5 =	vld [tilespmem:$0x1FDC0];
	_ =	sdelay $0x3  }
0x218: {  	s14 =	sshll.u32 s13, $0x4  }
0x219: {  	v34 =	vor.u32 s14, v5;
	v5 =	vld [tilespmem:$0x1FDD0];
	_ =	sdelay $0x4  }
0x21a: {  	v36 =	vor.u32 s14, v5;
	v5 =	vld [tilespmem:$0x1FDE0];
	_ =	sdelay $0x4  }
0x21b: {  	v38 =	vor.u32 s14, v5;
	v5 =	vld [tilespmem:$0x1FDF0];
	_ =	sdelay $0x3  }
0x21c: {  	v3 =	vld [tilespmem:$0x1FD70]  }
0x21d: {  	v40 =	vor.u32 s14, v5;
	v5 =	vld [tilespmem:$0x1FE00];
	_ =	sdelay $0x3  }
0x21e: {  	v14 =	vor.u32 s14, v3;
	v3 =	vld [tilespmem:$0x1FD90]  }
0x21f: {  	v48 =	vor.u32 s14, v5;
	v5 =	vld [tilespmem:$0x1FE10];
	_ =	sdelay $0x3  }
0x220: {  	v11 =	vor.u32 s14, v3;
	v3 =	vld [tilespmem:$0x1FDA0]  }
0x221: {  	v56 =	vor.u32 s14, v5;
	v5 =	vld [tilespmem:$0x1FE20]  }
0x222: {  	v0 =	vld [tilespmem:$0x1FD80];
	_ =	sdelay $0x1  }
0x223: {  	v1 =	vor.u32 s12, v21  }
0x224: {  	v2 =	vor.u32 s12, v22;
	v32 =	vor.u32 s14, v3;
	v3 =	vld [tilespmem:$0x1FDB0]  }
0x225: {  	s15 =	sshll.u32 s13, $0xB;
	v57 =	vor.u32 s14, v5;
	v5 =	vld [tilespmem:$0x1FE30]  }
0x226: {  	s15 =	sand.u32 $0x3FFFF800, s15;
	v4 =	vor.u32 s14, v0;
	v0 =	vor.u32 s12, v20  }
0x227: {  	s15 =	sadd.s32 $0x14000, s15  }
0x228: {  	v1 =	vld.idx.msk [tilespmem:v1+s15+$0x0], $0xffff  }
0x229: {  	v10 =	vor.u32 s12, v28;
	v2 =	vld.idx.msk [tilespmem:v2+s15+$0x0], $0xffff  }
0x22a: {  	v15 =	vor.u32 s14, v3;
	v58 =	vor.u32 s14, v5;
	v5 =	vld [tilespmem:$0x1FE40]  }
0x22b: {  	s16 =	simm.s32 $0x4000;
	v0 =	vld.idx.msk [tilespmem:v0+s15+$0x0], $0xffff  }
0x22c: {  	[tilespmem:$0x1FD10] =	vst v14;
	v14 =	vld.idx.msk [tilespmem:v14+s16+$0x0], $0xffff  }
0x22d: {  	[tilespmem:$0x1FCC0] =	vst v4;
	v3 =	vld.idx.msk [tilespmem:v4+s16+$0x0], $0xffff;
	v4 =	vor.u32 s12, v23  }
0x22e: {  	v13 =	vor.u32 s14, v20;
	v10 =	vld.idx.msk [tilespmem:v10+s15+$0x0], $0xffff  }
0x22f: {  	[tilespmem:$0x1FD20] =	vst v15;
	v15 =	vld.idx.msk [tilespmem:v15+s16+$0x0], $0xffff;
	v5 =	vor.u32 s14, v5  }
0x230: {  	v6 =	vor.u32 s12, v44;
	v59 =	vor.u32 s12, v45;
	v7 =	vor.u32 s12, v30;
	[tilespmem:$0x1FCD0] =	vst v5;
	v5 =	vld [tilespmem:$0x1FE50]  }
0x231: {  	vm2 =	vgt.f32 v1, $0.0e+00;
	[tilespmem:$0x1FCF0] =	vst v11;
	vm0 =	vlt.f32 v0, $0.0e+00;
	vm1 =	vgt.f32 v0, $0.0e+00;
	v11 =	vld.idx.msk [tilespmem:v11+s16+$0x0], $0xffff  }
0x232: {  	vm0 =	vmor vm1, vm0;
	vm1 =	vlt.f32 v1, $0.0e+00;
	v1 =	vsub.f32 v14, v1;
	v4 =	vld.idx.msk [tilespmem:v4+s15+$0x0], $0xffff  }
0x233: {  	v8 =	vor.u32 s12, v33;
	v9 =	vor.u32 s12, v24;
	v12 =	vor.u32 s12, v41;
	[tilespmem:$0x1FD00] =	vst v13;
	v13 =	vld.idx.msk [tilespmem:v13+s16+$0x0], $0xffff  }
0x234: {  	vm3 =	vlt.f32 v2, $0.0e+00;
	vm15 =	vgt.f32 v2, $0.0e+00;
	v1 =	vmul.f32 v1, v1  }
0x235: {  	v14 =	vsub.f32 v15, v10;
	v15 =	vor.u32 s12, v50;
	v5 =	vor.u32 s14, v5  }
0x236: {  	[tilespmem:$0x1FCE0] =	vst v5;
	v5 =	vsub.f32 v3, v2;
	v2 =	vsel vm0, $0x3F800000, v17;
	vm0 =	vmor vm2, vm1  }
0x237: {  	vm1 =	vlt.f32 v4, $0.0e+00;
	vm2 =	vgt.f32 v4, $0.0e+00;
	v4 =	vsub.f32 v11, v4  }
0x238: {  	v9 =	vld.idx.msk [tilespmem:v9+s15+$0x0], $0xffff;
	v3 =	vsub.f32 v13, v0;
	v16 =	vadd.f32 v2, v17;
	v2 =	vperm.xlane v2, v27  }
0x239: {  	v7 =	vld.idx.msk [tilespmem:v7+s15+$0x0], $0xffff;
	v11 =	vsel vm0, $0x3F800000, v17;
	vm0 =	vmor vm15, vm3;
	vm3 =	vgt.f32 v10, $0.0e+00  }
0x23a: {  	vm15 =	vlt.f32 v10, $0.0e+00;
	v10 =	vld.idx.msk [tilespmem:v34+s16+$0x0], $0xffff;
	v13 =	vperm.xlane v11, v25;
	v3 =	vmul.f32 v3, v3  }
0x23b: {  	v5 =	vmul.f32 v5, v5;
	v0 =	vadd.f32 $0.0e+00, v2;
	v11 =	vadd.f32 v11, v16;
	v16 =	vld.idx.msk [tilespmem:v32+s16+$0x0], $0xffff  }
0x23c: {  	[tilespmem:$0x1FD30] =	vst v32;
	v4 =	vmul.f32 v4, v4;
	v2 =	vor.u32 s12, v55;
	v32 =	vor.u32 s12, v53  }
0x23d: {  	v3 =	vadd.f32 v3, v17;
	v0 =	vadd.f32 v13, v0;
	v13 =	vsel vm0, $0x3F800000, v17  }
0x23e: {  	vm0 =	vmor vm2, vm1;
	v11 =	vadd.f32 v13, v11;
	v13 =	vperm.xlane v13, v18  }
0x23f: {  	v8 =	vld.idx.msk [tilespmem:v8+s15+$0x0], $0xffff;
	vm1 =	vlt.f32 v9, $0.0e+00;
	v1 =	vadd.f32 v1, v3;
	v10 =	vsub.f32 v10, v7  }
0x240: {  	vm2 =	vgt.f32 v9, $0.0e+00;
	v9 =	vsub.f32 v16, v9;
	v0 =	vadd.f32 v13, v0  }
0x241: {  	v3 =	vld.idx.msk [tilespmem:v36+s16+$0x0], $0xffff;
	v13 =	vsel vm0, $0x3F800000, v17;
	vm0 =	vmor vm2, vm1;
	vm1 =	vgt.f32 v7, $0.0e+00  }
0x242: {  	vm2 =	vlt.f32 v7, $0.0e+00;
	v1 =	vadd.f32 v5, v1;
	v10 =	vmul.f32 v10, v10  }
0x243: {  	v7 =	vld.idx.msk [tilespmem:v12+s15+$0x0], $0xffff;
	v11 =	vadd.f32 v13, v11;
	v13 =	vperm.xlane v13, v19;
	v12 =	vsel vm0, $0x3F800000, v17  }
0x244: {  	v5 =	vld.idx.msk [tilespmem:v38+s16+$0x0], $0xffff;
	vm0 =	vmor vm3, vm15;
	vm3 =	vgt.f32 v8, $0.0e+00;
	vm15 =	vlt.f32 v8, $0.0e+00  }
0x245: {  	v0 =	vadd.f32 v13, v0;
	v11 =	vadd.f32 v12, v11;
	v12 =	vperm.xlane v12, v26  }
0x246: {  	v1 =	vadd.f32 v4, v1;
	v4 =	vor.u32 s12, v46;
	v3 =	vsub.f32 v3, v8  }
0x247: {  	v6 =	vld.idx.msk [tilespmem:v6+s15+$0x0], $0xffff;
	v8 =	vsel vm0, $0x3F800000, v17;
	vm0 =	vmor vm1, vm2;
	v0 =	vadd.f32 v12, v0  }
0x248: {  	v12 =	vld.idx.msk [tilespmem:v40+s16+$0x0], $0xffff;
	v11 =	vadd.f32 v8, v11;
	v8 =	vperm.xlane v8, v29;
	vm1 =	vlt.f32 v7, $0.0e+00  }
0x249: {  	v63 =	vmovc v40;
	v13 =	vld.idx.msk [tilespmem:v59+s15+$0x0], $0xffff;
	v5 =	vsub.f32 v5, v7;
	vm2 =	vgt.f32 v7, $0.0e+00;
	v7 =	vmul.f32 v9, v9  }
0x24a: {  	v62 =	vmovc v48;
	v40 =	vor.u32 s12, v54;
	v9 =	vmul.f32 v14, v14;
	v14 =	vld.idx.msk [tilespmem:v48+s16+$0x0], $0xffff;
	v48 =	vmul.f32 v3, v3  }
0x24b: {  	v0 =	vadd.f32 v8, v0;
	v8 =	vsel vm0, $0x3F800000, v17;
	v1 =	vadd.f32 v7, v1  }
0x24c: {  	vm0 =	vmor vm3, vm15;
	vm3 =	vlt.f32 v6, $0.0e+00;
	vm15 =	vgt.f32 v6, $0.0e+00  }
0x24d: {  	v3 =	vld.idx.msk [tilespmem:v15+s15+$0x0], $0xffff;
	v1 =	vadd.f32 v9, v1;
	v7 =	vsub.f32 v12, v6;
	v12 =	vperm.xlane v8, v31  }
0x24e: {  	v4 =	vld.idx.msk [tilespmem:v4+s15+$0x0], $0xffff;
	v8 =	vadd.f32 v8, v11;
	v11 =	vsel vm0, $0x3F800000, v17;
	vm0 =	vmor vm2, vm1  }
0x24f: {  	v6 =	vmul.f32 v5, v5;
	vm1 =	vlt.f32 v13, $0.0e+00;
	v14 =	vsub.f32 v14, v13  }
0x250: {  	v9 =	vld.idx.msk [tilespmem:v56+s16+$0x0], $0xffff;
	v0 =	vadd.f32 v12, v0;
	v12 =	vadd.f32 v11, v8;
	v11 =	vperm.xlane v11, v42  }
0x251: {  	[tilespmem:$0x1FD40] =	vst v34;
	vm2 =	vgt.f32 v13, $0.0e+00;
	v5 =	vsel vm0, $0x3F800000, v17;
	vm0 =	vmor vm15, vm3  }
0x252: {  	[tilespmem:$0x1FD50] =	vst v36;
	v1 =	vadd.f32 v10, v1;
	vm1 =	vmor vm2, vm1;
	v16 =	vadd.f32 v11, v0;
	v11 =	vld.idx.msk [tilespmem:v57+s16+$0x0], $0xffff  }
0x253: {  	[tilespmem:$0x1FD60] =	vst v38;
	v61 =	vmovc v56;
	v60 =	vmovc v58;
	vm2 =	vlt.f32 v3, $0.0e+00;
	v8 =	vsel vm0, $0x3F800000, v17;
	vm15 =	vlt.f32 v4, $0.0e+00  }
0x254: {  	v34 =	vmovc v19;
	v36 =	vmovc v26;
	vm0 =	vgt.f32 v4, $0.0e+00;
	v10 =	vperm.xlane v8, v43;
	v1 =	vadd.f32 v48, v1  }
0x255: {  	v15 =	vadd.f32 v5, v12;
	v0 =	vperm.xlane v5, v39;
	v5 =	vld.idx.msk [tilespmem:v32+s15+$0x0], $0xffff;
	v13 =	vsub.f32 v9, v4  }
0x256: {  	s19 =	simm.s32 $0x18080;
	p0 =	seq.s32 s13, $0x0;
	v38 =	vmovc v29;
	v59 =	vmovc v57;
	v9 =	vsel vm1, $0x3F800000, v17;
	v4 =	vmul.f32 v14, v14;
	v12 =	vld.idx.msk [tilespmem:v58+s16+$0x0], $0xffff;
	vm1 =	vgt.f32 v3, $0.0e+00  }
0x257: {  	s20 =	simm.s32 $0x10;
	s18 =	simm.s32 $0x4000;
	s17 =	simm.s32 $0x18080;
	v32 =	vmovc v18;
	v14 =	vperm.xlane v9, v35;
	v11 =	vsub.f32 v11, v3;
	v3 =	vld.idx.msk [tilespmem:v40+s15+$0x0], $0xffff;
	v40 =	vmov v31  }
.LBB2_6:
0x258: {  	v19 =	vld [tilespmem:$0x1FCE0];
	_ =	sdelay $0x1  }
0x259: {  	v7 =	vmul.f32 v7, v7;
	vm1 =	vmor vm1, vm2;
	v8 =	vadd.f32 v8, v15  }
0x25a: {  	v15 =	vsel vm1, $0x3F800000, v17;
	v0 =	vadd.f32 v0, v16;
	v1 =	vadd.f32 v6, v1  }
0x25b: {  	vm0 =	vmor vm0, vm15;
	v16 =	vperm.xlane v15, v49;
	v8 =	vadd.f32 v9, v8  }
0x25c: {  	v2 =	vld.idx.msk [tilespmem:v2+s15+$0x0], $0xffff;
	v0 =	vadd.f32 v10, v0;
	v1 =	vadd.f32 v7, v1;
	vm1 =	vgt.f32 v5, $0.0e+00  }
0x25d: {  	v18 =	vld [tilespmem:$0x1FCD0];
	v9 =	vsub.f32 v12, v5;
	vm2 =	vlt.f32 v5, $0.0e+00;
	v5 =	vsel vm0, $0x3F800000, v17  }
0x25e: {  	v6 =	vadd.f32 v5, v8;
	vm0 =	vmor vm1, vm2;
	vm1 =	vgt.f32 v3, $0.0e+00  }
0x25f: {  	v5 =	vperm.xlane v5, v37;
	vm2 =	vlt.f32 v3, $0.0e+00;
	v0 =	vadd.f32 v14, v0;
	v19 =	vld.idx.msk [tilespmem:v19+s18+$0x0], $0xffff  }
0x260: {  	vm1 =	vmor vm1, vm2;
	v7 =	vmul.f32 v9, v9;
	v6 =	vadd.f32 v15, v6  }
0x261: {  	v9 =	vsel vm0, $0x3F800000, v17;
	vm0 =	vgt.f32 v2, $0.0e+00;
	v0 =	vadd.f32 v5, v0  }
0x262: {  	v10 =	vsel vm1, $0x3F800000, v17;
	vm1 =	vlt.f32 v2, $0.0e+00;
	v5 =	vadd.f32 v9, v6  }
0x263: {  	v8 =	vmul.f32 v11, v11;
	vm0 =	vmor vm0, vm1;
	v0 =	vadd.f32 v16, v0  }
0x264: {  	v5 =	vadd.f32 v10, v5;
	v11 =	vsub.f32 v19, v2;
	v2 =	vperm.xlane v9, v51  }
0x265: {  	v1 =	vadd.f32 v4, v1;
	v18 =	vld.idx.msk [tilespmem:v18+s18+$0x0], $0xffff;
	v9 =	vsel vm0, $0x3F800000, v17  }
0x266: {  	v4 =	vperm.xlane v10, v52;
	v10 =	vadd.f32 v9, v5;
	v5 =	vld [tilespmem:s17+$0x0];
	v0 =	vadd.f32 v2, v0  }
0x267: {  	v13 =	vmul.f32 v13, v13  }
0x268: {  	v2 =	vperm.xlane v9, v47;
	v0 =	vadd.f32 v4, v0  }
0x269: {  	v1 =	vadd.f32 v13, v1  }
0x26a: {  	v0 =	vadd.f32 v2, v0  }
0x26b: {  	v1 =	vadd.f32 v8, v1;
	v3 =	vsub.f32 v18, v3;
	v2 =	vpsel p0, $0x0, v5  }
0x26c: {  	s21 =	smov.u32 s20;
	v0 =	vadd.f32 v2, v0  }
0x26d: {  	v8 =	vor.u32 s21, v20;
	v1 =	vadd.f32 v7, v1;
	v3 =	vmul.f32 v3, v3  }
0x26e: {  	v4 =	vor.u32 s21, v21;
	[tilespmem:s17+$0x0] =	vst v0;
	v0 =	vld [tilespmem:$0x1FCC0]  }
0x26f: {  	v26 =	vld [tilespmem:$0x1FD30];
	v1 =	vadd.f32 v3, v1;
	v3 =	vor.u32 s21, v22  }
0x270: {  	v31 =	vmov v22;
	v6 =	vmul.f32 v11, v11;
	v22 =	vld [tilespmem:$0x1FD10]  }
0x271: {  	v48 =	vmovc v37;
	v37 =	vmov v28;
	v19 =	vor.u32 s21, v28;
	v28 =	vmov v20;
	v20 =	vld [tilespmem:$0x1FCF0]  }
0x272: {  	v12 =	vor.u32 s21, v30;
	v1 =	vadd.f32 v6, v1;
	v6 =	vld.idx.msk [tilespmem:v8+s15+$0x0], $0xffff  }
0x273: {  	v7 =	vld.idx.msk [tilespmem:v4+s15+$0x0], $0xffff  }
0x274: {  	v2 =	vor.u32 s21, v23;
	v11 =	vld.idx.msk [tilespmem:v3+s15+$0x0], $0xffff  }
0x275: {  	s16 =	sadd.s32 $0x800, s16;
	v3 =	vld [tilespmem:$0x1FD00]  }
0x276: {  	v0 =	vld.idx.msk [tilespmem:v0+s16+$0x0], $0xffff  }
0x277: {  	v14 =	vor.u32 s21, v41;
	v18 =	vor.u32 s21, v24;
	v12 =	vld.idx.msk [tilespmem:v12+s15+$0x0], $0xffff  }
0x278: {  	v29 =	vmovc v21;
	v13 =	vor.u32 s21, v33;
	v9 =	vor.u32 s21, v45;
	v21 =	vor.u32 s21, v46;
	v22 =	vld.idx.msk [tilespmem:v22+s16+$0x0], $0xffff  }
0x279: {  	v58 =	vmovc v47;
	v56 =	vmovc v54;
	v5 =	vor.u32 s21, v50;
	v8 =	vor.u32 s21, v44;
	v4 =	vor.u32 s21, v53;
	v16 =	vld.idx.msk [tilespmem:v2+s15+$0x0], $0xffff  }
0x27a: {  	v57 =	vmovc v55;
	v47 =	vmovc v44;
	v20 =	vld.idx.msk [tilespmem:v20+s16+$0x0], $0xffff;
	v2 =	vor.u32 s21, v55;
	vm0 =	vlt.f32 v6, $0.0e+00;
	vm1 =	vgt.f32 v6, $0.0e+00  }
0x27b: {  	v44 =	vmovc v41;
	v41 =	vmovc v33;
	vm3 =	vlt.f32 v11, $0.0e+00;
	vm15 =	vgt.f32 v11, $0.0e+00;
	v0 =	vsub.f32 v0, v11;
	v11 =	vld [tilespmem:$0x1FD20]  }
0x27c: {  	v33 =	vmovc v23;
	v18 =	vld.idx.msk [tilespmem:v18+s15+$0x0], $0xffff;
	v55 =	vmovc v53;
	vm2 =	vgt.f32 v7, $0.0e+00;
	vm0 =	vmor vm1, vm0;
	vm1 =	vlt.f32 v7, $0.0e+00  }
0x27d: {  	v53 =	vmovc v51;
	v51 =	vmovc v49;
	v7 =	vsub.f32 v22, v7;
	v23 =	vsel vm0, $0x3F800000, v17;
	vm0 =	vmor vm2, vm1  }
0x27e: {  	v19 =	vld.idx.msk [tilespmem:v19+s15+$0x0], $0xffff;
	v49 =	vmovc v45;
	v45 =	vmovc v43;
	vm1 =	vmor vm15, vm3;
	vm2 =	vgt.f32 v16, $0.0e+00;
	vm3 =	vgt.f32 v12, $0.0e+00  }
0x27f: {  	v15 =	vld.idx.msk [tilespmem:v3+s16+$0x0], $0xffff;
	v3 =	vor.u32 s21, v54;
	v10 =	vadd.f32 v23, v10;
	v54 =	vmovc v52;
	v52 =	vmovc v50;
	v50 =	vmov v46  }
0x280: {  	v46 =	vmovc v35;
	v35 =	vmovc v24;
	v24 =	vsel vm0, $0x3F800000, v17;
	vm0 =	vlt.f32 v16, $0.0e+00;
	v23 =	vperm.xlane v23, v27  }
0x281: {  	v13 =	vld.idx.msk [tilespmem:v13+s15+$0x0], $0xffff;
	v43 =	vmovc v42;
	v42 =	vmovc v39;
	v27 =	vsel vm1, $0x3F800000, v17;
	v16 =	vsub.f32 v20, v16;
	vm1 =	vgt.f32 v18, $0.0e+00  }
0x282: {  	v39 =	vmovc v30;
	v30 =	vmovc v25;
	v25 =	vperm.xlane v24, v25;
	vm0 =	vmor vm2, vm0;
	v10 =	vadd.f32 v24, v10;
	v24 =	vld [tilespmem:$0x1FD40]  }
0x283: {  	v7 =	vmul.f32 v7, v7;
	v20 =	vsel vm0, $0x3F800000, v17;
	vm0 =	vlt.f32 v18, $0.0e+00;
	v11 =	vld.idx.msk [tilespmem:v11+s16+$0x0], $0xffff  }
0x284: {  	v26 =	vld.idx.msk [tilespmem:v26+s16+$0x0], $0xffff;
	vm2 =	vgt.f32 v19, $0.0e+00;
	v16 =	vmul.f32 v16, v16;
	vm0 =	vmor vm1, vm0  }
0x285: {  	vm1 =	vlt.f32 v19, $0.0e+00;
	v6 =	vsub.f32 v15, v6;
	v15 =	vadd.f32 $0.0e+00, v23  }
0x286: {  	v22 =	vperm.xlane v20, v34;
	v10 =	vadd.f32 v27, v10;
	vm1 =	vmor vm2, vm1  }
0x287: {  	vm2 =	vgt.f32 v13, $0.0e+00;
	v6 =	vmul.f32 v6, v6;
	v15 =	vadd.f32 v25, v15;
	v25 =	vld [tilespmem:$0x1FD60]  }
0x288: {  	v23 =	vperm.xlane v27, v32;
	v10 =	vadd.f32 v20, v10;
	v11 =	vsub.f32 v11, v19;
	v19 =	vld [tilespmem:$0x1FD50]  }
0x289: {  	v8 =	vld.idx.msk [tilespmem:v8+s15+$0x0], $0xffff;
	v0 =	vmul.f32 v0, v0;
	v1 =	vadd.f32 v6, v1;
	v6 =	vsub.f32 v26, v18  }
0x28a: {  	v20 =	vld.idx.msk [tilespmem:v63+s16+$0x0], $0xffff;
	v18 =	vsel vm1, $0x3F800000, v17;
	vm1 =	vlt.f32 v12, $0.0e+00;
	v15 =	vadd.f32 v23, v15  }
0x28b: {  	v23 =	vsel vm0, $0x3F800000, v17;
	vm0 =	vlt.f32 v13, $0.0e+00;
	v24 =	vld.idx.msk [tilespmem:v24+s16+$0x0], $0xffff;
	vm1 =	vmor vm3, vm1  }
0x28c: {  	v14 =	vld.idx.msk [tilespmem:v14+s15+$0x0], $0xffff;
	v10 =	vadd.f32 v23, v10;
	v23 =	vperm.xlane v23, v36;
	v1 =	vadd.f32 v7, v1  }
0x28d: {  	v27 =	vperm.xlane v18, v38;
	vm0 =	vmor vm2, vm0;
	v7 =	vadd.f32 v22, v15  }
0x28e: {  	vm2 =	vgt.f32 v8, $0.0e+00;
	v15 =	vadd.f32 v18, v10;
	v0 =	vadd.f32 v0, v1  }
0x28f: {  	v6 =	vmul.f32 v6, v6;
	v10 =	vadd.f32 v23, v7;
	v7 =	vsub.f32 v20, v8;
	v25 =	vld.idx.msk [tilespmem:v25+s16+$0x0], $0xffff  }
0x290: {  	v12 =	vsub.f32 v24, v12;
	v24 =	vsel vm1, $0x3F800000, v17;
	v0 =	vadd.f32 v16, v0;
	v19 =	vld.idx.msk [tilespmem:v19+s16+$0x0], $0xffff  }
0x291: {  	v9 =	vld.idx.msk [tilespmem:v9+s15+$0x0], $0xffff;
	vm1 =	vlt.f32 v14, $0.0e+00;
	v10 =	vadd.f32 v27, v10;
	v26 =	vperm.xlane v24, v40  }
0x292: {  	v3 =	vld.idx.msk [tilespmem:v3+s15+$0x0], $0xffff;
	v27 =	vlaneseq.u32;
	v0 =	vadd.f32 v6, v0;
	v11 =	vmul.f32 v11, v11  }
0x293: {  	v22 =	vld.idx.msk [tilespmem:v5+s15+$0x0], $0xffff;
	v15 =	vadd.f32 v24, v15;
	v12 =	vmul.f32 v12, v12;
	v16 =	vadd.f32 v26, v10  }
0x294: {  	v24 =	vmovc v35;
	v35 =	vmovc v46;
	v46 =	vmov v50;
	v18 =	vsub.f32 v25, v14;
	v11 =	vadd.f32 v11, v0  }
0x295: {  	v23 =	vld.idx.msk [tilespmem:v59+s16+$0x0], $0xffff;
	v25 =	vmovc v30;
	v30 =	vmovc v39;
	v1 =	vsub.f32 v19, v13;
	v13 =	vsel vm0, $0x3F800000, v17;
	vm0 =	vgt.f32 v14, $0.0e+00  }
0x296: {  	v39 =	vmovc v42;
	v42 =	vmovc v43;
	v6 =	vmul.f32 v18, v18;
	v11 =	vadd.f32 v12, v11;
	vm0 =	vmor vm0, vm1  }
0x297: {  	v50 =	vmovc v52;
	v18 =	vld.idx.msk [tilespmem:v61+s16+$0x0], $0xffff;
	vm1 =	vlt.f32 v8, $0.0e+00;
	v26 =	vperm.xlane v13, v42;
	v15 =	vadd.f32 v13, v15  }
0x298: {  	v52 =	vmovc v54;
	v54 =	vmovc v56;
	v14 =	vld.idx.msk [tilespmem:v62+s16+$0x0], $0xffff;
	v1 =	vmul.f32 v1, v1;
	v20 =	vsel vm0, $0x3F800000, v17;
	vm0 =	vmor vm2, vm1  }
0x299: {  	v43 =	vmovc v45;
	v45 =	vmovc v49;
	v19 =	vld.idx.msk [tilespmem:v21+s15+$0x0], $0xffff;
	vm1 =	vgt.f32 v9, $0.0e+00;
	vm2 =	vlt.f32 v22, $0.0e+00;
	v8 =	vsel vm0, $0x3F800000, v17  }
0x29a: {  	p1 =	sne.s32 s20, $0x70;
	v49 =	vmovc v51;
	v51 =	vmovc v53;
	vm0 =	vlt.f32 v9, $0.0e+00;
	v0 =	vperm.xlane v20, v39;
	v16 =	vadd.f32 v26, v16  }
.Ltmp2:
0x29b: {  	v53 =	vmovc v55;
	v55 =	vmovc v57;
	v15 =	vadd.f32 v20, v15;
	v10 =	vperm.xlane v8, v43;
	vm0 =	vmor vm1, vm0;
	(pc) =	sbr.rel @p1 .LBB2_6-.Ltmp2, $4  }
0x29c: {  	v21 =	vmovc v29;
	vm1 =	vgt.f32 v22, $0.0e+00;
	v1 =	vadd.f32 v1, v11;
	v11 =	vsub.f32 v23, v22;
	v23 =	vmovc v33  }
0x29d: {  	v5 =	vld.idx.msk [tilespmem:v4+s15+$0x0], $0xffff;
	v33 =	vmovc v41;
	v41 =	vmovc v44;
	v44 =	vmov v47;
	v47 =	vmov v58;
	v14 =	vsub.f32 v14, v9  }
0x29e: {  	s19 =	sadd.s32 $0x10, s19;
	v12 =	vld.idx.msk [tilespmem:v60+s16+$0x0], $0xffff;
	v22 =	vmovc v31;
	vm15 =	vlt.f32 v19, $0.0e+00;
	v9 =	vsel vm0, $0x3F800000, v17;
	v13 =	vsub.f32 v18, v19;
	v20 =	vmovc v28  }
0x29f: {  	s20 =	sadd.s32 $0x10, s20;
	s18 =	smov.u32 s16;
	s17 =	smov.u32 s19;
	v28 =	vmovc v37;
	v37 =	vmovc v48;
	vm0 =	vgt.f32 v19, $0.0e+00;
	v4 =	vmul.f32 v14, v14;
	v14 =	vperm.xlane v9, v35  }
0x2a0: {  	v0 =	vadd.f32 v0, v16;
	_ =	sdelay $0x1  }
0x2a1: {  	vm0 =	vmor vm0, vm15;
	v0 =	vadd.f32 v10, v0  }
0x2a2: {  	v16 =	vsel vm0, $0x3F800000, v17  }
0x2a3: {  	vm1 =	vmor vm1, vm2;
	v18 =	vperm.xlane v16, v37;
	v0 =	vadd.f32 v14, v0  }
0x2a4: {  	v10 =	vsel vm1, $0x3F800000, v17;
	vm1 =	vgt.f32 v5, $0.0e+00;
	vm0 =	vlt.f32 v5, $0.0e+00  }
0x2a5: {  	v60 =	vperm.xlane v10, v49;
	vm0 =	vmor vm1, vm0;
	v0 =	vadd.f32 v18, v0  }
0x2a6: {  	vm2 =	vlt.f32 v3, $0.0e+00;
	vm1 =	vgt.f32 v3, $0.0e+00;
	v61 =	vsel vm0, $0x3F800000, v17  }
0x2a7: {  	vm1 =	vmor vm1, vm2;
	v62 =	vperm.xlane v61, v51;
	v0 =	vadd.f32 v60, v0  }
0x2a8: {  	v2 =	vld.idx.msk [tilespmem:v2+s15+$0x0], $0xffff;
	v18 =	vsel vm1, $0x3F800000, v17  }
0x2a9: {  	v63 =	vld [tilespmem:$0x1FCD0];
	v19 =	vperm.xlane v18, v52;
	v0 =	vadd.f32 v62, v0;
	_ =	sdelay $0x1  }
0x2aa: {  	v0 =	vadd.f32 v19, v0;
	v19 =	vld [tilespmem:$0x1FCE0];
	_ =	sdelay $0x1  }
0x2ab: {  	v7 =	vmul.f32 v7, v7  }
0x2ac: {  	v1 =	vadd.f32 v6, v1;
	vm0 =	vgt.f32 v2, $0.0e+00;
	vm1 =	vlt.f32 v2, $0.0e+00  }
0x2ad: {  	v48 =	vld [tilespmem:s17+$0x0];
	v8 =	vadd.f32 v8, v15;
	vm0 =	vmor vm0, vm1  }
0x2ae: {  	v1 =	vadd.f32 v7, v1;
	v56 =	vsel vm0, $0x3F800000, v17  }
0x2af: {  	v8 =	vadd.f32 v9, v8;
	v14 =	vld.idx.msk [tilespmem:v63+s18+$0x0], $0xffff;
	v15 =	vperm.xlane v56, v47  }
0x2b0: {  	v13 =	vmul.f32 v13, v13;
	v1 =	vadd.f32 v4, v1  }
0x2b1: {  	v58 =	vmul.f32 v11, v11;
	v8 =	vadd.f32 v16, v8;
	v0 =	vadd.f32 v15, v0;
	v19 =	vld.idx.msk [tilespmem:v19+s18+$0x0], $0xffff  }
0x2b2: {  	v57 =	vsub.f32 v12, v5;
	v7 =	vpsel p0, $0x0, v48;
	v1 =	vadd.f32 v13, v1  }
0x2b3: {  	v60 =	vadd.f32 v10, v8;
	v0 =	vadd.f32 v7, v0  }
0x2b4: {  	v5 =	vmul.f32 v57, v57;
	v1 =	vadd.f32 v58, v1;
	v59 =	vsub.f32 v14, v3  }
0x2b5: {  	v61 =	vadd.f32 v61, v60;
	[tilespmem:s17+$0x0] =	vst v0  }
0x2b6: {  	v1 =	vadd.f32 v5, v1;
	v3 =	vmul.f32 v59, v59;
	v63 =	vld [tilespmem:s14+$0x18280];
	v2 =	vsub.f32 v19, v2  }
0x2b7: {  	v0 =	vadd.f32 v18, v61;
	v62 =	vld [tilespmem:s14+$0x18200]  }
0x2b8: {  	s13 =	sadd.s32 $0x1, s13;
	v1 =	vadd.f32 v3, v1;
	v2 =	vmul.f32 v2, v2  }
0x2b9: {  	p0 =	sne.s32 s13, $0x8;
	v0 =	vadd.f32 v56, v0  }
.Ltmp3:
0x2ba: {  	v1 =	vadd.f32 v2, v1;
	(pc) =	sbr.rel @p0 .LBB2_5-.Ltmp3, $4  }
0x2bb: {  	v0 =	vadd.f32 v63, v0  }
0x2bc: {  	v1 =	vadd.f32 v62, v1  }
0x2bd: {  	[tilespmem:s14+$0x18280] =	vst v0  }
0x2be: {  	v26 =	vmovc v36;
	v29 =	vmovc v38;
	v31 =	vmov v40;
	v18 =	vmov v32;
	v19 =	vmov v34;
	[tilespmem:s14+$0x18200] =	vst v1  }
0x2bf: {  	v0 =	vimm.s32 $0xF;
	v1 =	vimm.s32 $0x8F  }
0x2c0: {  	v27 =	vlaneseq.u32;
	vm3 =	vcmask $0x2F2C;
	vm1 =	vcmask $0x3330  }
0x2c1: {  	v2 =	vimm.s32 $0x10F;
	vm0 =	vcmask $0x3734;
	vm2 =	vcmask $0x3B38  }
0x2c2: {  	v37 =	vimm.s32 $0x18F;
	v40 =	vimm.s32 $0x20F;
	v43 =	vimm.s32 $0x28F  }
0x2c3: {  	v46 =	vimm.s32 $0x30F;
	v49 =	vimm.s32 $0x38F;
	v52 =	vimm.s32 $0x40F  }
0x2c4: {  	v55 =	vimm.s32 $0x48F;
	v58 =	vimm.s32 $0x50F;
	v61 =	vimm.s32 $0x58F  }
0x2c5: {  	v4 =	vimm.s32 $0x60F;
	v7 =	vimm.s32 $0x68F;
	v10 =	vimm.s32 $0x70F  }
0x2c6: {  	v13 =	vimm.s32 $0x780;
	v33 =	vimm.s32 $0x781;
	v17 =	vimm.f32 $0.0e+00  }
0x2c7: {  	v3 =	vimm.s32 $0x782;
	v0 =	vsel vm14, $0x80, v0;
	v1 =	vsel vm14, $0x100, v1  }
0x2c8: {  	v20 =	vmul.u32 $0x81, v27;
	v2 =	vsel vm14, $0x180, v2;
	v3 =	vsel vm14, $0x3, v3  }
0x2c9: {  	v0 =	vsel vm13, $0x101, v0;
	v1 =	vsel vm13, $0x181, v1;
	v36 =	vsel vm13, $0x201, v2  }
0x2ca: {  	v2 =	vsel vm14, $0x200, v37;
	v3 =	vsel vm13, $0x84, v3;
	v0 =	vsel vm12, $0x182, v0  }
0x2cb: {  	v1 =	vsel vm12, $0x202, v1;
	v2 =	vsel vm13, $0x281, v2;
	v3 =	vsel vm12, $0x105, v3  }
0x2cc: {  	v0 =	vsel vm11, $0x203, v0;
	v1 =	vsel vm11, $0x283, v1;
	v2 =	vsel vm12, $0x302, v2  }
0x2cd: {  	v3 =	vsel vm11, $0x186, v3;
	v0 =	vsel vm10, $0x284, v0;
	v1 =	vsel vm10, $0x304, v1  }
0x2ce: {  	v2 =	vsel vm11, $0x383, v2;
	v0 =	vsel vm9, $0x305, v0;
	v35 =	vsel vm9, $0x385, v1  }
0x2cf: {  	v1 =	vsel vm12, $0x282, v36;
	v2 =	vsel vm10, $0x404, v2;
	v36 =	vimm.s32 $0xEDCBA987  }
0x2d0: {  	v0 =	vsel vm8, $0x386, v0;
	v1 =	vsel vm11, $0x303, v1;
	v2 =	vsel vm9, $0x485, v2  }
0x2d1: {  	v0 =	vsel vm7, $0x407, v0;
	v1 =	vsel vm10, $0x384, v1;
	v2 =	vsel vm8, $0x506, v2  }
0x2d2: {  	v0 =	vsel vm6, $0x488, v0;
	v1 =	vsel vm9, $0x405, v1;
	v39 =	vsel vm7, $0x587, v2  }
0x2d3: {  	v2 =	vsel vm14, $0x280, v40;
	v40 =	vimm.s32 $0x543210FE;
	v0 =	vsel vm5, $0x509, v0  }
0x2d4: {  	v1 =	vsel vm8, $0x486, v1;
	v2 =	vsel vm13, $0x301, v2;
	v0 =	vsel vm4, $0x58A, v0  }
0x2d5: {  	v1 =	vsel vm7, $0x507, v1;
	v42 =	vsel vm12, $0x382, v2;
	v2 =	vsel vm14, $0x300, v43  }
0x2d6: {  	v0 =	vsel vm3, $0x60B, v0;
	v1 =	vsel vm6, $0x588, v1;
	v45 =	vsel vm13, $0x381, v2  }
0x2d7: {  	v2 =	vsel vm14, $0x380, v46;
	v0 =	vsel vm1, $0x68C, v0;
	v1 =	vsel vm5, $0x609, v1  }
0x2d8: {  	v2 =	vsel vm13, $0x401, v2;
	v0 =	vsel vm0, $0x70D, v0;
	v38 =	vsel vm4, $0x68A, v1  }
0x2d9: {  	v1 =	vsel vm6, $0x608, v39;
	v2 =	vsel vm12, $0x482, v2;
	v39 =	vimm.s32 $0xDCBA9876  }
0x2da: {  	v0 =	vsel vm2, $0x78E, v0;
	v1 =	vsel vm5, $0x689, v1;
	v2 =	vsel vm11, $0x503, v2  }
0x2db: {  	[tilespmem:$0x1FBD0] =	vst v0;
	v0 =	vsel vm8, $0x406, v35;
	v1 =	vsel vm4, $0x70A, v1;
	v2 =	vsel vm10, $0x584, v2  }
0x2dc: {  	v0 =	vsel vm7, $0x487, v0;
	v41 =	vsel vm3, $0x78B, v1;
	v1 =	vsel vm11, $0x403, v42  }
0x2dd: {  	v2 =	vsel vm9, $0x605, v2;
	v0 =	vsel vm6, $0x508, v0;
	v1 =	vsel vm10, $0x484, v1  }
0x2de: {  	v2 =	vsel vm8, $0x686, v2;
	v0 =	vsel vm5, $0x589, v0;
	v44 =	vsel vm9, $0x505, v1  }
0x2df: {  	v1 =	vsel vm12, $0x402, v45;
	v48 =	vsel vm7, $0x707, v2;
	v2 =	vsel vm14, $0x400, v49  }
0x2e0: {  	v49 =	vimm.s32 $0x3210FEDC;
	v0 =	vsel vm4, $0x60A, v0;
	v1 =	vsel vm11, $0x483, v1  }
0x2e1: {  	v2 =	vsel vm13, $0x481, v2;
	v0 =	vsel vm3, $0x68B, v0;
	v1 =	vsel vm10, $0x504, v1  }
0x2e2: {  	v51 =	vsel vm12, $0x502, v2;
	v2 =	vsel vm14, $0x480, v52;
	v0 =	vsel vm1, $0x70C, v0  }
0x2e3: {  	v1 =	vsel vm9, $0x585, v1;
	v54 =	vsel vm13, $0x501, v2;
	v2 =	vsel vm14, $0x500, v55  }
0x2e4: {  	v0 =	vsel vm0, $0x78D, v0;
	v1 =	vsel vm8, $0x606, v1;
	v2 =	vsel vm13, $0x581, v2  }
0x2e5: {  	v0 =	vsel vm2, $0xE, v0;
	v1 =	vsel vm7, $0x687, v1;
	v2 =	vsel vm12, $0x602, v2  }
0x2e6: {  	[tilespmem:$0x1FBE0] =	vst v0;
	v0 =	vsel vm3, $0x70B, v38;
	v1 =	vsel vm6, $0x708, v1;
	v2 =	vsel vm11, $0x683, v2  }
0x2e7: {  	v38 =	vsel vm10, $0x207, v3;
	v3 =	vunpack.c.l.s4.s8 v39;
	v0 =	vsel vm1, $0x78C, v0  }
0x2e8: {  	v1 =	vsel vm5, $0x789, v1;
	v2 =	vsel vm10, $0x704, v2;
	v0 =	vsel vm0, $0xD, v0  }
0x2e9: {  	v47 =	vsel vm4, $0xA, v1;
	v1 =	vsel vm6, $0x788, v48;
	v2 =	vsel vm9, $0x785, v2  }
0x2ea: {  	v48 =	vimm.s32 $0xBA987654;
	v0 =	vsel vm2, $0x8E, v0;
	v1 =	vsel vm5, $0x9, v1  }
0x2eb: {  	v2 =	vsel vm8, $0x6, v2;
	[tilespmem:$0x1FBF0] =	vst v0;
	v0 =	vsel vm1, $0xC, v41;
	v1 =	vsel vm4, $0x8A, v1  }
0x2ec: {  	v57 =	vsel vm7, $0x87, v2;
	v2 =	vsel vm14, $0x580, v58;
	v41 =	vimm.s32 $0x783  }
0x2ed: {  	v58 =	vimm.s32 $0x10FEDCBA;
	v0 =	vsel vm0, $0x8D, v0;
	v50 =	vsel vm3, $0x10B, v1  }
0x2ee: {  	v1 =	vsel vm11, $0x583, v51;
	v2 =	vsel vm13, $0x601, v2;
	v0 =	vsel vm2, $0x10E, v0  }
0x2ef: {  	v1 =	vsel vm10, $0x604, v1;
	v60 =	vsel vm12, $0x682, v2;
	v2 =	vsel vm14, $0x600, v61  }
0x2f0: {  	[tilespmem:$0x1FC00] =	vst v0;
	v0 =	vsel vm8, $0x586, v44;
	v53 =	vsel vm9, $0x685, v1;
	v1 =	vsel vm12, $0x582, v54  }
0x2f1: {  	v63 =	vsel vm13, $0x681, v2;
	v2 =	vsel vm14, $0x680, v4;
	v4 =	vimm.s32 $0x6543210F  }
0x2f2: {  	v44 =	vimm.s32 $0xCBA98765;
	v54 =	vimm.s32 $0xA9876543;
	v0 =	vsel vm7, $0x607, v0  }
0x2f3: {  	v1 =	vsel vm11, $0x603, v1;
	v2 =	vsel vm13, $0x701, v2;
	v4 =	vunpack.c.l.s4.s8 v4  }
0x2f4: {  	v0 =	vsel vm6, $0x688, v0;
	v1 =	vsel vm10, $0x684, v1;
	v2 =	vsel vm12, $0x782, v2  }
0x2f5: {  	v0 =	vsel vm5, $0x709, v0;
	v1 =	vsel vm9, $0x705, v1;
	v2 =	vsel vm11, $0x3, v2  }
0x2f6: {  	v0 =	vsel vm4, $0x78A, v0;
	v1 =	vsel vm8, $0x786, v1;
	v2 =	vsel vm10, $0x84, v2  }
0x2f7: {  	v0 =	vsel vm3, $0xB, v0;
	v1 =	vsel vm7, $0x7, v1;
	v2 =	vsel vm9, $0x105, v2  }
0x2f8: {  	v0 =	vsel vm1, $0x8C, v0;
	v1 =	vsel vm6, $0x88, v1;
	v2 =	vsel vm8, $0x186, v2  }
0x2f9: {  	v0 =	vsel vm0, $0x10D, v0;
	v1 =	vsel vm5, $0x109, v1;
	v6 =	vsel vm7, $0x207, v2  }
0x2fa: {  	v2 =	vsel vm14, $0x700, v7;
	v0 =	vsel vm2, $0x18E, v0;
	v56 =	vsel vm4, $0x18A, v1  }
0x2fb: {  	v1 =	vsel vm6, $0x108, v57;
	v2 =	vsel vm13, $0x781, v2;
	v57 =	vimm.s32 $0x98765432  }
0x2fc: {  	[tilespmem:$0x1FC10] =	vst v0;
	v0 =	vsel vm3, $0x8B, v47;
	v1 =	vsel vm5, $0x189, v1;
	v9 =	vsel vm12, $0x2, v2  }
0x2fd: {  	v2 =	vsel vm14, $0x780, v10;
	v10 =	vimm.s32 $0xFEDCBA9;
	v0 =	vsel vm1, $0x10C, v0  }
0x2fe: {  	v1 =	vsel vm4, $0x20A, v1;
	v12 =	vsel vm13, $0x1, v2;
	v2 =	vsel vm14, $0x1, v13  }
0x2ff: {  	v10 =	vunpack.c.l.s4.s8 v10;
	v13 =	vimm.s32 $0x76543210;
	v0 =	vsel vm0, $0x18D, v0  }
0x300: {  	v59 =	vsel vm3, $0x28B, v1;
	v1 =	vsel vm11, $0x703, v60;
	v2 =	vsel vm13, $0x82, v2  }
0x301: {  	v0 =	vsel vm2, $0x20E, v0;
	v1 =	vsel vm10, $0x784, v1;
	v2 =	vsel vm12, $0x103, v2  }
0x302: {  	[tilespmem:$0x1FC20] =	vst v0;
	v0 =	vsel vm1, $0x18C, v50;
	v62 =	vsel vm9, $0x5, v1;
	v1 =	vsel vm12, $0x702, v63  }
0x303: {  	v2 =	vsel vm11, $0x184, v2;
	v50 =	vimm.s32 $0x785;
	v63 =	vimm.s32 $0x788  }
0x304: {  	v0 =	vsel vm0, $0x20D, v0;
	v1 =	vsel vm11, $0x783, v1;
	v2 =	vsel vm10, $0x205, v2  }
0x305: {  	v52 =	vsel vm14, $0x6, v50;
	v0 =	vsel vm2, $0x28E, v0;
	v1 =	vsel vm10, $0x4, v1  }
0x306: {  	v2 =	vsel vm9, $0x286, v2;
	[tilespmem:$0x1FC30] =	vst v0;
	v0 =	vsel vm8, $0x706, v53;
	v1 =	vsel vm9, $0x85, v1  }
0x307: {  	v2 =	vsel vm8, $0x307, v2;
	v53 =	vimm.s32 $0x786;
	v0 =	vsel vm7, $0x787, v0  }
0x308: {  	v1 =	vsel vm8, $0x106, v1;
	v32 =	vsel vm7, $0x388, v2;
	v2 =	vsel vm14, $0x2, v33  }
0x309: {  	v0 =	vsel vm6, $0x8, v0;
	v1 =	vsel vm7, $0x187, v1;
	v2 =	vsel vm13, $0x83, v2  }
0x30a: {  	v0 =	vsel vm5, $0x89, v0;
	v1 =	vsel vm6, $0x208, v1;
	v35 =	vsel vm12, $0x104, v2  }
0x30b: {  	v2 =	vunpack.c.l.s4.s8 v36;
	v0 =	vsel vm4, $0x10A, v0;
	v1 =	vsel vm5, $0x289, v1  }
0x30c: {  	v0 =	vsel vm3, $0x18B, v0;
	v5 =	vsel vm4, $0x30A, v1;
	v1 =	vsel vm6, $0x288, v6  }
0x30d: {  	v2 =	vunpack.c.0.s8.s32 v2;
	v0 =	vsel vm1, $0x20C, v0;
	v1 =	vsel vm5, $0x309, v1  }
0x30e: {  	v6 =	vimm.s32 $0x43210FED;
	v0 =	vsel vm0, $0x28D, v0;
	v1 =	vsel vm4, $0x38A, v1  }
0x30f: {  	v0 =	vsel vm2, $0x30E, v0;
	v8 =	vsel vm3, $0x40B, v1;
	v1 =	vsel vm11, $0x83, v9  }
0x310: {  	v6 =	vunpack.c.l.s4.s8 v6;
	[tilespmem:$0x1FC40] =	vst v0;
	v0 =	vsel vm3, $0x20B, v56;
	v1 =	vsel vm10, $0x104, v1  }
0x311: {  	v0 =	vsel vm1, $0x28C, v0;
	v11 =	vsel vm9, $0x185, v1;
	v1 =	vsel vm12, $0x82, v12  }
0x312: {  	v9 =	vimm.s32 $0x787;
	v0 =	vsel vm0, $0x30D, v0;
	v1 =	vsel vm11, $0x103, v1  }
0x313: {  	v60 =	vsel vm14, $0x8, v9;
	v0 =	vsel vm2, $0x38E, v0;
	v1 =	vsel vm10, $0x184, v1  }
0x314: {  	v9 =	vsel vm14, $0x9, v63;
	[tilespmem:$0x1FC50] =	vst v0;
	v0 =	vsel vm1, $0x30C, v59;
	v1 =	vsel vm9, $0x205, v1  }
0x315: {  	v61 =	vsel vm13, $0x89, v60;
	v0 =	vsel vm0, $0x38D, v0;
	v1 =	vsel vm8, $0x286, v1  }
0x316: {  	v9 =	vsel vm13, $0x8A, v9;
	v0 =	vsel vm2, $0x40E, v0;
	v1 =	vsel vm7, $0x307, v1  }
0x317: {  	v12 =	vimm.s32 $0xFEDCBA98;
	[tilespmem:$0x1FC60] =	vst v0;
	v0 =	vsel vm8, $0x86, v62;
	v1 =	vsel vm6, $0x388, v1  }
0x318: {  	v60 =	vimm.s32 $0x78D;
	v0 =	vsel vm7, $0x107, v0;
	v1 =	vsel vm5, $0x409, v1  }
0x319: {  	v0 =	vsel vm6, $0x188, v0;
	v14 =	vsel vm4, $0x48A, v1;
	v1 =	vsel vm6, $0x409, v32  }
0x31a: {  	v9 =	vsel vm12, $0x10B, v9;
	v0 =	vsel vm5, $0x209, v0;
	v1 =	vsel vm5, $0x48A, v1  }
0x31b: {  	v62 =	vimm.s32 $0x87654321;
	v0 =	vsel vm4, $0x28A, v0;
	v1 =	vsel vm4, $0x50B, v1  }
0x31c: {  	v0 =	vsel vm3, $0x30B, v0;
	v34 =	vsel vm3, $0x58C, v1;
	v1 =	vsel vm11, $0x185, v35  }
0x31d: {  	v35 =	vunpack.c.0.s8.s32 v3;
	v0 =	vsel vm1, $0x38C, v0;
	v1 =	vsel vm10, $0x206, v1  }
0x31e: {  	v3 =	vsel vm14, $0x4, v41;
	v0 =	vsel vm0, $0x40D, v0;
	v1 =	vsel vm9, $0x287, v1  }
0x31f: {  	v43 =	vsel vm13, $0x85, v3;
	v0 =	vsel vm2, $0x48E, v0;
	v1 =	vsel vm8, $0x308, v1  }
0x320: {  	v3 =	vunpack.c.l.s4.s8 v44;
	[tilespmem:$0x1FC70] =	vst v0;
	v0 =	vsel vm3, $0x38B, v5;
	v1 =	vsel vm7, $0x389, v1  }
0x321: {  	v5 =	vimm.s32 $0x784;
	v0 =	vsel vm1, $0x40C, v0;
	v1 =	vsel vm6, $0x40A, v1  }
0x322: {  	v5 =	vsel vm14, $0x5, v5;
	v0 =	vsel vm0, $0x48D, v0;
	v1 =	vsel vm5, $0x48B, v1  }
0x323: {  	v7 =	vsel vm13, $0x86, v5;
	v5 =	vunpack.c.0.s8.s32 v3;
	v0 =	vsel vm2, $0x50E, v0  }
0x324: {  	v37 =	vsel vm4, $0x50C, v1;
	v1 =	vsel vm9, $0x288, v38;
	v45 =	vsel vm12, $0x107, v7  }
0x325: {  	v7 =	vunpack.c.l.s4.s8 v54;
	[tilespmem:$0x1FC80] =	vst v0;
	v0 =	vsel vm1, $0x48C, v8;
	v1 =	vsel vm8, $0x309, v1  }
0x326: {  	v3 =	vsel vm11, $0x188, v45;
	v8 =	vimm.s32 $0x210FEDCB;
	v0 =	vsel vm0, $0x50D, v0  }
0x327: {  	v1 =	vsel vm7, $0x38A, v1;
	v47 =	vsel vm10, $0x209, v3;
	v0 =	vsel vm2, $0x58E, v0  }
0x328: {  	v3 =	vunpack.c.l.s4.s8 v48;
	v1 =	vsel vm6, $0x40B, v1;
	[tilespmem:$0x1FC90] =	vst v0;
	v0 =	vsel vm8, $0x206, v11  }
0x329: {  	v8 =	vunpack.c.l.s4.s8 v8;
	v1 =	vsel vm5, $0x48C, v1;
	v0 =	vsel vm7, $0x287, v0  }
0x32a: {  	v48 =	vunpack.c.0.s8.s32 v10;
	v1 =	vsel vm4, $0x50D, v1;
	v0 =	vsel vm6, $0x308, v0  }
0x32b: {  	v42 =	vsel vm3, $0x58E, v1;
	v1 =	vsel vm12, $0x106, v43;
	v0 =	vsel vm5, $0x389, v0  }
0x32c: {  	v10 =	vunpack.c.l.s4.s8 v13;
	v1 =	vsel vm11, $0x187, v1;
	v0 =	vsel vm4, $0x40A, v0  }
0x32d: {  	v3 =	vunpack.c.0.s8.s32 v3;
	v1 =	vsel vm10, $0x208, v1;
	v0 =	vsel vm3, $0x48B, v0  }
0x32e: {  	v11 =	vsel vm11, $0x18C, v9;
	v1 =	vsel vm9, $0x289, v1;
	v0 =	vsel vm1, $0x50C, v0  }
0x32f: {  	v9 =	vunpack.c.l.s4.s8 v12;
	v1 =	vsel vm8, $0x30A, v1;
	v0 =	vsel vm0, $0x58D, v0  }
0x330: {  	v10 =	vunpack.c.0.s8.s32 v10;
	v1 =	vsel vm7, $0x38B, v1;
	v0 =	vsel vm2, $0x60E, v0  }
0x331: {  	v9 =	vunpack.c.0.s8.s32 v9;
	v1 =	vsel vm6, $0x40C, v1;
	[tilespmem:$0x1FCA0] =	vst v0;
	v0 =	vsel vm3, $0x50B, v14  }
0x332: {  	v46 =	vsel vm5, $0x48D, v1;
	v1 =	vsel vm9, $0x28A, v47;
	v0 =	vsel vm1, $0x58C, v0  }
0x333: {  	v9 =	vand.u32 $0xF, v9;
	v1 =	vsel vm8, $0x30B, v1;
	v0 =	vsel vm0, $0x60D, v0  }
0x334: {  	v39 =	vcombine.low v9, v10;
	v1 =	vsel vm7, $0x38C, v1;
	v0 =	vsel vm2, $0x68E, v0  }
0x335: {  	v1 =	vsel vm6, $0x40D, v1;
	[tilespmem:$0x1FCB0] =	vst v0;
	v0 =	vsel vm1, $0x60D, v34;
	v34 =	vunpack.c.0.s8.s32 v4  }
0x336: {  	v4 =	vunpack.c.l.s4.s8 v40;
	v1 =	vsel vm5, $0x48E, v1;
	v0 =	vsel vm0, $0x68E, v0  }
0x337: {  	v1 =	vsel vm4, $0x50F, v1;
	v21 =	vsel vm2, $0x70F, v0;
	v25 =	vcombine.low v34, v2  }
0x338: {  	v0 =	vsel vm3, $0x58D, v37;
	v4 =	vunpack.c.0.s8.s32 v4;
	v37 =	vunpack.c.0.s8.s32 v6  }
0x339: {  	v6 =	vunpack.c.l.s4.s8 v49;
	v51 =	vsel vm3, $0x580, v1;
	v1 =	vsel vm13, $0x87, v52  }
0x33a: {  	v43 =	vcombine.low v2, v34;
	v52 =	vimm.s32 $0x789;
	v0 =	vsel vm1, $0x60E, v0  }
0x33b: {  	v1 =	vsel vm12, $0x108, v1;
	v0 =	vsel vm0, $0x68F, v0;
	v18 =	vcombine.low v4, v35  }
0x33c: {  	v19 =	vcombine.low v37, v5;
	v40 =	vunpack.c.0.s8.s32 v6;
	v1 =	vsel vm11, $0x189, v1  }
0x33d: {  	v6 =	vsel vm14, $0x7, v53;
	v35 =	vcombine.low v35, v4;
	v53 =	vimm.s32 $0x78A  }
0x33e: {  	v37 =	vcombine.low v5, v37;
	v22 =	vsel vm2, $0x700, v0;
	v0 =	vsel vm1, $0x60F, v42  }
0x33f: {  	v1 =	vsel vm10, $0x20A, v1;
	v6 =	vsel vm13, $0x88, v6;
	v42 =	vunpack.c.0.s8.s32 v7  }
0x340: {  	v7 =	vunpack.c.0.s8.s32 v8;
	v8 =	vunpack.c.l.s4.s8 v58;
	v58 =	vimm.s32 $0x78C  }
0x341: {  	v0 =	vsel vm0, $0x680, v0;
	v26 =	vcombine.low v40, v3;
	v1 =	vsel vm9, $0x28B, v1  }
0x342: {  	v6 =	vsel vm12, $0x109, v6;
	v49 =	vcombine.low v3, v40;
	v23 =	vsel vm2, $0x701, v0  }
0x343: {  	v0 =	vsel vm4, $0x50E, v46;
	v1 =	vsel vm8, $0x30C, v1;
	v6 =	vsel vm11, $0x18A, v6  }
0x344: {  	v29 =	vcombine.low v7, v42;
	v8 =	vunpack.c.0.s8.s32 v8;
	v0 =	vsel vm3, $0x58F, v0  }
0x345: {  	v1 =	vsel vm7, $0x38D, v1;
	v6 =	vsel vm10, $0x20B, v6;
	v0 =	vsel vm1, $0x600, v0  }
0x346: {  	v1 =	vsel vm6, $0x40E, v1;
	v6 =	vsel vm9, $0x28C, v6;
	v0 =	vsel vm0, $0x681, v0  }
0x347: {  	v55 =	vsel vm5, $0x48F, v1;
	v56 =	vsel vm8, $0x30D, v6;
	v6 =	vunpack.c.l.s4.s8 v57  }
0x348: {  	v24 =	vsel vm2, $0x702, v0;
	v0 =	vsel vm1, $0x601, v51;
	v1 =	vsel vm7, $0x38E, v56  }
0x349: {  	v56 =	vimm.s32 $0x78B;
	v0 =	vsel vm0, $0x682, v0;
	v1 =	vsel vm6, $0x40F, v1  }
0x34a: {  	v6 =	vunpack.c.0.s8.s32 v6;
	v28 =	vsel vm2, $0x703, v0;
	v0 =	vsel vm4, $0x500, v55  }
0x34b: {  	v2 =	vsel vm14, $0xC, v56;
	v1 =	vsel vm5, $0x480, v1;
	v0 =	vsel vm3, $0x581, v0  }
0x34c: {  	v55 =	vsel vm14, $0xB, v53;
	v1 =	vsel vm4, $0x501, v1;
	v0 =	vsel vm1, $0x602, v0  }
0x34d: {  	v2 =	vsel vm13, $0x8D, v2;
	v1 =	vsel vm3, $0x582, v1;
	v0 =	vsel vm0, $0x683, v0  }
0x34e: {  	v2 =	vsel vm12, $0x10E, v2;
	v1 =	vsel vm1, $0x603, v1;
	v30 =	vsel vm2, $0x704, v0  }
0x34f: {  	v59 =	vsel vm0, $0x684, v1;
	v0 =	vsel vm12, $0x10A, v61;
	v1 =	vunpack.c.l.s4.s8 v62  }
0x350: {  	v31 =	vcombine.low v8, v6;
	v2 =	vsel vm11, $0x18F, v2;
	v0 =	vsel vm11, $0x18B, v0  }
0x351: {  	v0 =	vsel vm10, $0x20C, v0;
	v47 =	vunpack.c.0.s8.s32 v1;
	v1 =	vsel vm10, $0x20D, v11  }
0x352: {  	v2 =	vsel vm10, $0x200, v2;
	v0 =	vsel vm9, $0x28D, v0;
	v1 =	vsel vm9, $0x28E, v1  }
0x353: {  	v2 =	vsel vm9, $0x281, v2;
	v0 =	vsel vm8, $0x30E, v0;
	v1 =	vsel vm8, $0x30F, v1  }
0x354: {  	v61 =	vimm.s32 $0x78E;
	v0 =	vsel vm7, $0x38F, v0;
	v1 =	vsel vm7, $0x380, v1  }
0x355: {  	v33 =	vsel vm2, $0x705, v59;
	v0 =	vsel vm6, $0x400, v0;
	v1 =	vsel vm6, $0x401, v1  }
0x356: {  	v2 =	vsel vm8, $0x302, v2;
	v0 =	vsel vm5, $0x481, v0;
	v1 =	vsel vm5, $0x482, v1  }
0x357: {  	v59 =	vsel vm14, $0xD, v58;
	v0 =	vsel vm4, $0x502, v0;
	v1 =	vsel vm4, $0x503, v1  }
0x358: {  	v2 =	vsel vm7, $0x383, v2;
	v0 =	vsel vm3, $0x583, v0;
	v1 =	vsel vm3, $0x584, v1  }
0x359: {  	v0 =	vsel vm1, $0x604, v0;
	v51 =	vsel vm1, $0x605, v1;
	v1 =	vsel vm14, $0xA, v52  }
0x35a: {  	v0 =	vsel vm0, $0x685, v0;
	v54 =	vsel vm13, $0x8B, v1;
	v1 =	vsel vm13, $0x8C, v55  }
0x35b: {  	v41 =	vsel vm2, $0x706, v0;
	v0 =	vsel vm0, $0x686, v51;
	v1 =	vsel vm12, $0x10D, v1  }
0x35c: {  	v44 =	vsel vm2, $0x707, v0;
	v0 =	vsel vm12, $0x10C, v54;
	v1 =	vsel vm11, $0x18E, v1  }
0x35d: {  	v2 =	vsel vm6, $0x404, v2;
	v0 =	vsel vm11, $0x18D, v0;
	v1 =	vsel vm10, $0x20F, v1  }
0x35e: {  	v14 =	vcombine.low v48, v47;
	v0 =	vsel vm10, $0x20E, v0;
	v1 =	vsel vm9, $0x280, v1  }
0x35f: {  	v2 =	vsel vm5, $0x485, v2;
	v0 =	vsel vm9, $0x28F, v0;
	v1 =	vsel vm8, $0x301, v1  }
0x360: {  	v47 =	vcombine.low v47, v48;
	v0 =	vsel vm8, $0x300, v0;
	v1 =	vsel vm7, $0x382, v1  }
0x361: {  	v2 =	vsel vm4, $0x506, v2;
	v0 =	vsel vm7, $0x381, v0;
	v1 =	vsel vm6, $0x403, v1  }
0x362: {  	v2 =	vsel vm3, $0x587, v2;
	v0 =	vsel vm6, $0x402, v0;
	v1 =	vsel vm5, $0x484, v1  }
0x363: {  	v57 =	vsel vm1, $0x608, v2;
	v0 =	vsel vm5, $0x483, v0;
	v1 =	vsel vm4, $0x505, v1  }
0x364: {  	v2 =	vsel vm14, $0xF, v61;
	v0 =	vsel vm4, $0x504, v0;
	v1 =	vsel vm3, $0x586, v1  }
0x365: {  	v2 =	vsel vm13, $0x80, v2;
	v0 =	vsel vm3, $0x585, v0;
	v1 =	vsel vm1, $0x607, v1  }
0x366: {  	v2 =	vsel vm12, $0x101, v2;
	v0 =	vsel vm1, $0x606, v0;
	v1 =	vsel vm0, $0x688, v1  }
0x367: {  	v52 =	vcombine.low v6, v8;
	v0 =	vsel vm0, $0x687, v0;
	v46 =	vsel vm2, $0x709, v1  }
0x368: {  	v1 =	vsel vm14, $0xE, v60;
	v45 =	vsel vm2, $0x708, v0;
	v0 =	vsel vm0, $0x689, v57  }
0x369: {  	v1 =	vsel vm13, $0x8F, v1;
	v50 =	vsel vm2, $0x70A, v0;
	v0 =	vsel vm13, $0x8E, v59  }
0x36a: {  	v2 =	vsel vm11, $0x182, v2;
	v1 =	vsel vm12, $0x100, v1;
	v0 =	vsel vm12, $0x10F, v0  }
0x36b: {  	v2 =	vsel vm10, $0x203, v2;
	v1 =	vsel vm11, $0x181, v1;
	v0 =	vsel vm11, $0x180, v0  }
0x36c: {  	v51 =	vcombine.low v42, v7;
	v1 =	vsel vm10, $0x202, v1;
	v0 =	vsel vm10, $0x201, v0  }
0x36d: {  	v2 =	vsel vm9, $0x284, v2;
	v1 =	vsel vm9, $0x283, v1;
	v0 =	vsel vm9, $0x282, v0  }
0x36e: {  	s12 =	simm.s32 $0x2;
	v2 =	vsel vm8, $0x305, v2;
	v1 =	vsel vm8, $0x304, v1;
	v0 =	vsel vm8, $0x303, v0  }
0x36f: {  	_ =	swait.ge [sflag:s12], $0x4000;
	v2 =	vsel vm7, $0x386, v2;
	v1 =	vsel vm7, $0x385, v1;
	v0 =	vsel vm7, $0x384, v0  }
0x370: {  	[sflag:s12] =	ssyncset.done $0x0;
	v2 =	vsel vm6, $0x407, v2;
	v1 =	vsel vm6, $0x406, v1;
	v0 =	vsel vm6, $0x405, v0  }
0x371: {  	s29 =	simm.s32 $0x1;
	[sflag:s12] =	ssyncadd.s32 $0xFFFFC000;
	v2 =	vsel vm5, $0x488, v2;
	v1 =	vsel vm5, $0x487, v1;
	v0 =	vsel vm5, $0x486, v0  }
0x372: {  	_ =	swait.ge [sflag:s29], $0x4000;
	v2 =	vsel vm4, $0x509, v2;
	v1 =	vsel vm4, $0x508, v1;
	v0 =	vsel vm4, $0x507, v0  }
0x373: {  	s10 =	sadd.s32 s10, s11;
	s30 =	simm.s32 $0x400;
	[sflag:s29] =	ssyncset.done $0x0;
	v2 =	vsel vm3, $0x58A, v2;
	v1 =	vsel vm3, $0x589, v1;
	v0 =	vsel vm3, $0x588, v0  }
0x374: {  	s31 =	simm.s32 $0x2000;
	s13 =	simm.s32 $0x14000;
	[sflag:s29] =	ssyncadd.s32 $0xFFFFC000;
	v2 =	vsel vm1, $0x60B, v2;
	v1 =	vsel vm1, $0x60A, v1;
	v0 =	vsel vm1, $0x609, v0  }
0x375: {  	[tilespmem:s13], [sflag:$0x3] =	stream.strided.gather [hbm4b:s10+s30], $0x4000, s31, s30, $0x38;
	v63 =	vsel vm0, $0x68C, v2;
	v62 =	vsel vm0, $0x68B, v1;
	v0 =	vsel vm0, $0x68A, v0;
	[tilespmem:$0x1C680] =	vst v63  }
0x376: {  	s11 =	simm.s32 $0x0;
	s10 =	simm.s32 $0x0;
	v42 =	vmovc v14;
	v55 =	vsel vm2, $0x70D, v63;
	v54 =	vsel vm2, $0x70C, v62;
	v53 =	vsel vm2, $0x70B, v0  }
.LBB2_9:
0x377: {  	v5 =	vld [tilespmem:$0x1FC20];
	_ =	sdelay $0x3  }
0x378: {  	s12 =	sshll.u32 s11, $0x4  }
0x379: {  	v34 =	vor.u32 s12, v5;
	v5 =	vld [tilespmem:$0x1FC30];
	_ =	sdelay $0x4  }
0x37a: {  	v36 =	vor.u32 s12, v5;
	v5 =	vld [tilespmem:$0x1FC40];
	_ =	sdelay $0x4  }
0x37b: {  	v38 =	vor.u32 s12, v5;
	v5 =	vld [tilespmem:$0x1FC50];
	_ =	sdelay $0x3  }
0x37c: {  	v3 =	vld [tilespmem:$0x1FBD0]  }
0x37d: {  	v40 =	vor.u32 s12, v5;
	v5 =	vld [tilespmem:$0x1FC60];
	_ =	sdelay $0x3  }
0x37e: {  	v14 =	vor.u32 s12, v3;
	v3 =	vld [tilespmem:$0x1FBF0]  }
0x37f: {  	v48 =	vor.u32 s12, v5;
	v5 =	vld [tilespmem:$0x1FC70];
	_ =	sdelay $0x3  }
0x380: {  	v11 =	vor.u32 s12, v3;
	v3 =	vld [tilespmem:$0x1FC00]  }
0x381: {  	v56 =	vor.u32 s12, v5;
	v5 =	vld [tilespmem:$0x1FC80]  }
0x382: {  	v0 =	vld [tilespmem:$0x1FBE0];
	_ =	sdelay $0x1  }
0x383: {  	v1 =	vor.u32 s10, v21  }
0x384: {  	v2 =	vor.u32 s10, v22;
	v32 =	vor.u32 s12, v3;
	v3 =	vld [tilespmem:$0x1FC10]  }
0x385: {  	s13 =	sshll.u32 s11, $0xB;
	v57 =	vor.u32 s12, v5;
	v5 =	vld [tilespmem:$0x1FC90]  }
0x386: {  	s13 =	sand.u32 $0x3FFFF800, s13;
	v4 =	vor.u32 s12, v0;
	v0 =	vor.u32 s10, v20  }
0x387: {  	s13 =	sadd.s32 $0x10000, s13  }
0x388: {  	v1 =	vld.idx.msk [tilespmem:v1+s13+$0x0], $0xffff  }
0x389: {  	v10 =	vor.u32 s10, v28;
	v2 =	vld.idx.msk [tilespmem:v2+s13+$0x0], $0xffff  }
0x38a: {  	v15 =	vor.u32 s12, v3;
	v58 =	vor.u32 s12, v5;
	v5 =	vld [tilespmem:$0x1FCA0]  }
0x38b: {  	s14 =	simm.s32 $0x8000;
	v0 =	vld.idx.msk [tilespmem:v0+s13+$0x0], $0xffff  }
0x38c: {  	[tilespmem:$0x1FB70] =	vst v14;
	v14 =	vld.idx.msk [tilespmem:v14+s14+$0x0], $0xffff  }
0x38d: {  	[tilespmem:$0x1FB20] =	vst v4;
	v3 =	vld.idx.msk [tilespmem:v4+s14+$0x0], $0xffff;
	v4 =	vor.u32 s10, v23  }
0x38e: {  	v13 =	vor.u32 s12, v20;
	v10 =	vld.idx.msk [tilespmem:v10+s13+$0x0], $0xffff  }
0x38f: {  	[tilespmem:$0x1FB80] =	vst v15;
	v15 =	vld.idx.msk [tilespmem:v15+s14+$0x0], $0xffff;
	v5 =	vor.u32 s12, v5  }
0x390: {  	v6 =	vor.u32 s10, v44;
	v59 =	vor.u32 s10, v45;
	v7 =	vor.u32 s10, v30;
	[tilespmem:$0x1FB30] =	vst v5;
	v5 =	vld [tilespmem:$0x1FCB0]  }
0x391: {  	vm2 =	vgt.f32 v1, $0.0e+00;
	[tilespmem:$0x1FB50] =	vst v11;
	vm0 =	vlt.f32 v0, $0.0e+00;
	vm1 =	vgt.f32 v0, $0.0e+00;
	v11 =	vld.idx.msk [tilespmem:v11+s14+$0x0], $0xffff  }
0x392: {  	vm0 =	vmor vm1, vm0;
	vm1 =	vlt.f32 v1, $0.0e+00;
	v1 =	vsub.f32 v14, v1;
	v4 =	vld.idx.msk [tilespmem:v4+s13+$0x0], $0xffff  }
0x393: {  	v8 =	vor.u32 s10, v33;
	v9 =	vor.u32 s10, v24;
	v12 =	vor.u32 s10, v41;
	[tilespmem:$0x1FB60] =	vst v13;
	v13 =	vld.idx.msk [tilespmem:v13+s14+$0x0], $0xffff  }
0x394: {  	vm3 =	vlt.f32 v2, $0.0e+00;
	vm15 =	vgt.f32 v2, $0.0e+00;
	v1 =	vmul.f32 v1, v1  }
0x395: {  	v14 =	vsub.f32 v15, v10;
	v15 =	vor.u32 s10, v50;
	v5 =	vor.u32 s12, v5  }
0x396: {  	[tilespmem:$0x1FB40] =	vst v5;
	v5 =	vsub.f32 v3, v2;
	v2 =	vsel vm0, $0x3F800000, v17;
	vm0 =	vmor vm2, vm1  }
0x397: {  	vm1 =	vlt.f32 v4, $0.0e+00;
	vm2 =	vgt.f32 v4, $0.0e+00;
	v4 =	vsub.f32 v11, v4  }
0x398: {  	v9 =	vld.idx.msk [tilespmem:v9+s13+$0x0], $0xffff;
	v3 =	vsub.f32 v13, v0;
	v16 =	vadd.f32 v2, v17;
	v2 =	vperm.xlane v2, v27  }
0x399: {  	v7 =	vld.idx.msk [tilespmem:v7+s13+$0x0], $0xffff;
	v11 =	vsel vm0, $0x3F800000, v17;
	vm0 =	vmor vm15, vm3;
	vm3 =	vgt.f32 v10, $0.0e+00  }
0x39a: {  	vm15 =	vlt.f32 v10, $0.0e+00;
	v10 =	vld.idx.msk [tilespmem:v34+s14+$0x0], $0xffff;
	v13 =	vperm.xlane v11, v25;
	v3 =	vmul.f32 v3, v3  }
0x39b: {  	v5 =	vmul.f32 v5, v5;
	v0 =	vadd.f32 $0.0e+00, v2;
	v11 =	vadd.f32 v11, v16;
	v16 =	vld.idx.msk [tilespmem:v32+s14+$0x0], $0xffff  }
0x39c: {  	[tilespmem:$0x1FB90] =	vst v32;
	v4 =	vmul.f32 v4, v4;
	v2 =	vor.u32 s10, v55;
	v32 =	vor.u32 s10, v53  }
0x39d: {  	v3 =	vadd.f32 v3, v17;
	v0 =	vadd.f32 v13, v0;
	v13 =	vsel vm0, $0x3F800000, v17  }
0x39e: {  	vm0 =	vmor vm2, vm1;
	v11 =	vadd.f32 v13, v11;
	v13 =	vperm.xlane v13, v18  }
0x39f: {  	v8 =	vld.idx.msk [tilespmem:v8+s13+$0x0], $0xffff;
	vm1 =	vlt.f32 v9, $0.0e+00;
	v1 =	vadd.f32 v1, v3;
	v10 =	vsub.f32 v10, v7  }
0x3a0: {  	vm2 =	vgt.f32 v9, $0.0e+00;
	v9 =	vsub.f32 v16, v9;
	v0 =	vadd.f32 v13, v0  }
0x3a1: {  	v3 =	vld.idx.msk [tilespmem:v36+s14+$0x0], $0xffff;
	v13 =	vsel vm0, $0x3F800000, v17;
	vm0 =	vmor vm2, vm1;
	vm1 =	vgt.f32 v7, $0.0e+00  }
0x3a2: {  	vm2 =	vlt.f32 v7, $0.0e+00;
	v1 =	vadd.f32 v5, v1;
	v10 =	vmul.f32 v10, v10  }
0x3a3: {  	v7 =	vld.idx.msk [tilespmem:v12+s13+$0x0], $0xffff;
	v11 =	vadd.f32 v13, v11;
	v13 =	vperm.xlane v13, v19;
	v12 =	vsel vm0, $0x3F800000, v17  }
0x3a4: {  	v5 =	vld.idx.msk [tilespmem:v38+s14+$0x0], $0xffff;
	vm0 =	vmor vm3, vm15;
	vm3 =	vgt.f32 v8, $0.0e+00;
	vm15 =	vlt.f32 v8, $0.0e+00  }
0x3a5: {  	v0 =	vadd.f32 v13, v0;
	v11 =	vadd.f32 v12, v11;
	v12 =	vperm.xlane v12, v26  }
0x3a6: {  	v1 =	vadd.f32 v4, v1;
	v4 =	vor.u32 s10, v46;
	v3 =	vsub.f32 v3, v8  }
0x3a7: {  	v6 =	vld.idx.msk [tilespmem:v6+s13+$0x0], $0xffff;
	v8 =	vsel vm0, $0x3F800000, v17;
	vm0 =	vmor vm1, vm2;
	v0 =	vadd.f32 v12, v0  }
0x3a8: {  	v12 =	vld.idx.msk [tilespmem:v40+s14+$0x0], $0xffff;
	v11 =	vadd.f32 v8, v11;
	v8 =	vperm.xlane v8, v29;
	vm1 =	vlt.f32 v7, $0.0e+00  }
0x3a9: {  	v63 =	vmovc v40;
	v13 =	vld.idx.msk [tilespmem:v59+s13+$0x0], $0xffff;
	v5 =	vsub.f32 v5, v7;
	vm2 =	vgt.f32 v7, $0.0e+00;
	v7 =	vmul.f32 v9, v9  }
0x3aa: {  	v62 =	vmovc v48;
	v40 =	vor.u32 s10, v54;
	v9 =	vmul.f32 v14, v14;
	v14 =	vld.idx.msk [tilespmem:v48+s14+$0x0], $0xffff;
	v48 =	vmul.f32 v3, v3  }
0x3ab: {  	v0 =	vadd.f32 v8, v0;
	v8 =	vsel vm0, $0x3F800000, v17;
	v1 =	vadd.f32 v7, v1  }
0x3ac: {  	vm0 =	vmor vm3, vm15;
	vm3 =	vlt.f32 v6, $0.0e+00;
	vm15 =	vgt.f32 v6, $0.0e+00  }
0x3ad: {  	v3 =	vld.idx.msk [tilespmem:v15+s13+$0x0], $0xffff;
	v1 =	vadd.f32 v9, v1;
	v7 =	vsub.f32 v12, v6;
	v12 =	vperm.xlane v8, v31  }
0x3ae: {  	v4 =	vld.idx.msk [tilespmem:v4+s13+$0x0], $0xffff;
	v8 =	vadd.f32 v8, v11;
	v11 =	vsel vm0, $0x3F800000, v17;
	vm0 =	vmor vm2, vm1  }
0x3af: {  	v6 =	vmul.f32 v5, v5;
	vm1 =	vlt.f32 v13, $0.0e+00;
	v14 =	vsub.f32 v14, v13  }
0x3b0: {  	v9 =	vld.idx.msk [tilespmem:v56+s14+$0x0], $0xffff;
	v0 =	vadd.f32 v12, v0;
	v12 =	vadd.f32 v11, v8;
	v11 =	vperm.xlane v11, v42  }
0x3b1: {  	[tilespmem:$0x1FBA0] =	vst v34;
	vm2 =	vgt.f32 v13, $0.0e+00;
	v5 =	vsel vm0, $0x3F800000, v17;
	vm0 =	vmor vm15, vm3  }
0x3b2: {  	[tilespmem:$0x1FBB0] =	vst v36;
	v1 =	vadd.f32 v10, v1;
	vm1 =	vmor vm2, vm1;
	v16 =	vadd.f32 v11, v0;
	v11 =	vld.idx.msk [tilespmem:v57+s14+$0x0], $0xffff  }
0x3b3: {  	[tilespmem:$0x1FBC0] =	vst v38;
	v61 =	vmovc v56;
	v60 =	vmovc v58;
	vm2 =	vlt.f32 v3, $0.0e+00;
	v8 =	vsel vm0, $0x3F800000, v17;
	vm15 =	vlt.f32 v4, $0.0e+00  }
0x3b4: {  	v34 =	vmovc v19;
	v36 =	vmovc v26;
	vm0 =	vgt.f32 v4, $0.0e+00;
	v10 =	vperm.xlane v8, v43;
	v1 =	vadd.f32 v48, v1  }
0x3b5: {  	v15 =	vadd.f32 v5, v12;
	v0 =	vperm.xlane v5, v39;
	v5 =	vld.idx.msk [tilespmem:v32+s13+$0x0], $0xffff;
	v13 =	vsub.f32 v9, v4  }
0x3b6: {  	s17 =	simm.s32 $0x18100;
	p0 =	seq.s32 s11, $0x0;
	v38 =	vmovc v29;
	v59 =	vmovc v57;
	v9 =	vsel vm1, $0x3F800000, v17;
	v4 =	vmul.f32 v14, v14;
	v12 =	vld.idx.msk [tilespmem:v58+s14+$0x0], $0xffff;
	vm1 =	vgt.f32 v3, $0.0e+00  }
0x3b7: {  	s18 =	simm.s32 $0x10;
	s16 =	simm.s32 $0x8000;
	s15 =	simm.s32 $0x18100;
	v32 =	vmovc v18;
	v14 =	vperm.xlane v9, v35;
	v11 =	vsub.f32 v11, v3;
	v3 =	vld.idx.msk [tilespmem:v40+s13+$0x0], $0xffff;
	v40 =	vmov v31  }
.LBB2_10:
0x3b8: {  	v19 =	vld [tilespmem:$0x1FB40];
	_ =	sdelay $0x1  }
0x3b9: {  	v7 =	vmul.f32 v7, v7;
	vm1 =	vmor vm1, vm2;
	v8 =	vadd.f32 v8, v15  }
0x3ba: {  	v15 =	vsel vm1, $0x3F800000, v17;
	v0 =	vadd.f32 v0, v16;
	v1 =	vadd.f32 v6, v1  }
0x3bb: {  	vm0 =	vmor vm0, vm15;
	v16 =	vperm.xlane v15, v49;
	v8 =	vadd.f32 v9, v8  }
0x3bc: {  	v2 =	vld.idx.msk [tilespmem:v2+s13+$0x0], $0xffff;
	v0 =	vadd.f32 v10, v0;
	v1 =	vadd.f32 v7, v1;
	vm1 =	vgt.f32 v5, $0.0e+00  }
0x3bd: {  	v18 =	vld [tilespmem:$0x1FB30];
	v9 =	vsub.f32 v12, v5;
	vm2 =	vlt.f32 v5, $0.0e+00;
	v5 =	vsel vm0, $0x3F800000, v17  }
0x3be: {  	v6 =	vadd.f32 v5, v8;
	vm0 =	vmor vm1, vm2;
	vm1 =	vgt.f32 v3, $0.0e+00  }
0x3bf: {  	v5 =	vperm.xlane v5, v37;
	vm2 =	vlt.f32 v3, $0.0e+00;
	v0 =	vadd.f32 v14, v0;
	v19 =	vld.idx.msk [tilespmem:v19+s16+$0x0], $0xffff  }
0x3c0: {  	vm1 =	vmor vm1, vm2;
	v7 =	vmul.f32 v9, v9;
	v6 =	vadd.f32 v15, v6  }
0x3c1: {  	v9 =	vsel vm0, $0x3F800000, v17;
	vm0 =	vgt.f32 v2, $0.0e+00;
	v0 =	vadd.f32 v5, v0  }
0x3c2: {  	v10 =	vsel vm1, $0x3F800000, v17;
	vm1 =	vlt.f32 v2, $0.0e+00;
	v5 =	vadd.f32 v9, v6  }
0x3c3: {  	v8 =	vmul.f32 v11, v11;
	vm0 =	vmor vm0, vm1;
	v0 =	vadd.f32 v16, v0  }
0x3c4: {  	v5 =	vadd.f32 v10, v5;
	v11 =	vsub.f32 v19, v2;
	v2 =	vperm.xlane v9, v51  }
0x3c5: {  	v1 =	vadd.f32 v4, v1;
	v18 =	vld.idx.msk [tilespmem:v18+s16+$0x0], $0xffff;
	v9 =	vsel vm0, $0x3F800000, v17  }
0x3c6: {  	v4 =	vperm.xlane v10, v52;
	v10 =	vadd.f32 v9, v5;
	v5 =	vld [tilespmem:s15+$0x0];
	v0 =	vadd.f32 v2, v0  }
0x3c7: {  	v13 =	vmul.f32 v13, v13  }
0x3c8: {  	v2 =	vperm.xlane v9, v47;
	v0 =	vadd.f32 v4, v0  }
0x3c9: {  	v1 =	vadd.f32 v13, v1  }
0x3ca: {  	v0 =	vadd.f32 v2, v0  }
0x3cb: {  	v1 =	vadd.f32 v8, v1;
	v3 =	vsub.f32 v18, v3;
	v2 =	vpsel p0, $0x0, v5  }
0x3cc: {  	s19 =	smov.u32 s18;
	v0 =	vadd.f32 v2, v0  }
0x3cd: {  	v8 =	vor.u32 s19, v20;
	v1 =	vadd.f32 v7, v1;
	v3 =	vmul.f32 v3, v3  }
0x3ce: {  	v4 =	vor.u32 s19, v21;
	[tilespmem:s15+$0x0] =	vst v0;
	v0 =	vld [tilespmem:$0x1FB20]  }
0x3cf: {  	v26 =	vld [tilespmem:$0x1FB90];
	v1 =	vadd.f32 v3, v1;
	v3 =	vor.u32 s19, v22  }
0x3d0: {  	v31 =	vmov v22;
	v6 =	vmul.f32 v11, v11;
	v22 =	vld [tilespmem:$0x1FB70]  }
0x3d1: {  	v48 =	vmovc v37;
	v37 =	vmov v28;
	v19 =	vor.u32 s19, v28;
	v28 =	vmov v20;
	v20 =	vld [tilespmem:$0x1FB50]  }
0x3d2: {  	v12 =	vor.u32 s19, v30;
	v1 =	vadd.f32 v6, v1;
	v6 =	vld.idx.msk [tilespmem:v8+s13+$0x0], $0xffff  }
0x3d3: {  	v7 =	vld.idx.msk [tilespmem:v4+s13+$0x0], $0xffff  }
0x3d4: {  	v2 =	vor.u32 s19, v23;
	v11 =	vld.idx.msk [tilespmem:v3+s13+$0x0], $0xffff  }
0x3d5: {  	s14 =	sadd.s32 $0x800, s14;
	v3 =	vld [tilespmem:$0x1FB60]  }
0x3d6: {  	v0 =	vld.idx.msk [tilespmem:v0+s14+$0x0], $0xffff  }
0x3d7: {  	v14 =	vor.u32 s19, v41;
	v18 =	vor.u32 s19, v24;
	v12 =	vld.idx.msk [tilespmem:v12+s13+$0x0], $0xffff  }
0x3d8: {  	v29 =	vmovc v21;
	v13 =	vor.u32 s19, v33;
	v9 =	vor.u32 s19, v45;
	v21 =	vor.u32 s19, v46;
	v22 =	vld.idx.msk [tilespmem:v22+s14+$0x0], $0xffff  }
0x3d9: {  	v58 =	vmovc v47;
	v56 =	vmovc v54;
	v5 =	vor.u32 s19, v50;
	v8 =	vor.u32 s19, v44;
	v4 =	vor.u32 s19, v53;
	v16 =	vld.idx.msk [tilespmem:v2+s13+$0x0], $0xffff  }
0x3da: {  	v57 =	vmovc v55;
	v47 =	vmovc v44;
	v20 =	vld.idx.msk [tilespmem:v20+s14+$0x0], $0xffff;
	v2 =	vor.u32 s19, v55;
	vm0 =	vlt.f32 v6, $0.0e+00;
	vm1 =	vgt.f32 v6, $0.0e+00  }
0x3db: {  	v44 =	vmovc v41;
	v41 =	vmovc v33;
	vm3 =	vlt.f32 v11, $0.0e+00;
	vm15 =	vgt.f32 v11, $0.0e+00;
	v0 =	vsub.f32 v0, v11;
	v11 =	vld [tilespmem:$0x1FB80]  }
0x3dc: {  	v33 =	vmovc v23;
	v18 =	vld.idx.msk [tilespmem:v18+s13+$0x0], $0xffff;
	v55 =	vmovc v53;
	vm2 =	vgt.f32 v7, $0.0e+00;
	vm0 =	vmor vm1, vm0;
	vm1 =	vlt.f32 v7, $0.0e+00  }
0x3dd: {  	v53 =	vmovc v51;
	v51 =	vmovc v49;
	v7 =	vsub.f32 v22, v7;
	v23 =	vsel vm0, $0x3F800000, v17;
	vm0 =	vmor vm2, vm1  }
0x3de: {  	v19 =	vld.idx.msk [tilespmem:v19+s13+$0x0], $0xffff;
	v49 =	vmovc v45;
	v45 =	vmovc v43;
	vm1 =	vmor vm15, vm3;
	vm2 =	vgt.f32 v16, $0.0e+00;
	vm3 =	vgt.f32 v12, $0.0e+00  }
0x3df: {  	v15 =	vld.idx.msk [tilespmem:v3+s14+$0x0], $0xffff;
	v3 =	vor.u32 s19, v54;
	v10 =	vadd.f32 v23, v10;
	v54 =	vmovc v52;
	v52 =	vmovc v50;
	v50 =	vmov v46  }
0x3e0: {  	v46 =	vmovc v35;
	v35 =	vmovc v24;
	v24 =	vsel vm0, $0x3F800000, v17;
	vm0 =	vlt.f32 v16, $0.0e+00;
	v23 =	vperm.xlane v23, v27  }
0x3e1: {  	v13 =	vld.idx.msk [tilespmem:v13+s13+$0x0], $0xffff;
	v43 =	vmovc v42;
	v42 =	vmovc v39;
	v27 =	vsel vm1, $0x3F800000, v17;
	v16 =	vsub.f32 v20, v16;
	vm1 =	vgt.f32 v18, $0.0e+00  }
0x3e2: {  	v39 =	vmovc v30;
	v30 =	vmovc v25;
	v25 =	vperm.xlane v24, v25;
	vm0 =	vmor vm2, vm0;
	v10 =	vadd.f32 v24, v10;
	v24 =	vld [tilespmem:$0x1FBA0]  }
0x3e3: {  	v7 =	vmul.f32 v7, v7;
	v20 =	vsel vm0, $0x3F800000, v17;
	vm0 =	vlt.f32 v18, $0.0e+00;
	v11 =	vld.idx.msk [tilespmem:v11+s14+$0x0], $0xffff  }
0x3e4: {  	v26 =	vld.idx.msk [tilespmem:v26+s14+$0x0], $0xffff;
	vm2 =	vgt.f32 v19, $0.0e+00;
	v16 =	vmul.f32 v16, v16;
	vm0 =	vmor vm1, vm0  }
0x3e5: {  	vm1 =	vlt.f32 v19, $0.0e+00;
	v6 =	vsub.f32 v15, v6;
	v15 =	vadd.f32 $0.0e+00, v23  }
0x3e6: {  	v22 =	vperm.xlane v20, v34;
	v10 =	vadd.f32 v27, v10;
	vm1 =	vmor vm2, vm1  }
0x3e7: {  	vm2 =	vgt.f32 v13, $0.0e+00;
	v6 =	vmul.f32 v6, v6;
	v15 =	vadd.f32 v25, v15;
	v25 =	vld [tilespmem:$0x1FBC0]  }
0x3e8: {  	v23 =	vperm.xlane v27, v32;
	v10 =	vadd.f32 v20, v10;
	v11 =	vsub.f32 v11, v19;
	v19 =	vld [tilespmem:$0x1FBB0]  }
0x3e9: {  	v8 =	vld.idx.msk [tilespmem:v8+s13+$0x0], $0xffff;
	v0 =	vmul.f32 v0, v0;
	v1 =	vadd.f32 v6, v1;
	v6 =	vsub.f32 v26, v18  }
0x3ea: {  	v20 =	vld.idx.msk [tilespmem:v63+s14+$0x0], $0xffff;
	v18 =	vsel vm1, $0x3F800000, v17;
	vm1 =	vlt.f32 v12, $0.0e+00;
	v15 =	vadd.f32 v23, v15  }
0x3eb: {  	v23 =	vsel vm0, $0x3F800000, v17;
	vm0 =	vlt.f32 v13, $0.0e+00;
	v24 =	vld.idx.msk [tilespmem:v24+s14+$0x0], $0xffff;
	vm1 =	vmor vm3, vm1  }
0x3ec: {  	v14 =	vld.idx.msk [tilespmem:v14+s13+$0x0], $0xffff;
	v10 =	vadd.f32 v23, v10;
	v23 =	vperm.xlane v23, v36;
	v1 =	vadd.f32 v7, v1  }
0x3ed: {  	v27 =	vperm.xlane v18, v38;
	vm0 =	vmor vm2, vm0;
	v7 =	vadd.f32 v22, v15  }
0x3ee: {  	vm2 =	vgt.f32 v8, $0.0e+00;
	v15 =	vadd.f32 v18, v10;
	v0 =	vadd.f32 v0, v1  }
0x3ef: {  	v6 =	vmul.f32 v6, v6;
	v10 =	vadd.f32 v23, v7;
	v7 =	vsub.f32 v20, v8;
	v25 =	vld.idx.msk [tilespmem:v25+s14+$0x0], $0xffff  }
0x3f0: {  	v12 =	vsub.f32 v24, v12;
	v24 =	vsel vm1, $0x3F800000, v17;
	v0 =	vadd.f32 v16, v0;
	v19 =	vld.idx.msk [tilespmem:v19+s14+$0x0], $0xffff  }
0x3f1: {  	v9 =	vld.idx.msk [tilespmem:v9+s13+$0x0], $0xffff;
	vm1 =	vlt.f32 v14, $0.0e+00;
	v10 =	vadd.f32 v27, v10;
	v26 =	vperm.xlane v24, v40  }
0x3f2: {  	v3 =	vld.idx.msk [tilespmem:v3+s13+$0x0], $0xffff;
	v27 =	vlaneseq.u32;
	v0 =	vadd.f32 v6, v0;
	v11 =	vmul.f32 v11, v11  }
0x3f3: {  	v22 =	vld.idx.msk [tilespmem:v5+s13+$0x0], $0xffff;
	v15 =	vadd.f32 v24, v15;
	v12 =	vmul.f32 v12, v12;
	v16 =	vadd.f32 v26, v10  }
0x3f4: {  	v24 =	vmovc v35;
	v35 =	vmovc v46;
	v46 =	vmov v50;
	v18 =	vsub.f32 v25, v14;
	v11 =	vadd.f32 v11, v0  }
0x3f5: {  	v23 =	vld.idx.msk [tilespmem:v59+s14+$0x0], $0xffff;
	v25 =	vmovc v30;
	v30 =	vmovc v39;
	v1 =	vsub.f32 v19, v13;
	v13 =	vsel vm0, $0x3F800000, v17;
	vm0 =	vgt.f32 v14, $0.0e+00  }
0x3f6: {  	v39 =	vmovc v42;
	v42 =	vmovc v43;
	v6 =	vmul.f32 v18, v18;
	v11 =	vadd.f32 v12, v11;
	vm0 =	vmor vm0, vm1  }
0x3f7: {  	v50 =	vmovc v52;
	v18 =	vld.idx.msk [tilespmem:v61+s14+$0x0], $0xffff;
	vm1 =	vlt.f32 v8, $0.0e+00;
	v26 =	vperm.xlane v13, v42;
	v15 =	vadd.f32 v13, v15  }
0x3f8: {  	v52 =	vmovc v54;
	v54 =	vmovc v56;
	v14 =	vld.idx.msk [tilespmem:v62+s14+$0x0], $0xffff;
	v1 =	vmul.f32 v1, v1;
	v20 =	vsel vm0, $0x3F800000, v17;
	vm0 =	vmor vm2, vm1  }
0x3f9: {  	v43 =	vmovc v45;
	v45 =	vmovc v49;
	v19 =	vld.idx.msk [tilespmem:v21+s13+$0x0], $0xffff;
	vm1 =	vgt.f32 v9, $0.0e+00;
	vm2 =	vlt.f32 v22, $0.0e+00;
	v8 =	vsel vm0, $0x3F800000, v17  }
0x3fa: {  	p1 =	sne.s32 s18, $0x70;
	v49 =	vmovc v51;
	v51 =	vmovc v53;
	vm0 =	vlt.f32 v9, $0.0e+00;
	v0 =	vperm.xlane v20, v39;
	v16 =	vadd.f32 v26, v16  }
.Ltmp4:
0x3fb: {  	v53 =	vmovc v55;
	v55 =	vmovc v57;
	v15 =	vadd.f32 v20, v15;
	v10 =	vperm.xlane v8, v43;
	vm0 =	vmor vm1, vm0;
	(pc) =	sbr.rel @p1 .LBB2_10-.Ltmp4, $4  }
0x3fc: {  	v21 =	vmovc v29;
	vm1 =	vgt.f32 v22, $0.0e+00;
	v1 =	vadd.f32 v1, v11;
	v11 =	vsub.f32 v23, v22;
	v23 =	vmovc v33  }
0x3fd: {  	v5 =	vld.idx.msk [tilespmem:v4+s13+$0x0], $0xffff;
	v33 =	vmovc v41;
	v41 =	vmovc v44;
	v44 =	vmov v47;
	v47 =	vmov v58;
	v14 =	vsub.f32 v14, v9  }
0x3fe: {  	s17 =	sadd.s32 $0x10, s17;
	v12 =	vld.idx.msk [tilespmem:v60+s14+$0x0], $0xffff;
	v22 =	vmovc v31;
	vm15 =	vlt.f32 v19, $0.0e+00;
	v9 =	vsel vm0, $0x3F800000, v17;
	v13 =	vsub.f32 v18, v19;
	v20 =	vmovc v28  }
0x3ff: {  	s18 =	sadd.s32 $0x10, s18;
	s16 =	smov.u32 s14;
	s15 =	smov.u32 s17;
	v28 =	vmovc v37;
	v37 =	vmovc v48;
	vm0 =	vgt.f32 v19, $0.0e+00;
	v4 =	vmul.f32 v14, v14;
	v14 =	vperm.xlane v9, v35  }
0x400: {  	v0 =	vadd.f32 v0, v16;
	_ =	sdelay $0x1  }
0x401: {  	vm0 =	vmor vm0, vm15;
	v0 =	vadd.f32 v10, v0  }
0x402: {  	v16 =	vsel vm0, $0x3F800000, v17  }
0x403: {  	vm1 =	vmor vm1, vm2;
	v18 =	vperm.xlane v16, v37;
	v0 =	vadd.f32 v14, v0  }
0x404: {  	v10 =	vsel vm1, $0x3F800000, v17;
	vm1 =	vgt.f32 v5, $0.0e+00;
	vm0 =	vlt.f32 v5, $0.0e+00  }
0x405: {  	v60 =	vperm.xlane v10, v49;
	vm0 =	vmor vm1, vm0;
	v0 =	vadd.f32 v18, v0  }
0x406: {  	vm2 =	vlt.f32 v3, $0.0e+00;
	vm1 =	vgt.f32 v3, $0.0e+00;
	v61 =	vsel vm0, $0x3F800000, v17  }
0x407: {  	vm1 =	vmor vm1, vm2;
	v62 =	vperm.xlane v61, v51;
	v0 =	vadd.f32 v60, v0  }
0x408: {  	v2 =	vld.idx.msk [tilespmem:v2+s13+$0x0], $0xffff;
	v18 =	vsel vm1, $0x3F800000, v17  }
0x409: {  	v63 =	vld [tilespmem:$0x1FB30];
	v19 =	vperm.xlane v18, v52;
	v0 =	vadd.f32 v62, v0;
	_ =	sdelay $0x1  }
0x40a: {  	v0 =	vadd.f32 v19, v0;
	v19 =	vld [tilespmem:$0x1FB40];
	_ =	sdelay $0x1  }
0x40b: {  	v7 =	vmul.f32 v7, v7  }
0x40c: {  	v1 =	vadd.f32 v6, v1;
	vm0 =	vgt.f32 v2, $0.0e+00;
	vm1 =	vlt.f32 v2, $0.0e+00  }
0x40d: {  	v48 =	vld [tilespmem:s15+$0x0];
	v8 =	vadd.f32 v8, v15;
	vm0 =	vmor vm0, vm1  }
0x40e: {  	v1 =	vadd.f32 v7, v1;
	v56 =	vsel vm0, $0x3F800000, v17  }
0x40f: {  	v8 =	vadd.f32 v9, v8;
	v14 =	vld.idx.msk [tilespmem:v63+s16+$0x0], $0xffff;
	v15 =	vperm.xlane v56, v47  }
0x410: {  	v13 =	vmul.f32 v13, v13;
	v1 =	vadd.f32 v4, v1  }
0x411: {  	v58 =	vmul.f32 v11, v11;
	v8 =	vadd.f32 v16, v8;
	v0 =	vadd.f32 v15, v0;
	v19 =	vld.idx.msk [tilespmem:v19+s16+$0x0], $0xffff  }
0x412: {  	v57 =	vsub.f32 v12, v5;
	v7 =	vpsel p0, $0x0, v48;
	v1 =	vadd.f32 v13, v1  }
0x413: {  	v60 =	vadd.f32 v10, v8;
	v0 =	vadd.f32 v7, v0  }
0x414: {  	v5 =	vmul.f32 v57, v57;
	v1 =	vadd.f32 v58, v1;
	v59 =	vsub.f32 v14, v3  }
0x415: {  	v61 =	vadd.f32 v61, v60;
	[tilespmem:s15+$0x0] =	vst v0  }
0x416: {  	v1 =	vadd.f32 v5, v1;
	v3 =	vmul.f32 v59, v59;
	v63 =	vld [tilespmem:s12+$0x18280];
	v2 =	vsub.f32 v19, v2  }
0x417: {  	v0 =	vadd.f32 v18, v61;
	v62 =	vld [tilespmem:s12+$0x18200]  }
0x418: {  	s11 =	sadd.s32 $0x1, s11;
	v1 =	vadd.f32 v3, v1;
	v2 =	vmul.f32 v2, v2  }
0x419: {  	p0 =	sne.s32 s11, $0x8;
	v0 =	vadd.f32 v56, v0  }
.Ltmp5:
0x41a: {  	v1 =	vadd.f32 v2, v1;
	(pc) =	sbr.rel @p0 .LBB2_9-.Ltmp5, $4  }
0x41b: {  	v0 =	vadd.f32 v63, v0  }
0x41c: {  	v1 =	vadd.f32 v62, v1  }
0x41d: {  	[tilespmem:s12+$0x18280] =	vst v0  }
0x41e: {  	v26 =	vmovc v36;
	v29 =	vmovc v38;
	v31 =	vmov v40;
	v18 =	vmov v32;
	v19 =	vmov v34;
	[tilespmem:s12+$0x18200] =	vst v1  }
0x41f: {  	v0 =	vimm.s32 $0xF;
	v1 =	vimm.s32 $0x8F  }
0x420: {  	v27 =	vlaneseq.u32;
	vm3 =	vcmask $0x2F2C;
	vm1 =	vcmask $0x3330  }
0x421: {  	v2 =	vimm.s32 $0x10F;
	vm0 =	vcmask $0x3734;
	vm2 =	vcmask $0x3B38  }
0x422: {  	v37 =	vimm.s32 $0x18F;
	v40 =	vimm.s32 $0x20F;
	v43 =	vimm.s32 $0x28F  }
0x423: {  	v46 =	vimm.s32 $0x30F;
	v49 =	vimm.s32 $0x38F;
	v52 =	vimm.s32 $0x40F  }
0x424: {  	v55 =	vimm.s32 $0x48F;
	v58 =	vimm.s32 $0x50F;
	v61 =	vimm.s32 $0x58F  }
0x425: {  	v4 =	vimm.s32 $0x60F;
	v7 =	vimm.s32 $0x68F;
	v10 =	vimm.s32 $0x70F  }
0x426: {  	v13 =	vimm.s32 $0x780;
	v33 =	vimm.s32 $0x781;
	v17 =	vimm.f32 $0.0e+00  }
0x427: {  	v3 =	vimm.s32 $0x782;
	v0 =	vsel vm14, $0x80, v0;
	v1 =	vsel vm14, $0x100, v1  }
0x428: {  	v20 =	vmul.u32 $0x81, v27;
	v2 =	vsel vm14, $0x180, v2;
	v3 =	vsel vm14, $0x3, v3  }
0x429: {  	v0 =	vsel vm13, $0x101, v0;
	v1 =	vsel vm13, $0x181, v1;
	v36 =	vsel vm13, $0x201, v2  }
0x42a: {  	v2 =	vsel vm14, $0x200, v37;
	v3 =	vsel vm13, $0x84, v3;
	v0 =	vsel vm12, $0x182, v0  }
0x42b: {  	v1 =	vsel vm12, $0x202, v1;
	v2 =	vsel vm13, $0x281, v2;
	v3 =	vsel vm12, $0x105, v3  }
0x42c: {  	v0 =	vsel vm11, $0x203, v0;
	v1 =	vsel vm11, $0x283, v1;
	v2 =	vsel vm12, $0x302, v2  }
0x42d: {  	v3 =	vsel vm11, $0x186, v3;
	v0 =	vsel vm10, $0x284, v0;
	v1 =	vsel vm10, $0x304, v1  }
0x42e: {  	v2 =	vsel vm11, $0x383, v2;
	v0 =	vsel vm9, $0x305, v0;
	v35 =	vsel vm9, $0x385, v1  }
0x42f: {  	v1 =	vsel vm12, $0x282, v36;
	v2 =	vsel vm10, $0x404, v2;
	v36 =	vimm.s32 $0xEDCBA987  }
0x430: {  	v0 =	vsel vm8, $0x386, v0;
	v1 =	vsel vm11, $0x303, v1;
	v2 =	vsel vm9, $0x485, v2  }
0x431: {  	v0 =	vsel vm7, $0x407, v0;
	v1 =	vsel vm10, $0x384, v1;
	v2 =	vsel vm8, $0x506, v2  }
0x432: {  	v0 =	vsel vm6, $0x488, v0;
	v1 =	vsel vm9, $0x405, v1;
	v39 =	vsel vm7, $0x587, v2  }
0x433: {  	v2 =	vsel vm14, $0x280, v40;
	v40 =	vimm.s32 $0x543210FE;
	v0 =	vsel vm5, $0x509, v0  }
0x434: {  	v1 =	vsel vm8, $0x486, v1;
	v2 =	vsel vm13, $0x301, v2;
	v0 =	vsel vm4, $0x58A, v0  }
0x435: {  	v1 =	vsel vm7, $0x507, v1;
	v42 =	vsel vm12, $0x382, v2;
	v2 =	vsel vm14, $0x300, v43  }
0x436: {  	v0 =	vsel vm3, $0x60B, v0;
	v1 =	vsel vm6, $0x588, v1;
	v45 =	vsel vm13, $0x381, v2  }
0x437: {  	v2 =	vsel vm14, $0x380, v46;
	v0 =	vsel vm1, $0x68C, v0;
	v1 =	vsel vm5, $0x609, v1  }
0x438: {  	v2 =	vsel vm13, $0x401, v2;
	v0 =	vsel vm0, $0x70D, v0;
	v38 =	vsel vm4, $0x68A, v1  }
0x439: {  	v1 =	vsel vm6, $0x608, v39;
	v2 =	vsel vm12, $0x482, v2;
	v39 =	vimm.s32 $0xDCBA9876  }
0x43a: {  	v0 =	vsel vm2, $0x78E, v0;
	v1 =	vsel vm5, $0x689, v1;
	v2 =	vsel vm11, $0x503, v2  }
0x43b: {  	[tilespmem:$0x1FA30] =	vst v0;
	v0 =	vsel vm8, $0x406, v35;
	v1 =	vsel vm4, $0x70A, v1;
	v2 =	vsel vm10, $0x584, v2  }
0x43c: {  	v0 =	vsel vm7, $0x487, v0;
	v41 =	vsel vm3, $0x78B, v1;
	v1 =	vsel vm11, $0x403, v42  }
0x43d: {  	v2 =	vsel vm9, $0x605, v2;
	v0 =	vsel vm6, $0x508, v0;
	v1 =	vsel vm10, $0x484, v1  }
0x43e: {  	v2 =	vsel vm8, $0x686, v2;
	v0 =	vsel vm5, $0x589, v0;
	v44 =	vsel vm9, $0x505, v1  }
0x43f: {  	v1 =	vsel vm12, $0x402, v45;
	v48 =	vsel vm7, $0x707, v2;
	v2 =	vsel vm14, $0x400, v49  }
0x440: {  	v49 =	vimm.s32 $0x3210FEDC;
	v0 =	vsel vm4, $0x60A, v0;
	v1 =	vsel vm11, $0x483, v1  }
0x441: {  	v2 =	vsel vm13, $0x481, v2;
	v0 =	vsel vm3, $0x68B, v0;
	v1 =	vsel vm10, $0x504, v1  }
0x442: {  	v51 =	vsel vm12, $0x502, v2;
	v2 =	vsel vm14, $0x480, v52;
	v0 =	vsel vm1, $0x70C, v0  }
0x443: {  	v1 =	vsel vm9, $0x585, v1;
	v54 =	vsel vm13, $0x501, v2;
	v2 =	vsel vm14, $0x500, v55  }
0x444: {  	v0 =	vsel vm0, $0x78D, v0;
	v1 =	vsel vm8, $0x606, v1;
	v2 =	vsel vm13, $0x581, v2  }
0x445: {  	v0 =	vsel vm2, $0xE, v0;
	v1 =	vsel vm7, $0x687, v1;
	v2 =	vsel vm12, $0x602, v2  }
0x446: {  	[tilespmem:$0x1FA40] =	vst v0;
	v0 =	vsel vm3, $0x70B, v38;
	v1 =	vsel vm6, $0x708, v1;
	v2 =	vsel vm11, $0x683, v2  }
0x447: {  	v38 =	vsel vm10, $0x207, v3;
	v3 =	vunpack.c.l.s4.s8 v39;
	v0 =	vsel vm1, $0x78C, v0  }
0x448: {  	v1 =	vsel vm5, $0x789, v1;
	v2 =	vsel vm10, $0x704, v2;
	v0 =	vsel vm0, $0xD, v0  }
0x449: {  	v47 =	vsel vm4, $0xA, v1;
	v1 =	vsel vm6, $0x788, v48;
	v2 =	vsel vm9, $0x785, v2  }
0x44a: {  	v48 =	vimm.s32 $0xBA987654;
	v0 =	vsel vm2, $0x8E, v0;
	v1 =	vsel vm5, $0x9, v1  }
0x44b: {  	v2 =	vsel vm8, $0x6, v2;
	[tilespmem:$0x1FA50] =	vst v0;
	v0 =	vsel vm1, $0xC, v41;
	v1 =	vsel vm4, $0x8A, v1  }
0x44c: {  	v57 =	vsel vm7, $0x87, v2;
	v2 =	vsel vm14, $0x580, v58;
	v41 =	vimm.s32 $0x783  }
0x44d: {  	v58 =	vimm.s32 $0x10FEDCBA;
	v0 =	vsel vm0, $0x8D, v0;
	v50 =	vsel vm3, $0x10B, v1  }
0x44e: {  	v1 =	vsel vm11, $0x583, v51;
	v2 =	vsel vm13, $0x601, v2;
	v0 =	vsel vm2, $0x10E, v0  }
0x44f: {  	v1 =	vsel vm10, $0x604, v1;
	v60 =	vsel vm12, $0x682, v2;
	v2 =	vsel vm14, $0x600, v61  }
0x450: {  	[tilespmem:$0x1FA60] =	vst v0;
	v0 =	vsel vm8, $0x586, v44;
	v53 =	vsel vm9, $0x685, v1;
	v1 =	vsel vm12, $0x582, v54  }
0x451: {  	v63 =	vsel vm13, $0x681, v2;
	v2 =	vsel vm14, $0x680, v4;
	v4 =	vimm.s32 $0x6543210F  }
0x452: {  	v44 =	vimm.s32 $0xCBA98765;
	v54 =	vimm.s32 $0xA9876543;
	v0 =	vsel vm7, $0x607, v0  }
0x453: {  	v1 =	vsel vm11, $0x603, v1;
	v2 =	vsel vm13, $0x701, v2;
	v4 =	vunpack.c.l.s4.s8 v4  }
0x454: {  	v0 =	vsel vm6, $0x688, v0;
	v1 =	vsel vm10, $0x684, v1;
	v2 =	vsel vm12, $0x782, v2  }
0x455: {  	v0 =	vsel vm5, $0x709, v0;
	v1 =	vsel vm9, $0x705, v1;
	v2 =	vsel vm11, $0x3, v2  }
0x456: {  	v0 =	vsel vm4, $0x78A, v0;
	v1 =	vsel vm8, $0x786, v1;
	v2 =	vsel vm10, $0x84, v2  }
0x457: {  	v0 =	vsel vm3, $0xB, v0;
	v1 =	vsel vm7, $0x7, v1;
	v2 =	vsel vm9, $0x105, v2  }
0x458: {  	v0 =	vsel vm1, $0x8C, v0;
	v1 =	vsel vm6, $0x88, v1;
	v2 =	vsel vm8, $0x186, v2  }
0x459: {  	v0 =	vsel vm0, $0x10D, v0;
	v1 =	vsel vm5, $0x109, v1;
	v6 =	vsel vm7, $0x207, v2  }
0x45a: {  	v2 =	vsel vm14, $0x700, v7;
	v0 =	vsel vm2, $0x18E, v0;
	v56 =	vsel vm4, $0x18A, v1  }
0x45b: {  	v1 =	vsel vm6, $0x108, v57;
	v2 =	vsel vm13, $0x781, v2;
	v57 =	vimm.s32 $0x98765432  }
0x45c: {  	[tilespmem:$0x1FA70] =	vst v0;
	v0 =	vsel vm3, $0x8B, v47;
	v1 =	vsel vm5, $0x189, v1;
	v9 =	vsel vm12, $0x2, v2  }
0x45d: {  	v2 =	vsel vm14, $0x780, v10;
	v10 =	vimm.s32 $0xFEDCBA9;
	v0 =	vsel vm1, $0x10C, v0  }
0x45e: {  	v1 =	vsel vm4, $0x20A, v1;
	v12 =	vsel vm13, $0x1, v2;
	v2 =	vsel vm14, $0x1, v13  }
0x45f: {  	v10 =	vunpack.c.l.s4.s8 v10;
	v13 =	vimm.s32 $0x76543210;
	v0 =	vsel vm0, $0x18D, v0  }
0x460: {  	v59 =	vsel vm3, $0x28B, v1;
	v1 =	vsel vm11, $0x703, v60;
	v2 =	vsel vm13, $0x82, v2  }
0x461: {  	v0 =	vsel vm2, $0x20E, v0;
	v1 =	vsel vm10, $0x784, v1;
	v2 =	vsel vm12, $0x103, v2  }
0x462: {  	[tilespmem:$0x1FA80] =	vst v0;
	v0 =	vsel vm1, $0x18C, v50;
	v62 =	vsel vm9, $0x5, v1;
	v1 =	vsel vm12, $0x702, v63  }
0x463: {  	v2 =	vsel vm11, $0x184, v2;
	v50 =	vimm.s32 $0x785;
	v63 =	vimm.s32 $0x788  }
0x464: {  	v0 =	vsel vm0, $0x20D, v0;
	v1 =	vsel vm11, $0x783, v1;
	v2 =	vsel vm10, $0x205, v2  }
0x465: {  	v52 =	vsel vm14, $0x6, v50;
	v0 =	vsel vm2, $0x28E, v0;
	v1 =	vsel vm10, $0x4, v1  }
0x466: {  	v2 =	vsel vm9, $0x286, v2;
	[tilespmem:$0x1FA90] =	vst v0;
	v0 =	vsel vm8, $0x706, v53;
	v1 =	vsel vm9, $0x85, v1  }
0x467: {  	v2 =	vsel vm8, $0x307, v2;
	v53 =	vimm.s32 $0x786;
	v0 =	vsel vm7, $0x787, v0  }
0x468: {  	v1 =	vsel vm8, $0x106, v1;
	v32 =	vsel vm7, $0x388, v2;
	v2 =	vsel vm14, $0x2, v33  }
0x469: {  	v0 =	vsel vm6, $0x8, v0;
	v1 =	vsel vm7, $0x187, v1;
	v2 =	vsel vm13, $0x83, v2  }
0x46a: {  	v0 =	vsel vm5, $0x89, v0;
	v1 =	vsel vm6, $0x208, v1;
	v35 =	vsel vm12, $0x104, v2  }
0x46b: {  	v2 =	vunpack.c.l.s4.s8 v36;
	v0 =	vsel vm4, $0x10A, v0;
	v1 =	vsel vm5, $0x289, v1  }
0x46c: {  	v0 =	vsel vm3, $0x18B, v0;
	v5 =	vsel vm4, $0x30A, v1;
	v1 =	vsel vm6, $0x288, v6  }
0x46d: {  	v2 =	vunpack.c.0.s8.s32 v2;
	v0 =	vsel vm1, $0x20C, v0;
	v1 =	vsel vm5, $0x309, v1  }
0x46e: {  	v6 =	vimm.s32 $0x43210FED;
	v0 =	vsel vm0, $0x28D, v0;
	v1 =	vsel vm4, $0x38A, v1  }
0x46f: {  	v0 =	vsel vm2, $0x30E, v0;
	v8 =	vsel vm3, $0x40B, v1;
	v1 =	vsel vm11, $0x83, v9  }
0x470: {  	v6 =	vunpack.c.l.s4.s8 v6;
	[tilespmem:$0x1FAA0] =	vst v0;
	v0 =	vsel vm3, $0x20B, v56;
	v1 =	vsel vm10, $0x104, v1  }
0x471: {  	v0 =	vsel vm1, $0x28C, v0;
	v11 =	vsel vm9, $0x185, v1;
	v1 =	vsel vm12, $0x82, v12  }
0x472: {  	v9 =	vimm.s32 $0x787;
	v0 =	vsel vm0, $0x30D, v0;
	v1 =	vsel vm11, $0x103, v1  }
0x473: {  	v60 =	vsel vm14, $0x8, v9;
	v0 =	vsel vm2, $0x38E, v0;
	v1 =	vsel vm10, $0x184, v1  }
0x474: {  	v9 =	vsel vm14, $0x9, v63;
	[tilespmem:$0x1FAB0] =	vst v0;
	v0 =	vsel vm1, $0x30C, v59;
	v1 =	vsel vm9, $0x205, v1  }
0x475: {  	v61 =	vsel vm13, $0x89, v60;
	v0 =	vsel vm0, $0x38D, v0;
	v1 =	vsel vm8, $0x286, v1  }
0x476: {  	v9 =	vsel vm13, $0x8A, v9;
	v0 =	vsel vm2, $0x40E, v0;
	v1 =	vsel vm7, $0x307, v1  }
0x477: {  	v12 =	vimm.s32 $0xFEDCBA98;
	[tilespmem:$0x1FAC0] =	vst v0;
	v0 =	vsel vm8, $0x86, v62;
	v1 =	vsel vm6, $0x388, v1  }
0x478: {  	v60 =	vimm.s32 $0x78D;
	v0 =	vsel vm7, $0x107, v0;
	v1 =	vsel vm5, $0x409, v1  }
0x479: {  	v0 =	vsel vm6, $0x188, v0;
	v14 =	vsel vm4, $0x48A, v1;
	v1 =	vsel vm6, $0x409, v32  }
0x47a: {  	v9 =	vsel vm12, $0x10B, v9;
	v0 =	vsel vm5, $0x209, v0;
	v1 =	vsel vm5, $0x48A, v1  }
0x47b: {  	v62 =	vimm.s32 $0x87654321;
	v0 =	vsel vm4, $0x28A, v0;
	v1 =	vsel vm4, $0x50B, v1  }
0x47c: {  	v0 =	vsel vm3, $0x30B, v0;
	v34 =	vsel vm3, $0x58C, v1;
	v1 =	vsel vm11, $0x185, v35  }
0x47d: {  	v35 =	vunpack.c.0.s8.s32 v3;
	v0 =	vsel vm1, $0x38C, v0;
	v1 =	vsel vm10, $0x206, v1  }
0x47e: {  	v3 =	vsel vm14, $0x4, v41;
	v0 =	vsel vm0, $0x40D, v0;
	v1 =	vsel vm9, $0x287, v1  }
0x47f: {  	v43 =	vsel vm13, $0x85, v3;
	v0 =	vsel vm2, $0x48E, v0;
	v1 =	vsel vm8, $0x308, v1  }
0x480: {  	v3 =	vunpack.c.l.s4.s8 v44;
	[tilespmem:$0x1FAD0] =	vst v0;
	v0 =	vsel vm3, $0x38B, v5;
	v1 =	vsel vm7, $0x389, v1  }
0x481: {  	v5 =	vimm.s32 $0x784;
	v0 =	vsel vm1, $0x40C, v0;
	v1 =	vsel vm6, $0x40A, v1  }
0x482: {  	v5 =	vsel vm14, $0x5, v5;
	v0 =	vsel vm0, $0x48D, v0;
	v1 =	vsel vm5, $0x48B, v1  }
0x483: {  	v7 =	vsel vm13, $0x86, v5;
	v5 =	vunpack.c.0.s8.s32 v3;
	v0 =	vsel vm2, $0x50E, v0  }
0x484: {  	v37 =	vsel vm4, $0x50C, v1;
	v1 =	vsel vm9, $0x288, v38;
	v45 =	vsel vm12, $0x107, v7  }
0x485: {  	v7 =	vunpack.c.l.s4.s8 v54;
	[tilespmem:$0x1FAE0] =	vst v0;
	v0 =	vsel vm1, $0x48C, v8;
	v1 =	vsel vm8, $0x309, v1  }
0x486: {  	v3 =	vsel vm11, $0x188, v45;
	v8 =	vimm.s32 $0x210FEDCB;
	v0 =	vsel vm0, $0x50D, v0  }
0x487: {  	v1 =	vsel vm7, $0x38A, v1;
	v47 =	vsel vm10, $0x209, v3;
	v0 =	vsel vm2, $0x58E, v0  }
0x488: {  	v3 =	vunpack.c.l.s4.s8 v48;
	v1 =	vsel vm6, $0x40B, v1;
	[tilespmem:$0x1FAF0] =	vst v0;
	v0 =	vsel vm8, $0x206, v11  }
0x489: {  	v8 =	vunpack.c.l.s4.s8 v8;
	v1 =	vsel vm5, $0x48C, v1;
	v0 =	vsel vm7, $0x287, v0  }
0x48a: {  	v48 =	vunpack.c.0.s8.s32 v10;
	v1 =	vsel vm4, $0x50D, v1;
	v0 =	vsel vm6, $0x308, v0  }
0x48b: {  	v42 =	vsel vm3, $0x58E, v1;
	v1 =	vsel vm12, $0x106, v43;
	v0 =	vsel vm5, $0x389, v0  }
0x48c: {  	v10 =	vunpack.c.l.s4.s8 v13;
	v1 =	vsel vm11, $0x187, v1;
	v0 =	vsel vm4, $0x40A, v0  }
0x48d: {  	v3 =	vunpack.c.0.s8.s32 v3;
	v1 =	vsel vm10, $0x208, v1;
	v0 =	vsel vm3, $0x48B, v0  }
0x48e: {  	v11 =	vsel vm11, $0x18C, v9;
	v1 =	vsel vm9, $0x289, v1;
	v0 =	vsel vm1, $0x50C, v0  }
0x48f: {  	v9 =	vunpack.c.l.s4.s8 v12;
	v1 =	vsel vm8, $0x30A, v1;
	v0 =	vsel vm0, $0x58D, v0  }
0x490: {  	v10 =	vunpack.c.0.s8.s32 v10;
	v1 =	vsel vm7, $0x38B, v1;
	v0 =	vsel vm2, $0x60E, v0  }
0x491: {  	v9 =	vunpack.c.0.s8.s32 v9;
	v1 =	vsel vm6, $0x40C, v1;
	[tilespmem:$0x1FB00] =	vst v0;
	v0 =	vsel vm3, $0x50B, v14  }
0x492: {  	v46 =	vsel vm5, $0x48D, v1;
	v1 =	vsel vm9, $0x28A, v47;
	v0 =	vsel vm1, $0x58C, v0  }
0x493: {  	v9 =	vand.u32 $0xF, v9;
	v1 =	vsel vm8, $0x30B, v1;
	v0 =	vsel vm0, $0x60D, v0  }
0x494: {  	v39 =	vcombine.low v9, v10;
	v1 =	vsel vm7, $0x38C, v1;
	v0 =	vsel vm2, $0x68E, v0  }
0x495: {  	v1 =	vsel vm6, $0x40D, v1;
	[tilespmem:$0x1FB10] =	vst v0;
	v0 =	vsel vm1, $0x60D, v34;
	v34 =	vunpack.c.0.s8.s32 v4  }
0x496: {  	v4 =	vunpack.c.l.s4.s8 v40;
	v1 =	vsel vm5, $0x48E, v1;
	v0 =	vsel vm0, $0x68E, v0  }
0x497: {  	v1 =	vsel vm4, $0x50F, v1;
	v21 =	vsel vm2, $0x70F, v0;
	v25 =	vcombine.low v34, v2  }
0x498: {  	v0 =	vsel vm3, $0x58D, v37;
	v4 =	vunpack.c.0.s8.s32 v4;
	v37 =	vunpack.c.0.s8.s32 v6  }
0x499: {  	v6 =	vunpack.c.l.s4.s8 v49;
	v51 =	vsel vm3, $0x580, v1;
	v1 =	vsel vm13, $0x87, v52  }
0x49a: {  	v43 =	vcombine.low v2, v34;
	v52 =	vimm.s32 $0x789;
	v0 =	vsel vm1, $0x60E, v0  }
0x49b: {  	v1 =	vsel vm12, $0x108, v1;
	v0 =	vsel vm0, $0x68F, v0;
	v18 =	vcombine.low v4, v35  }
0x49c: {  	v19 =	vcombine.low v37, v5;
	v40 =	vunpack.c.0.s8.s32 v6;
	v1 =	vsel vm11, $0x189, v1  }
0x49d: {  	v6 =	vsel vm14, $0x7, v53;
	v35 =	vcombine.low v35, v4;
	v53 =	vimm.s32 $0x78A  }
0x49e: {  	v37 =	vcombine.low v5, v37;
	v22 =	vsel vm2, $0x700, v0;
	v0 =	vsel vm1, $0x60F, v42  }
0x49f: {  	v1 =	vsel vm10, $0x20A, v1;
	v6 =	vsel vm13, $0x88, v6;
	v42 =	vunpack.c.0.s8.s32 v7  }
0x4a0: {  	v7 =	vunpack.c.0.s8.s32 v8;
	v8 =	vunpack.c.l.s4.s8 v58;
	v58 =	vimm.s32 $0x78C  }
0x4a1: {  	v0 =	vsel vm0, $0x680, v0;
	v26 =	vcombine.low v40, v3;
	v1 =	vsel vm9, $0x28B, v1  }
0x4a2: {  	v6 =	vsel vm12, $0x109, v6;
	v49 =	vcombine.low v3, v40;
	v23 =	vsel vm2, $0x701, v0  }
0x4a3: {  	v0 =	vsel vm4, $0x50E, v46;
	v1 =	vsel vm8, $0x30C, v1;
	v6 =	vsel vm11, $0x18A, v6  }
0x4a4: {  	v29 =	vcombine.low v7, v42;
	v8 =	vunpack.c.0.s8.s32 v8;
	v0 =	vsel vm3, $0x58F, v0  }
0x4a5: {  	v1 =	vsel vm7, $0x38D, v1;
	v6 =	vsel vm10, $0x20B, v6;
	v0 =	vsel vm1, $0x600, v0  }
0x4a6: {  	v1 =	vsel vm6, $0x40E, v1;
	v6 =	vsel vm9, $0x28C, v6;
	v0 =	vsel vm0, $0x681, v0  }
0x4a7: {  	v55 =	vsel vm5, $0x48F, v1;
	v56 =	vsel vm8, $0x30D, v6;
	v6 =	vunpack.c.l.s4.s8 v57  }
0x4a8: {  	v24 =	vsel vm2, $0x702, v0;
	v0 =	vsel vm1, $0x601, v51;
	v1 =	vsel vm7, $0x38E, v56  }
0x4a9: {  	v56 =	vimm.s32 $0x78B;
	v0 =	vsel vm0, $0x682, v0;
	v1 =	vsel vm6, $0x40F, v1  }
0x4aa: {  	v6 =	vunpack.c.0.s8.s32 v6;
	v28 =	vsel vm2, $0x703, v0;
	v0 =	vsel vm4, $0x500, v55  }
0x4ab: {  	v2 =	vsel vm14, $0xC, v56;
	v1 =	vsel vm5, $0x480, v1;
	v0 =	vsel vm3, $0x581, v0  }
0x4ac: {  	v55 =	vsel vm14, $0xB, v53;
	v1 =	vsel vm4, $0x501, v1;
	v0 =	vsel vm1, $0x602, v0  }
0x4ad: {  	v2 =	vsel vm13, $0x8D, v2;
	v1 =	vsel vm3, $0x582, v1;
	v0 =	vsel vm0, $0x683, v0  }
0x4ae: {  	v2 =	vsel vm12, $0x10E, v2;
	v1 =	vsel vm1, $0x603, v1;
	v30 =	vsel vm2, $0x704, v0  }
0x4af: {  	v59 =	vsel vm0, $0x684, v1;
	v0 =	vsel vm12, $0x10A, v61;
	v1 =	vunpack.c.l.s4.s8 v62  }
0x4b0: {  	v31 =	vcombine.low v8, v6;
	v2 =	vsel vm11, $0x18F, v2;
	v0 =	vsel vm11, $0x18B, v0  }
0x4b1: {  	v0 =	vsel vm10, $0x20C, v0;
	v47 =	vunpack.c.0.s8.s32 v1;
	v1 =	vsel vm10, $0x20D, v11  }
0x4b2: {  	v2 =	vsel vm10, $0x200, v2;
	v0 =	vsel vm9, $0x28D, v0;
	v1 =	vsel vm9, $0x28E, v1  }
0x4b3: {  	v2 =	vsel vm9, $0x281, v2;
	v0 =	vsel vm8, $0x30E, v0;
	v1 =	vsel vm8, $0x30F, v1  }
0x4b4: {  	v61 =	vimm.s32 $0x78E;
	v0 =	vsel vm7, $0x38F, v0;
	v1 =	vsel vm7, $0x380, v1  }
0x4b5: {  	v33 =	vsel vm2, $0x705, v59;
	v0 =	vsel vm6, $0x400, v0;
	v1 =	vsel vm6, $0x401, v1  }
0x4b6: {  	v2 =	vsel vm8, $0x302, v2;
	v0 =	vsel vm5, $0x481, v0;
	v1 =	vsel vm5, $0x482, v1  }
0x4b7: {  	v59 =	vsel vm14, $0xD, v58;
	v0 =	vsel vm4, $0x502, v0;
	v1 =	vsel vm4, $0x503, v1  }
0x4b8: {  	v2 =	vsel vm7, $0x383, v2;
	v0 =	vsel vm3, $0x583, v0;
	v1 =	vsel vm3, $0x584, v1  }
0x4b9: {  	v0 =	vsel vm1, $0x604, v0;
	v51 =	vsel vm1, $0x605, v1;
	v1 =	vsel vm14, $0xA, v52  }
0x4ba: {  	v0 =	vsel vm0, $0x685, v0;
	v54 =	vsel vm13, $0x8B, v1;
	v1 =	vsel vm13, $0x8C, v55  }
0x4bb: {  	v41 =	vsel vm2, $0x706, v0;
	v0 =	vsel vm0, $0x686, v51;
	v1 =	vsel vm12, $0x10D, v1  }
0x4bc: {  	v44 =	vsel vm2, $0x707, v0;
	v0 =	vsel vm12, $0x10C, v54;
	v1 =	vsel vm11, $0x18E, v1  }
0x4bd: {  	v2 =	vsel vm6, $0x404, v2;
	v0 =	vsel vm11, $0x18D, v0;
	v1 =	vsel vm10, $0x20F, v1  }
0x4be: {  	v14 =	vcombine.low v48, v47;
	v0 =	vsel vm10, $0x20E, v0;
	v1 =	vsel vm9, $0x280, v1  }
0x4bf: {  	v2 =	vsel vm5, $0x485, v2;
	v0 =	vsel vm9, $0x28F, v0;
	v1 =	vsel vm8, $0x301, v1  }
0x4c0: {  	v47 =	vcombine.low v47, v48;
	v0 =	vsel vm8, $0x300, v0;
	v1 =	vsel vm7, $0x382, v1  }
0x4c1: {  	v2 =	vsel vm4, $0x506, v2;
	v0 =	vsel vm7, $0x381, v0;
	v1 =	vsel vm6, $0x403, v1  }
0x4c2: {  	v2 =	vsel vm3, $0x587, v2;
	v0 =	vsel vm6, $0x402, v0;
	v1 =	vsel vm5, $0x484, v1  }
0x4c3: {  	v57 =	vsel vm1, $0x608, v2;
	v0 =	vsel vm5, $0x483, v0;
	v1 =	vsel vm4, $0x505, v1  }
0x4c4: {  	v2 =	vsel vm14, $0xF, v61;
	v0 =	vsel vm4, $0x504, v0;
	v1 =	vsel vm3, $0x586, v1  }
0x4c5: {  	v2 =	vsel vm13, $0x80, v2;
	v0 =	vsel vm3, $0x585, v0;
	v1 =	vsel vm1, $0x607, v1  }
0x4c6: {  	v2 =	vsel vm12, $0x101, v2;
	v0 =	vsel vm1, $0x606, v0;
	v1 =	vsel vm0, $0x688, v1  }
0x4c7: {  	v52 =	vcombine.low v6, v8;
	v0 =	vsel vm0, $0x687, v0;
	v46 =	vsel vm2, $0x709, v1  }
0x4c8: {  	v1 =	vsel vm14, $0xE, v60;
	v45 =	vsel vm2, $0x708, v0;
	v0 =	vsel vm0, $0x689, v57  }
0x4c9: {  	v1 =	vsel vm13, $0x8F, v1;
	v50 =	vsel vm2, $0x70A, v0;
	v0 =	vsel vm13, $0x8E, v59  }
0x4ca: {  	v2 =	vsel vm11, $0x182, v2;
	v1 =	vsel vm12, $0x100, v1;
	v0 =	vsel vm12, $0x10F, v0  }
0x4cb: {  	v2 =	vsel vm10, $0x203, v2;
	v1 =	vsel vm11, $0x181, v1;
	v0 =	vsel vm11, $0x180, v0  }
0x4cc: {  	v51 =	vcombine.low v42, v7;
	v1 =	vsel vm10, $0x202, v1;
	v0 =	vsel vm10, $0x201, v0  }
0x4cd: {  	v2 =	vsel vm9, $0x284, v2;
	v1 =	vsel vm9, $0x283, v1;
	v0 =	vsel vm9, $0x282, v0  }
0x4ce: {  	v2 =	vsel vm8, $0x305, v2;
	v1 =	vsel vm8, $0x304, v1;
	v0 =	vsel vm8, $0x303, v0  }
0x4cf: {  	v2 =	vsel vm7, $0x386, v2;
	v1 =	vsel vm7, $0x385, v1;
	v0 =	vsel vm7, $0x384, v0  }
0x4d0: {  	s10 =	simm.s32 $0x3;
	v2 =	vsel vm6, $0x407, v2;
	v1 =	vsel vm6, $0x406, v1;
	v0 =	vsel vm6, $0x405, v0  }
0x4d1: {  	_ =	swait.ge [sflag:s10], $0x4000;
	v2 =	vsel vm5, $0x488, v2;
	v1 =	vsel vm5, $0x487, v1;
	v0 =	vsel vm5, $0x486, v0  }
0x4d2: {  	[sflag:s10] =	ssyncset.done $0x0;
	v2 =	vsel vm4, $0x509, v2;
	v1 =	vsel vm4, $0x508, v1;
	v0 =	vsel vm4, $0x507, v0  }
0x4d3: {  	s31 =	simm.s32 $0x1;
	[sflag:s10] =	ssyncadd.s32 $0xFFFFC000;
	v2 =	vsel vm3, $0x58A, v2;
	v1 =	vsel vm3, $0x589, v1;
	v0 =	vsel vm3, $0x588, v0  }
0x4d4: {  	_ =	swait.ge [sflag:s31], $0x4000;
	v2 =	vsel vm1, $0x60B, v2;
	v1 =	vsel vm1, $0x60A, v1;
	v0 =	vsel vm1, $0x609, v0  }
0x4d5: {  	[sflag:s31] =	ssyncset.done $0x0;
	v63 =	vsel vm0, $0x68C, v2;
	v62 =	vsel vm0, $0x68B, v1;
	v0 =	vsel vm0, $0x68A, v0  }
0x4d6: {  	s11 =	simm.s32 $0x0;
	s10 =	simm.s32 $0x0;
	[sflag:s31] =	ssyncadd.s32 $0xFFFFC000;
	v42 =	vmovc v14;
	v55 =	vsel vm2, $0x70D, v63;
	v54 =	vsel vm2, $0x70C, v62;
	v53 =	vsel vm2, $0x70B, v0  }
.LBB2_13:
0x4d7: {  	v5 =	vld [tilespmem:$0x1FA80];
	_ =	sdelay $0x3  }
0x4d8: {  	s12 =	sshll.u32 s11, $0x4  }
0x4d9: {  	v34 =	vor.u32 s12, v5;
	v5 =	vld [tilespmem:$0x1FA90];
	_ =	sdelay $0x4  }
0x4da: {  	v36 =	vor.u32 s12, v5;
	v5 =	vld [tilespmem:$0x1FAA0];
	_ =	sdelay $0x4  }
0x4db: {  	v38 =	vor.u32 s12, v5;
	v5 =	vld [tilespmem:$0x1FAB0];
	_ =	sdelay $0x3  }
0x4dc: {  	v3 =	vld [tilespmem:$0x1FA30]  }
0x4dd: {  	v40 =	vor.u32 s12, v5;
	v5 =	vld [tilespmem:$0x1FAC0];
	_ =	sdelay $0x3  }
0x4de: {  	v14 =	vor.u32 s12, v3;
	v3 =	vld [tilespmem:$0x1FA50]  }
0x4df: {  	v48 =	vor.u32 s12, v5;
	v5 =	vld [tilespmem:$0x1FAD0];
	_ =	sdelay $0x3  }
0x4e0: {  	v11 =	vor.u32 s12, v3;
	v3 =	vld [tilespmem:$0x1FA60]  }
0x4e1: {  	v56 =	vor.u32 s12, v5;
	v5 =	vld [tilespmem:$0x1FAE0]  }
0x4e2: {  	v0 =	vld [tilespmem:$0x1FA40];
	_ =	sdelay $0x1  }
0x4e3: {  	v1 =	vor.u32 s10, v21  }
0x4e4: {  	v2 =	vor.u32 s10, v22;
	v32 =	vor.u32 s12, v3;
	v3 =	vld [tilespmem:$0x1FA70]  }
0x4e5: {  	s13 =	sshll.u32 s11, $0xB;
	v57 =	vor.u32 s12, v5;
	v5 =	vld [tilespmem:$0x1FAF0]  }
0x4e6: {  	s13 =	sand.u32 $0x3FFFF800, s13;
	v4 =	vor.u32 s12, v0;
	v0 =	vor.u32 s10, v20  }
0x4e7: {  	s13 =	sadd.s32 $0x14000, s13  }
0x4e8: {  	v1 =	vld.idx.msk [tilespmem:v1+s13+$0x0], $0xffff  }
0x4e9: {  	v10 =	vor.u32 s10, v28;
	v2 =	vld.idx.msk [tilespmem:v2+s13+$0x0], $0xffff  }
0x4ea: {  	v15 =	vor.u32 s12, v3;
	v58 =	vor.u32 s12, v5;
	v5 =	vld [tilespmem:$0x1FB00]  }
0x4eb: {  	s14 =	simm.s32 $0xC000;
	v0 =	vld.idx.msk [tilespmem:v0+s13+$0x0], $0xffff  }
0x4ec: {  	[tilespmem:$0x1F9D0] =	vst v14;
	v14 =	vld.idx.msk [tilespmem:v14+s14+$0x0], $0xffff  }
0x4ed: {  	[tilespmem:$0x1F980] =	vst v4;
	v3 =	vld.idx.msk [tilespmem:v4+s14+$0x0], $0xffff;
	v4 =	vor.u32 s10, v23  }
0x4ee: {  	v13 =	vor.u32 s12, v20;
	v10 =	vld.idx.msk [tilespmem:v10+s13+$0x0], $0xffff  }
0x4ef: {  	[tilespmem:$0x1F9E0] =	vst v15;
	v15 =	vld.idx.msk [tilespmem:v15+s14+$0x0], $0xffff;
	v5 =	vor.u32 s12, v5  }
0x4f0: {  	v6 =	vor.u32 s10, v44;
	v59 =	vor.u32 s10, v45;
	v7 =	vor.u32 s10, v30;
	[tilespmem:$0x1F990] =	vst v5;
	v5 =	vld [tilespmem:$0x1FB10]  }
0x4f1: {  	vm2 =	vgt.f32 v1, $0.0e+00;
	[tilespmem:$0x1F9B0] =	vst v11;
	vm0 =	vlt.f32 v0, $0.0e+00;
	vm1 =	vgt.f32 v0, $0.0e+00;
	v11 =	vld.idx.msk [tilespmem:v11+s14+$0x0], $0xffff  }
0x4f2: {  	vm0 =	vmor vm1, vm0;
	vm1 =	vlt.f32 v1, $0.0e+00;
	v1 =	vsub.f32 v14, v1;
	v4 =	vld.idx.msk [tilespmem:v4+s13+$0x0], $0xffff  }
0x4f3: {  	v8 =	vor.u32 s10, v33;
	v9 =	vor.u32 s10, v24;
	v12 =	vor.u32 s10, v41;
	[tilespmem:$0x1F9C0] =	vst v13;
	v13 =	vld.idx.msk [tilespmem:v13+s14+$0x0], $0xffff  }
0x4f4: {  	vm3 =	vlt.f32 v2, $0.0e+00;
	vm4 =	vgt.f32 v2, $0.0e+00;
	v1 =	vmul.f32 v1, v1  }
0x4f5: {  	v14 =	vsub.f32 v15, v10;
	v15 =	vor.u32 s10, v50;
	v5 =	vor.u32 s12, v5  }
0x4f6: {  	[tilespmem:$0x1F9A0] =	vst v5;
	v5 =	vsub.f32 v3, v2;
	v2 =	vsel vm0, $0x3F800000, v17;
	vm0 =	vmor vm2, vm1  }
0x4f7: {  	vm1 =	vlt.f32 v4, $0.0e+00;
	vm2 =	vgt.f32 v4, $0.0e+00;
	v4 =	vsub.f32 v11, v4  }
0x4f8: {  	v9 =	vld.idx.msk [tilespmem:v9+s13+$0x0], $0xffff;
	v3 =	vsub.f32 v13, v0;
	v16 =	vadd.f32 v2, v17;
	v2 =	vperm.xlane v2, v27  }
0x4f9: {  	v7 =	vld.idx.msk [tilespmem:v7+s13+$0x0], $0xffff;
	v11 =	vsel vm0, $0x3F800000, v17;
	vm0 =	vmor vm4, vm3;
	vm3 =	vgt.f32 v10, $0.0e+00  }
0x4fa: {  	vm4 =	vlt.f32 v10, $0.0e+00;
	v10 =	vld.idx.msk [tilespmem:v34+s14+$0x0], $0xffff;
	v13 =	vperm.xlane v11, v25;
	v3 =	vmul.f32 v3, v3  }
0x4fb: {  	v5 =	vmul.f32 v5, v5;
	v0 =	vadd.f32 $0.0e+00, v2;
	v11 =	vadd.f32 v11, v16;
	v16 =	vld.idx.msk [tilespmem:v32+s14+$0x0], $0xffff  }
0x4fc: {  	[tilespmem:$0x1F9F0] =	vst v32;
	v4 =	vmul.f32 v4, v4;
	v2 =	vor.u32 s10, v55;
	v32 =	vor.u32 s10, v53  }
0x4fd: {  	v3 =	vadd.f32 v3, v17;
	v0 =	vadd.f32 v13, v0;
	v13 =	vsel vm0, $0x3F800000, v17  }
0x4fe: {  	vm0 =	vmor vm2, vm1;
	v11 =	vadd.f32 v13, v11;
	v13 =	vperm.xlane v13, v18  }
0x4ff: {  	v8 =	vld.idx.msk [tilespmem:v8+s13+$0x0], $0xffff;
	vm1 =	vlt.f32 v9, $0.0e+00;
	v1 =	vadd.f32 v1, v3;
	v10 =	vsub.f32 v10, v7  }
0x500: {  	vm2 =	vgt.f32 v9, $0.0e+00;
	v9 =	vsub.f32 v16, v9;
	v0 =	vadd.f32 v13, v0  }
0x501: {  	v3 =	vld.idx.msk [tilespmem:v36+s14+$0x0], $0xffff;
	v13 =	vsel vm0, $0x3F800000, v17;
	vm0 =	vmor vm2, vm1;
	vm1 =	vgt.f32 v7, $0.0e+00  }
0x502: {  	vm2 =	vlt.f32 v7, $0.0e+00;
	v1 =	vadd.f32 v5, v1;
	v10 =	vmul.f32 v10, v10  }
0x503: {  	v7 =	vld.idx.msk [tilespmem:v12+s13+$0x0], $0xffff;
	v11 =	vadd.f32 v13, v11;
	v13 =	vperm.xlane v13, v19;
	v12 =	vsel vm0, $0x3F800000, v17  }
0x504: {  	v5 =	vld.idx.msk [tilespmem:v38+s14+$0x0], $0xffff;
	vm0 =	vmor vm3, vm4;
	vm3 =	vgt.f32 v8, $0.0e+00;
	vm4 =	vlt.f32 v8, $0.0e+00  }
0x505: {  	v0 =	vadd.f32 v13, v0;
	v11 =	vadd.f32 v12, v11;
	v12 =	vperm.xlane v12, v26  }
0x506: {  	v1 =	vadd.f32 v4, v1;
	v4 =	vor.u32 s10, v46;
	v3 =	vsub.f32 v3, v8  }
0x507: {  	v6 =	vld.idx.msk [tilespmem:v6+s13+$0x0], $0xffff;
	v8 =	vsel vm0, $0x3F800000, v17;
	vm0 =	vmor vm1, vm2;
	v0 =	vadd.f32 v12, v0  }
0x508: {  	v12 =	vld.idx.msk [tilespmem:v40+s14+$0x0], $0xffff;
	v11 =	vadd.f32 v8, v11;
	v8 =	vperm.xlane v8, v29;
	vm1 =	vlt.f32 v7, $0.0e+00  }
0x509: {  	v63 =	vmovc v40;
	v13 =	vld.idx.msk [tilespmem:v59+s13+$0x0], $0xffff;
	v5 =	vsub.f32 v5, v7;
	vm2 =	vgt.f32 v7, $0.0e+00;
	v7 =	vmul.f32 v9, v9  }
0x50a: {  	v62 =	vmovc v48;
	v40 =	vor.u32 s10, v54;
	v9 =	vmul.f32 v14, v14;
	v14 =	vld.idx.msk [tilespmem:v48+s14+$0x0], $0xffff;
	v48 =	vmul.f32 v3, v3  }
0x50b: {  	v0 =	vadd.f32 v8, v0;
	v8 =	vsel vm0, $0x3F800000, v17;
	v1 =	vadd.f32 v7, v1  }
0x50c: {  	vm0 =	vmor vm3, vm4;
	vm3 =	vlt.f32 v6, $0.0e+00;
	vm4 =	vgt.f32 v6, $0.0e+00  }
0x50d: {  	v3 =	vld.idx.msk [tilespmem:v15+s13+$0x0], $0xffff;
	v1 =	vadd.f32 v9, v1;
	v7 =	vsub.f32 v12, v6;
	v12 =	vperm.xlane v8, v31  }
0x50e: {  	v4 =	vld.idx.msk [tilespmem:v4+s13+$0x0], $0xffff;
	v8 =	vadd.f32 v8, v11;
	v11 =	vsel vm0, $0x3F800000, v17;
	vm0 =	vmor vm2, vm1  }
0x50f: {  	v6 =	vmul.f32 v5, v5;
	vm1 =	vlt.f32 v13, $0.0e+00;
	v14 =	vsub.f32 v14, v13  }
0x510: {  	v9 =	vld.idx.msk [tilespmem:v56+s14+$0x0], $0xffff;
	v0 =	vadd.f32 v12, v0;
	v12 =	vadd.f32 v11, v8;
	v11 =	vperm.xlane v11, v42  }
0x511: {  	[tilespmem:$0x1FA00] =	vst v34;
	vm2 =	vgt.f32 v13, $0.0e+00;
	v5 =	vsel vm0, $0x3F800000, v17;
	vm0 =	vmor vm4, vm3  }
0x512: {  	[tilespmem:$0x1FA10] =	vst v36;
	v1 =	vadd.f32 v10, v1;
	vm2 =	vmor vm2, vm1;
	v16 =	vadd.f32 v11, v0;
	v11 =	vld.idx.msk [tilespmem:v57+s14+$0x0], $0xffff  }
0x513: {  	[tilespmem:$0x1FA20] =	vst v38;
	v61 =	vmovc v56;
	v60 =	vmovc v58;
	vm3 =	vlt.f32 v3, $0.0e+00;
	v8 =	vsel vm0, $0x3F800000, v17;
	vm0 =	vlt.f32 v4, $0.0e+00  }
0x514: {  	v34 =	vmovc v19;
	v36 =	vmovc v26;
	vm1 =	vgt.f32 v4, $0.0e+00;
	v10 =	vperm.xlane v8, v43;
	v1 =	vadd.f32 v48, v1  }
0x515: {  	v15 =	vadd.f32 v5, v12;
	v0 =	vperm.xlane v5, v39;
	v5 =	vld.idx.msk [tilespmem:v32+s13+$0x0], $0xffff;
	v13 =	vsub.f32 v9, v4  }
0x516: {  	s17 =	simm.s32 $0x18180;
	p0 =	seq.s32 s11, $0x0;
	v38 =	vmovc v29;
	v59 =	vmovc v57;
	v9 =	vsel vm2, $0x3F800000, v17;
	v4 =	vmul.f32 v14, v14;
	v12 =	vld.idx.msk [tilespmem:v58+s14+$0x0], $0xffff;
	vm2 =	vgt.f32 v3, $0.0e+00  }
0x517: {  	s18 =	simm.s32 $0x10;
	s16 =	simm.s32 $0xC000;
	s15 =	simm.s32 $0x18180;
	v32 =	vmovc v18;
	v14 =	vperm.xlane v9, v35;
	v11 =	vsub.f32 v11, v3;
	v3 =	vld.idx.msk [tilespmem:v40+s13+$0x0], $0xffff;
	v40 =	vmov v31  }
.LBB2_14:
0x518: {  	v19 =	vld [tilespmem:$0x1F9A0]  }
0x519: {  	v7 =	vmul.f32 v7, v7  }
0x51a: {  	vm0 =	vmor vm1, vm0;
	vm1 =	vmor vm2, vm3;
	v8 =	vadd.f32 v8, v15  }
0x51b: {  	v15 =	vsel vm1, $0x3F800000, v17;
	v0 =	vadd.f32 v0, v16;
	v1 =	vadd.f32 v6, v1  }
0x51c: {  	v18 =	vld [tilespmem:$0x1F990];
	v16 =	vperm.xlane v15, v49;
	v8 =	vadd.f32 v9, v8  }
0x51d: {  	v2 =	vld.idx.msk [tilespmem:v2+s13+$0x0], $0xffff;
	v0 =	vadd.f32 v10, v0;
	v1 =	vadd.f32 v7, v1;
	vm1 =	vgt.f32 v5, $0.0e+00  }
0x51e: {  	v9 =	vsub.f32 v12, v5;
	vm2 =	vlt.f32 v5, $0.0e+00;
	v5 =	vsel vm0, $0x3F800000, v17  }
0x51f: {  	v6 =	vadd.f32 v5, v8;
	vm0 =	vmor vm1, vm2;
	vm1 =	vgt.f32 v3, $0.0e+00  }
0x520: {  	v5 =	vperm.xlane v5, v37;
	vm2 =	vlt.f32 v3, $0.0e+00;
	v0 =	vadd.f32 v14, v0;
	v19 =	vld.idx.msk [tilespmem:v19+s16+$0x0], $0xffff  }
0x521: {  	vm1 =	vmor vm1, vm2;
	v7 =	vmul.f32 v9, v9;
	v6 =	vadd.f32 v15, v6  }
0x522: {  	v9 =	vsel vm0, $0x3F800000, v17;
	vm0 =	vgt.f32 v2, $0.0e+00;
	v0 =	vadd.f32 v5, v0  }
0x523: {  	v10 =	vsel vm1, $0x3F800000, v17;
	vm1 =	vlt.f32 v2, $0.0e+00;
	v5 =	vadd.f32 v9, v6  }
0x524: {  	v8 =	vmul.f32 v11, v11;
	vm0 =	vmor vm0, vm1;
	v0 =	vadd.f32 v16, v0  }
0x525: {  	v18 =	vld.idx.msk [tilespmem:v18+s16+$0x0], $0xffff;
	v5 =	vadd.f32 v10, v5;
	v11 =	vsub.f32 v19, v2;
	v2 =	vperm.xlane v9, v51  }
0x526: {  	v13 =	vmul.f32 v13, v13;
	v1 =	vadd.f32 v4, v1;
	v9 =	vsel vm0, $0x3F800000, v17  }
0x527: {  	v4 =	vperm.xlane v10, v52;
	v10 =	vadd.f32 v9, v5;
	v5 =	vld [tilespmem:s15+$0x0];
	v0 =	vadd.f32 v2, v0  }
0x528: {  	v1 =	vadd.f32 v13, v1  }
0x529: {  	v2 =	vperm.xlane v9, v47;
	v0 =	vadd.f32 v4, v0  }
0x52a: {  	v1 =	vadd.f32 v8, v1;
	v3 =	vsub.f32 v18, v3  }
0x52b: {  	v0 =	vadd.f32 v2, v0  }
0x52c: {  	s19 =	smov.u32 s18;
	v1 =	vadd.f32 v7, v1;
	v3 =	vmul.f32 v3, v3;
	v2 =	vpsel p0, $0x0, v5  }
0x52d: {  	v8 =	vor.u32 s19, v20;
	v0 =	vadd.f32 v2, v0  }
0x52e: {  	v31 =	vmovc v22;
	v4 =	vor.u32 s19, v21;
	v1 =	vadd.f32 v3, v1;
	v3 =	vor.u32 s19, v22;
	v22 =	vld [tilespmem:$0x1F9D0]  }
0x52f: {  	[tilespmem:s15+$0x0] =	vst v0;
	v0 =	vld [tilespmem:$0x1F980]  }
0x530: {  	v26 =	vld [tilespmem:$0x1F9F0];
	v6 =	vmul.f32 v11, v11  }
0x531: {  	v48 =	vmovc v37;
	v37 =	vmov v28;
	v19 =	vor.u32 s19, v28;
	v28 =	vmov v20;
	v20 =	vld [tilespmem:$0x1F9B0]  }
0x532: {  	v1 =	vadd.f32 v6, v1;
	v6 =	vld.idx.msk [tilespmem:v8+s13+$0x0], $0xffff  }
0x533: {  	v2 =	vor.u32 s19, v23;
	v7 =	vld.idx.msk [tilespmem:v4+s13+$0x0], $0xffff  }
0x534: {  	v12 =	vor.u32 s19, v30;
	v11 =	vld.idx.msk [tilespmem:v3+s13+$0x0], $0xffff  }
0x535: {  	s14 =	sadd.s32 $0x800, s14;
	v3 =	vld [tilespmem:$0x1F9C0]  }
0x536: {  	v18 =	vor.u32 s19, v24;
	v22 =	vld.idx.msk [tilespmem:v22+s14+$0x0], $0xffff  }
0x537: {  	v14 =	vor.u32 s19, v41;
	v13 =	vor.u32 s19, v33;
	v9 =	vor.u32 s19, v45;
	v0 =	vld.idx.msk [tilespmem:v0+s14+$0x0], $0xffff  }
0x538: {  	v29 =	vmovc v21;
	v21 =	vor.u32 s19, v46;
	v5 =	vor.u32 s19, v50;
	v8 =	vor.u32 s19, v44;
	v16 =	vld.idx.msk [tilespmem:v2+s13+$0x0], $0xffff  }
0x539: {  	v58 =	vmovc v47;
	v4 =	vor.u32 s19, v53;
	v12 =	vld.idx.msk [tilespmem:v12+s13+$0x0], $0xffff;
	v2 =	vor.u32 s19, v55;
	vm0 =	vlt.f32 v6, $0.0e+00  }
0x53a: {  	v56 =	vmovc v54;
	v57 =	vmovc v55;
	v20 =	vld.idx.msk [tilespmem:v20+s14+$0x0], $0xffff;
	vm1 =	vgt.f32 v6, $0.0e+00;
	vm2 =	vgt.f32 v7, $0.0e+00;
	vm3 =	vlt.f32 v11, $0.0e+00  }
0x53b: {  	v47 =	vmovc v44;
	v44 =	vmovc v41;
	v18 =	vld.idx.msk [tilespmem:v18+s13+$0x0], $0xffff;
	vm4 =	vgt.f32 v11, $0.0e+00;
	vm0 =	vmor vm1, vm0;
	vm1 =	vlt.f32 v7, $0.0e+00  }
0x53c: {  	v41 =	vmovc v33;
	v33 =	vmovc v23;
	v7 =	vsub.f32 v22, v7;
	v23 =	vsel vm0, $0x3F800000, v17;
	v0 =	vsub.f32 v0, v11;
	v11 =	vld [tilespmem:$0x1F9E0]  }
0x53d: {  	v19 =	vld.idx.msk [tilespmem:v19+s13+$0x0], $0xffff;
	v55 =	vmovc v53;
	v53 =	vmovc v51;
	vm0 =	vmor vm2, vm1;
	vm1 =	vmor vm4, vm3;
	vm2 =	vgt.f32 v16, $0.0e+00  }
0x53e: {  	v51 =	vmovc v49;
	vm3 =	vgt.f32 v12, $0.0e+00;
	v15 =	vld.idx.msk [tilespmem:v3+s14+$0x0], $0xffff;
	v3 =	vor.u32 s19, v54;
	v10 =	vadd.f32 v23, v10;
	v54 =	vmovc v52  }
0x53f: {  	v52 =	vmovc v50;
	v50 =	vmovc v46;
	v46 =	vmov v35;
	v35 =	vmov v24;
	v24 =	vsel vm0, $0x3F800000, v17  }
0x540: {  	v26 =	vld.idx.msk [tilespmem:v26+s14+$0x0], $0xffff;
	v49 =	vmovc v45;
	v45 =	vmovc v43;
	vm0 =	vlt.f32 v16, $0.0e+00;
	v23 =	vperm.xlane v23, v27;
	v27 =	vsel vm1, $0x3F800000, v17  }
0x541: {  	v43 =	vmovc v42;
	v42 =	vmovc v39;
	v16 =	vsub.f32 v20, v16;
	vm1 =	vgt.f32 v18, $0.0e+00;
	v7 =	vmul.f32 v7, v7  }
0x542: {  	v13 =	vld.idx.msk [tilespmem:v13+s13+$0x0], $0xffff;
	v39 =	vmovc v30;
	v30 =	vmovc v25;
	v25 =	vperm.xlane v24, v25;
	vm0 =	vmor vm2, vm0;
	vm2 =	vgt.f32 v19, $0.0e+00  }
0x543: {  	v10 =	vadd.f32 v24, v10;
	v20 =	vsel vm0, $0x3F800000, v17;
	v16 =	vmul.f32 v16, v16;
	v24 =	vld [tilespmem:$0x1FA00]  }
0x544: {  	vm0 =	vlt.f32 v18, $0.0e+00;
	v6 =	vsub.f32 v15, v6;
	v15 =	vadd.f32 $0.0e+00, v23;
	v11 =	vld.idx.msk [tilespmem:v11+s14+$0x0], $0xffff  }
0x545: {  	v22 =	vperm.xlane v20, v34;
	vm0 =	vmor vm1, vm0;
	vm1 =	vlt.f32 v19, $0.0e+00  }
0x546: {  	v10 =	vadd.f32 v27, v10;
	v6 =	vmul.f32 v6, v6;
	v15 =	vadd.f32 v25, v15;
	v25 =	vld [tilespmem:$0x1FA20]  }
0x547: {  	v14 =	vld.idx.msk [tilespmem:v14+s13+$0x0], $0xffff;
	vm1 =	vmor vm2, vm1;
	vm2 =	vgt.f32 v13, $0.0e+00;
	v23 =	vperm.xlane v27, v32  }
0x548: {  	v8 =	vld.idx.msk [tilespmem:v8+s13+$0x0], $0xffff;
	v0 =	vmul.f32 v0, v0;
	v10 =	vadd.f32 v20, v10;
	v1 =	vadd.f32 v6, v1  }
0x549: {  	v6 =	vsub.f32 v26, v18;
	v18 =	vsel vm1, $0x3F800000, v17;
	v11 =	vsub.f32 v11, v19;
	v19 =	vld [tilespmem:$0x1FA10]  }
0x54a: {  	v20 =	vld.idx.msk [tilespmem:v63+s14+$0x0], $0xffff;
	vm1 =	vlt.f32 v12, $0.0e+00;
	v15 =	vadd.f32 v23, v15;
	v23 =	vsel vm0, $0x3F800000, v17  }
0x54b: {  	vm0 =	vlt.f32 v13, $0.0e+00;
	v24 =	vld.idx.msk [tilespmem:v24+s14+$0x0], $0xffff;
	vm1 =	vmor vm3, vm1;
	v1 =	vadd.f32 v7, v1  }
0x54c: {  	v10 =	vadd.f32 v23, v10;
	v23 =	vperm.xlane v23, v36;
	v7 =	vadd.f32 v22, v15  }
0x54d: {  	v27 =	vperm.xlane v18, v38;
	vm0 =	vmor vm2, vm0;
	v0 =	vadd.f32 v0, v1  }
0x54e: {  	vm2 =	vgt.f32 v8, $0.0e+00;
	v15 =	vadd.f32 v18, v10;
	v10 =	vadd.f32 v23, v7;
	v25 =	vld.idx.msk [tilespmem:v25+s14+$0x0], $0xffff  }
0x54f: {  	v6 =	vmul.f32 v6, v6;
	v22 =	vld.idx.msk [tilespmem:v5+s13+$0x0], $0xffff;
	v7 =	vsub.f32 v20, v8;
	v0 =	vadd.f32 v16, v0  }
0x550: {  	v12 =	vsub.f32 v24, v12;
	v24 =	vsel vm1, $0x3F800000, v17;
	vm1 =	vlt.f32 v14, $0.0e+00  }
0x551: {  	v10 =	vadd.f32 v27, v10;
	v0 =	vadd.f32 v6, v0;
	v11 =	vmul.f32 v11, v11;
	v19 =	vld.idx.msk [tilespmem:v19+s14+$0x0], $0xffff  }
0x552: {  	v27 =	vlaneseq.u32;
	v26 =	vperm.xlane v24, v40;
	v15 =	vadd.f32 v24, v15  }
0x553: {  	v12 =	vmul.f32 v12, v12;
	v18 =	vsub.f32 v25, v14;
	v11 =	vadd.f32 v11, v0  }
0x554: {  	v9 =	vld.idx.msk [tilespmem:v9+s13+$0x0], $0xffff;
	vm3 =	vlt.f32 v22, $0.0e+00;
	v16 =	vadd.f32 v26, v10;
	v24 =	vmovc v35;
	v35 =	vmovc v46;
	v46 =	vmov v50  }
0x555: {  	v50 =	vmovc v52;
	v25 =	vmovc v30;
	v30 =	vmov v39;
	v6 =	vmul.f32 v18, v18;
	v11 =	vadd.f32 v12, v11  }
0x556: {  	v23 =	vld.idx.msk [tilespmem:v59+s14+$0x0], $0xffff;
	v39 =	vmovc v42;
	v42 =	vmovc v43;
	v1 =	vsub.f32 v19, v13;
	v13 =	vsel vm0, $0x3F800000, v17;
	vm0 =	vgt.f32 v14, $0.0e+00  }
0x557: {  	v52 =	vmovc v54;
	v54 =	vmovc v56;
	v18 =	vld.idx.msk [tilespmem:v61+s14+$0x0], $0xffff;
	vm0 =	vmor vm0, vm1;
	vm1 =	vlt.f32 v8, $0.0e+00;
	v26 =	vperm.xlane v13, v42  }
0x558: {  	v43 =	vmovc v45;
	v14 =	vld.idx.msk [tilespmem:v62+s14+$0x0], $0xffff;
	v15 =	vadd.f32 v13, v15;
	v1 =	vmul.f32 v1, v1;
	v20 =	vsel vm0, $0x3F800000, v17  }
0x559: {  	v45 =	vmovc v49;
	v49 =	vmovc v51;
	v19 =	vld.idx.msk [tilespmem:v21+s13+$0x0], $0xffff;
	vm0 =	vmor vm2, vm1;
	vm1 =	vgt.f32 v9, $0.0e+00;
	vm2 =	vgt.f32 v22, $0.0e+00  }
0x55a: {  	p1 =	sne.s32 s18, $0x70;
	v3 =	vld.idx.msk [tilespmem:v3+s13+$0x0], $0xffff;
	v51 =	vmovc v53;
	v53 =	vmovc v55;
	v8 =	vsel vm0, $0x3F800000, v17;
	vm0 =	vlt.f32 v9, $0.0e+00;
	v0 =	vperm.xlane v20, v39  }
.Ltmp6:
0x55b: {  	v55 =	vmovc v57;
	v16 =	vadd.f32 v26, v16;
	v15 =	vadd.f32 v20, v15;
	v10 =	vperm.xlane v8, v43;
	(pc) =	sbr.rel @p1 .LBB2_14-.Ltmp6, $4  }
0x55c: {  	v21 =	vmovc v29;
	vm1 =	vmor vm1, vm0;
	v1 =	vadd.f32 v1, v11;
	v11 =	vsub.f32 v23, v22;
	v23 =	vmovc v33  }
0x55d: {  	v5 =	vld.idx.msk [tilespmem:v4+s13+$0x0], $0xffff;
	v33 =	vmovc v41;
	v41 =	vmovc v44;
	v44 =	vmov v47;
	v47 =	vmov v58;
	v14 =	vsub.f32 v14, v9  }
0x55e: {  	s17 =	sadd.s32 $0x10, s17;
	v12 =	vld.idx.msk [tilespmem:v60+s14+$0x0], $0xffff;
	v22 =	vmovc v31;
	vm0 =	vlt.f32 v19, $0.0e+00;
	v9 =	vsel vm1, $0x3F800000, v17;
	v13 =	vsub.f32 v18, v19;
	v20 =	vmovc v28  }
0x55f: {  	s18 =	sadd.s32 $0x10, s18;
	s16 =	smov.u32 s14;
	s15 =	smov.u32 s17;
	v28 =	vmovc v37;
	v37 =	vmovc v48;
	vm1 =	vgt.f32 v19, $0.0e+00;
	v4 =	vmul.f32 v14, v14;
	v14 =	vperm.xlane v9, v35  }
0x560: {  	v0 =	vadd.f32 v0, v16;
	_ =	sdelay $0x1  }
0x561: {  	vm0 =	vmor vm1, vm0;
	v0 =	vadd.f32 v10, v0  }
0x562: {  	v16 =	vsel vm0, $0x3F800000, v17  }
0x563: {  	vm9 =	vmor vm2, vm3;
	v18 =	vperm.xlane v16, v37;
	v0 =	vadd.f32 v14, v0  }
0x564: {  	v10 =	vsel vm9, $0x3F800000, v17;
	vm10 =	vgt.f32 v5, $0.0e+00;
	vm11 =	vlt.f32 v5, $0.0e+00  }
0x565: {  	v60 =	vperm.xlane v10, v49;
	vm0 =	vmor vm10, vm11;
	v0 =	vadd.f32 v18, v0  }
0x566: {  	vm12 =	vgt.f32 v3, $0.0e+00;
	vm13 =	vlt.f32 v3, $0.0e+00;
	v61 =	vsel vm0, $0x3F800000, v17  }
0x567: {  	vm1 =	vmor vm12, vm13;
	v62 =	vperm.xlane v61, v51;
	v0 =	vadd.f32 v60, v0  }
0x568: {  	v2 =	vld.idx.msk [tilespmem:v2+s13+$0x0], $0xffff;
	v18 =	vsel vm1, $0x3F800000, v17  }
0x569: {  	v63 =	vld [tilespmem:$0x1F990];
	v19 =	vperm.xlane v18, v52;
	v0 =	vadd.f32 v62, v0;
	_ =	sdelay $0x1  }
0x56a: {  	v0 =	vadd.f32 v19, v0;
	v19 =	vld [tilespmem:$0x1F9A0];
	_ =	sdelay $0x1  }
0x56b: {  	v7 =	vmul.f32 v7, v7  }
0x56c: {  	v1 =	vadd.f32 v6, v1;
	vm14 =	vgt.f32 v2, $0.0e+00;
	vm15 =	vlt.f32 v2, $0.0e+00  }
0x56d: {  	v48 =	vld [tilespmem:s15+$0x0];
	v8 =	vadd.f32 v8, v15;
	vm0 =	vmor vm14, vm15  }
0x56e: {  	v1 =	vadd.f32 v7, v1;
	v56 =	vsel vm0, $0x3F800000, v17  }
0x56f: {  	v8 =	vadd.f32 v9, v8;
	v14 =	vld.idx.msk [tilespmem:v63+s16+$0x0], $0xffff;
	v15 =	vperm.xlane v56, v47  }
0x570: {  	v13 =	vmul.f32 v13, v13;
	v1 =	vadd.f32 v4, v1  }
0x571: {  	v58 =	vmul.f32 v11, v11;
	v8 =	vadd.f32 v16, v8;
	v0 =	vadd.f32 v15, v0;
	v19 =	vld.idx.msk [tilespmem:v19+s16+$0x0], $0xffff  }
0x572: {  	v57 =	vsub.f32 v12, v5;
	v7 =	vpsel p0, $0x0, v48;
	v1 =	vadd.f32 v13, v1  }
0x573: {  	v60 =	vadd.f32 v10, v8;
	v0 =	vadd.f32 v7, v0  }
0x574: {  	v5 =	vmul.f32 v57, v57;
	v1 =	vadd.f32 v58, v1;
	v59 =	vsub.f32 v14, v3  }
0x575: {  	v61 =	vadd.f32 v61, v60;
	[tilespmem:s15+$0x0] =	vst v0  }
0x576: {  	v1 =	vadd.f32 v5, v1;
	v3 =	vmul.f32 v59, v59;
	v63 =	vld [tilespmem:s12+$0x18280];
	v2 =	vsub.f32 v19, v2  }
0x577: {  	v0 =	vadd.f32 v18, v61;
	v62 =	vld [tilespmem:s12+$0x18200]  }
0x578: {  	s11 =	sadd.s32 $0x1, s11;
	v1 =	vadd.f32 v3, v1;
	v2 =	vmul.f32 v2, v2  }
0x579: {  	p0 =	sne.s32 s11, $0x8;
	v0 =	vadd.f32 v56, v0  }
.Ltmp7:
0x57a: {  	v1 =	vadd.f32 v2, v1;
	(pc) =	sbr.rel @p0 .LBB2_13-.Ltmp7, $4  }
0x57b: {  	v0 =	vadd.f32 v63, v0  }
0x57c: {  	v1 =	vadd.f32 v62, v1  }
0x57d: {  	[tilespmem:s12+$0x18280] =	vst v0  }
0x57e: {  	v26 =	vmovc v36;
	v29 =	vmovc v38;
	v31 =	vmov v40;
	v18 =	vmov v32;
	v19 =	vmov v34;
	[tilespmem:s12+$0x18200] =	vst v1  }
0x57f: {  	s7 =	sshll.u32 s7, $0x8;
	s8 =	sshll.u32 s8, $0x7  }
0x580: {  	s8 =	sor.u32 s8, s7  }
0x581: {  	s10 =	simm.s32 $0x18200;
	s7 =	sadd.s32 s8, s3  }
0x582: {  	[spmem:s7] =	stream.linear.scatter [tilespmem:s10], [sflag:$0x4], $0x80, $0x38;
	[tilespmem:$0x1C680] =	vst v63  }
0x583: {  	s7 =	simm.s32 $0x4  }
0x584: {  	_ =	swait.ge [sflag:s7], $0x80  }
0x585: {  	[sflag:s7] =	ssyncset.done $0x0  }
0x586: {  	s26 =	simm.s32 $0x18280;
	s8 =	sadd.s32 s8, s2;
	[sflag:s7] =	ssyncadd.s32 $0xFFFFFF80  }
0x587: {  	[spmem:s8] =	stream.linear.scatter [tilespmem:s26], [sflag:$0x4], $0x80, $0x38;
	[tilespmem:$0x1C680] =	vst v63  }
0x588: {  	s28 =	sadd.s32 s9, s4;
	_ =	swait.ge [sflag:s7], $0x80  }
0x589: {  	s29 =	simm.s32 $0x80;
	s30 =	simm.s32 $0x400;
	[sflag:s7] =	ssyncset.done $0x0  }
0x58a: {  	s31 =	simm.s32 $0x18000;
	s6 =	sadd.s32 s6, s28;
	[sflag:s7] =	ssyncadd.s32 $0xFFFFFF80  }
0x58b: {  	[spmem:s6] =	stream.strided.scatter [tilespmem:s31], [sflag:$0x4], $0x200, s30, s29, $0x38;
	[tilespmem:$0x1C680] =	vst v63  }
0x58c: {  	_ =	swait.ge [sflag:s7], $0x200  }
0x58d: {  	[sflag:s7] =	ssyncset.done $0x0  }
0x58e: {  	[sflag:s7] =	ssyncadd.s32 $0xFFFFFE00  }
0x58f: {  	p0 =	sne.s32 s5, $0x0;
	[bflag:$0x0] =	sbarrier.arrive $0xFFFF  }
0x590: {  	_ =	sfence.sel @p0 $0x180000  }
0x591: {  	[bflag:$0x0] =	sbarrier.arrive @p0 $0xFFFF  }
0x592: {  	_ =	strace @p0 $0x90000047  }
0x593: {  	[bflag:$0x2] =	sbarrier.arrive @p0 $0xFFFF  }
0x594: {  	_ =	shalt @p0  }
.LBB2_17:
0x595: {  	s5 =	simm.s32 $0x18300  }
0x596: {  	[tilespmem:s5], [sflag:$0x4] =	stream.linear.gather [spmem:s4], $0x2000, $0x38;
	[tilespmem:$0x1C680] =	vst v63  }
0x597: {  	_ =	swait.ge [sflag:s7], $0x2000  }
0x598: {  	[sflag:s7] =	ssyncset.done $0x0  }
0x599: {  	s22 =	simm.s32 $0x1A300;
	[sflag:s7] =	ssyncadd.s32 $0xFFFFE000  }
0x59a: {  	[tilespmem:s22], [sflag:$0x4] =	stream.linear.gather [spmem:s3], $0x100, $0x38;
	[tilespmem:$0x1C680] =	vst v63  }
0x59b: {  	s23 =	sadd.s32 $0x100, s3;
	s24 =	simm.s32 $0x1A700  }
0x59c: {  	[tilespmem:s24], [sflag:$0x4] =	stream.linear.gather [spmem:s23], $0x100, $0x38;
	[tilespmem:$0x1C680] =	vst v63  }
0x59d: {  	s25 =	sadd.s32 $0x200, s3;
	s26 =	simm.s32 $0x1AB00  }
0x59e: {  	[tilespmem:s26], [sflag:$0x4] =	stream.linear.gather [spmem:s25], $0x100, $0x38;
	[tilespmem:$0x1C680] =	vst v63  }
0x59f: {  	s28 =	sadd.s32 $0x300, s3;
	s29 =	simm.s32 $0x1AF00  }
0x5a0: {  	[tilespmem:s29], [sflag:$0x4] =	stream.linear.gather [spmem:s28], $0x100, $0x38;
	[tilespmem:$0x1C680] =	vst v63  }
0x5a1: {  	s30 =	sadd.s32 $0x400, s3;
	s31 =	simm.s32 $0x1B300  }
0x5a2: {  	[tilespmem:s31], [sflag:$0x4] =	stream.linear.gather [spmem:s30], $0x100, $0x38;
	[tilespmem:$0x1C680] =	vst v63  }
0x5a3: {  	s6 =	simm.s32 $0x1B700;
	s5 =	sadd.s32 $0x500, s3  }
0x5a4: {  	[tilespmem:s6], [sflag:$0x4] =	stream.linear.gather [spmem:s5], $0x100, $0x38;
	[tilespmem:$0x1C680] =	vst v63  }
0x5a5: {  	s8 =	sadd.s32 $0x600, s3;
	s9 =	simm.s32 $0x1BB00  }
0x5a6: {  	[tilespmem:s9], [sflag:$0x4] =	stream.linear.gather [spmem:s8], $0x100, $0x38;
	[tilespmem:$0x1C680] =	vst v63  }
0x5a7: {  	s10 =	sadd.s32 $0x700, s3;
	s11 =	simm.s32 $0x1BF00  }
0x5a8: {  	[tilespmem:s11], [sflag:$0x4] =	stream.linear.gather [spmem:s10], $0x100, $0x38;
	[tilespmem:$0x1C680] =	vst v63  }
0x5a9: {  	_ =	swait.ge [sflag:s7], $0x800  }
0x5aa: {  	[sflag:s7] =	ssyncset.done $0x0  }
0x5ab: {  	s12 =	simm.s32 $0x1A400;
	[sflag:s7] =	ssyncadd.s32 $0xFFFFF800  }
0x5ac: {  	[tilespmem:s12], [sflag:$0x4] =	stream.linear.gather [spmem:s2], $0x100, $0x38;
	[tilespmem:$0x1C680] =	vst v63  }
0x5ad: {  	s13 =	sadd.s32 $0x100, s2;
	s14 =	simm.s32 $0x1A800  }
0x5ae: {  	[tilespmem:s14], [sflag:$0x4] =	stream.linear.gather [spmem:s13], $0x100, $0x38;
	[tilespmem:$0x1C680] =	vst v63  }
0x5af: {  	s15 =	sadd.s32 $0x200, s2;
	s16 =	simm.s32 $0x1AC00  }
0x5b0: {  	[tilespmem:s16], [sflag:$0x4] =	stream.linear.gather [spmem:s15], $0x100, $0x38;
	[tilespmem:$0x1C680] =	vst v63  }
0x5b1: {  	s17 =	sadd.s32 $0x300, s2;
	s18 =	simm.s32 $0x1B000  }
0x5b2: {  	[tilespmem:s18], [sflag:$0x4] =	stream.linear.gather [spmem:s17], $0x100, $0x38;
	[tilespmem:$0x1C680] =	vst v63  }
0x5b3: {  	s19 =	sadd.s32 $0x400, s2;
	s20 =	simm.s32 $0x1B400  }
0x5b4: {  	[tilespmem:s20], [sflag:$0x4] =	stream.linear.gather [spmem:s19], $0x100, $0x38;
	[tilespmem:$0x1C680] =	vst v63  }
0x5b5: {  	s21 =	sadd.s32 $0x500, s2;
	s22 =	simm.s32 $0x1B800  }
0x5b6: {  	[tilespmem:s22], [sflag:$0x4] =	stream.linear.gather [spmem:s21], $0x100, $0x38;
	[tilespmem:$0x1C680] =	vst v63  }
0x5b7: {  	s23 =	sadd.s32 $0x600, s2;
	s24 =	simm.s32 $0x1BC00  }
0x5b8: {  	[tilespmem:s24], [sflag:$0x4] =	stream.linear.gather [spmem:s23], $0x100, $0x38;
	[tilespmem:$0x1C680] =	vst v63  }
0x5b9: {  	s25 =	sadd.s32 $0x700, s2;
	s26 =	simm.s32 $0x1C000  }
0x5ba: {  	[tilespmem:s26], [sflag:$0x4] =	stream.linear.gather [spmem:s25], $0x100, $0x38;
	[tilespmem:$0x1C680] =	vst v63  }
0x5bb: {  	s28 =	simm.s32 $0x0;
	_ =	swait.ge [sflag:s7], $0x800  }
0x5bc: {  	s29 =	sand.u32 $0x70, s28;
	s30 =	sand.u32 $0x1C00, s28;
	[sflag:s7] =	ssyncset.done $0x0  }
0x5bd: {  	s2 =	sor.u32 s29, s30;
	[sflag:s7] =	ssyncadd.s32 $0xFFFFF800  }
0x5be: {  	v0 =	vld [tilespmem:s2+$0x18300]  }
0x5bf: {  	v2 =	vld [tilespmem:s2+$0x18380];
	_ =	sdelay $0x1  }
0x5c0: {  	v5 =	vld [tilespmem:s2+$0x18400]  }
0x5c1: {  	s3 =	sor.u32 s28, s28;
	v1 =	vld [tilespmem:s2+$0x1A300]  }
0x5c2: {  	s3 =	sor.u32 $0x380, s3;
	v9 =	vld [tilespmem:s2+$0x18480]  }
0x5c3: {  	v3 =	vld [tilespmem:s3+$0x18300];
	v0 =	vadd.f32 v2, v0  }
0x5c4: {  	v7 =	vld [tilespmem:s2+$0x18500]  }
0x5c5: {  	v4 =	vld [tilespmem:s2+$0x1A400];
	v0 =	vadd.f32 v5, v0  }
0x5c6: {  	s4 =	simm.s32 $0x80;
	s3 =	simm.s32 $0x10;
	v8 =	vld [tilespmem:s2+$0x18580]  }
0x5c7: {  	s6 =	sand.u32 $0x1C00, s4;
	v6 =	vld [tilespmem:s2+$0x1A480];
	s31 =	sand.u32 $0x70, s3;
	v10 =	vadd.f32 v9, v0  }
0x5c8: {  	s5 =	simm.s32 $0x20;
	s6 =	sor.u32 s31, s6;
	v2 =	vimm.f32 $0.0e+00;
	v5 =	vimm.f32 $0.0e+00;
	v9 =	vld [tilespmem:s2+$0x18600];
	v0 =	vimm.f32 $0.0e+00  }
.LBB2_18:
0x5c9: {  	p0 =	sne.s32 s5, $0x3F0;
	v11 =	vld [tilespmem:s6+$0x18300];
	v7 =	vadd.f32 v7, v10  }
0x5ca: {  	v10 =	vld [tilespmem:s6+$0x18380]  }
0x5cb: {  	v7 =	vadd.f32 v8, v7;
	v8 =	vld [tilespmem:s2+$0x1A380];
	s2 =	smov.u32 s6  }
0x5cc: {  	v12 =	vld [tilespmem:s2+$0x18400]  }
0x5cd: {  	s6 =	sor.u32 s4, s3;
	s3 =	smov.u32 s5;
	v13 =	vld [tilespmem:s2+$0x1A300];
	v7 =	vadd.f32 v9, v7  }
0x5ce: {  	s6 =	sor.u32 $0x380, s6;
	v6 =	vadd.f32 v6, v4;
	v9 =	vld [tilespmem:s2+$0x18480]  }
0x5cf: {  	v4 =	vadd.f32 v10, v11;
	v10 =	vadd.f32 v3, v7;
	v3 =	vld [tilespmem:s6+$0x18300]  }
.Ltmp8:
0x5d0: {  	v7 =	vld [tilespmem:s2+$0x18500];
	v11 =	vadd.f32 v8, v1;
	(pc) =	sbr.rel @p0 .LBB2_18-.Ltmp8, $4  }
0x5d1: {  	vm0 =	vgt.f32 v6, $0.0e+00;
	v12 =	vadd.f32 v12, v4;
	v4 =	vld [tilespmem:s2+$0x1A400];
	vm1 =	vgt.f32 v10, $0.0e+00  }
0x5d2: {  	s4 =	sadd.s32 $0x80, s4;
	v5 =	vadd.f32 v10, v5;
	v8 =	vld [tilespmem:s2+$0x18580];
	vm0 =	vmor vm1, vm0;
	v2 =	vadd.f32 v11, v2;
	v1 =	vmovc v13  }
0x5d3: {  	s7 =	sand.u32 $0x1C00, s4;
	s6 =	sand.u32 $0x70, s5;
	v10 =	vadd.f32 v9, v12;
	v6 =	vld [tilespmem:s2+$0x1A480];
	v11 =	vnsel vm0, $0x0, v11  }
0x5d4: {  	s5 =	sadd.s32 $0x10, s5;
	s6 =	sor.u32 s6, s7;
	v9 =	vld [tilespmem:s2+$0x18600];
	v0 =	vadd.f32 v11, v0  }
0x5d5: {  	v11 =	vld [tilespmem:s6+$0x18300]  }
0x5d6: {  	v12 =	vld [tilespmem:s6+$0x18380];
	_ =	sdelay $0x1  }
0x5d7: {  	v13 =	vld [tilespmem:s6+$0x18400];
	_ =	sdelay $0x1  }
0x5d8: {  	v14 =	vld [tilespmem:s6+$0x18480]  }
0x5d9: {  	v11 =	vadd.f32 v12, v11  }
0x5da: {  	v42 =	vld [tilespmem:s6+$0x18500]  }
0x5db: {  	v11 =	vadd.f32 v13, v11  }
0x5dc: {  	v43 =	vld [tilespmem:s6+$0x18580]  }
0x5dd: {  	v7 =	vadd.f32 v7, v10;
	v44 =	vadd.f32 v14, v11  }
0x5de: {  	s3 =	sor.u32 s4, s3;
	v45 =	vld [tilespmem:s6+$0x18600]  }
0x5df: {  	s3 =	sor.u32 $0x380, s3;
	v7 =	vadd.f32 v8, v7;
	v46 =	vadd.f32 v42, v44  }
0x5e0: {  	v47 =	vld [tilespmem:s3+$0x18300]  }
0x5e1: {  	v7 =	vadd.f32 v9, v7;
	v8 =	vadd.f32 v43, v46;
	_ =	sdelay $0x1  }
0x5e2: {  	v3 =	vadd.f32 v3, v7;
	v48 =	vadd.f32 v45, v8;
	_ =	sdelay $0x1  }
0x5e3: {  	v5 =	vadd.f32 v3, v5;
	v7 =	vadd.f32 v47, v48;
	_ =	sdelay $0x1  }
0x5e4: {  	v49 =	vld [tilespmem:s2+$0x1A380];
	v5 =	vadd.f32 v7, v5  }
0x5e5: {  	v50 =	vld [tilespmem:s6+$0x1A400]  }
0x5e6: {  	v51 =	vld [tilespmem:s6+$0x1A480];
	(xrf2) =	vadd.scan.msk.f32 $0xffff, v5  }
0x5e7: {  	v52 =	vld [tilespmem:s6+$0x1A300]  }
0x5e8: {  	v53 =	vld [tilespmem:s6+$0x1A380];
	_ =	sdelay $0x1  }
0x5e9: {  	v4 =	vadd.f32 v6, v4  }
0x5ea: {  	v1 =	vadd.f32 v49, v1  }
0x5eb: {  	vm0 =	vgt.f32 v4, $0.0e+00;
	v54 =	vadd.f32 v51, v50;
	vm1 =	vgt.f32 v3, $0.0e+00  }
0x5ec: {  	v55 =	vadd.f32 v53, v52;
	v2 =	vadd.f32 v1, v2;
	vm0 =	vmor vm1, vm0  }
0x5ed: {  	vm13 =	vgt.f32 v54, $0.0e+00;
	v1 =	vnsel vm0, $0x0, v1;
	vm14 =	vgt.f32 v7, $0.0e+00  }
0x5ee: {  	v0 =	vadd.f32 v1, v0;
	vm0 =	vmor vm14, vm13  }
0x5ef: {  	v56 =	vadd.f32 v55, v2;
	v57 =	vnsel vm0, $0x0, v55;
	v58, _, _ =	vpop (xrf2)  }
0x5f0: {  	v0 =	vadd.f32 v57, v0;
	v59 =	vbroadcast v58, $0xF  }
0x5f1: {  	(xrf2) =	vadd.scan.msk.f32 $0xffff, v56  }
0x5f2: {  	(xrf2) =	vadd.scan.msk.f32 $0xffff, v0;
	v60 =	vsub.f32 $1.048576000e+06, v59;
	_ =	sdelay $0x1  }
0x5f3: {  	(erf) = vrcp.f32 v60;
	_ =	sdelay $0x6  }
0x5f4: {  	v61, _, _ =	vpop (xrf2)  }
0x5f5: {  	v62, _, _ =	vpop (xrf2)  }
0x5f6: {  	v0 =	vsub.f32 v61, v62;
	v63 =	vpop (erf)  }
0x5f7: {  	v3 =	vmul.f32 v63, v59  }
0x5f8: {  	vm15 =	vge.f32 v59, $1.048576000e+06;
	v0 =	vbroadcast v0, $0xF  }
0x5f9: {  	v2 =	vsel vm15, $0x0, v3  }
0x5fa: {  	v1 =	vbroadcast v62, $0xF;
	v0 =	vmul.f32 v2, v0;
	_ =	sdelay $0x1  }
0x5fb: {  	v0 =	vadd.f32 v0, v1;
	_ =	sdelay $0x1  }
0x5fc: {  	s28 =	simm.s32 $0x0;
	s29 =	simm.s32 $0x1C300;
	s30 =	simm.s32 $0x4;
	[tilespmem:$0x1C300] =	vst v0  }
0x5fd: {  	[hbm4b:s0+s28] =	stream.linear.scatter [tilespmem:s29], [sflag:$0x4], $0x80, $0x38;
	[tilespmem:$0x1C680] =	vst v63  }
0x5fe: {  	_ =	swait.ge [sflag:s30], $0x80  }
0x5ff: {  	[sflag:s30] =	ssyncset.done $0x0  }
0x600: {  	[sflag:s30] =	ssyncadd.s32 $0xFFFFFF80  }
0x601: {  	_ =	sfence.sel $0x180000  }
0x602: {  	[bflag:$0x0] =	sbarrier.arrive $0xFFFF  }
0x603: {  	_ =	strace $0x90000047  }
0x604: {  	s31 =	sadd.s32 $0x100000, s1;
	[bflag:$0x2] =	sbarrier.arrive $0xFFFF  }
0x605: {  	[sflag:s31] =	ssyncadd.tile.s32 $0x1;
	_ =	shalt  }
.Lfunc_end2:
_tile_overlayer_lowered:
.L_overlay_start_2:
0x606: {  	(tag) =	ssettag $0x2  }
0x607: {  	s0 =	rddreg [dreg:$0x0];
	s2 =	stileid.u32  }
0x608: {  	s1 =	rddreg [dreg:$0x1];
	p0 =	sne.s32 s2, $0x0  }
0x609: {  	s3 =	rddreg [dreg:$0x2];
	[bflag:$0x3] =	sbarrier.arrive $0xFFFF;
	s2 =	simm.s32 @!p0 $0x1C04  }
0x60a: {  	[timem:s3], [sflag:s2] =	dma.local @!p0 [hbm:s0], s1  }
0x60b: {  	s0 =	simm.s32 @!p0 $0x4  }
0x60c: {  	_ =	swait.ge @!p0 [sflag:s0], s1  }
0x60d: {  	s1 =	ssub.s32 @!p0 $0x0, s1;
	[sflag:s0] =	ssyncset.done @!p0 $0x0  }
0x60e: {  	[sflag:s0] =	ssyncadd.s32 @!p0 s1  }
0x60f: {  	[bflag:$0x3] =	sbarrier.arrive $0xFFFF  }
0x610: {  	_ =	shalt  }

</sc_bundles>
